<compile_context>
chip_gen: v7x
topology: tpu7x:2x2x1
jax: 0.10.2.dev20260603
libtpu: 0.0.44.dev20260713+nightly
codegen_flags: <defaults>
</compile_context>

<pallas_src>
import functools

import jax
import jax.numpy as jnp
from jax import lax
from jax.experimental import pallas as pl
from jax.experimental.pallas import tpu as pltpu
from jax.experimental.pallas import tpu_sc as plsc

N = 10000
E = 320000
D = 128
R = 200
B = 16384

NC = 2
NS = 16
NW = NC * NS
CH = 80
NCH = 125
EPW = NCH * CH
E_PAD = EPW * NW
N_PAD = 10240
NPS = N_PAD // NS
ZR = 64
BPW = B // NW
GCH = 128
NGCH = BPW // GCH

_mesh = lambda: plsc.VectorSubcoreMesh(
    core_axis_name="c", subcore_axis_name="s", num_cores=NC, num_subcores=NS
)


def _wid():
    return lax.axis_index("c") * NS + lax.axis_index("s")


@functools.partial(
    pl.kernel,
    out_type=jax.ShapeDtypeStruct((NC, N_PAD, D), jnp.float32),
    mesh=_mesh(),
    scratch_types=[
        pltpu.VMEM((2, CH), jnp.int32),
        pltpu.VMEM((CH, D), jnp.float32),
        pltpu.VMEM((ZR, D), jnp.float32),
        pltpu.VMEM_SHARED((N_PAD, D), jnp.float32),
        pltpu.SemaphoreType.DMA,
        pltpu.SemaphoreType.DMA,
    ],
)
def _sc_deg(dst_hbm, ones_hbm, out_hbm, dst_v, ones_v, zbuf, accum, semi0, semi1):
    cid = lax.axis_index("c")
    sid = lax.axis_index("s")
    wid = cid * NS + sid
    semi = (semi0, semi1)

    def fill(i, carry):
        for j in range(D // 16):
            zbuf[i, pl.ds(j * 16, 16)] = jnp.zeros((16,), jnp.float32)
        return carry

    lax.fori_loop(0, ZR, fill, 0)
    pltpu.sync_copy(ones_hbm, ones_v)

    def zero(j, carry):
        pltpu.sync_copy(zbuf, accum.at[pl.ds(sid * NPS + j * ZR, ZR)])
        return carry

    lax.fori_loop(0, NPS // ZR, zero, 0)
    plsc.subcore_barrier()

    def start_idx(c, p):
        base = pl.multiple_of(wid * EPW + c * CH, 8)
        pltpu.async_copy(dst_hbm.at[pl.ds(base, CH)], dst_v.at[p], semi[p])

    def wait_idx(p):
        pltpu.make_async_copy(dst_hbm.at[pl.ds(0, CH)], dst_v.at[p], semi[p]).wait()

    def chunk(c, p):
        wait_idx(p)

        @pl.when(c + 1 < NCH)
        def _():
            start_idx(c + 1, 1 - p)

        pltpu.sync_copy(ones_v, accum.at[dst_v.at[p]], add=True)

    start_idx(0, 0)

    def body(j, carry):
        chunk(2 * j, 0)
        chunk(2 * j + 1, 1)
        return carry

    lax.fori_loop(0, NCH // 2, body, 0)
    wait_idx(0)
    pltpu.sync_copy(ones_v, accum.at[dst_v.at[0]], add=True)
    plsc.subcore_barrier()
    pltpu.sync_copy(
        accum.at[pl.ds(sid * NPS, NPS)],
        out_hbm.at[cid, pl.ds(sid * NPS, NPS)],
    )


@functools.partial(
    pl.kernel,
    out_type=jax.ShapeDtypeStruct((NC, N_PAD, D), jnp.float32),
    mesh=_mesh(),
    scratch_types=[
        pltpu.VMEM((2, CH), jnp.int32),
        pltpu.VMEM((2, CH), jnp.int32),
        pltpu.VMEM((2, CH, D), jnp.float32),
        pltpu.VMEM((ZR, D), jnp.float32),
        pltpu.VMEM_SHARED((N_PAD, D), jnp.float32),
        pltpu.SemaphoreType.DMA,
        pltpu.SemaphoreType.DMA,
        pltpu.SemaphoreType.DMA,
        pltpu.SemaphoreType.DMA,
    ],
)
def _sc_msg(src_hbm, dst_hbm, hp_hbm, out_hbm, src_v, dst_v, rows_v, zbuf,
            accum, semi0, semi1, semg0, semg1):
    cid = lax.axis_index("c")
    sid = lax.axis_index("s")
    wid = cid * NS + sid
    semi = (semi0, semi1)
    semg = (semg0, semg1)

    def fill(i, carry):
        for j in range(D // 16):
            zbuf[i, pl.ds(j * 16, 16)] = jnp.zeros((16,), jnp.float32)
        return carry

    lax.fori_loop(0, ZR, fill, 0)

    def zero(j, carry):
        pltpu.sync_copy(zbuf, accum.at[pl.ds(sid * NPS + j * ZR, ZR)])
        return carry

    lax.fori_loop(0, NPS // ZR, zero, 0)
    plsc.subcore_barrier()

    def start_idx(c, p):
        base = pl.multiple_of(wid * EPW + c * CH, 8)
        pltpu.async_copy(src_hbm.at[pl.ds(base, CH)], src_v.at[p], semi[p])
        pltpu.async_copy(dst_hbm.at[pl.ds(base, CH)], dst_v.at[p], semi[p])

    def wait_idx(p):
        pltpu.make_async_copy(src_hbm.at[pl.ds(0, CH)], src_v.at[p], semi[p]).wait()
        pltpu.make_async_copy(dst_hbm.at[pl.ds(0, CH)], dst_v.at[p], semi[p]).wait()

    def start_gather(p):
        pltpu.async_copy(hp_hbm.at[src_v.at[p]], rows_v.at[p], semg[p])

    def wait_gather(p):
        pltpu.make_async_copy(hp_hbm.at[pl.ds(0, CH)], rows_v.at[p], semg[p]).wait()

    start_idx(0, 0)
    wait_idx(0)
    start_gather(0)
    start_idx(1, 1)

    def chunk(c, p):
        @pl.when(c + 1 < NCH)
        def _():
            wait_idx(1 - p)
            start_gather(1 - p)

        wait_gather(p)
        pltpu.sync_copy(rows_v.at[p], accum.at[dst_v.at[p]], add=True)

        @pl.when(c + 2 < NCH)
        def _():
            start_idx(c + 2, p)

    def body(j, carry):
        chunk(2 * j, 0)
        chunk(2 * j + 1, 1)
        return carry

    lax.fori_loop(0, NCH // 2, body, 0)
    wait_gather(0)
    pltpu.sync_copy(rows_v.at[0], accum.at[dst_v.at[0]], add=True)
    plsc.subcore_barrier()
    pltpu.sync_copy(
        accum.at[pl.ds(sid * NPS, NPS)],
        out_hbm.at[cid, pl.ds(sid * NPS, NPS)],
    )


@functools.partial(
    pl.kernel,
    out_type=(
        jax.ShapeDtypeStruct((B, D), jnp.float32),
        jax.ShapeDtypeStruct((B, D), jnp.float32),
    ),
    mesh=_mesh(),
    scratch_types=[
        pltpu.VMEM((GCH,), jnp.int32),
        pltpu.VMEM((GCH,), jnp.int32),
        pltpu.VMEM((GCH, D), jnp.float32),
        pltpu.SemaphoreType.DMA,
    ],
)
def _sc_gather(z_hbm, head_hbm, tail_hbm, pos_hbm, zhs_hbm, zt_hbm,
               idx_v, pos_v, rows_v, sem):
    wid = _wid()
    for c in range(NGCH):
        base = pl.multiple_of(wid * BPW + c * GCH, 8)
        pltpu.sync_copy(head_hbm.at[pl.ds(base, GCH)], idx_v)
        pltpu.sync_copy(pos_hbm.at[pl.ds(base, GCH)], pos_v)
        pltpu.async_copy(z_hbm.at[idx_v], rows_v, sem).wait()
        pltpu.sync_copy(rows_v, zhs_hbm.at[pos_v])
    for c in range(NGCH):
        base = pl.multiple_of(wid * BPW + c * GCH, 8)
        pltpu.sync_copy(tail_hbm.at[pl.ds(base, GCH)], idx_v)
        pltpu.async_copy(z_hbm.at[idx_v], rows_v, sem).wait()
        pltpu.sync_copy(rows_v, zt_hbm.at[pl.ds(base, GCH)])


@functools.partial(
    pl.kernel,
    out_type=jax.ShapeDtypeStruct((B, D), jnp.float32),
    mesh=_mesh(),
    scratch_types=[
        pltpu.VMEM((GCH,), jnp.int32),
        pltpu.VMEM((GCH, D), jnp.float32),
        pltpu.SemaphoreType.DMA,
    ],
)
def _sc_unsort(tmps_hbm, pos_hbm, out_hbm, pos_v, rows_v, sem):
    wid = _wid()
    for c in range(NGCH):
        base = pl.multiple_of(wid * BPW + c * GCH, 8)
        pltpu.sync_copy(pos_hbm.at[pl.ds(base, GCH)], pos_v)
        pltpu.async_copy(tmps_hbm.at[pos_v], rows_v, sem).wait()
        pltpu.sync_copy(rows_v, out_hbm.at[pl.ds(base, GCH)])


def _dinv_of(degp_ref):
    deg = (degp_ref[0] + degp_ref[1])[:N, 0:1]
    return jnp.where(deg > 0, lax.rsqrt(deg), 0.0)


def _tc_pre_body(x0_ref, w1_ref, degp_ref, out_ref):
    dinv = _dinv_of(degp_ref)
    h = jnp.dot(x0_ref[...], w1_ref[...], preferred_element_type=jnp.float32)
    out_ref[...] = h * dinv


def _tc_mid_body(s1p_ref, degp_ref, b1_ref, w2_ref, out_ref):
    dinv = _dinv_of(degp_ref)
    s1 = (s1p_ref[0] + s1p_ref[1])[:N]
    z1 = jnp.maximum(s1 * dinv + b1_ref[...], 0.0)
    h2 = jnp.dot(z1, w2_ref[...], preferred_element_type=jnp.float32)
    out_ref[...] = h2 * dinv


def _tc_fin_body(s2p_ref, degp_ref, b2_ref, relw_ref, out_ref, relw_out):
    dinv = _dinv_of(degp_ref)
    out_ref[...] = (s2p_ref[0] + s2p_ref[1])[:N] * dinv + b2_ref[...]
    relw_out[...] = relw_ref[...].astype(jnp.bfloat16)


BT = 256
T = B // BT


def _tc_sorta_body(rel_ref, pn_out, total_out, acc_ref):
    t = pl.program_id(0)

    @pl.when(t == 0)
    def _():
        acc_ref[...] = jnp.zeros_like(acc_ref)

    rel_t = rel_ref[...]
    iota_r = lax.broadcasted_iota(jnp.int32, (1, R), 1)
    ohf = (rel_t == iota_r).astype(jnp.float32)
    ohb = ohf.astype(jnp.bfloat16)
    ii = lax.broadcasted_iota(jnp.int32, (BT, BT), 0)
    jj = lax.broadcasted_iota(jnp.int32, (BT, BT), 1)
    lstrict = (jj < ii).astype(jnp.bfloat16)
    prefix = jnp.dot(lstrict, ohb, preferred_element_type=jnp.float32)
    rank = jnp.sum(prefix * ohf, axis=1, keepdims=True)
    base = jnp.sum(acc_ref[...] * ohf, axis=1, keepdims=True)
    pn_out[...] = base + rank
    acc_ref[...] += jnp.sum(ohf, axis=0, keepdims=True)
    total_out[...] = acc_ref[...]


def _tc_sortb_body(pn_ref, total_ref, rel_ref, pos_out, cumend_out, bounds_out):
    total = total_ref[...]
    ur = (lax.broadcasted_iota(jnp.int32, (R, R), 0)
          <= lax.broadcasted_iota(jnp.int32, (R, R), 1)).astype(jnp.float32)
    cumend = jnp.dot(total, ur, preferred_element_type=jnp.float32)
    goff = cumend - total
    iota_r = lax.broadcasted_iota(jnp.int32, (1, R), 1)
    ohf = (rel_ref[...] == iota_r).astype(jnp.float32)
    posadd = jnp.sum(ohf * goff, axis=1, keepdims=True)
    pos_out[...] = (pn_ref[...] + posadd).astype(jnp.int32)
    cumend_out[...] = cumend
    starts = lax.broadcasted_iota(jnp.int32, (T, 1), 0).astype(jnp.float32) * BT
    rlo = jnp.sum((cumend <= starts).astype(jnp.float32), axis=1, keepdims=True)
    rhi = jnp.sum((cumend <= starts + (BT - 1)).astype(jnp.float32),
                  axis=1, keepdims=True)
    bounds_out[...] = jnp.concatenate([rlo, rhi], axis=1).astype(jnp.int32)


def _tc_score_body(bounds_ref, cumend_ref, zhs_ref, w_ref, out_ref):
    t = pl.program_id(0)
    rlo = bounds_ref[t, 0]
    rhi = bounds_ref[t, 1]
    slot = (lax.broadcasted_iota(jnp.int32, (BT, 1), 0).astype(jnp.float32)
            + jnp.float32(BT) * t.astype(jnp.float32))
    relslot = jnp.sum((cumend_ref[...] <= slot).astype(jnp.float32),
                      axis=1, keepdims=True)
    out_ref[...] = jnp.zeros_like(out_ref)
    zh_bf = zhs_ref[...].astype(jnp.bfloat16)

    def rbody(r, carry):
        m = relslot == r.astype(jnp.float32)
        zm = jnp.where(m, zh_bf, jnp.bfloat16(0))
        out_ref[...] += jnp.dot(zm, w_ref[r], preferred_element_type=jnp.float32)
        return carry

    lax.fori_loop(rlo, rhi + 1, rbody, 0)


def _tc_final_body(tmp_ref, zt_ref, out_ref):
    out_ref[...] = jnp.sum(tmp_ref[...] * zt_ref[...], axis=1, keepdims=True)


def kernel(edge_index, rel_ids, head, tail, x0, W1, b1, W2, b2, rel_W):
    src = edge_index[0]
    dst = edge_index[1]
    degp = _sc_deg(dst, jnp.ones((CH, D), jnp.float32))

    h1p = pl.pallas_call(
        _tc_pre_body,
        out_shape=jax.ShapeDtypeStruct((N, D), jnp.float32),
    )(x0, W1, degp)

    s1p = _sc_msg(src, dst, h1p)

    h2p = pl.pallas_call(
        _tc_mid_body,
        out_shape=jax.ShapeDtypeStruct((N, D), jnp.float32),
    )(s1p, degp, b1, W2)

    s2p = _sc_msg(src, dst, h2p)

    z2, relw_bf = pl.pallas_call(
        _tc_fin_body,
        out_shape=(
            jax.ShapeDtypeStruct((N, D), jnp.float32),
            jax.ShapeDtypeStruct((R, D, D), jnp.bfloat16),
        ),
    )(s2p, degp, b2, rel_W)

    rel2 = rel_ids.reshape(B, 1)

    pn, total = pl.pallas_call(
        _tc_sorta_body,
        grid=(T,),
        in_specs=[pl.BlockSpec((BT, 1), lambda t: (t, 0))],
        out_specs=(
            pl.BlockSpec((BT, 1), lambda t: (t, 0)),
            pl.BlockSpec((1, R), lambda t: (0, 0)),
        ),
        out_shape=(
            jax.ShapeDtypeStruct((B, 1), jnp.float32),
            jax.ShapeDtypeStruct((1, R), jnp.float32),
        ),
        scratch_shapes=[pltpu.VMEM((1, R), jnp.float32)],
    )(rel2)

    pos, cumend, bounds = pl.pallas_call(
        _tc_sortb_body,
        out_shape=(
            jax.ShapeDtypeStruct((B, 1), jnp.int32),
            jax.ShapeDtypeStruct((1, R), jnp.float32),
            jax.ShapeDtypeStruct((T, 2), jnp.int32),
        ),
    )(pn, total, rel2)

    zhs, zt = _sc_gather(z2, head, tail, pos.reshape(B))

    tmps = pl.pallas_call(
        _tc_score_body,
        grid=(T,),
        in_specs=[
            pl.BlockSpec(memory_space=pltpu.SMEM),
            pl.BlockSpec((1, R), lambda t: (0, 0)),
            pl.BlockSpec((BT, D), lambda t: (t, 0)),
            pl.BlockSpec((R, D, D), lambda t: (0, 0, 0)),
        ],
        out_specs=pl.BlockSpec((BT, D), lambda t: (t, 0)),
        out_shape=jax.ShapeDtypeStruct((B, D), jnp.float32),
    )(bounds, cumend, zhs, relw_bf)

    tmp = _sc_unsort(tmps, pos.reshape(B))

    scores = pl.pallas_call(
        _tc_final_body,
        out_shape=jax.ShapeDtypeStruct((B, 1), jnp.float32),
    )(tmp, zt)

    return scores.reshape(B)

# --- scband reference (transcript-rebuilt; emitter-appended) ---
"""Pipeline reference for scband-gcnlink-predictor-43954695308083 (READ-ONLY COPY).

The authoritative reference and input builder live on the scoring server;
editing this copy changes nothing except your own understanding.
"""

import jax, jax.numpy as jnp
import numpy as np

N = 10000
E = 320000
D = 128
R = 200
B = 16384


def _glorot(key, shape):
    fan_in, fan_out = shape[-2], shape[-1]
    limit = np.sqrt(6.0 / (fan_in + fan_out))
    return jax.random.uniform(key, shape, minval=-limit, maxval=limit, dtype=jnp.float32)


def setup_inputs(seed: int = 0) -> dict:
    key = jax.random.key(seed)
    ks = jax.random.split(key, 12)
    edge_index = jax.random.randint(ks[0], (2, E), 0, N)
    rel_ids = jax.random.randint(ks[1], (B,), 0, R)
    head = jax.random.randint(ks[2], (B,), 0, N)
    tail = jax.random.randint(ks[3], (B,), 0, N)
    # learned parameters
    x0 = jax.random.normal(ks[4], (N, D), dtype=jnp.float32) * 0.01  # nn.Embedding init std=0.01
    W1 = _glorot(ks[5], (D, D))
    b1 = jnp.zeros((D,), dtype=jnp.float32)
    W2 = _glorot(ks[6], (D, D))
    b2 = jnp.zeros((D,), dtype=jnp.float32)
    rel_W = _glorot(ks[7], (R, D, D))
    return {"edge_index": edge_index, "rel_ids": rel_ids, "head": head, "tail": tail,
            "x0": x0, "W1": W1, "b1": b1, "W2": W2, "b2": b2, "rel_W": rel_W}


def reference(edge_index, rel_ids, head, tail, x0, W1, b1, W2, b2, rel_W):
    src = edge_index[0]
    dst = edge_index[1]

    # symmetric GCN normalization (add_self_loops=False, normalize=True)
    deg = jnp.zeros((N,), dtype=jnp.float32).at[dst].add(1.0)
    dinv = jnp.where(deg > 0, 1.0 / jnp.sqrt(jnp.maximum(deg, 1e-12)), 0.0)
    norm = dinv[src] * dinv[dst]

    def gcn_conv(x, W, b):
        x = x @ W
        msgs = x[src] * norm[:, None]
        out = jax.ops.segment_sum(msgs, dst, num_segments=N)
        return out + b

    # encode (eval mode: dropout is identity)
    z = gcn_conv(x0, W1, b1)
    z = jax.nn.relu(z)
    z = gcn_conv(z, W2, b2)

    # score_logits_all_rel
    zh = z[head]
    zt = z[tail]
    Wr = rel_W[rel_ids]
    tmp = jnp.einsum('bd,bde->be', zh, Wr)
    return jnp.sum(tmp * zt, axis=-1)

if __name__ == "__main__":
    import jax
    _d = setup_inputs()
    print(jax.jit(kernel)(*tuple(_d.values())))

</pallas_src>

<mosaic_0001>
#map = affine_map<(d0, d1) -> (0)>
#map1 = affine_map<(d0, d1) -> (0, 0)>
#map2 = affine_map<(d0, d1) -> (0, 0, 0)>
module attributes {stable_mosaic.version = 14 : i64} {
  func.func @_sc_msg(%arg0: i32, %arg1: i32, %arg2: memref<320000xi32, #tpu.memory_space<hbm>>, %arg3: memref<320000xi32, #tpu.memory_space<hbm>>, %arg4: memref<10000x128xf32, #tpu.memory_space<hbm>>, %arg5: memref<2x10240x128xf32, #tpu.memory_space<hbm>>, %arg6: memref<2x80xi32, #tpu.memory_space<vmem>>, %arg7: memref<2x80xi32, #tpu.memory_space<vmem>>, %arg8: memref<2x80x128xf32, #tpu.memory_space<vmem>>, %arg9: memref<64x128xf32, #tpu.memory_space<vmem>>, %arg10: memref<10240x128xf32, #tpu.memory_space<vmem_shared>>, %arg11: memref<!tpu.dma_semaphore, #tpu.memory_space<semaphore_mem>>, %arg12: memref<!tpu.dma_semaphore, #tpu.memory_space<semaphore_mem>>, %arg13: memref<!tpu.dma_semaphore, #tpu.memory_space<semaphore_mem>>, %arg14: memref<!tpu.dma_semaphore, #tpu.memory_space<semaphore_mem>>) attributes {dimension_semantics = [#tpu.dimension_semantics<core_parallel>, #tpu.dimension_semantics<subcore_parallel>], iteration_bounds = array<i64: 2, 16>, scalar_prefetch = 0 : i64, scratch_operands = 9 : i64, tpu.core_type = #tpu.core_type<sc_vector_subcore>, window_params = [{transform_indices = #map}, {transform_indices = #map}, {transform_indices = #map1}, {transform_indices = #map2}]} {
    %mul3A = arith.constant 16 : i32
    %mul3A_0 = arith.muli %arg0, %mul3A : i32
    %add3A = arith.addi %mul3A_0, %arg1 : i32
    %scan3A = arith.constant 0 : i32
    %scan3A_1 = arith.constant 0 : i32
    %scan3A_2 = arith.constant 64 : i32
    %scan3A_3 = arith.addi %scan3A_1, %scan3A_2 : i32
    %scan3A_4 = arith.constant 1 : i32
    scf.for %scan3A_116 = %scan3A_1 to %scan3A_3 step %scan3A_4  : i32 {
      %broadcast_in_dim3A = arith.constant 0.000000e+00 : f32
      %broadcast_in_dim3A_117 = vector.broadcast %broadcast_in_dim3A : f32 to vector<16xf32>
      %swap3A = arith.index_cast %scan3A_116 : i32 to index
      %swap3A_118 = arith.constant 0 : index
      %swap3A_119 = tpu.vector_load %arg9[%swap3A, %swap3A_118] {strides = array<i32>} : memref<64x128xf32, #tpu.memory_space<vmem>>, vector<1x16xf32>,
      %swap3A_120 = vector.shape_cast %swap3A_119 : vector<1x16xf32> to vector<16xf32>
      %swap3A_121 = vector.shape_cast %broadcast_in_dim3A_117 : vector<16xf32> to vector<1x16xf32>
      tpu.vector_store %arg9[%swap3A, %swap3A_118], %swap3A_121 {strides = array<i32>} : memref<64x128xf32, #tpu.memory_space<vmem>>, vector<1x16xf32>,
      %broadcast_in_dim3A_122 = arith.constant 0.000000e+00 : f32
      %broadcast_in_dim3A_123 = vector.broadcast %broadcast_in_dim3A_122 : f32 to vector<16xf32>
      %swap3A_124 = arith.index_cast %scan3A_116 : i32 to index
      %swap3A_125 = arith.constant 16 : index
      %swap3A_126 = tpu.vector_load %arg9[%swap3A_124, %swap3A_125] {strides = array<i32>} : memref<64x128xf32, #tpu.memory_space<vmem>>, vector<1x16xf32>,
      %swap3A_127 = vector.shape_cast %swap3A_126 : vector<1x16xf32> to vector<16xf32>
      %swap3A_128 = vector.shape_cast %broadcast_in_dim3A_123 : vector<16xf32> to vector<1x16xf32>
      tpu.vector_store %arg9[%swap3A_124, %swap3A_125], %swap3A_128 {strides = array<i32>} : memref<64x128xf32, #tpu.memory_space<vmem>>, vector<1x16xf32>,
      %broadcast_in_dim3A_129 = arith.constant 0.000000e+00 : f32
      %broadcast_in_dim3A_130 = vector.broadcast %broadcast_in_dim3A_129 : f32 to vector<16xf32>
      %swap3A_131 = arith.index_cast %scan3A_116 : i32 to index
      %swap3A_132 = arith.constant 32 : index
      %swap3A_133 = tpu.vector_load %arg9[%swap3A_131, %swap3A_132] {strides = array<i32>} : memref<64x128xf32, #tpu.memory_space<vmem>>, vector<1x16xf32>,
      %swap3A_134 = vector.shape_cast %swap3A_133 : vector<1x16xf32> to vector<16xf32>
      %swap3A_135 = vector.shape_cast %broadcast_in_dim3A_130 : vector<16xf32> to vector<1x16xf32>
      tpu.vector_store %arg9[%swap3A_131, %swap3A_132], %swap3A_135 {strides = array<i32>} : memref<64x128xf32, #tpu.memory_space<vmem>>, vector<1x16xf32>,
      %broadcast_in_dim3A_136 = arith.constant 0.000000e+00 : f32
      %broadcast_in_dim3A_137 = vector.broadcast %broadcast_in_dim3A_136 : f32 to vector<16xf32>
      %swap3A_138 = arith.index_cast %scan3A_116 : i32 to index
      %swap3A_139 = arith.constant 48 : index
      %swap3A_140 = tpu.vector_load %arg9[%swap3A_138, %swap3A_139] {strides = array<i32>} : memref<64x128xf32, #tpu.memory_space<vmem>>, vector<1x16xf32>,
      %swap3A_141 = vector.shape_cast %swap3A_140 : vector<1x16xf32> to vector<16xf32>
      %swap3A_142 = vector.shape_cast %broadcast_in_dim3A_137 : vector<16xf32> to vector<1x16xf32>
      tpu.vector_store %arg9[%swap3A_138, %swap3A_139], %swap3A_142 {strides = array<i32>} : memref<64x128xf32, #tpu.memory_space<vmem>>, vector<1x16xf32>,
      %broadcast_in_dim3A_143 = arith.constant 0.000000e+00 : f32
      %broadcast_in_dim3A_144 = vector.broadcast %broadcast_in_dim3A_143 : f32 to vector<16xf32>
      %swap3A_145 = arith.index_cast %scan3A_116 : i32 to index
      %swap3A_146 = arith.constant 64 : index
      %swap3A_147 = tpu.vector_load %arg9[%swap3A_145, %swap3A_146] {strides = array<i32>} : memref<64x128xf32, #tpu.memory_space<vmem>>, vector<1x16xf32>,
      %swap3A_148 = vector.shape_cast %swap3A_147 : vector<1x16xf32> to vector<16xf32>
      %swap3A_149 = vector.shape_cast %broadcast_in_dim3A_144 : vector<16xf32> to vector<1x16xf32>
      tpu.vector_store %arg9[%swap3A_145, %swap3A_146], %swap3A_149 {strides = array<i32>} : memref<64x128xf32, #tpu.memory_space<vmem>>, vector<1x16xf32>,
      %broadcast_in_dim3A_150 = arith.constant 0.000000e+00 : f32
      %broadcast_in_dim3A_151 = vector.broadcast %broadcast_in_dim3A_150 : f32 to vector<16xf32>
      %swap3A_152 = arith.index_cast %scan3A_116 : i32 to index
      %swap3A_153 = arith.constant 80 : index
      %swap3A_154 = tpu.vector_load %arg9[%swap3A_152, %swap3A_153] {strides = array<i32>} : memref<64x128xf32, #tpu.memory_space<vmem>>, vector<1x16xf32>,
      %swap3A_155 = vector.shape_cast %swap3A_154 : vector<1x16xf32> to vector<16xf32>
      %swap3A_156 = vector.shape_cast %broadcast_in_dim3A_151 : vector<16xf32> to vector<1x16xf32>
      tpu.vector_store %arg9[%swap3A_152, %swap3A_153], %swap3A_156 {strides = array<i32>} : memref<64x128xf32, #tpu.memory_space<vmem>>, vector<1x16xf32>,
      %broadcast_in_dim3A_157 = arith.constant 0.000000e+00 : f32
      %broadcast_in_dim3A_158 = vector.broadcast %broadcast_in_dim3A_157 : f32 to vector<16xf32>
      %swap3A_159 = arith.index_cast %scan3A_116 : i32 to index
      %swap3A_160 = arith.constant 96 : index
      %swap3A_161 = tpu.vector_load %arg9[%swap3A_159, %swap3A_160] {strides = array<i32>} : memref<64x128xf32, #tpu.memory_space<vmem>>, vector<1x16xf32>,
      %swap3A_162 = vector.shape_cast %swap3A_161 : vector<1x16xf32> to vector<16xf32>
      %swap3A_163 = vector.shape_cast %broadcast_in_dim3A_158 : vector<16xf32> to vector<1x16xf32>
      tpu.vector_store %arg9[%swap3A_159, %swap3A_160], %swap3A_163 {strides = array<i32>} : memref<64x128xf32, #tpu.memory_space<vmem>>, vector<1x16xf32>,
      %broadcast_in_dim3A_164 = arith.constant 0.000000e+00 : f32
      %broadcast_in_dim3A_165 = vector.broadcast %broadcast_in_dim3A_164 : f32 to vector<16xf32>
      %swap3A_166 = arith.index_cast %scan3A_116 : i32 to index
      %swap3A_167 = arith.constant 112 : index
      %swap3A_168 = tpu.vector_load %arg9[%swap3A_166, %swap3A_167] {strides = array<i32>} : memref<64x128xf32, #tpu.memory_space<vmem>>, vector<1x16xf32>,
      %swap3A_169 = vector.shape_cast %swap3A_168 : vector<1x16xf32> to vector<16xf32>
      %swap3A_170 = vector.shape_cast %broadcast_in_dim3A_165 : vector<16xf32> to vector<1x16xf32>
      tpu.vector_store %arg9[%swap3A_166, %swap3A_167], %swap3A_170 {strides = array<i32>} : memref<64x128xf32, #tpu.memory_space<vmem>>, vector<1x16xf32>,
    }
    %scan3A_5 = arith.constant 64 : i32
    %scan3A_6 = arith.constant 0 : i32
    %scan3A_7 = arith.constant 0 : i32
    %scan3A_8 = arith.constant 10 : i32
    %scan3A_9 = arith.addi %scan3A_7, %scan3A_8 : i32
    %scan3A_10 = arith.constant 1 : i32
    scf.for %scan3A_116 = %scan3A_7 to %scan3A_9 step %scan3A_10  : i32 {
      %mul3A_117 = arith.constant 640 : i32
      %mul3A_118 = arith.muli %arg1, %mul3A_117 : i32
      %mul3A_119 = arith.constant 64 : i32
      %mul3A_120 = arith.muli %scan3A_116, %mul3A_119 : i32
      %add3A_121 = arith.addi %mul3A_118, %mul3A_120 : i32
      "tpu.region"() ({
        %run_scoped3A_122 = tpu.sem_alloc : memref<!tpu.dma_semaphore, #tpu.memory_space<semaphore_mem>>
        %dma_start3A_123 = arith.constant 0 : i32
        %dma_start3A_124 = tpu.memref_slice %arg10[%add3A_121, %dma_start3A_123] : memref<10240x128xf32, #tpu.memory_space<vmem_shared>> -> memref<64x128xf32, #tpu.memory_space<vmem_shared>>
        %dma_start3A_125 = arith.constant 0 : i32
        %dma_start3A_126 = tpu.memref_slice %arg10[%add3A_121, %dma_start3A_125] : memref<10240x128xf32, #tpu.memory_space<vmem_shared>> -> memref<64x128xf32, #tpu.memory_space<vmem_shared>>
        tpu.enqueue_dma source(%arg9 : memref<64x128xf32, #tpu.memory_space<vmem>>) target(%dma_start3A_126 : memref<64x128xf32, #tpu.memory_space<vmem_shared>>) target_semaphore(%run_scoped3A_122 : memref<!tpu.dma_semaphore, #tpu.memory_space<semaphore_mem>>)
        %dma_wait3A_127 = arith.constant 0 : i32
        %dma_wait3A_128 = tpu.memref_slice %arg10[%add3A_121, %dma_wait3A_127] : memref<10240x128xf32, #tpu.memory_space<vmem_shared>> -> memref<64x128xf32, #tpu.memory_space<vmem_shared>>
        %dma_wait3A_129 = arith.constant 0 : i32
        %dma_wait3A_130 = tpu.memref_slice %arg10[%add3A_121, %dma_wait3A_129] : memref<10240x128xf32, #tpu.memory_space<vmem_shared>> -> memref<64x128xf32, #tpu.memory_space<vmem_shared>>
        tpu.wait_dma2 semaphore(%run_scoped3A_122 : memref<!tpu.dma_semaphore, #tpu.memory_space<semaphore_mem>>) src(%arg9 : memref<64x128xf32, #tpu.memory_space<vmem>>) dst(%dma_wait3A_130 : memref<64x128xf32, #tpu.memory_space<vmem_shared>>)
        tpu.yield
      }) : () -> ()
    }
    %scan3A_11 = arith.constant 10 : i32
    %barrier3A = arith.constant 0 : index
    tpu.barrier barrier_id(%barrier3A)
    %mul3A_12 = arith.constant 10000 : i32
    %mul3A_13 = arith.muli %add3A, %mul3A_12 : i32
    %add3A_14 = arith.constant 0 : i32
    %add3A_15 = arith.addi %mul3A_13, %add3A_14 : i32
    %multiple_of3A = tpu.assume_multiple %add3A_15, 8 : i32
    %dma_start3A = arith.constant 0 : i32
    %dma_start3A_16 = arith.constant 0 : i32
    %dma_start3A_17 = tpu.memref_slice %arg6[%dma_start3A, %dma_start3A_16] : memref<2x80xi32, #tpu.memory_space<vmem>> -> memref<1x80xi32, #tpu.memory_space<vmem>>
    %dma_start3A_18 = tpu.memref_squeeze %dma_start3A_17 : memref<1x80xi32, #tpu.memory_space<vmem>> -> memref<80xi32, #tpu.memory_space<vmem>>
    %dma_start3A_19 = tpu.memref_slice %arg2[%multiple_of3A] : memref<320000xi32, #tpu.memory_space<hbm>> -> memref<80xi32, #tpu.memory_space<hbm>>
    %dma_start3A_20 = arith.constant 0 : i32
    %dma_start3A_21 = tpu.memref_slice %arg6[%dma_start3A, %dma_start3A_20] : memref<2x80xi32, #tpu.memory_space<vmem>> -> memref<1x80xi32, #tpu.memory_space<vmem>>
    %dma_start3A_22 = tpu.memref_squeeze %dma_start3A_21 : memref<1x80xi32, #tpu.memory_space<vmem>> -> memref<80xi32, #tpu.memory_space<vmem>>
    %dma_start3A_23 = tpu.memref_slice %arg2[%multiple_of3A] : memref<320000xi32, #tpu.memory_space<hbm>> -> memref<80xi32, #tpu.memory_space<hbm>>
    tpu.enqueue_dma source(%dma_start3A_23 : memref<80xi32, #tpu.memory_space<hbm>>) target(%dma_start3A_22 : memref<80xi32, #tpu.memory_space<vmem>>) target_semaphore(%arg11 : memref<!tpu.dma_semaphore, #tpu.memory_space<semaphore_mem>>)
    %dma_start3A_24 = arith.constant 0 : i32
    %dma_start3A_25 = arith.constant 0 : i32
    %dma_start3A_26 = tpu.memref_slice %arg7[%dma_start3A_24, %dma_start3A_25] : memref<2x80xi32, #tpu.memory_space<vmem>> -> memref<1x80xi32, #tpu.memory_space<vmem>>
    %dma_start3A_27 = tpu.memref_squeeze %dma_start3A_26 : memref<1x80xi32, #tpu.memory_space<vmem>> -> memref<80xi32, #tpu.memory_space<vmem>>
    %dma_start3A_28 = tpu.memref_slice %arg3[%multiple_of3A] : memref<320000xi32, #tpu.memory_space<hbm>> -> memref<80xi32, #tpu.memory_space<hbm>>
    %dma_start3A_29 = arith.constant 0 : i32
    %dma_start3A_30 = tpu.memref_slice %arg7[%dma_start3A_24, %dma_start3A_29] : memref<2x80xi32, #tpu.memory_space<vmem>> -> memref<1x80xi32, #tpu.memory_space<vmem>>
    %dma_start3A_31 = tpu.memref_squeeze %dma_start3A_30 : memref<1x80xi32, #tpu.memory_space<vmem>> -> memref<80xi32, #tpu.memory_space<vmem>>
    %dma_start3A_32 = tpu.memref_slice %arg3[%multiple_of3A] : memref<320000xi32, #tpu.memory_space<hbm>> -> memref<80xi32, #tpu.memory_space<hbm>>
    tpu.enqueue_dma source(%dma_start3A_32 : memref<80xi32, #tpu.memory_space<hbm>>) target(%dma_start3A_31 : memref<80xi32, #tpu.memory_space<vmem>>) target_semaphore(%arg11 : memref<!tpu.dma_semaphore, #tpu.memory_space<semaphore_mem>>)
    %dma_wait3A = arith.constant 0 : i32
    %dma_wait3A_33 = arith.constant 0 : i32
    %dma_wait3A_34 = tpu.memref_slice %arg6[%dma_wait3A, %dma_wait3A_33] : memref<2x80xi32, #tpu.memory_space<vmem>> -> memref<1x80xi32, #tpu.memory_space<vmem>>
    %dma_wait3A_35 = tpu.memref_squeeze %dma_wait3A_34 : memref<1x80xi32, #tpu.memory_space<vmem>> -> memref<80xi32, #tpu.memory_space<vmem>>
    %dma_wait3A_36 = arith.constant 0 : i32
    %dma_wait3A_37 = tpu.memref_slice %arg2[%dma_wait3A_36] : memref<320000xi32, #tpu.memory_space<hbm>> -> memref<80xi32, #tpu.memory_space<hbm>>
    %dma_wait3A_38 = arith.constant 0 : i32
    %dma_wait3A_39 = tpu.memref_slice %arg6[%dma_wait3A, %dma_wait3A_38] : memref<2x80xi32, #tpu.memory_space<vmem>> -> memref<1x80xi32, #tpu.memory_space<vmem>>
    %dma_wait3A_40 = tpu.memref_squeeze %dma_wait3A_39 : memref<1x80xi32, #tpu.memory_space<vmem>> -> memref<80xi32, #tpu.memory_space<vmem>>
    %dma_wait3A_41 = arith.constant 0 : i32
    %dma_wait3A_42 = tpu.memref_slice %arg2[%dma_wait3A_41] : memref<320000xi32, #tpu.memory_space<hbm>> -> memref<80xi32, #tpu.memory_space<hbm>>
    tpu.wait_dma2 semaphore(%arg11 : memref<!tpu.dma_semaphore, #tpu.memory_space<semaphore_mem>>) src(%dma_wait3A_42 : memref<80xi32, #tpu.memory_space<hbm>>) dst(%dma_wait3A_40 : memref<80xi32, #tpu.memory_space<vmem>>)
    %dma_wait3A_43 = arith.constant 0 : i32
    %dma_wait3A_44 = arith.constant 0 : i32
    %dma_wait3A_45 = tpu.memref_slice %arg7[%dma_wait3A_43, %dma_wait3A_44] : memref<2x80xi32, #tpu.memory_space<vmem>> -> memref<1x80xi32, #tpu.memory_space<vmem>>
    %dma_wait3A_46 = tpu.memref_squeeze %dma_wait3A_45 : memref<1x80xi32, #tpu.memory_space<vmem>> -> memref<80xi32, #tpu.memory_space<vmem>>
    %dma_wait3A_47 = arith.constant 0 : i32
    %dma_wait3A_48 = tpu.memref_slice %arg3[%dma_wait3A_47] : memref<320000xi32, #tpu.memory_space<hbm>> -> memref<80xi32, #tpu.memory_space<hbm>>
    %dma_wait3A_49 = arith.constant 0 : i32
    %dma_wait3A_50 = tpu.memref_slice %arg7[%dma_wait3A_43, %dma_wait3A_49] : memref<2x80xi32, #tpu.memory_space<vmem>> -> memref<1x80xi32, #tpu.memory_space<vmem>>
    %dma_wait3A_51 = tpu.memref_squeeze %dma_wait3A_50 : memref<1x80xi32, #tpu.memory_space<vmem>> -> memref<80xi32, #tpu.memory_space<vmem>>
    %dma_wait3A_52 = arith.constant 0 : i32
    %dma_wait3A_53 = tpu.memref_slice %arg3[%dma_wait3A_52] : memref<320000xi32, #tpu.memory_space<hbm>> -> memref<80xi32, #tpu.memory_space<hbm>>
    tpu.wait_dma2 semaphore(%arg11 : memref<!tpu.dma_semaphore, #tpu.memory_space<semaphore_mem>>) src(%dma_wait3A_53 : memref<80xi32, #tpu.memory_space<hbm>>) dst(%dma_wait3A_51 : memref<80xi32, #tpu.memory_space<vmem>>)
    %dma_start3A_54 = arith.constant 0 : i32
    %dma_start3A_55 = arith.constant 0 : i32
    %dma_start3A_56 = arith.constant 0 : i32
    %dma_start3A_57 = arith.constant 0 : i32
    %dma_start3A_58 = tpu.memref_slice %arg8[%dma_start3A_55, %dma_start3A_56, %dma_start3A_57] : memref<2x80x128xf32, #tpu.memory_space<vmem>> -> memref<1x80x128xf32, #tpu.memory_space<vmem>>
    %dma_start3A_59 = tpu.memref_squeeze %dma_start3A_58 : memref<1x80x128xf32, #tpu.memory_space<vmem>> -> memref<80x128xf32, #tpu.memory_space<vmem>>
    %dma_start3A_60 = arith.constant 0 : i32
    %dma_start3A_61 = tpu.memref_slice %arg6[%dma_start3A_54, %dma_start3A_60] : memref<2x80xi32, #tpu.memory_space<vmem>> -> memref<1x80xi32, #tpu.memory_space<vmem>>
    %dma_start3A_62 = tpu.memref_squeeze %dma_start3A_61 : memref<1x80xi32, #tpu.memory_space<vmem>> -> memref<80xi32, #tpu.memory_space<vmem>>
    %dma_start3A_63 = arith.constant 0 : i32
    %dma_start3A_64 = arith.constant 0 : i32
    %dma_start3A_65 = tpu.memref_slice %arg4[%dma_start3A_63, %dma_start3A_64] : memref<10000x128xf32, #tpu.memory_space<hbm>> -> memref<10000x128xf32, #tpu.memory_space<hbm>>
    tpu.enqueue_indirect_dma source(%dma_start3A_65 : memref<10000x128xf32, #tpu.memory_space<hbm>>) target(%dma_start3A_59 : memref<80x128xf32, #tpu.memory_space<vmem>>) offsets(%dma_start3A_62 : memref<80xi32, #tpu.memory_space<vmem>>) semaphore(%arg13 : memref<!tpu.dma_semaphore, #tpu.memory_space<semaphore_mem>>)
    %mul3A_66 = arith.constant 10000 : i32
    %mul3A_67 = arith.muli %add3A, %mul3A_66 : i32
    %add3A_68 = arith.constant 80 : i32
    %add3A_69 = arith.addi %mul3A_67, %add3A_68 : i32
    %multiple_of3A_70 = tpu.assume_multiple %add3A_69, 8 : i32
    %dma_start3A_71 = arith.constant 1 : i32
    %dma_start3A_72 = arith.constant 0 : i32
    %dma_start3A_73 = tpu.memref_slice %arg6[%dma_start3A_71, %dma_start3A_72] : memref<2x80xi32, #tpu.memory_space<vmem>> -> memref<1x80xi32, #tpu.memory_space<vmem>>
    %dma_start3A_74 = tpu.memref_squeeze %dma_start3A_73 : memref<1x80xi32, #tpu.memory_space<vmem>> -> memref<80xi32, #tpu.memory_space<vmem>>
    %dma_start3A_75 = tpu.memref_slice %arg2[%multiple_of3A_70] : memref<320000xi32, #tpu.memory_space<hbm>> -> memref<80xi32, #tpu.memory_space<hbm>>
    %dma_start3A_76 = arith.constant 0 : i32
    %dma_start3A_77 = tpu.memref_slice %arg6[%dma_start3A_71, %dma_start3A_76] : memref<2x80xi32, #tpu.memory_space<vmem>> -> memref<1x80xi32, #tpu.memory_space<vmem>>
    %dma_start3A_78 = tpu.memref_squeeze %dma_start3A_77 : memref<1x80xi32, #tpu.memory_space<vmem>> -> memref<80xi32, #tpu.memory_space<vmem>>
    %dma_start3A_79 = tpu.memref_slice %arg2[%multiple_of3A_70] : memref<320000xi32, #tpu.memory_space<hbm>> -> memref<80xi32, #tpu.memory_space<hbm>>
    tpu.enqueue_dma source(%dma_start3A_79 : memref<80xi32, #tpu.memory_space<hbm>>) target(%dma_start3A_78 : memref<80xi32, #tpu.memory_space<vmem>>) target_semaphore(%arg12 : memref<!tpu.dma_semaphore, #tpu.memory_space<semaphore_mem>>)
    %dma_start3A_80 = arith.constant 1 : i32
    %dma_start3A_81 = arith.constant 0 : i32
    %dma_start3A_82 = tpu.memref_slice %arg7[%dma_start3A_80, %dma_start3A_81] : memref<2x80xi32, #tpu.memory_space<vmem>> -> memref<1x80xi32, #tpu.memory_space<vmem>>
    %dma_start3A_83 = tpu.memref_squeeze %dma_start3A_82 : memref<1x80xi32, #tpu.memory_space<vmem>> -> memref<80xi32, #tpu.memory_space<vmem>>
    %dma_start3A_84 = tpu.memref_slice %arg3[%multiple_of3A_70] : memref<320000xi32, #tpu.memory_space<hbm>> -> memref<80xi32, #tpu.memory_space<hbm>>
    %dma_start3A_85 = arith.constant 0 : i32
    %dma_start3A_86 = tpu.memref_slice %arg7[%dma_start3A_80, %dma_start3A_85] : memref<2x80xi32, #tpu.memory_space<vmem>> -> memref<1x80xi32, #tpu.memory_space<vmem>>
    %dma_start3A_87 = tpu.memref_squeeze %dma_start3A_86 : memref<1x80xi32, #tpu.memory_space<vmem>> -> memref<80xi32, #tpu.memory_space<vmem>>
    %dma_start3A_88 = tpu.memref_slice %arg3[%multiple_of3A_70] : memref<320000xi32, #tpu.memory_space<hbm>> -> memref<80xi32, #tpu.memory_space<hbm>>
    tpu.enqueue_dma source(%dma_start3A_88 : memref<80xi32, #tpu.memory_space<hbm>>) target(%dma_start3A_87 : memref<80xi32, #tpu.memory_space<vmem>>) target_semaphore(%arg12 : memref<!tpu.dma_semaphore, #tpu.memory_space<semaphore_mem>>)
    %scan3A_89 = arith.constant 0 : i32
    %scan3A_90 = arith.constant 0 : i32
    %scan3A_91 = arith.constant 62 : i32
    %scan3A_92 = arith.addi %scan3A_90, %scan3A_91 : i32
    %scan3A_93 = arith.constant 1 : i32
    scf.for %scan3A_116 = %scan3A_90 to %scan3A_92 step %scan3A_93  : i32 {
      %mul3A_117 = arith.constant 2 : i32
      %mul3A_118 = arith.muli %mul3A_117, %scan3A_116 : i32
      %add3A_119 = arith.constant 1 : i32
      %add3A_120 = arith.addi %mul3A_118, %add3A_119 : i32
      %lt3A = arith.constant 125 : i32
      %lt3A_121 = arith.cmpi slt, %add3A_120, %lt3A : i32
      %convert_element_type3A = arith.extui %lt3A_121 : i1 to i32
      %cond3A = arith.constant 0 : i32
      %cond3A_122 = arith.cmpi ne, %convert_element_type3A, %cond3A : i32
      scf.if %cond3A_122 {
        %dma_wait3A_182 = arith.constant 1 : i32
        %dma_wait3A_183 = arith.constant 0 : i32
        %dma_wait3A_184 = tpu.memref_slice %arg6[%dma_wait3A_182, %dma_wait3A_183] : memref<2x80xi32, #tpu.memory_space<vmem>> -> memref<1x80xi32, #tpu.memory_space<vmem>>
        %dma_wait3A_185 = tpu.memref_squeeze %dma_wait3A_184 : memref<1x80xi32, #tpu.memory_space<vmem>> -> memref<80xi32, #tpu.memory_space<vmem>>
        %dma_wait3A_186 = arith.constant 0 : i32
        %dma_wait3A_187 = tpu.memref_slice %arg2[%dma_wait3A_186] : memref<320000xi32, #tpu.memory_space<hbm>> -> memref<80xi32, #tpu.memory_space<hbm>>
        %dma_wait3A_188 = arith.constant 0 : i32
        %dma_wait3A_189 = tpu.memref_slice %arg6[%dma_wait3A_182, %dma_wait3A_188] : memref<2x80xi32, #tpu.memory_space<vmem>> -> memref<1x80xi32, #tpu.memory_space<vmem>>
        %dma_wait3A_190 = tpu.memref_squeeze %dma_wait3A_189 : memref<1x80xi32, #tpu.memory_space<vmem>> -> memref<80xi32, #tpu.memory_space<vmem>>
        %dma_wait3A_191 = arith.constant 0 : i32
        %dma_wait3A_192 = tpu.memref_slice %arg2[%dma_wait3A_191] : memref<320000xi32, #tpu.memory_space<hbm>> -> memref<80xi32, #tpu.memory_space<hbm>>
        tpu.wait_dma2 semaphore(%arg12 : memref<!tpu.dma_semaphore, #tpu.memory_space<semaphore_mem>>) src(%dma_wait3A_192 : memref<80xi32, #tpu.memory_space<hbm>>) dst(%dma_wait3A_190 : memref<80xi32, #tpu.memory_space<vmem>>)
        %dma_wait3A_193 = arith.constant 1 : i32
        %dma_wait3A_194 = arith.constant 0 : i32
        %dma_wait3A_195 = tpu.memref_slice %arg7[%dma_wait3A_193, %dma_wait3A_194] : memref<2x80xi32, #tpu.memory_space<vmem>> -> memref<1x80xi32, #tpu.memory_space<vmem>>
        %dma_wait3A_196 = tpu.memref_squeeze %dma_wait3A_195 : memref<1x80xi32, #tpu.memory_space<vmem>> -> memref<80xi32, #tpu.memory_space<vmem>>
        %dma_wait3A_197 = arith.constant 0 : i32
        %dma_wait3A_198 = tpu.memref_slice %arg3[%dma_wait3A_197] : memref<320000xi32, #tpu.memory_space<hbm>> -> memref<80xi32, #tpu.memory_space<hbm>>
        %dma_wait3A_199 = arith.constant 0 : i32
        %dma_wait3A_200 = tpu.memref_slice %arg7[%dma_wait3A_193, %dma_wait3A_199] : memref<2x80xi32, #tpu.memory_space<vmem>> -> memref<1x80xi32, #tpu.memory_space<vmem>>
        %dma_wait3A_201 = tpu.memref_squeeze %dma_wait3A_200 : memref<1x80xi32, #tpu.memory_space<vmem>> -> memref<80xi32, #tpu.memory_space<vmem>>
        %dma_wait3A_202 = arith.constant 0 : i32
        %dma_wait3A_203 = tpu.memref_slice %arg3[%dma_wait3A_202] : memref<320000xi32, #tpu.memory_space<hbm>> -> memref<80xi32, #tpu.memory_space<hbm>>
        tpu.wait_dma2 semaphore(%arg12 : memref<!tpu.dma_semaphore, #tpu.memory_space<semaphore_mem>>) src(%dma_wait3A_203 : memref<80xi32, #tpu.memory_space<hbm>>) dst(%dma_wait3A_201 : memref<80xi32, #tpu.memory_space<vmem>>)
        %dma_start3A_204 = arith.constant 1 : i32
        %dma_start3A_205 = arith.constant 1 : i32
        %dma_start3A_206 = arith.constant 0 : i32
        %dma_start3A_207 = arith.constant 0 : i32
        %dma_start3A_208 = tpu.memref_slice %arg8[%dma_start3A_205, %dma_start3A_206, %dma_start3A_207] : memref<2x80x128xf32, #tpu.memory_space<vmem>> -> memref<1x80x128xf32, #tpu.memory_space<vmem>>
        %dma_start3A_209 = tpu.memref_squeeze %dma_start3A_208 : memref<1x80x128xf32, #tpu.memory_space<vmem>> -> memref<80x128xf32, #tpu.memory_space<vmem>>
        %dma_start3A_210 = arith.constant 0 : i32
        %dma_start3A_211 = tpu.memref_slice %arg6[%dma_start3A_204, %dma_start3A_210] : memref<2x80xi32, #tpu.memory_space<vmem>> -> memref<1x80xi32, #tpu.memory_space<vmem>>
        %dma_start3A_212 = tpu.memref_squeeze %dma_start3A_211 : memref<1x80xi32, #tpu.memory_space<vmem>> -> memref<80xi32, #tpu.memory_space<vmem>>
        %dma_start3A_213 = arith.constant 0 : i32
        %dma_start3A_214 = arith.constant 0 : i32
        %dma_start3A_215 = tpu.memref_slice %arg4[%dma_start3A_213, %dma_start3A_214] : memref<10000x128xf32, #tpu.memory_space<hbm>> -> memref<10000x128xf32, #tpu.memory_space<hbm>>
        tpu.enqueue_indirect_dma source(%dma_start3A_215 : memref<10000x128xf32, #tpu.memory_space<hbm>>) target(%dma_start3A_209 : memref<80x128xf32, #tpu.memory_space<vmem>>) offsets(%dma_start3A_212 : memref<80xi32, #tpu.memory_space<vmem>>) semaphore(%arg14 : memref<!tpu.dma_semaphore, #tpu.memory_space<semaphore_mem>>)
      } else {
      }
      %dma_wait3A_123 = arith.constant 0 : i32
      %dma_wait3A_124 = arith.constant 0 : i32
      %dma_wait3A_125 = arith.constant 0 : i32
      %dma_wait3A_126 = tpu.memref_slice %arg8[%dma_wait3A_123, %dma_wait3A_124, %dma_wait3A_125] : memref<2x80x128xf32, #tpu.memory_space<vmem>> -> memref<1x80x128xf32, #tpu.memory_space<vmem>>
      %dma_wait3A_127 = tpu.memref_squeeze %dma_wait3A_126 : memref<1x80x128xf32, #tpu.memory_space<vmem>> -> memref<80x128xf32, #tpu.memory_space<vmem>>
      %dma_wait3A_128 = arith.constant 0 : i32
      %dma_wait3A_129 = arith.constant 0 : i32
      %dma_wait3A_130 = tpu.memref_slice %arg4[%dma_wait3A_128, %dma_wait3A_129] : memref<10000x128xf32, #tpu.memory_space<hbm>> -> memref<80x128xf32, #tpu.memory_space<hbm>>
      %dma_wait3A_131 = arith.constant 0 : i32
      %dma_wait3A_132 = arith.constant 0 : i32
      %dma_wait3A_133 = tpu.memref_slice %arg8[%dma_wait3A_123, %dma_wait3A_131, %dma_wait3A_132] : memref<2x80x128xf32, #tpu.memory_space<vmem>> -> memref<1x80x128xf32, #tpu.memory_space<vmem>>
      %dma_wait3A_134 = tpu.memref_squeeze %dma_wait3A_133 : memref<1x80x128xf32, #tpu.memory_space<vmem>> -> memref<80x128xf32, #tpu.memory_space<vmem>>
      %dma_wait3A_135 = arith.constant 0 : i32
      %dma_wait3A_136 = arith.constant 0 : i32
      %dma_wait3A_137 = tpu.memref_slice %arg4[%dma_wait3A_135, %dma_wait3A_136] : memref<10000x128xf32, #tpu.memory_space<hbm>> -> memref<80x128xf32, #tpu.memory_space<hbm>>
      tpu.wait_dma2 semaphore(%arg13 : memref<!tpu.dma_semaphore, #tpu.memory_space<semaphore_mem>>) src(%dma_wait3A_137 : memref<80x128xf32, #tpu.memory_space<hbm>>) dst(%dma_wait3A_134 : memref<80x128xf32, #tpu.memory_space<vmem>>)
      %run_scoped3A_138 = arith.constant 0 : i32
      %run_scoped3A_139 = arith.constant 0 : i32
      "tpu.region"() ({
        %run_scoped3A_182 = tpu.sem_alloc : memref<!tpu.dma_semaphore, #tpu.memory_space<semaphore_mem>>
        %dma_start3A_183 = arith.constant 0 : i32
        %dma_start3A_184 = arith.constant 0 : i32
        %dma_start3A_185 = tpu.memref_slice %arg8[%run_scoped3A_138, %dma_start3A_183, %dma_start3A_184] : memref<2x80x128xf32, #tpu.memory_space<vmem>> -> memref<1x80x128xf32, #tpu.memory_space<vmem>>
        %dma_start3A_186 = tpu.memref_squeeze %dma_start3A_185 : memref<1x80x128xf32, #tpu.memory_space<vmem>> -> memref<80x128xf32, #tpu.memory_space<vmem>>
        %dma_start3A_187 = arith.constant 0 : i32
        %dma_start3A_188 = tpu.memref_slice %arg7[%run_scoped3A_139, %dma_start3A_187] : memref<2x80xi32, #tpu.memory_space<vmem>> -> memref<1x80xi32, #tpu.memory_space<vmem>>
        %dma_start3A_189 = tpu.memref_squeeze %dma_start3A_188 : memref<1x80xi32, #tpu.memory_space<vmem>> -> memref<80xi32, #tpu.memory_space<vmem>>
        %dma_start3A_190 = arith.constant 0 : i32
        %dma_start3A_191 = arith.constant 0 : i32
        %dma_start3A_192 = tpu.memref_slice %arg10[%dma_start3A_190, %dma_start3A_191] : memref<10240x128xf32, #tpu.memory_space<vmem_shared>> -> memref<10240x128xf32, #tpu.memory_space<vmem_shared>>
        tpu.enqueue_indirect_dma source(%dma_start3A_186 : memref<80x128xf32, #tpu.memory_space<vmem>>) target(%dma_start3A_192 : memref<10240x128xf32, #tpu.memory_space<vmem_shared>>) offsets(%dma_start3A_189 : memref<80xi32, #tpu.memory_space<vmem>>) semaphore(%run_scoped3A_182 : memref<!tpu.dma_semaphore, #tpu.memory_space<semaphore_mem>>) {add = true}
        %dma_wait3A_193 = arith.constant 0 : i32
        %dma_wait3A_194 = arith.constant 0 : i32
        %dma_wait3A_195 = tpu.memref_slice %arg8[%run_scoped3A_138, %dma_wait3A_193, %dma_wait3A_194] : memref<2x80x128xf32, #tpu.memory_space<vmem>> -> memref<1x80x128xf32, #tpu.memory_space<vmem>>
        %dma_wait3A_196 = tpu.memref_squeeze %dma_wait3A_195 : memref<1x80x128xf32, #tpu.memory_space<vmem>> -> memref<80x128xf32, #tpu.memory_space<vmem>>
        %dma_wait3A_197 = arith.constant 0 : i32
        %dma_wait3A_198 = tpu.memref_slice %arg7[%run_scoped3A_139, %dma_wait3A_197] : memref<2x80xi32, #tpu.memory_space<vmem>> -> memref<1x80xi32, #tpu.memory_space<vmem>>
        %dma_wait3A_199 = tpu.memref_squeeze %dma_wait3A_198 : memref<1x80xi32, #tpu.memory_space<vmem>> -> memref<80xi32, #tpu.memory_space<vmem>>
        %dma_wait3A_200 = arith.constant 0 : i32
        %dma_wait3A_201 = arith.constant 0 : i32
        %dma_wait3A_202 = tpu.memref_slice %arg10[%dma_wait3A_200, %dma_wait3A_201] : memref<10240x128xf32, #tpu.memory_space<vmem_shared>> -> memref<10240x128xf32, #tpu.memory_space<vmem_shared>>
        tpu.wait_indirect_dma semaphore(%run_scoped3A_182 : memref<!tpu.dma_semaphore, #tpu.memory_space<semaphore_mem>>) src(%dma_wait3A_196 : memref<80x128xf32, #tpu.memory_space<vmem>>) dst(%dma_wait3A_202 : memref<10240x128xf32, #tpu.memory_space<vmem_shared>>)
        tpu.yield
      }) : () -> ()
      %add3A_140 = arith.constant 2 : i32
      %add3A_141 = arith.addi %mul3A_118, %add3A_140 : i32
      %lt3A_142 = arith.constant 125 : i32
      %lt3A_143 = arith.cmpi slt, %add3A_141, %lt3A_142 : i32
      %convert_element_type3A_144 = arith.extui %lt3A_143 : i1 to i32
      %cond3A_145 = arith.constant 0 : i32
      %cond3A_146 = arith.cmpi ne, %convert_element_type3A_144, %cond3A_145 : i32
      scf.if %cond3A_146 {
        %add3A_182 = arith.constant 2 : i32
        %add3A_183 = arith.addi %mul3A_118, %add3A_182 : i32
        %mul3A_184 = arith.constant 10000 : i32
        %mul3A_185 = arith.muli %add3A, %mul3A_184 : i32
        %mul3A_186 = arith.constant 80 : i32
        %mul3A_187 = arith.muli %add3A_183, %mul3A_186 : i32
        %add3A_188 = arith.addi %mul3A_185, %mul3A_187 : i32
        %multiple_of3A_189 = tpu.assume_multiple %add3A_188, 8 : i32
        %dma_start3A_190 = arith.constant 0 : i32
        %dma_start3A_191 = arith.constant 0 : i32
        %dma_start3A_192 = tpu.memref_slice %arg6[%dma_start3A_190, %dma_start3A_191] : memref<2x80xi32, #tpu.memory_space<vmem>> -> memref<1x80xi32, #tpu.memory_space<vmem>>
        %dma_start3A_193 = tpu.memref_squeeze %dma_start3A_192 : memref<1x80xi32, #tpu.memory_space<vmem>> -> memref<80xi32, #tpu.memory_space<vmem>>
        %dma_start3A_194 = tpu.memref_slice %arg2[%multiple_of3A_189] : memref<320000xi32, #tpu.memory_space<hbm>> -> memref<80xi32, #tpu.memory_space<hbm>>
        %dma_start3A_195 = arith.constant 0 : i32
        %dma_start3A_196 = tpu.memref_slice %arg6[%dma_start3A_190, %dma_start3A_195] : memref<2x80xi32, #tpu.memory_space<vmem>> -> memref<1x80xi32, #tpu.memory_space<vmem>>
        %dma_start3A_197 = tpu.memref_squeeze %dma_start3A_196 : memref<1x80xi32, #tpu.memory_space<vmem>> -> memref<80xi32, #tpu.memory_space<vmem>>
        %dma_start3A_198 = tpu.memref_slice %arg2[%multiple_of3A_189] : memref<320000xi32, #tpu.memory_space<hbm>> -> memref<80xi32, #tpu.memory_space<hbm>>
        tpu.enqueue_dma source(%dma_start3A_198 : memref<80xi32, #tpu.memory_space<hbm>>) target(%dma_start3A_197 : memref<80xi32, #tpu.memory_space<vmem>>) target_semaphore(%arg11 : memref<!tpu.dma_semaphore, #tpu.memory_space<semaphore_mem>>)
        %dma_start3A_199 = arith.constant 0 : i32
        %dma_start3A_200 = arith.constant 0 : i32
        %dma_start3A_201 = tpu.memref_slice %arg7[%dma_start3A_199, %dma_start3A_200] : memref<2x80xi32, #tpu.memory_space<vmem>> -> memref<1x80xi32, #tpu.memory_space<vmem>>
        %dma_start3A_202 = tpu.memref_squeeze %dma_start3A_201 : memref<1x80xi32, #tpu.memory_space<vmem>> -> memref<80xi32, #tpu.memory_space<vmem>>
        %dma_start3A_203 = tpu.memref_slice %arg3[%multiple_of3A_189] : memref<320000xi32, #tpu.memory_space<hbm>> -> memref<80xi32, #tpu.memory_space<hbm>>
        %dma_start3A_204 = arith.constant 0 : i32
        %dma_start3A_205 = tpu.memref_slice %arg7[%dma_start3A_199, %dma_start3A_204] : memref<2x80xi32, #tpu.memory_space<vmem>> -> memref<1x80xi32, #tpu.memory_space<vmem>>
        %dma_start3A_206 = tpu.memref_squeeze %dma_start3A_205 : memref<1x80xi32, #tpu.memory_space<vmem>> -> memref<80xi32, #tpu.memory_space<vmem>>
        %dma_start3A_207 = tpu.memref_slice %arg3[%multiple_of3A_189] : memref<320000xi32, #tpu.memory_space<hbm>> -> memref<80xi32, #tpu.memory_space<hbm>>
        tpu.enqueue_dma source(%dma_start3A_207 : memref<80xi32, #tpu.memory_space<hbm>>) target(%dma_start3A_206 : memref<80xi32, #tpu.memory_space<vmem>>) target_semaphore(%arg11 : memref<!tpu.dma_semaphore, #tpu.memory_space<semaphore_mem>>)
      } else {
      }
      %mul3A_147 = arith.constant 2 : i32
      %mul3A_148 = arith.muli %mul3A_147, %scan3A_116 : i32
      %add3A_149 = arith.constant 1 : i32
      %add3A_150 = arith.addi %mul3A_148, %add3A_149 : i32
      %add3A_151 = arith.constant 1 : i32
      %add3A_152 = arith.addi %add3A_150, %add3A_151 : i32
      %lt3A_153 = arith.constant 125 : i32
      %lt3A_154 = arith.cmpi slt, %add3A_152, %lt3A_153 : i32
      %convert_element_type3A_155 = arith.extui %lt3A_154 : i1 to i32
      %cond3A_156 = arith.constant 0 : i32
      %cond3A_157 = arith.cmpi ne, %convert_element_type3A_155, %cond3A_156 : i32
      scf.if %cond3A_157 {
        %dma_wait3A_182 = arith.constant 0 : i32
        %dma_wait3A_183 = arith.constant 0 : i32
        %dma_wait3A_184 = tpu.memref_slice %arg6[%dma_wait3A_182, %dma_wait3A_183] : memref<2x80xi32, #tpu.memory_space<vmem>> -> memref<1x80xi32, #tpu.memory_space<vmem>>
        %dma_wait3A_185 = tpu.memref_squeeze %dma_wait3A_184 : memref<1x80xi32, #tpu.memory_space<vmem>> -> memref<80xi32, #tpu.memory_space<vmem>>
        %dma_wait3A_186 = arith.constant 0 : i32
        %dma_wait3A_187 = tpu.memref_slice %arg2[%dma_wait3A_186] : memref<320000xi32, #tpu.memory_space<hbm>> -> memref<80xi32, #tpu.memory_space<hbm>>
        %dma_wait3A_188 = arith.constant 0 : i32
        %dma_wait3A_189 = tpu.memref_slice %arg6[%dma_wait3A_182, %dma_wait3A_188] : memref<2x80xi32, #tpu.memory_space<vmem>> -> memref<1x80xi32, #tpu.memory_space<vmem>>
        %dma_wait3A_190 = tpu.memref_squeeze %dma_wait3A_189 : memref<1x80xi32, #tpu.memory_space<vmem>> -> memref<80xi32, #tpu.memory_space<vmem>>
        %dma_wait3A_191 = arith.constant 0 : i32
        %dma_wait3A_192 = tpu.memref_slice %arg2[%dma_wait3A_191] : memref<320000xi32, #tpu.memory_space<hbm>> -> memref<80xi32, #tpu.memory_space<hbm>>
        tpu.wait_dma2 semaphore(%arg11 : memref<!tpu.dma_semaphore, #tpu.memory_space<semaphore_mem>>) src(%dma_wait3A_192 : memref<80xi32, #tpu.memory_space<hbm>>) dst(%dma_wait3A_190 : memref<80xi32, #tpu.memory_space<vmem>>)
        %dma_wait3A_193 = arith.constant 0 : i32
        %dma_wait3A_194 = arith.constant 0 : i32
        %dma_wait3A_195 = tpu.memref_slice %arg7[%dma_wait3A_193, %dma_wait3A_194] : memref<2x80xi32, #tpu.memory_space<vmem>> -> memref<1x80xi32, #tpu.memory_space<vmem>>
        %dma_wait3A_196 = tpu.memref_squeeze %dma_wait3A_195 : memref<1x80xi32, #tpu.memory_space<vmem>> -> memref<80xi32, #tpu.memory_space<vmem>>
        %dma_wait3A_197 = arith.constant 0 : i32
        %dma_wait3A_198 = tpu.memref_slice %arg3[%dma_wait3A_197] : memref<320000xi32, #tpu.memory_space<hbm>> -> memref<80xi32, #tpu.memory_space<hbm>>
        %dma_wait3A_199 = arith.constant 0 : i32
        %dma_wait3A_200 = tpu.memref_slice %arg7[%dma_wait3A_193, %dma_wait3A_199] : memref<2x80xi32, #tpu.memory_space<vmem>> -> memref<1x80xi32, #tpu.memory_space<vmem>>
        %dma_wait3A_201 = tpu.memref_squeeze %dma_wait3A_200 : memref<1x80xi32, #tpu.memory_space<vmem>> -> memref<80xi32, #tpu.memory_space<vmem>>
        %dma_wait3A_202 = arith.constant 0 : i32
        %dma_wait3A_203 = tpu.memref_slice %arg3[%dma_wait3A_202] : memref<320000xi32, #tpu.memory_space<hbm>> -> memref<80xi32, #tpu.memory_space<hbm>>
        tpu.wait_dma2 semaphore(%arg11 : memref<!tpu.dma_semaphore, #tpu.memory_space<semaphore_mem>>) src(%dma_wait3A_203 : memref<80xi32, #tpu.memory_space<hbm>>) dst(%dma_wait3A_201 : memref<80xi32, #tpu.memory_space<vmem>>)
        %dma_start3A_204 = arith.constant 0 : i32
        %dma_start3A_205 = arith.constant 0 : i32
        %dma_start3A_206 = arith.constant 0 : i32
        %dma_start3A_207 = arith.constant 0 : i32
        %dma_start3A_208 = tpu.memref_slice %arg8[%dma_start3A_205, %dma_start3A_206, %dma_start3A_207] : memref<2x80x128xf32, #tpu.memory_space<vmem>> -> memref<1x80x128xf32, #tpu.memory_space<vmem>>
        %dma_start3A_209 = tpu.memref_squeeze %dma_start3A_208 : memref<1x80x128xf32, #tpu.memory_space<vmem>> -> memref<80x128xf32, #tpu.memory_space<vmem>>
        %dma_start3A_210 = arith.constant 0 : i32
        %dma_start3A_211 = tpu.memref_slice %arg6[%dma_start3A_204, %dma_start3A_210] : memref<2x80xi32, #tpu.memory_space<vmem>> -> memref<1x80xi32, #tpu.memory_space<vmem>>
        %dma_start3A_212 = tpu.memref_squeeze %dma_start3A_211 : memref<1x80xi32, #tpu.memory_space<vmem>> -> memref<80xi32, #tpu.memory_space<vmem>>
        %dma_start3A_213 = arith.constant 0 : i32
        %dma_start3A_214 = arith.constant 0 : i32
        %dma_start3A_215 = tpu.memref_slice %arg4[%dma_start3A_213, %dma_start3A_214] : memref<10000x128xf32, #tpu.memory_space<hbm>> -> memref<10000x128xf32, #tpu.memory_space<hbm>>
        tpu.enqueue_indirect_dma source(%dma_start3A_215 : memref<10000x128xf32, #tpu.memory_space<hbm>>) target(%dma_start3A_209 : memref<80x128xf32, #tpu.memory_space<vmem>>) offsets(%dma_start3A_212 : memref<80xi32, #tpu.memory_space<vmem>>) semaphore(%arg13 : memref<!tpu.dma_semaphore, #tpu.memory_space<semaphore_mem>>)
      } else {
      }
      %dma_wait3A_158 = arith.constant 1 : i32
      %dma_wait3A_159 = arith.constant 0 : i32
      %dma_wait3A_160 = arith.constant 0 : i32
      %dma_wait3A_161 = tpu.memref_slice %arg8[%dma_wait3A_158, %dma_wait3A_159, %dma_wait3A_160] : memref<2x80x128xf32, #tpu.memory_space<vmem>> -> memref<1x80x128xf32, #tpu.memory_space<vmem>>
      %dma_wait3A_162 = tpu.memref_squeeze %dma_wait3A_161 : memref<1x80x128xf32, #tpu.memory_space<vmem>> -> memref<80x128xf32, #tpu.memory_space<vmem>>
      %dma_wait3A_163 = arith.constant 0 : i32
      %dma_wait3A_164 = arith.constant 0 : i32
      %dma_wait3A_165 = tpu.memref_slice %arg4[%dma_wait3A_163, %dma_wait3A_164] : memref<10000x128xf32, #tpu.memory_space<hbm>> -> memref<80x128xf32, #tpu.memory_space<hbm>>
      %dma_wait3A_166 = arith.constant 0 : i32
      %dma_wait3A_167 = arith.constant 0 : i32
      %dma_wait3A_168 = tpu.memref_slice %arg8[%dma_wait3A_158, %dma_wait3A_166, %dma_wait3A_167] : memref<2x80x128xf32, #tpu.memory_space<vmem>> -> memref<1x80x128xf32, #tpu.memory_space<vmem>>
      %dma_wait3A_169 = tpu.memref_squeeze %dma_wait3A_168 : memref<1x80x128xf32, #tpu.memory_space<vmem>> -> memref<80x128xf32, #tpu.memory_space<vmem>>
      %dma_wait3A_170 = arith.constant 0 : i32
      %dma_wait3A_171 = arith.constant 0 : i32
      %dma_wait3A_172 = tpu.memref_slice %arg4[%dma_wait3A_170, %dma_wait3A_171] : memref<10000x128xf32, #tpu.memory_space<hbm>> -> memref<80x128xf32, #tpu.memory_space<hbm>>
      tpu.wait_dma2 semaphore(%arg14 : memref<!tpu.dma_semaphore, #tpu.memory_space<semaphore_mem>>) src(%dma_wait3A_172 : memref<80x128xf32, #tpu.memory_space<hbm>>) dst(%dma_wait3A_169 : memref<80x128xf32, #tpu.memory_space<vmem>>)
      %run_scoped3A_173 = arith.constant 1 : i32
      %run_scoped3A_174 = arith.constant 1 : i32
      "tpu.region"() ({
        %run_scoped3A_182 = tpu.sem_alloc : memref<!tpu.dma_semaphore, #tpu.memory_space<semaphore_mem>>
        %dma_start3A_183 = arith.constant 0 : i32
        %dma_start3A_184 = arith.constant 0 : i32
        %dma_start3A_185 = tpu.memref_slice %arg8[%run_scoped3A_173, %dma_start3A_183, %dma_start3A_184] : memref<2x80x128xf32, #tpu.memory_space<vmem>> -> memref<1x80x128xf32, #tpu.memory_space<vmem>>
        %dma_start3A_186 = tpu.memref_squeeze %dma_start3A_185 : memref<1x80x128xf32, #tpu.memory_space<vmem>> -> memref<80x128xf32, #tpu.memory_space<vmem>>
        %dma_start3A_187 = arith.constant 0 : i32
        %dma_start3A_188 = tpu.memref_slice %arg7[%run_scoped3A_174, %dma_start3A_187] : memref<2x80xi32, #tpu.memory_space<vmem>> -> memref<1x80xi32, #tpu.memory_space<vmem>>
        %dma_start3A_189 = tpu.memref_squeeze %dma_start3A_188 : memref<1x80xi32, #tpu.memory_space<vmem>> -> memref<80xi32, #tpu.memory_space<vmem>>
        %dma_start3A_190 = arith.constant 0 : i32
        %dma_start3A_191 = arith.constant 0 : i32
        %dma_start3A_192 = tpu.memref_slice %arg10[%dma_start3A_190, %dma_start3A_191] : memref<10240x128xf32, #tpu.memory_space<vmem_shared>> -> memref<10240x128xf32, #tpu.memory_space<vmem_shared>>
        tpu.enqueue_indirect_dma source(%dma_start3A_186 : memref<80x128xf32, #tpu.memory_space<vmem>>) target(%dma_start3A_192 : memref<10240x128xf32, #tpu.memory_space<vmem_shared>>) offsets(%dma_start3A_189 : memref<80xi32, #tpu.memory_space<vmem>>) semaphore(%run_scoped3A_182 : memref<!tpu.dma_semaphore, #tpu.memory_space<semaphore_mem>>) {add = true}
        %dma_wait3A_193 = arith.constant 0 : i32
        %dma_wait3A_194 = arith.constant 0 : i32
        %dma_wait3A_195 = tpu.memref_slice %arg8[%run_scoped3A_173, %dma_wait3A_193, %dma_wait3A_194] : memref<2x80x128xf32, #tpu.memory_space<vmem>> -> memref<1x80x128xf32, #tpu.memory_space<vmem>>
        %dma_wait3A_196 = tpu.memref_squeeze %dma_wait3A_195 : memref<1x80x128xf32, #tpu.memory_space<vmem>> -> memref<80x128xf32, #tpu.memory_space<vmem>>
        %dma_wait3A_197 = arith.constant 0 : i32
        %dma_wait3A_198 = tpu.memref_slice %arg7[%run_scoped3A_174, %dma_wait3A_197] : memref<2x80xi32, #tpu.memory_space<vmem>> -> memref<1x80xi32, #tpu.memory_space<vmem>>
        %dma_wait3A_199 = tpu.memref_squeeze %dma_wait3A_198 : memref<1x80xi32, #tpu.memory_space<vmem>> -> memref<80xi32, #tpu.memory_space<vmem>>
        %dma_wait3A_200 = arith.constant 0 : i32
        %dma_wait3A_201 = arith.constant 0 : i32
        %dma_wait3A_202 = tpu.memref_slice %arg10[%dma_wait3A_200, %dma_wait3A_201] : memref<10240x128xf32, #tpu.memory_space<vmem_shared>> -> memref<10240x128xf32, #tpu.memory_space<vmem_shared>>
        tpu.wait_indirect_dma semaphore(%run_scoped3A_182 : memref<!tpu.dma_semaphore, #tpu.memory_space<semaphore_mem>>) src(%dma_wait3A_196 : memref<80x128xf32, #tpu.memory_space<vmem>>) dst(%dma_wait3A_202 : memref<10240x128xf32, #tpu.memory_space<vmem_shared>>)
        tpu.yield
      }) : () -> ()
      %add3A_175 = arith.constant 2 : i32
      %add3A_176 = arith.addi %add3A_150, %add3A_175 : i32
      %lt3A_177 = arith.constant 125 : i32
      %lt3A_178 = arith.cmpi slt, %add3A_176, %lt3A_177 : i32
      %convert_element_type3A_179 = arith.extui %lt3A_178 : i1 to i32
      %cond3A_180 = arith.constant 0 : i32
      %cond3A_181 = arith.cmpi ne, %convert_element_type3A_179, %cond3A_180 : i32
      scf.if %cond3A_181 {
        %add3A_182 = arith.constant 2 : i32
        %add3A_183 = arith.addi %add3A_150, %add3A_182 : i32
        %mul3A_184 = arith.constant 10000 : i32
        %mul3A_185 = arith.muli %add3A, %mul3A_184 : i32
        %mul3A_186 = arith.constant 80 : i32
        %mul3A_187 = arith.muli %add3A_183, %mul3A_186 : i32
        %add3A_188 = arith.addi %mul3A_185, %mul3A_187 : i32
        %multiple_of3A_189 = tpu.assume_multiple %add3A_188, 8 : i32
        %dma_start3A_190 = arith.constant 1 : i32
        %dma_start3A_191 = arith.constant 0 : i32
        %dma_start3A_192 = tpu.memref_slice %arg6[%dma_start3A_190, %dma_start3A_191] : memref<2x80xi32, #tpu.memory_space<vmem>> -> memref<1x80xi32, #tpu.memory_space<vmem>>
        %dma_start3A_193 = tpu.memref_squeeze %dma_start3A_192 : memref<1x80xi32, #tpu.memory_space<vmem>> -> memref<80xi32, #tpu.memory_space<vmem>>
        %dma_start3A_194 = tpu.memref_slice %arg2[%multiple_of3A_189] : memref<320000xi32, #tpu.memory_space<hbm>> -> memref<80xi32, #tpu.memory_space<hbm>>
        %dma_start3A_195 = arith.constant 0 : i32
        %dma_start3A_196 = tpu.memref_slice %arg6[%dma_start3A_190, %dma_start3A_195] : memref<2x80xi32, #tpu.memory_space<vmem>> -> memref<1x80xi32, #tpu.memory_space<vmem>>
        %dma_start3A_197 = tpu.memref_squeeze %dma_start3A_196 : memref<1x80xi32, #tpu.memory_space<vmem>> -> memref<80xi32, #tpu.memory_space<vmem>>
        %dma_start3A_198 = tpu.memref_slice %arg2[%multiple_of3A_189] : memref<320000xi32, #tpu.memory_space<hbm>> -> memref<80xi32, #tpu.memory_space<hbm>>
        tpu.enqueue_dma source(%dma_start3A_198 : memref<80xi32, #tpu.memory_space<hbm>>) target(%dma_start3A_197 : memref<80xi32, #tpu.memory_space<vmem>>) target_semaphore(%arg12 : memref<!tpu.dma_semaphore, #tpu.memory_space<semaphore_mem>>)
        %dma_start3A_199 = arith.constant 1 : i32
        %dma_start3A_200 = arith.constant 0 : i32
        %dma_start3A_201 = tpu.memref_slice %arg7[%dma_start3A_199, %dma_start3A_200] : memref<2x80xi32, #tpu.memory_space<vmem>> -> memref<1x80xi32, #tpu.memory_space<vmem>>
        %dma_start3A_202 = tpu.memref_squeeze %dma_start3A_201 : memref<1x80xi32, #tpu.memory_space<vmem>> -> memref<80xi32, #tpu.memory_space<vmem>>
        %dma_start3A_203 = tpu.memref_slice %arg3[%multiple_of3A_189] : memref<320000xi32, #tpu.memory_space<hbm>> -> memref<80xi32, #tpu.memory_space<hbm>>
        %dma_start3A_204 = arith.constant 0 : i32
        %dma_start3A_205 = tpu.memref_slice %arg7[%dma_start3A_199, %dma_start3A_204] : memref<2x80xi32, #tpu.memory_space<vmem>> -> memref<1x80xi32, #tpu.memory_space<vmem>>
        %dma_start3A_206 = tpu.memref_squeeze %dma_start3A_205 : memref<1x80xi32, #tpu.memory_space<vmem>> -> memref<80xi32, #tpu.memory_space<vmem>>
        %dma_start3A_207 = tpu.memref_slice %arg3[%multiple_of3A_189] : memref<320000xi32, #tpu.memory_space<hbm>> -> memref<80xi32, #tpu.memory_space<hbm>>
        tpu.enqueue_dma source(%dma_start3A_207 : memref<80xi32, #tpu.memory_space<hbm>>) target(%dma_start3A_206 : memref<80xi32, #tpu.memory_space<vmem>>) target_semaphore(%arg12 : memref<!tpu.dma_semaphore, #tpu.memory_space<semaphore_mem>>)
      } else {
      }
    }
    %scan3A_94 = arith.constant 62 : i32
    %dma_wait3A_95 = arith.constant 0 : i32
    %dma_wait3A_96 = arith.constant 0 : i32
    %dma_wait3A_97 = arith.constant 0 : i32
    %dma_wait3A_98 = tpu.memref_slice %arg8[%dma_wait3A_95, %dma_wait3A_96, %dma_wait3A_97] : memref<2x80x128xf32, #tpu.memory_space<vmem>> -> memref<1x80x128xf32, #tpu.memory_space<vmem>>
    %dma_wait3A_99 = tpu.memref_squeeze %dma_wait3A_98 : memref<1x80x128xf32, #tpu.memory_space<vmem>> -> memref<80x128xf32, #tpu.memory_space<vmem>>
    %dma_wait3A_100 = arith.constant 0 : i32
    %dma_wait3A_101 = arith.constant 0 : i32
    %dma_wait3A_102 = tpu.memref_slice %arg4[%dma_wait3A_100, %dma_wait3A_101] : memref<10000x128xf32, #tpu.memory_space<hbm>> -> memref<80x128xf32, #tpu.memory_space<hbm>>
    %dma_wait3A_103 = arith.constant 0 : i32
    %dma_wait3A_104 = arith.constant 0 : i32
    %dma_wait3A_105 = tpu.memref_slice %arg8[%dma_wait3A_95, %dma_wait3A_103, %dma_wait3A_104] : memref<2x80x128xf32, #tpu.memory_space<vmem>> -> memref<1x80x128xf32, #tpu.memory_space<vmem>>
    %dma_wait3A_106 = tpu.memref_squeeze %dma_wait3A_105 : memref<1x80x128xf32, #tpu.memory_space<vmem>> -> memref<80x128xf32, #tpu.memory_space<vmem>>
    %dma_wait3A_107 = arith.constant 0 : i32
    %dma_wait3A_108 = arith.constant 0 : i32
    %dma_wait3A_109 = tpu.memref_slice %arg4[%dma_wait3A_107, %dma_wait3A_108] : memref<10000x128xf32, #tpu.memory_space<hbm>> -> memref<80x128xf32, #tpu.memory_space<hbm>>
    tpu.wait_dma2 semaphore(%arg13 : memref<!tpu.dma_semaphore, #tpu.memory_space<semaphore_mem>>) src(%dma_wait3A_109 : memref<80x128xf32, #tpu.memory_space<hbm>>) dst(%dma_wait3A_106 : memref<80x128xf32, #tpu.memory_space<vmem>>)
    %run_scoped3A = arith.constant 0 : i32
    %run_scoped3A_110 = arith.constant 0 : i32
    "tpu.region"() ({
      %run_scoped3A_116 = tpu.sem_alloc : memref<!tpu.dma_semaphore, #tpu.memory_space<semaphore_mem>>
      %dma_start3A_117 = arith.constant 0 : i32
      %dma_start3A_118 = arith.constant 0 : i32
      %dma_start3A_119 = tpu.memref_slice %arg8[%run_scoped3A, %dma_start3A_117, %dma_start3A_118] : memref<2x80x128xf32, #tpu.memory_space<vmem>> -> memref<1x80x128xf32, #tpu.memory_space<vmem>>
      %dma_start3A_120 = tpu.memref_squeeze %dma_start3A_119 : memref<1x80x128xf32, #tpu.memory_space<vmem>> -> memref<80x128xf32, #tpu.memory_space<vmem>>
      %dma_start3A_121 = arith.constant 0 : i32
      %dma_start3A_122 = tpu.memref_slice %arg7[%run_scoped3A_110, %dma_start3A_121] : memref<2x80xi32, #tpu.memory_space<vmem>> -> memref<1x80xi32, #tpu.memory_space<vmem>>
      %dma_start3A_123 = tpu.memref_squeeze %dma_start3A_122 : memref<1x80xi32, #tpu.memory_space<vmem>> -> memref<80xi32, #tpu.memory_space<vmem>>
      %dma_start3A_124 = arith.constant 0 : i32
      %dma_start3A_125 = arith.constant 0 : i32
      %dma_start3A_126 = tpu.memref_slice %arg10[%dma_start3A_124, %dma_start3A_125] : memref<10240x128xf32, #tpu.memory_space<vmem_shared>> -> memref<10240x128xf32, #tpu.memory_space<vmem_shared>>
      tpu.enqueue_indirect_dma source(%dma_start3A_120 : memref<80x128xf32, #tpu.memory_space<vmem>>) target(%dma_start3A_126 : memref<10240x128xf32, #tpu.memory_space<vmem_shared>>) offsets(%dma_start3A_123 : memref<80xi32, #tpu.memory_space<vmem>>) semaphore(%run_scoped3A_116 : memref<!tpu.dma_semaphore, #tpu.memory_space<semaphore_mem>>) {add = true}
      %dma_wait3A_127 = arith.constant 0 : i32
      %dma_wait3A_128 = arith.constant 0 : i32
      %dma_wait3A_129 = tpu.memref_slice %arg8[%run_scoped3A, %dma_wait3A_127, %dma_wait3A_128] : memref<2x80x128xf32, #tpu.memory_space<vmem>> -> memref<1x80x128xf32, #tpu.memory_space<vmem>>
      %dma_wait3A_130 = tpu.memref_squeeze %dma_wait3A_129 : memref<1x80x128xf32, #tpu.memory_space<vmem>> -> memref<80x128xf32, #tpu.memory_space<vmem>>
      %dma_wait3A_131 = arith.constant 0 : i32
      %dma_wait3A_132 = tpu.memref_slice %arg7[%run_scoped3A_110, %dma_wait3A_131] : memref<2x80xi32, #tpu.memory_space<vmem>> -> memref<1x80xi32, #tpu.memory_space<vmem>>
      %dma_wait3A_133 = tpu.memref_squeeze %dma_wait3A_132 : memref<1x80xi32, #tpu.memory_space<vmem>> -> memref<80xi32, #tpu.memory_space<vmem>>
      %dma_wait3A_134 = arith.constant 0 : i32
      %dma_wait3A_135 = arith.constant 0 : i32
      %dma_wait3A_136 = tpu.memref_slice %arg10[%dma_wait3A_134, %dma_wait3A_135] : memref<10240x128xf32, #tpu.memory_space<vmem_shared>> -> memref<10240x128xf32, #tpu.memory_space<vmem_shared>>
      tpu.wait_indirect_dma semaphore(%run_scoped3A_116 : memref<!tpu.dma_semaphore, #tpu.memory_space<semaphore_mem>>) src(%dma_wait3A_130 : memref<80x128xf32, #tpu.memory_space<vmem>>) dst(%dma_wait3A_136 : memref<10240x128xf32, #tpu.memory_space<vmem_shared>>)
      tpu.yield
    }) : () -> ()
    %barrier3A_111 = arith.constant 0 : index
    tpu.barrier barrier_id(%barrier3A_111)
    %mul3A_112 = arith.constant 640 : i32
    %mul3A_113 = arith.muli %arg1, %mul3A_112 : i32
    %mul3A_114 = arith.constant 640 : i32
    %mul3A_115 = arith.muli %arg1, %mul3A_114 : i32
    "tpu.region"() ({
      %run_scoped3A_116 = tpu.sem_alloc : memref<!tpu.dma_semaphore, #tpu.memory_space<semaphore_mem>>
      %dma_start3A_117 = arith.constant 0 : i32
      %dma_start3A_118 = tpu.memref_slice %arg5[%arg0, %mul3A_115, %dma_start3A_117] : memref<2x10240x128xf32, #tpu.memory_space<hbm>> -> memref<1x640x128xf32, #tpu.memory_space<hbm>>
      %dma_start3A_119 = tpu.memref_squeeze %dma_start3A_118 : memref<1x640x128xf32, #tpu.memory_space<hbm>> -> memref<640x128xf32, #tpu.memory_space<hbm>>
      %dma_start3A_120 = arith.constant 0 : i32
      %dma_start3A_121 = tpu.memref_slice %arg10[%mul3A_113, %dma_start3A_120] : memref<10240x128xf32, #tpu.memory_space<vmem_shared>> -> memref<640x128xf32, #tpu.memory_space<vmem_shared>>
      tpu.enqueue_dma source(%dma_start3A_121 : memref<640x128xf32, #tpu.memory_space<vmem_shared>>) target(%dma_start3A_119 : memref<640x128xf32, #tpu.memory_space<hbm>>) target_semaphore(%run_scoped3A_116 : memref<!tpu.dma_semaphore, #tpu.memory_space<semaphore_mem>>)
      %dma_wait3A_122 = arith.constant 0 : i32
      %dma_wait3A_123 = tpu.memref_slice %arg5[%arg0, %mul3A_115, %dma_wait3A_122] : memref<2x10240x128xf32, #tpu.memory_space<hbm>> -> memref<1x640x128xf32, #tpu.memory_space<hbm>>
      %dma_wait3A_124 = tpu.memref_squeeze %dma_wait3A_123 : memref<1x640x128xf32, #tpu.memory_space<hbm>> -> memref<640x128xf32, #tpu.memory_space<hbm>>
      %dma_wait3A_125 = arith.constant 0 : i32
      %dma_wait3A_126 = tpu.memref_slice %arg10[%mul3A_113, %dma_wait3A_125] : memref<10240x128xf32, #tpu.memory_space<vmem_shared>> -> memref<640x128xf32, #tpu.memory_space<vmem_shared>>
      tpu.wait_dma2 semaphore(%run_scoped3A_116 : memref<!tpu.dma_semaphore, #tpu.memory_space<semaphore_mem>>) src(%dma_wait3A_126 : memref<640x128xf32, #tpu.memory_space<vmem_shared>>) dst(%dma_wait3A_124 : memref<640x128xf32, #tpu.memory_space<hbm>>)
      tpu.yield
    }) : () -> ()
    return
  }
}

#map = affine_map<(d0, d1) -> (0, 0)>
#map1 = affine_map<(d0, d1) -> (0)>
module attributes {stable_mosaic.version = 14 : i64} {
  func.func @_sc_gather(%arg0: i32, %arg1: i32, %arg2: memref<10000x128xf32, #tpu.memory_space<hbm>>, %arg3: memref<16384xi32, #tpu.memory_space<hbm>>, %arg4: memref<16384xi32, #tpu.memory_space<hbm>>, %arg5: memref<16384xi32, #tpu.memory_space<hbm>>, %arg6: memref<16384x128xf32, #tpu.memory_space<hbm>>, %arg7: memref<16384x128xf32, #tpu.memory_space<hbm>>, %arg8: memref<128xi32, #tpu.memory_space<vmem>>, %arg9: memref<128xi32, #tpu.memory_space<vmem>>, %arg10: memref<128x128xf32, #tpu.memory_space<vmem>>, %arg11: memref<!tpu.dma_semaphore, #tpu.memory_space<semaphore_mem>>) attributes {dimension_semantics = [#tpu.dimension_semantics<core_parallel>, #tpu.dimension_semantics<subcore_parallel>], iteration_bounds = array<i64: 2, 16>, scalar_prefetch = 0 : i64, scratch_operands = 4 : i64, tpu.core_type = #tpu.core_type<sc_vector_subcore>, window_params = [{transform_indices = #map}, {transform_indices = #map1}, {transform_indices = #map1}, {transform_indices = #map1}, {transform_indices = #map}, {transform_indices = #map}]} {
    %mul3A = arith.constant 16 : i32
    %mul3A_0 = arith.muli %arg0, %mul3A : i32
    %add3A = arith.addi %mul3A_0, %arg1 : i32
    %mul3A_1 = arith.constant 512 : i32
    %mul3A_2 = arith.muli %add3A, %mul3A_1 : i32
    %add3A_3 = arith.constant 0 : i32
    %add3A_4 = arith.addi %mul3A_2, %add3A_3 : i32
    %multiple_of3A = tpu.assume_multiple %add3A_4, 8 : i32
    "tpu.region"() ({
      %run_scoped3A = tpu.sem_alloc : memref<!tpu.dma_semaphore, #tpu.memory_space<semaphore_mem>>
      %dma_start3A_86 = tpu.memref_slice %arg3[%multiple_of3A] : memref<16384xi32, #tpu.memory_space<hbm>> -> memref<128xi32, #tpu.memory_space<hbm>>
      %dma_start3A_87 = tpu.memref_slice %arg3[%multiple_of3A] : memref<16384xi32, #tpu.memory_space<hbm>> -> memref<128xi32, #tpu.memory_space<hbm>>
      tpu.enqueue_dma source(%dma_start3A_87 : memref<128xi32, #tpu.memory_space<hbm>>) target(%arg8 : memref<128xi32, #tpu.memory_space<vmem>>) target_semaphore(%run_scoped3A : memref<!tpu.dma_semaphore, #tpu.memory_space<semaphore_mem>>)
      %dma_wait3A_88 = tpu.memref_slice %arg3[%multiple_of3A] : memref<16384xi32, #tpu.memory_space<hbm>> -> memref<128xi32, #tpu.memory_space<hbm>>
      %dma_wait3A_89 = tpu.memref_slice %arg3[%multiple_of3A] : memref<16384xi32, #tpu.memory_space<hbm>> -> memref<128xi32, #tpu.memory_space<hbm>>
      tpu.wait_dma2 semaphore(%run_scoped3A : memref<!tpu.dma_semaphore, #tpu.memory_space<semaphore_mem>>) src(%dma_wait3A_89 : memref<128xi32, #tpu.memory_space<hbm>>) dst(%arg8 : memref<128xi32, #tpu.memory_space<vmem>>)
      tpu.yield
    }) : () -> ()
    "tpu.region"() ({
      %run_scoped3A = tpu.sem_alloc : memref<!tpu.dma_semaphore, #tpu.memory_space<semaphore_mem>>
      %dma_start3A_86 = tpu.memref_slice %arg5[%multiple_of3A] : memref<16384xi32, #tpu.memory_space<hbm>> -> memref<128xi32, #tpu.memory_space<hbm>>
      %dma_start3A_87 = tpu.memref_slice %arg5[%multiple_of3A] : memref<16384xi32, #tpu.memory_space<hbm>> -> memref<128xi32, #tpu.memory_space<hbm>>
      tpu.enqueue_dma source(%dma_start3A_87 : memref<128xi32, #tpu.memory_space<hbm>>) target(%arg9 : memref<128xi32, #tpu.memory_space<vmem>>) target_semaphore(%run_scoped3A : memref<!tpu.dma_semaphore, #tpu.memory_space<semaphore_mem>>)
      %dma_wait3A_88 = tpu.memref_slice %arg5[%multiple_of3A] : memref<16384xi32, #tpu.memory_space<hbm>> -> memref<128xi32, #tpu.memory_space<hbm>>
      %dma_wait3A_89 = tpu.memref_slice %arg5[%multiple_of3A] : memref<16384xi32, #tpu.memory_space<hbm>> -> memref<128xi32, #tpu.memory_space<hbm>>
      tpu.wait_dma2 semaphore(%run_scoped3A : memref<!tpu.dma_semaphore, #tpu.memory_space<semaphore_mem>>) src(%dma_wait3A_89 : memref<128xi32, #tpu.memory_space<hbm>>) dst(%arg9 : memref<128xi32, #tpu.memory_space<vmem>>)
      tpu.yield
    }) : () -> ()
    %dma_start3A = arith.constant 0 : i32
    %dma_start3A_5 = arith.constant 0 : i32
    %dma_start3A_6 = tpu.memref_slice %arg2[%dma_start3A, %dma_start3A_5] : memref<10000x128xf32, #tpu.memory_space<hbm>> -> memref<10000x128xf32, #tpu.memory_space<hbm>>
    tpu.enqueue_indirect_dma source(%dma_start3A_6 : memref<10000x128xf32, #tpu.memory_space<hbm>>) target(%arg10 : memref<128x128xf32, #tpu.memory_space<vmem>>) offsets(%arg8 : memref<128xi32, #tpu.memory_space<vmem>>) semaphore(%arg11 : memref<!tpu.dma_semaphore, #tpu.memory_space<semaphore_mem>>)
    %dma_wait3A = arith.constant 0 : i32
    %dma_wait3A_7 = arith.constant 0 : i32
    %dma_wait3A_8 = tpu.memref_slice %arg2[%dma_wait3A, %dma_wait3A_7] : memref<10000x128xf32, #tpu.memory_space<hbm>> -> memref<10000x128xf32, #tpu.memory_space<hbm>>
    tpu.wait_indirect_dma semaphore(%arg11 : memref<!tpu.dma_semaphore, #tpu.memory_space<semaphore_mem>>) src(%dma_wait3A_8 : memref<10000x128xf32, #tpu.memory_space<hbm>>) dst(%arg10 : memref<128x128xf32, #tpu.memory_space<vmem>>)
    "tpu.region"() ({
      %run_scoped3A = tpu.sem_alloc : memref<!tpu.dma_semaphore, #tpu.memory_space<semaphore_mem>>
      %dma_start3A_86 = arith.constant 0 : i32
      %dma_start3A_87 = arith.constant 0 : i32
      %dma_start3A_88 = tpu.memref_slice %arg6[%dma_start3A_86, %dma_start3A_87] : memref<16384x128xf32, #tpu.memory_space<hbm>> -> memref<16384x128xf32, #tpu.memory_space<hbm>>
      tpu.enqueue_indirect_dma source(%arg10 : memref<128x128xf32, #tpu.memory_space<vmem>>) target(%dma_start3A_88 : memref<16384x128xf32, #tpu.memory_space<hbm>>) offsets(%arg9 : memref<128xi32, #tpu.memory_space<vmem>>) semaphore(%run_scoped3A : memref<!tpu.dma_semaphore, #tpu.memory_space<semaphore_mem>>)
      %dma_wait3A_89 = arith.constant 0 : i32
      %dma_wait3A_90 = arith.constant 0 : i32
      %dma_wait3A_91 = tpu.memref_slice %arg6[%dma_wait3A_89, %dma_wait3A_90] : memref<16384x128xf32, #tpu.memory_space<hbm>> -> memref<16384x128xf32, #tpu.memory_space<hbm>>
      tpu.wait_indirect_dma semaphore(%run_scoped3A : memref<!tpu.dma_semaphore, #tpu.memory_space<semaphore_mem>>) src(%arg10 : memref<128x128xf32, #tpu.memory_space<vmem>>) dst(%dma_wait3A_91 : memref<16384x128xf32, #tpu.memory_space<hbm>>)
      tpu.yield
    }) : () -> ()
    %mul3A_9 = arith.constant 512 : i32
    %mul3A_10 = arith.muli %add3A, %mul3A_9 : i32
    %add3A_11 = arith.constant 128 : i32
    %add3A_12 = arith.addi %mul3A_10, %add3A_11 : i32
    %multiple_of3A_13 = tpu.assume_multiple %add3A_12, 8 : i32
    "tpu.region"() ({
      %run_scoped3A = tpu.sem_alloc : memref<!tpu.dma_semaphore, #tpu.memory_space<semaphore_mem>>
      %dma_start3A_86 = tpu.memref_slice %arg3[%multiple_of3A_13] : memref<16384xi32, #tpu.memory_space<hbm>> -> memref<128xi32, #tpu.memory_space<hbm>>
      %dma_start3A_87 = tpu.memref_slice %arg3[%multiple_of3A_13] : memref<16384xi32, #tpu.memory_space<hbm>> -> memref<128xi32, #tpu.memory_space<hbm>>
      tpu.enqueue_dma source(%dma_start3A_87 : memref<128xi32, #tpu.memory_space<hbm>>) target(%arg8 : memref<128xi32, #tpu.memory_space<vmem>>) target_semaphore(%run_scoped3A : memref<!tpu.dma_semaphore, #tpu.memory_space<semaphore_mem>>)
      %dma_wait3A_88 = tpu.memref_slice %arg3[%multiple_of3A_13] : memref<16384xi32, #tpu.memory_space<hbm>> -> memref<128xi32, #tpu.memory_space<hbm>>
      %dma_wait3A_89 = tpu.memref_slice %arg3[%multiple_of3A_13] : memref<16384xi32, #tpu.memory_space<hbm>> -> memref<128xi32, #tpu.memory_space<hbm>>
      tpu.wait_dma2 semaphore(%run_scoped3A : memref<!tpu.dma_semaphore, #tpu.memory_space<semaphore_mem>>) src(%dma_wait3A_89 : memref<128xi32, #tpu.memory_space<hbm>>) dst(%arg8 : memref<128xi32, #tpu.memory_space<vmem>>)
      tpu.yield
    }) : () -> ()
    "tpu.region"() ({
      %run_scoped3A = tpu.sem_alloc : memref<!tpu.dma_semaphore, #tpu.memory_space<semaphore_mem>>
      %dma_start3A_86 = tpu.memref_slice %arg5[%multiple_of3A_13] : memref<16384xi32, #tpu.memory_space<hbm>> -> memref<128xi32, #tpu.memory_space<hbm>>
      %dma_start3A_87 = tpu.memref_slice %arg5[%multiple_of3A_13] : memref<16384xi32, #tpu.memory_space<hbm>> -> memref<128xi32, #tpu.memory_space<hbm>>
      tpu.enqueue_dma source(%dma_start3A_87 : memref<128xi32, #tpu.memory_space<hbm>>) target(%arg9 : memref<128xi32, #tpu.memory_space<vmem>>) target_semaphore(%run_scoped3A : memref<!tpu.dma_semaphore, #tpu.memory_space<semaphore_mem>>)
      %dma_wait3A_88 = tpu.memref_slice %arg5[%multiple_of3A_13] : memref<16384xi32, #tpu.memory_space<hbm>> -> memref<128xi32, #tpu.memory_space<hbm>>
      %dma_wait3A_89 = tpu.memref_slice %arg5[%multiple_of3A_13] : memref<16384xi32, #tpu.memory_space<hbm>> -> memref<128xi32, #tpu.memory_space<hbm>>
      tpu.wait_dma2 semaphore(%run_scoped3A : memref<!tpu.dma_semaphore, #tpu.memory_space<semaphore_mem>>) src(%dma_wait3A_89 : memref<128xi32, #tpu.memory_space<hbm>>) dst(%arg9 : memref<128xi32, #tpu.memory_space<vmem>>)
      tpu.yield
    }) : () -> ()
    %dma_start3A_14 = arith.constant 0 : i32
    %dma_start3A_15 = arith.constant 0 : i32
    %dma_start3A_16 = tpu.memref_slice %arg2[%dma_start3A_14, %dma_start3A_15] : memref<10000x128xf32, #tpu.memory_space<hbm>> -> memref<10000x128xf32, #tpu.memory_space<hbm>>
    tpu.enqueue_indirect_dma source(%dma_start3A_16 : memref<10000x128xf32, #tpu.memory_space<hbm>>) target(%arg10 : memref<128x128xf32, #tpu.memory_space<vmem>>) offsets(%arg8 : memref<128xi32, #tpu.memory_space<vmem>>) semaphore(%arg11 : memref<!tpu.dma_semaphore, #tpu.memory_space<semaphore_mem>>)
    %dma_wait3A_17 = arith.constant 0 : i32
    %dma_wait3A_18 = arith.constant 0 : i32
    %dma_wait3A_19 = tpu.memref_slice %arg2[%dma_wait3A_17, %dma_wait3A_18] : memref<10000x128xf32, #tpu.memory_space<hbm>> -> memref<10000x128xf32, #tpu.memory_space<hbm>>
    tpu.wait_indirect_dma semaphore(%arg11 : memref<!tpu.dma_semaphore, #tpu.memory_space<semaphore_mem>>) src(%dma_wait3A_19 : memref<10000x128xf32, #tpu.memory_space<hbm>>) dst(%arg10 : memref<128x128xf32, #tpu.memory_space<vmem>>)
    "tpu.region"() ({
      %run_scoped3A = tpu.sem_alloc : memref<!tpu.dma_semaphore, #tpu.memory_space<semaphore_mem>>
      %dma_start3A_86 = arith.constant 0 : i32
      %dma_start3A_87 = arith.constant 0 : i32
      %dma_start3A_88 = tpu.memref_slice %arg6[%dma_start3A_86, %dma_start3A_87] : memref<16384x128xf32, #tpu.memory_space<hbm>> -> memref<16384x128xf32, #tpu.memory_space<hbm>>
      tpu.enqueue_indirect_dma source(%arg10 : memref<128x128xf32, #tpu.memory_space<vmem>>) target(%dma_start3A_88 : memref<16384x128xf32, #tpu.memory_space<hbm>>) offsets(%arg9 : memref<128xi32, #tpu.memory_space<vmem>>) semaphore(%run_scoped3A : memref<!tpu.dma_semaphore, #tpu.memory_space<semaphore_mem>>)
      %dma_wait3A_89 = arith.constant 0 : i32
      %dma_wait3A_90 = arith.constant 0 : i32
      %dma_wait3A_91 = tpu.memref_slice %arg6[%dma_wait3A_89, %dma_wait3A_90] : memref<16384x128xf32, #tpu.memory_space<hbm>> -> memref<16384x128xf32, #tpu.memory_space<hbm>>
      tpu.wait_indirect_dma semaphore(%run_scoped3A : memref<!tpu.dma_semaphore, #tpu.memory_space<semaphore_mem>>) src(%arg10 : memref<128x128xf32, #tpu.memory_space<vmem>>) dst(%dma_wait3A_91 : memref<16384x128xf32, #tpu.memory_space<hbm>>)
      tpu.yield
    }) : () -> ()
    %mul3A_20 = arith.constant 512 : i32
    %mul3A_21 = arith.muli %add3A, %mul3A_20 : i32
    %add3A_22 = arith.constant 256 : i32
    %add3A_23 = arith.addi %mul3A_21, %add3A_22 : i32
    %multiple_of3A_24 = tpu.assume_multiple %add3A_23, 8 : i32
    "tpu.region"() ({
      %run_scoped3A = tpu.sem_alloc : memref<!tpu.dma_semaphore, #tpu.memory_space<semaphore_mem>>
      %dma_start3A_86 = tpu.memref_slice %arg3[%multiple_of3A_24] : memref<16384xi32, #tpu.memory_space<hbm>> -> memref<128xi32, #tpu.memory_space<hbm>>
      %dma_start3A_87 = tpu.memref_slice %arg3[%multiple_of3A_24] : memref<16384xi32, #tpu.memory_space<hbm>> -> memref<128xi32, #tpu.memory_space<hbm>>
      tpu.enqueue_dma source(%dma_start3A_87 : memref<128xi32, #tpu.memory_space<hbm>>) target(%arg8 : memref<128xi32, #tpu.memory_space<vmem>>) target_semaphore(%run_scoped3A : memref<!tpu.dma_semaphore, #tpu.memory_space<semaphore_mem>>)
      %dma_wait3A_88 = tpu.memref_slice %arg3[%multiple_of3A_24] : memref<16384xi32, #tpu.memory_space<hbm>> -> memref<128xi32, #tpu.memory_space<hbm>>
      %dma_wait3A_89 = tpu.memref_slice %arg3[%multiple_of3A_24] : memref<16384xi32, #tpu.memory_space<hbm>> -> memref<128xi32, #tpu.memory_space<hbm>>
      tpu.wait_dma2 semaphore(%run_scoped3A : memref<!tpu.dma_semaphore, #tpu.memory_space<semaphore_mem>>) src(%dma_wait3A_89 : memref<128xi32, #tpu.memory_space<hbm>>) dst(%arg8 : memref<128xi32, #tpu.memory_space<vmem>>)
      tpu.yield
    }) : () -> ()
    "tpu.region"() ({
      %run_scoped3A = tpu.sem_alloc : memref<!tpu.dma_semaphore, #tpu.memory_space<semaphore_mem>>
      %dma_start3A_86 = tpu.memref_slice %arg5[%multiple_of3A_24] : memref<16384xi32, #tpu.memory_space<hbm>> -> memref<128xi32, #tpu.memory_space<hbm>>
      %dma_start3A_87 = tpu.memref_slice %arg5[%multiple_of3A_24] : memref<16384xi32, #tpu.memory_space<hbm>> -> memref<128xi32, #tpu.memory_space<hbm>>
      tpu.enqueue_dma source(%dma_start3A_87 : memref<128xi32, #tpu.memory_space<hbm>>) target(%arg9 : memref<128xi32, #tpu.memory_space<vmem>>) target_semaphore(%run_scoped3A : memref<!tpu.dma_semaphore, #tpu.memory_space<semaphore_mem>>)
      %dma_wait3A_88 = tpu.memref_slice %arg5[%multiple_of3A_24] : memref<16384xi32, #tpu.memory_space<hbm>> -> memref<128xi32, #tpu.memory_space<hbm>>
      %dma_wait3A_89 = tpu.memref_slice %arg5[%multiple_of3A_24] : memref<16384xi32, #tpu.memory_space<hbm>> -> memref<128xi32, #tpu.memory_space<hbm>>
      tpu.wait_dma2 semaphore(%run_scoped3A : memref<!tpu.dma_semaphore, #tpu.memory_space<semaphore_mem>>) src(%dma_wait3A_89 : memref<128xi32, #tpu.memory_space<hbm>>) dst(%arg9 : memref<128xi32, #tpu.memory_space<vmem>>)
      tpu.yield
    }) : () -> ()
    %dma_start3A_25 = arith.constant 0 : i32
    %dma_start3A_26 = arith.constant 0 : i32
    %dma_start3A_27 = tpu.memref_slice %arg2[%dma_start3A_25, %dma_start3A_26] : memref<10000x128xf32, #tpu.memory_space<hbm>> -> memref<10000x128xf32, #tpu.memory_space<hbm>>
    tpu.enqueue_indirect_dma source(%dma_start3A_27 : memref<10000x128xf32, #tpu.memory_space<hbm>>) target(%arg10 : memref<128x128xf32, #tpu.memory_space<vmem>>) offsets(%arg8 : memref<128xi32, #tpu.memory_space<vmem>>) semaphore(%arg11 : memref<!tpu.dma_semaphore, #tpu.memory_space<semaphore_mem>>)
    %dma_wait3A_28 = arith.constant 0 : i32
    %dma_wait3A_29 = arith.constant 0 : i32
    %dma_wait3A_30 = tpu.memref_slice %arg2[%dma_wait3A_28, %dma_wait3A_29] : memref<10000x128xf32, #tpu.memory_space<hbm>> -> memref<10000x128xf32, #tpu.memory_space<hbm>>
    tpu.wait_indirect_dma semaphore(%arg11 : memref<!tpu.dma_semaphore, #tpu.memory_space<semaphore_mem>>) src(%dma_wait3A_30 : memref<10000x128xf32, #tpu.memory_space<hbm>>) dst(%arg10 : memref<128x128xf32, #tpu.memory_space<vmem>>)
    "tpu.region"() ({
      %run_scoped3A = tpu.sem_alloc : memref<!tpu.dma_semaphore, #tpu.memory_space<semaphore_mem>>
      %dma_start3A_86 = arith.constant 0 : i32
      %dma_start3A_87 = arith.constant 0 : i32
      %dma_start3A_88 = tpu.memref_slice %arg6[%dma_start3A_86, %dma_start3A_87] : memref<16384x128xf32, #tpu.memory_space<hbm>> -> memref<16384x128xf32, #tpu.memory_space<hbm>>
      tpu.enqueue_indirect_dma source(%arg10 : memref<128x128xf32, #tpu.memory_space<vmem>>) target(%dma_start3A_88 : memref<16384x128xf32, #tpu.memory_space<hbm>>) offsets(%arg9 : memref<128xi32, #tpu.memory_space<vmem>>) semaphore(%run_scoped3A : memref<!tpu.dma_semaphore, #tpu.memory_space<semaphore_mem>>)
      %dma_wait3A_89 = arith.constant 0 : i32
      %dma_wait3A_90 = arith.constant 0 : i32
      %dma_wait3A_91 = tpu.memref_slice %arg6[%dma_wait3A_89, %dma_wait3A_90] : memref<16384x128xf32, #tpu.memory_space<hbm>> -> memref<16384x128xf32, #tpu.memory_space<hbm>>
      tpu.wait_indirect_dma semaphore(%run_scoped3A : memref<!tpu.dma_semaphore, #tpu.memory_space<semaphore_mem>>) src(%arg10 : memref<128x128xf32, #tpu.memory_space<vmem>>) dst(%dma_wait3A_91 : memref<16384x128xf32, #tpu.memory_space<hbm>>)
      tpu.yield
    }) : () -> ()
    %mul3A_31 = arith.constant 512 : i32
    %mul3A_32 = arith.muli %add3A, %mul3A_31 : i32
    %add3A_33 = arith.constant 384 : i32
    %add3A_34 = arith.addi %mul3A_32, %add3A_33 : i32
    %multiple_of3A_35 = tpu.assume_multiple %add3A_34, 8 : i32
    "tpu.region"() ({
      %run_scoped3A = tpu.sem_alloc : memref<!tpu.dma_semaphore, #tpu.memory_space<semaphore_mem>>
      %dma_start3A_86 = tpu.memref_slice %arg3[%multiple_of3A_35] : memref<16384xi32, #tpu.memory_space<hbm>> -> memref<128xi32, #tpu.memory_space<hbm>>
      %dma_start3A_87 = tpu.memref_slice %arg3[%multiple_of3A_35] : memref<16384xi32, #tpu.memory_space<hbm>> -> memref<128xi32, #tpu.memory_space<hbm>>
      tpu.enqueue_dma source(%dma_start3A_87 : memref<128xi32, #tpu.memory_space<hbm>>) target(%arg8 : memref<128xi32, #tpu.memory_space<vmem>>) target_semaphore(%run_scoped3A : memref<!tpu.dma_semaphore, #tpu.memory_space<semaphore_mem>>)
      %dma_wait3A_88 = tpu.memref_slice %arg3[%multiple_of3A_35] : memref<16384xi32, #tpu.memory_space<hbm>> -> memref<128xi32, #tpu.memory_space<hbm>>
      %dma_wait3A_89 = tpu.memref_slice %arg3[%multiple_of3A_35] : memref<16384xi32, #tpu.memory_space<hbm>> -> memref<128xi32, #tpu.memory_space<hbm>>
      tpu.wait_dma2 semaphore(%run_scoped3A : memref<!tpu.dma_semaphore, #tpu.memory_space<semaphore_mem>>) src(%dma_wait3A_89 : memref<128xi32, #tpu.memory_space<hbm>>) dst(%arg8 : memref<128xi32, #tpu.memory_space<vmem>>)
      tpu.yield
    }) : () -> ()
    "tpu.region"() ({
      %run_scoped3A = tpu.sem_alloc : memref<!tpu.dma_semaphore, #tpu.memory_space<semaphore_mem>>
      %dma_start3A_86 = tpu.memref_slice %arg5[%multiple_of3A_35] : memref<16384xi32, #tpu.memory_space<hbm>> -> memref<128xi32, #tpu.memory_space<hbm>>
      %dma_start3A_87 = tpu.memref_slice %arg5[%multiple_of3A_35] : memref<16384xi32, #tpu.memory_space<hbm>> -> memref<128xi32, #tpu.memory_space<hbm>>
      tpu.enqueue_dma source(%dma_start3A_87 : memref<128xi32, #tpu.memory_space<hbm>>) target(%arg9 : memref<128xi32, #tpu.memory_space<vmem>>) target_semaphore(%run_scoped3A : memref<!tpu.dma_semaphore, #tpu.memory_space<semaphore_mem>>)
      %dma_wait3A_88 = tpu.memref_slice %arg5[%multiple_of3A_35] : memref<16384xi32, #tpu.memory_space<hbm>> -> memref<128xi32, #tpu.memory_space<hbm>>
      %dma_wait3A_89 = tpu.memref_slice %arg5[%multiple_of3A_35] : memref<16384xi32, #tpu.memory_space<hbm>> -> memref<128xi32, #tpu.memory_space<hbm>>
      tpu.wait_dma2 semaphore(%run_scoped3A : memref<!tpu.dma_semaphore, #tpu.memory_space<semaphore_mem>>) src(%dma_wait3A_89 : memref<128xi32, #tpu.memory_space<hbm>>) dst(%arg9 : memref<128xi32, #tpu.memory_space<vmem>>)
      tpu.yield
    }) : () -> ()
    %dma_start3A_36 = arith.constant 0 : i32
    %dma_start3A_37 = arith.constant 0 : i32
    %dma_start3A_38 = tpu.memref_slice %arg2[%dma_start3A_36, %dma_start3A_37] : memref<10000x128xf32, #tpu.memory_space<hbm>> -> memref<10000x128xf32, #tpu.memory_space<hbm>>
    tpu.enqueue_indirect_dma source(%dma_start3A_38 : memref<10000x128xf32, #tpu.memory_space<hbm>>) target(%arg10 : memref<128x128xf32, #tpu.memory_space<vmem>>) offsets(%arg8 : memref<128xi32, #tpu.memory_space<vmem>>) semaphore(%arg11 : memref<!tpu.dma_semaphore, #tpu.memory_space<semaphore_mem>>)
    %dma_wait3A_39 = arith.constant 0 : i32
    %dma_wait3A_40 = arith.constant 0 : i32
    %dma_wait3A_41 = tpu.memref_slice %arg2[%dma_wait3A_39, %dma_wait3A_40] : memref<10000x128xf32, #tpu.memory_space<hbm>> -> memref<10000x128xf32, #tpu.memory_space<hbm>>
    tpu.wait_indirect_dma semaphore(%arg11 : memref<!tpu.dma_semaphore, #tpu.memory_space<semaphore_mem>>) src(%dma_wait3A_41 : memref<10000x128xf32, #tpu.memory_space<hbm>>) dst(%arg10 : memref<128x128xf32, #tpu.memory_space<vmem>>)
    "tpu.region"() ({
      %run_scoped3A = tpu.sem_alloc : memref<!tpu.dma_semaphore, #tpu.memory_space<semaphore_mem>>
      %dma_start3A_86 = arith.constant 0 : i32
      %dma_start3A_87 = arith.constant 0 : i32
      %dma_start3A_88 = tpu.memref_slice %arg6[%dma_start3A_86, %dma_start3A_87] : memref<16384x128xf32, #tpu.memory_space<hbm>> -> memref<16384x128xf32, #tpu.memory_space<hbm>>
      tpu.enqueue_indirect_dma source(%arg10 : memref<128x128xf32, #tpu.memory_space<vmem>>) target(%dma_start3A_88 : memref<16384x128xf32, #tpu.memory_space<hbm>>) offsets(%arg9 : memref<128xi32, #tpu.memory_space<vmem>>) semaphore(%run_scoped3A : memref<!tpu.dma_semaphore, #tpu.memory_space<semaphore_mem>>)
      %dma_wait3A_89 = arith.constant 0 : i32
      %dma_wait3A_90 = arith.constant 0 : i32
      %dma_wait3A_91 = tpu.memref_slice %arg6[%dma_wait3A_89, %dma_wait3A_90] : memref<16384x128xf32, #tpu.memory_space<hbm>> -> memref<16384x128xf32, #tpu.memory_space<hbm>>
      tpu.wait_indirect_dma semaphore(%run_scoped3A : memref<!tpu.dma_semaphore, #tpu.memory_space<semaphore_mem>>) src(%arg10 : memref<128x128xf32, #tpu.memory_space<vmem>>) dst(%dma_wait3A_91 : memref<16384x128xf32, #tpu.memory_space<hbm>>)
      tpu.yield
    }) : () -> ()
    %mul3A_42 = arith.constant 512 : i32
    %mul3A_43 = arith.muli %add3A, %mul3A_42 : i32
    %add3A_44 = arith.constant 0 : i32
    %add3A_45 = arith.addi %mul3A_43, %add3A_44 : i32
    %multiple_of3A_46 = tpu.assume_multiple %add3A_45, 8 : i32
    "tpu.region"() ({
      %run_scoped3A = tpu.sem_alloc : memref<!tpu.dma_semaphore, #tpu.memory_space<semaphore_mem>>
      %dma_start3A_86 = tpu.memref_slice %arg4[%multiple_of3A_46] : memref<16384xi32, #tpu.memory_space<hbm>> -> memref<128xi32, #tpu.memory_space<hbm>>
      %dma_start3A_87 = tpu.memref_slice %arg4[%multiple_of3A_46] : memref<16384xi32, #tpu.memory_space<hbm>> -> memref<128xi32, #tpu.memory_space<hbm>>
      tpu.enqueue_dma source(%dma_start3A_87 : memref<128xi32, #tpu.memory_space<hbm>>) target(%arg8 : memref<128xi32, #tpu.memory_space<vmem>>) target_semaphore(%run_scoped3A : memref<!tpu.dma_semaphore, #tpu.memory_space<semaphore_mem>>)
      %dma_wait3A_88 = tpu.memref_slice %arg4[%multiple_of3A_46] : memref<16384xi32, #tpu.memory_space<hbm>> -> memref<128xi32, #tpu.memory_space<hbm>>
      %dma_wait3A_89 = tpu.memref_slice %arg4[%multiple_of3A_46] : memref<16384xi32, #tpu.memory_space<hbm>> -> memref<128xi32, #tpu.memory_space<hbm>>
      tpu.wait_dma2 semaphore(%run_scoped3A : memref<!tpu.dma_semaphore, #tpu.memory_space<semaphore_mem>>) src(%dma_wait3A_89 : memref<128xi32, #tpu.memory_space<hbm>>) dst(%arg8 : memref<128xi32, #tpu.memory_space<vmem>>)
      tpu.yield
    }) : () -> ()
    %dma_start3A_47 = arith.constant 0 : i32
    %dma_start3A_48 = arith.constant 0 : i32
    %dma_start3A_49 = tpu.memref_slice %arg2[%dma_start3A_47, %dma_start3A_48] : memref<10000x128xf32, #tpu.memory_space<hbm>> -> memref<10000x128xf32, #tpu.memory_space<hbm>>
    tpu.enqueue_indirect_dma source(%dma_start3A_49 : memref<10000x128xf32, #tpu.memory_space<hbm>>) target(%arg10 : memref<128x128xf32, #tpu.memory_space<vmem>>) offsets(%arg8 : memref<128xi32, #tpu.memory_space<vmem>>) semaphore(%arg11 : memref<!tpu.dma_semaphore, #tpu.memory_space<semaphore_mem>>)
    %dma_wait3A_50 = arith.constant 0 : i32
    %dma_wait3A_51 = arith.constant 0 : i32
    %dma_wait3A_52 = tpu.memref_slice %arg2[%dma_wait3A_50, %dma_wait3A_51] : memref<10000x128xf32, #tpu.memory_space<hbm>> -> memref<10000x128xf32, #tpu.memory_space<hbm>>
    tpu.wait_indirect_dma semaphore(%arg11 : memref<!tpu.dma_semaphore, #tpu.memory_space<semaphore_mem>>) src(%dma_wait3A_52 : memref<10000x128xf32, #tpu.memory_space<hbm>>) dst(%arg10 : memref<128x128xf32, #tpu.memory_space<vmem>>)
    "tpu.region"() ({
      %run_scoped3A = tpu.sem_alloc : memref<!tpu.dma_semaphore, #tpu.memory_space<semaphore_mem>>
      %dma_start3A_86 = arith.constant 0 : i32
      %dma_start3A_87 = tpu.memref_slice %arg7[%multiple_of3A_46, %dma_start3A_86] : memref<16384x128xf32, #tpu.memory_space<hbm>> -> memref<128x128xf32, #tpu.memory_space<hbm>>
      %dma_start3A_88 = arith.constant 0 : i32
      %dma_start3A_89 = tpu.memref_slice %arg7[%multiple_of3A_46, %dma_start3A_88] : memref<16384x128xf32, #tpu.memory_space<hbm>> -> memref<128x128xf32, #tpu.memory_space<hbm>>
      tpu.enqueue_dma source(%arg10 : memref<128x128xf32, #tpu.memory_space<vmem>>) target(%dma_start3A_89 : memref<128x128xf32, #tpu.memory_space<hbm>>) target_semaphore(%run_scoped3A : memref<!tpu.dma_semaphore, #tpu.memory_space<semaphore_mem>>)
      %dma_wait3A_90 = arith.constant 0 : i32
      %dma_wait3A_91 = tpu.memref_slice %arg7[%multiple_of3A_46, %dma_wait3A_90] : memref<16384x128xf32, #tpu.memory_space<hbm>> -> memref<128x128xf32, #tpu.memory_space<hbm>>
      %dma_wait3A_92 = arith.constant 0 : i32
      %dma_wait3A_93 = tpu.memref_slice %arg7[%multiple_of3A_46, %dma_wait3A_92] : memref<16384x128xf32, #tpu.memory_space<hbm>> -> memref<128x128xf32, #tpu.memory_space<hbm>>
      tpu.wait_dma2 semaphore(%run_scoped3A : memref<!tpu.dma_semaphore, #tpu.memory_space<semaphore_mem>>) src(%arg10 : memref<128x128xf32, #tpu.memory_space<vmem>>) dst(%dma_wait3A_93 : memref<128x128xf32, #tpu.memory_space<hbm>>)
      tpu.yield
    }) : () -> ()
    %mul3A_53 = arith.constant 512 : i32
    %mul3A_54 = arith.muli %add3A, %mul3A_53 : i32
    %add3A_55 = arith.constant 128 : i32
    %add3A_56 = arith.addi %mul3A_54, %add3A_55 : i32
    %multiple_of3A_57 = tpu.assume_multiple %add3A_56, 8 : i32
    "tpu.region"() ({
      %run_scoped3A = tpu.sem_alloc : memref<!tpu.dma_semaphore, #tpu.memory_space<semaphore_mem>>
      %dma_start3A_86 = tpu.memref_slice %arg4[%multiple_of3A_57] : memref<16384xi32, #tpu.memory_space<hbm>> -> memref<128xi32, #tpu.memory_space<hbm>>
      %dma_start3A_87 = tpu.memref_slice %arg4[%multiple_of3A_57] : memref<16384xi32, #tpu.memory_space<hbm>> -> memref<128xi32, #tpu.memory_space<hbm>>
      tpu.enqueue_dma source(%dma_start3A_87 : memref<128xi32, #tpu.memory_space<hbm>>) target(%arg8 : memref<128xi32, #tpu.memory_space<vmem>>) target_semaphore(%run_scoped3A : memref<!tpu.dma_semaphore, #tpu.memory_space<semaphore_mem>>)
      %dma_wait3A_88 = tpu.memref_slice %arg4[%multiple_of3A_57] : memref<16384xi32, #tpu.memory_space<hbm>> -> memref<128xi32, #tpu.memory_space<hbm>>
      %dma_wait3A_89 = tpu.memref_slice %arg4[%multiple_of3A_57] : memref<16384xi32, #tpu.memory_space<hbm>> -> memref<128xi32, #tpu.memory_space<hbm>>
      tpu.wait_dma2 semaphore(%run_scoped3A : memref<!tpu.dma_semaphore, #tpu.memory_space<semaphore_mem>>) src(%dma_wait3A_89 : memref<128xi32, #tpu.memory_space<hbm>>) dst(%arg8 : memref<128xi32, #tpu.memory_space<vmem>>)
      tpu.yield
    }) : () -> ()
    %dma_start3A_58 = arith.constant 0 : i32
    %dma_start3A_59 = arith.constant 0 : i32
    %dma_start3A_60 = tpu.memref_slice %arg2[%dma_start3A_58, %dma_start3A_59] : memref<10000x128xf32, #tpu.memory_space<hbm>> -> memref<10000x128xf32, #tpu.memory_space<hbm>>
    tpu.enqueue_indirect_dma source(%dma_start3A_60 : memref<10000x128xf32, #tpu.memory_space<hbm>>) target(%arg10 : memref<128x128xf32, #tpu.memory_space<vmem>>) offsets(%arg8 : memref<128xi32, #tpu.memory_space<vmem>>) semaphore(%arg11 : memref<!tpu.dma_semaphore, #tpu.memory_space<semaphore_mem>>)
    %dma_wait3A_61 = arith.constant 0 : i32
    %dma_wait3A_62 = arith.constant 0 : i32
    %dma_wait3A_63 = tpu.memref_slice %arg2[%dma_wait3A_61, %dma_wait3A_62] : memref<10000x128xf32, #tpu.memory_space<hbm>> -> memref<10000x128xf32, #tpu.memory_space<hbm>>
    tpu.wait_indirect_dma semaphore(%arg11 : memref<!tpu.dma_semaphore, #tpu.memory_space<semaphore_mem>>) src(%dma_wait3A_63 : memref<10000x128xf32, #tpu.memory_space<hbm>>) dst(%arg10 : memref<128x128xf32, #tpu.memory_space<vmem>>)
    "tpu.region"() ({
      %run_scoped3A = tpu.sem_alloc : memref<!tpu.dma_semaphore, #tpu.memory_space<semaphore_mem>>
      %dma_start3A_86 = arith.constant 0 : i32
      %dma_start3A_87 = tpu.memref_slice %arg7[%multiple_of3A_57, %dma_start3A_86] : memref<16384x128xf32, #tpu.memory_space<hbm>> -> memref<128x128xf32, #tpu.memory_space<hbm>>
      %dma_start3A_88 = arith.constant 0 : i32
      %dma_start3A_89 = tpu.memref_slice %arg7[%multiple_of3A_57, %dma_start3A_88] : memref<16384x128xf32, #tpu.memory_space<hbm>> -> memref<128x128xf32, #tpu.memory_space<hbm>>
      tpu.enqueue_dma source(%arg10 : memref<128x128xf32, #tpu.memory_space<vmem>>) target(%dma_start3A_89 : memref<128x128xf32, #tpu.memory_space<hbm>>) target_semaphore(%run_scoped3A : memref<!tpu.dma_semaphore, #tpu.memory_space<semaphore_mem>>)
      %dma_wait3A_90 = arith.constant 0 : i32
      %dma_wait3A_91 = tpu.memref_slice %arg7[%multiple_of3A_57, %dma_wait3A_90] : memref<16384x128xf32, #tpu.memory_space<hbm>> -> memref<128x128xf32, #tpu.memory_space<hbm>>
      %dma_wait3A_92 = arith.constant 0 : i32
      %dma_wait3A_93 = tpu.memref_slice %arg7[%multiple_of3A_57, %dma_wait3A_92] : memref<16384x128xf32, #tpu.memory_space<hbm>> -> memref<128x128xf32, #tpu.memory_space<hbm>>
      tpu.wait_dma2 semaphore(%run_scoped3A : memref<!tpu.dma_semaphore, #tpu.memory_space<semaphore_mem>>) src(%arg10 : memref<128x128xf32, #tpu.memory_space<vmem>>) dst(%dma_wait3A_93 : memref<128x128xf32, #tpu.memory_space<hbm>>)
      tpu.yield
    }) : () -> ()
    %mul3A_64 = arith.constant 512 : i32
    %mul3A_65 = arith.muli %add3A, %mul3A_64 : i32
    %add3A_66 = arith.constant 256 : i32
    %add3A_67 = arith.addi %mul3A_65, %add3A_66 : i32
    %multiple_of3A_68 = tpu.assume_multiple %add3A_67, 8 : i32
    "tpu.region"() ({
      %run_scoped3A = tpu.sem_alloc : memref<!tpu.dma_semaphore, #tpu.memory_space<semaphore_mem>>
      %dma_start3A_86 = tpu.memref_slice %arg4[%multiple_of3A_68] : memref<16384xi32, #tpu.memory_space<hbm>> -> memref<128xi32, #tpu.memory_space<hbm>>
      %dma_start3A_87 = tpu.memref_slice %arg4[%multiple_of3A_68] : memref<16384xi32, #tpu.memory_space<hbm>> -> memref<128xi32, #tpu.memory_space<hbm>>
      tpu.enqueue_dma source(%dma_start3A_87 : memref<128xi32, #tpu.memory_space<hbm>>) target(%arg8 : memref<128xi32, #tpu.memory_space<vmem>>) target_semaphore(%run_scoped3A : memref<!tpu.dma_semaphore, #tpu.memory_space<semaphore_mem>>)
      %dma_wait3A_88 = tpu.memref_slice %arg4[%multiple_of3A_68] : memref<16384xi32, #tpu.memory_space<hbm>> -> memref<128xi32, #tpu.memory_space<hbm>>
      %dma_wait3A_89 = tpu.memref_slice %arg4[%multiple_of3A_68] : memref<16384xi32, #tpu.memory_space<hbm>> -> memref<128xi32, #tpu.memory_space<hbm>>
      tpu.wait_dma2 semaphore(%run_scoped3A : memref<!tpu.dma_semaphore, #tpu.memory_space<semaphore_mem>>) src(%dma_wait3A_89 : memref<128xi32, #tpu.memory_space<hbm>>) dst(%arg8 : memref<128xi32, #tpu.memory_space<vmem>>)
      tpu.yield
    }) : () -> ()
    %dma_start3A_69 = arith.constant 0 : i32
    %dma_start3A_70 = arith.constant 0 : i32
    %dma_start3A_71 = tpu.memref_slice %arg2[%dma_start3A_69, %dma_start3A_70] : memref<10000x128xf32, #tpu.memory_space<hbm>> -> memref<10000x128xf32, #tpu.memory_space<hbm>>
    tpu.enqueue_indirect_dma source(%dma_start3A_71 : memref<10000x128xf32, #tpu.memory_space<hbm>>) target(%arg10 : memref<128x128xf32, #tpu.memory_space<vmem>>) offsets(%arg8 : memref<128xi32, #tpu.memory_space<vmem>>) semaphore(%arg11 : memref<!tpu.dma_semaphore, #tpu.memory_space<semaphore_mem>>)
    %dma_wait3A_72 = arith.constant 0 : i32
    %dma_wait3A_73 = arith.constant 0 : i32
    %dma_wait3A_74 = tpu.memref_slice %arg2[%dma_wait3A_72, %dma_wait3A_73] : memref<10000x128xf32, #tpu.memory_space<hbm>> -> memref<10000x128xf32, #tpu.memory_space<hbm>>
    tpu.wait_indirect_dma semaphore(%arg11 : memref<!tpu.dma_semaphore, #tpu.memory_space<semaphore_mem>>) src(%dma_wait3A_74 : memref<10000x128xf32, #tpu.memory_space<hbm>>) dst(%arg10 : memref<128x128xf32, #tpu.memory_space<vmem>>)
    "tpu.region"() ({
      %run_scoped3A = tpu.sem_alloc : memref<!tpu.dma_semaphore, #tpu.memory_space<semaphore_mem>>
      %dma_start3A_86 = arith.constant 0 : i32
      %dma_start3A_87 = tpu.memref_slice %arg7[%multiple_of3A_68, %dma_start3A_86] : memref<16384x128xf32, #tpu.memory_space<hbm>> -> memref<128x128xf32, #tpu.memory_space<hbm>>
      %dma_start3A_88 = arith.constant 0 : i32
      %dma_start3A_89 = tpu.memref_slice %arg7[%multiple_of3A_68, %dma_start3A_88] : memref<16384x128xf32, #tpu.memory_space<hbm>> -> memref<128x128xf32, #tpu.memory_space<hbm>>
      tpu.enqueue_dma source(%arg10 : memref<128x128xf32, #tpu.memory_space<vmem>>) target(%dma_start3A_89 : memref<128x128xf32, #tpu.memory_space<hbm>>) target_semaphore(%run_scoped3A : memref<!tpu.dma_semaphore, #tpu.memory_space<semaphore_mem>>)
      %dma_wait3A_90 = arith.constant 0 : i32
      %dma_wait3A_91 = tpu.memref_slice %arg7[%multiple_of3A_68, %dma_wait3A_90] : memref<16384x128xf32, #tpu.memory_space<hbm>> -> memref<128x128xf32, #tpu.memory_space<hbm>>
      %dma_wait3A_92 = arith.constant 0 : i32
      %dma_wait3A_93 = tpu.memref_slice %arg7[%multiple_of3A_68, %dma_wait3A_92] : memref<16384x128xf32, #tpu.memory_space<hbm>> -> memref<128x128xf32, #tpu.memory_space<hbm>>
      tpu.wait_dma2 semaphore(%run_scoped3A : memref<!tpu.dma_semaphore, #tpu.memory_space<semaphore_mem>>) src(%arg10 : memref<128x128xf32, #tpu.memory_space<vmem>>) dst(%dma_wait3A_93 : memref<128x128xf32, #tpu.memory_space<hbm>>)
      tpu.yield
    }) : () -> ()
    %mul3A_75 = arith.constant 512 : i32
    %mul3A_76 = arith.muli %add3A, %mul3A_75 : i32
    %add3A_77 = arith.constant 384 : i32
    %add3A_78 = arith.addi %mul3A_76, %add3A_77 : i32
    %multiple_of3A_79 = tpu.assume_multiple %add3A_78, 8 : i32
    "tpu.region"() ({
      %run_scoped3A = tpu.sem_alloc : memref<!tpu.dma_semaphore, #tpu.memory_space<semaphore_mem>>
      %dma_start3A_86 = tpu.memref_slice %arg4[%multiple_of3A_79] : memref<16384xi32, #tpu.memory_space<hbm>> -> memref<128xi32, #tpu.memory_space<hbm>>
      %dma_start3A_87 = tpu.memref_slice %arg4[%multiple_of3A_79] : memref<16384xi32, #tpu.memory_space<hbm>> -> memref<128xi32, #tpu.memory_space<hbm>>
      tpu.enqueue_dma source(%dma_start3A_87 : memref<128xi32, #tpu.memory_space<hbm>>) target(%arg8 : memref<128xi32, #tpu.memory_space<vmem>>) target_semaphore(%run_scoped3A : memref<!tpu.dma_semaphore, #tpu.memory_space<semaphore_mem>>)
      %dma_wait3A_88 = tpu.memref_slice %arg4[%multiple_of3A_79] : memref<16384xi32, #tpu.memory_space<hbm>> -> memref<128xi32, #tpu.memory_space<hbm>>
      %dma_wait3A_89 = tpu.memref_slice %arg4[%multiple_of3A_79] : memref<16384xi32, #tpu.memory_space<hbm>> -> memref<128xi32, #tpu.memory_space<hbm>>
      tpu.wait_dma2 semaphore(%run_scoped3A : memref<!tpu.dma_semaphore, #tpu.memory_space<semaphore_mem>>) src(%dma_wait3A_89 : memref<128xi32, #tpu.memory_space<hbm>>) dst(%arg8 : memref<128xi32, #tpu.memory_space<vmem>>)
      tpu.yield
    }) : () -> ()
    %dma_start3A_80 = arith.constant 0 : i32
    %dma_start3A_81 = arith.constant 0 : i32
    %dma_start3A_82 = tpu.memref_slice %arg2[%dma_start3A_80, %dma_start3A_81] : memref<10000x128xf32, #tpu.memory_space<hbm>> -> memref<10000x128xf32, #tpu.memory_space<hbm>>
    tpu.enqueue_indirect_dma source(%dma_start3A_82 : memref<10000x128xf32, #tpu.memory_space<hbm>>) target(%arg10 : memref<128x128xf32, #tpu.memory_space<vmem>>) offsets(%arg8 : memref<128xi32, #tpu.memory_space<vmem>>) semaphore(%arg11 : memref<!tpu.dma_semaphore, #tpu.memory_space<semaphore_mem>>)
    %dma_wait3A_83 = arith.constant 0 : i32
    %dma_wait3A_84 = arith.constant 0 : i32
    %dma_wait3A_85 = tpu.memref_slice %arg2[%dma_wait3A_83, %dma_wait3A_84] : memref<10000x128xf32, #tpu.memory_space<hbm>> -> memref<10000x128xf32, #tpu.memory_space<hbm>>
    tpu.wait_indirect_dma semaphore(%arg11 : memref<!tpu.dma_semaphore, #tpu.memory_space<semaphore_mem>>) src(%dma_wait3A_85 : memref<10000x128xf32, #tpu.memory_space<hbm>>) dst(%arg10 : memref<128x128xf32, #tpu.memory_space<vmem>>)
    "tpu.region"() ({
      %run_scoped3A = tpu.sem_alloc : memref<!tpu.dma_semaphore, #tpu.memory_space<semaphore_mem>>
      %dma_start3A_86 = arith.constant 0 : i32
      %dma_start3A_87 = tpu.memref_slice %arg7[%multiple_of3A_79, %dma_start3A_86] : memref<16384x128xf32, #tpu.memory_space<hbm>> -> memref<128x128xf32, #tpu.memory_space<hbm>>
      %dma_start3A_88 = arith.constant 0 : i32
      %dma_start3A_89 = tpu.memref_slice %arg7[%multiple_of3A_79, %dma_start3A_88] : memref<16384x128xf32, #tpu.memory_space<hbm>> -> memref<128x128xf32, #tpu.memory_space<hbm>>
      tpu.enqueue_dma source(%arg10 : memref<128x128xf32, #tpu.memory_space<vmem>>) target(%dma_start3A_89 : memref<128x128xf32, #tpu.memory_space<hbm>>) target_semaphore(%run_scoped3A : memref<!tpu.dma_semaphore, #tpu.memory_space<semaphore_mem>>)
      %dma_wait3A_90 = arith.constant 0 : i32
      %dma_wait3A_91 = tpu.memref_slice %arg7[%multiple_of3A_79, %dma_wait3A_90] : memref<16384x128xf32, #tpu.memory_space<hbm>> -> memref<128x128xf32, #tpu.memory_space<hbm>>
      %dma_wait3A_92 = arith.constant 0 : i32
      %dma_wait3A_93 = tpu.memref_slice %arg7[%multiple_of3A_79, %dma_wait3A_92] : memref<16384x128xf32, #tpu.memory_space<hbm>> -> memref<128x128xf32, #tpu.memory_space<hbm>>
      tpu.wait_dma2 semaphore(%run_scoped3A : memref<!tpu.dma_semaphore, #tpu.memory_space<semaphore_mem>>) src(%arg10 : memref<128x128xf32, #tpu.memory_space<vmem>>) dst(%dma_wait3A_93 : memref<128x128xf32, #tpu.memory_space<hbm>>)
      tpu.yield
    }) : () -> ()
    return
  }
}

#map = affine_map<(d0, d1) -> (0)>
#map1 = affine_map<(d0, d1) -> (0, 0)>
#map2 = affine_map<(d0, d1) -> (0, 0, 0)>
module attributes {stable_mosaic.version = 14 : i64} {
  func.func @_sc_deg(%arg0: i32, %arg1: i32, %arg2: memref<320000xi32, #tpu.memory_space<hbm>>, %arg3: memref<80x128xf32, #tpu.memory_space<hbm>>, %arg4: memref<2x10240x128xf32, #tpu.memory_space<hbm>>, %arg5: memref<2x80xi32, #tpu.memory_space<vmem>>, %arg6: memref<80x128xf32, #tpu.memory_space<vmem>>, %arg7: memref<64x128xf32, #tpu.memory_space<vmem>>, %arg8: memref<10240x128xf32, #tpu.memory_space<vmem_shared>>, %arg9: memref<!tpu.dma_semaphore, #tpu.memory_space<semaphore_mem>>, %arg10: memref<!tpu.dma_semaphore, #tpu.memory_space<semaphore_mem>>) attributes {dimension_semantics = [#tpu.dimension_semantics<core_parallel>, #tpu.dimension_semantics<subcore_parallel>], iteration_bounds = array<i64: 2, 16>, scalar_prefetch = 0 : i64, scratch_operands = 6 : i64, tpu.core_type = #tpu.core_type<sc_vector_subcore>, window_params = [{transform_indices = #map}, {transform_indices = #map1}, {transform_indices = #map2}]} {
    %mul3A = arith.constant 16 : i32
    %mul3A_0 = arith.muli %arg0, %mul3A : i32
    %add3A = arith.addi %mul3A_0, %arg1 : i32
    %scan3A = arith.constant 0 : i32
    %scan3A_1 = arith.constant 0 : i32
    %scan3A_2 = arith.constant 64 : i32
    %scan3A_3 = arith.addi %scan3A_1, %scan3A_2 : i32
    %scan3A_4 = arith.constant 1 : i32
    scf.for %scan3A_45 = %scan3A_1 to %scan3A_3 step %scan3A_4  : i32 {
      %broadcast_in_dim3A = arith.constant 0.000000e+00 : f32
      %broadcast_in_dim3A_46 = vector.broadcast %broadcast_in_dim3A : f32 to vector<16xf32>
      %swap3A = arith.index_cast %scan3A_45 : i32 to index
      %swap3A_47 = arith.constant 0 : index
      %swap3A_48 = tpu.vector_load %arg7[%swap3A, %swap3A_47] {strides = array<i32>} : memref<64x128xf32, #tpu.memory_space<vmem>>, vector<1x16xf32>,
      %swap3A_49 = vector.shape_cast %swap3A_48 : vector<1x16xf32> to vector<16xf32>
      %swap3A_50 = vector.shape_cast %broadcast_in_dim3A_46 : vector<16xf32> to vector<1x16xf32>
      tpu.vector_store %arg7[%swap3A, %swap3A_47], %swap3A_50 {strides = array<i32>} : memref<64x128xf32, #tpu.memory_space<vmem>>, vector<1x16xf32>,
      %broadcast_in_dim3A_51 = arith.constant 0.000000e+00 : f32
      %broadcast_in_dim3A_52 = vector.broadcast %broadcast_in_dim3A_51 : f32 to vector<16xf32>
      %swap3A_53 = arith.index_cast %scan3A_45 : i32 to index
      %swap3A_54 = arith.constant 16 : index
      %swap3A_55 = tpu.vector_load %arg7[%swap3A_53, %swap3A_54] {strides = array<i32>} : memref<64x128xf32, #tpu.memory_space<vmem>>, vector<1x16xf32>,
      %swap3A_56 = vector.shape_cast %swap3A_55 : vector<1x16xf32> to vector<16xf32>
      %swap3A_57 = vector.shape_cast %broadcast_in_dim3A_52 : vector<16xf32> to vector<1x16xf32>
      tpu.vector_store %arg7[%swap3A_53, %swap3A_54], %swap3A_57 {strides = array<i32>} : memref<64x128xf32, #tpu.memory_space<vmem>>, vector<1x16xf32>,
      %broadcast_in_dim3A_58 = arith.constant 0.000000e+00 : f32
      %broadcast_in_dim3A_59 = vector.broadcast %broadcast_in_dim3A_58 : f32 to vector<16xf32>
      %swap3A_60 = arith.index_cast %scan3A_45 : i32 to index
      %swap3A_61 = arith.constant 32 : index
      %swap3A_62 = tpu.vector_load %arg7[%swap3A_60, %swap3A_61] {strides = array<i32>} : memref<64x128xf32, #tpu.memory_space<vmem>>, vector<1x16xf32>,
      %swap3A_63 = vector.shape_cast %swap3A_62 : vector<1x16xf32> to vector<16xf32>
      %swap3A_64 = vector.shape_cast %broadcast_in_dim3A_59 : vector<16xf32> to vector<1x16xf32>
      tpu.vector_store %arg7[%swap3A_60, %swap3A_61], %swap3A_64 {strides = array<i32>} : memref<64x128xf32, #tpu.memory_space<vmem>>, vector<1x16xf32>,
      %broadcast_in_dim3A_65 = arith.constant 0.000000e+00 : f32
      %broadcast_in_dim3A_66 = vector.broadcast %broadcast_in_dim3A_65 : f32 to vector<16xf32>
      %swap3A_67 = arith.index_cast %scan3A_45 : i32 to index
      %swap3A_68 = arith.constant 48 : index
      %swap3A_69 = tpu.vector_load %arg7[%swap3A_67, %swap3A_68] {strides = array<i32>} : memref<64x128xf32, #tpu.memory_space<vmem>>, vector<1x16xf32>,
      %swap3A_70 = vector.shape_cast %swap3A_69 : vector<1x16xf32> to vector<16xf32>
      %swap3A_71 = vector.shape_cast %broadcast_in_dim3A_66 : vector<16xf32> to vector<1x16xf32>
      tpu.vector_store %arg7[%swap3A_67, %swap3A_68], %swap3A_71 {strides = array<i32>} : memref<64x128xf32, #tpu.memory_space<vmem>>, vector<1x16xf32>,
      %broadcast_in_dim3A_72 = arith.constant 0.000000e+00 : f32
      %broadcast_in_dim3A_73 = vector.broadcast %broadcast_in_dim3A_72 : f32 to vector<16xf32>
      %swap3A_74 = arith.index_cast %scan3A_45 : i32 to index
      %swap3A_75 = arith.constant 64 : index
      %swap3A_76 = tpu.vector_load %arg7[%swap3A_74, %swap3A_75] {strides = array<i32>} : memref<64x128xf32, #tpu.memory_space<vmem>>, vector<1x16xf32>,
      %swap3A_77 = vector.shape_cast %swap3A_76 : vector<1x16xf32> to vector<16xf32>
      %swap3A_78 = vector.shape_cast %broadcast_in_dim3A_73 : vector<16xf32> to vector<1x16xf32>
      tpu.vector_store %arg7[%swap3A_74, %swap3A_75], %swap3A_78 {strides = array<i32>} : memref<64x128xf32, #tpu.memory_space<vmem>>, vector<1x16xf32>,
      %broadcast_in_dim3A_79 = arith.constant 0.000000e+00 : f32
      %broadcast_in_dim3A_80 = vector.broadcast %broadcast_in_dim3A_79 : f32 to vector<16xf32>
      %swap3A_81 = arith.index_cast %scan3A_45 : i32 to index
      %swap3A_82 = arith.constant 80 : index
      %swap3A_83 = tpu.vector_load %arg7[%swap3A_81, %swap3A_82] {strides = array<i32>} : memref<64x128xf32, #tpu.memory_space<vmem>>, vector<1x16xf32>,
      %swap3A_84 = vector.shape_cast %swap3A_83 : vector<1x16xf32> to vector<16xf32>
      %swap3A_85 = vector.shape_cast %broadcast_in_dim3A_80 : vector<16xf32> to vector<1x16xf32>
      tpu.vector_store %arg7[%swap3A_81, %swap3A_82], %swap3A_85 {strides = array<i32>} : memref<64x128xf32, #tpu.memory_space<vmem>>, vector<1x16xf32>,
      %broadcast_in_dim3A_86 = arith.constant 0.000000e+00 : f32
      %broadcast_in_dim3A_87 = vector.broadcast %broadcast_in_dim3A_86 : f32 to vector<16xf32>
      %swap3A_88 = arith.index_cast %scan3A_45 : i32 to index
      %swap3A_89 = arith.constant 96 : index
      %swap3A_90 = tpu.vector_load %arg7[%swap3A_88, %swap3A_89] {strides = array<i32>} : memref<64x128xf32, #tpu.memory_space<vmem>>, vector<1x16xf32>,
      %swap3A_91 = vector.shape_cast %swap3A_90 : vector<1x16xf32> to vector<16xf32>
      %swap3A_92 = vector.shape_cast %broadcast_in_dim3A_87 : vector<16xf32> to vector<1x16xf32>
      tpu.vector_store %arg7[%swap3A_88, %swap3A_89], %swap3A_92 {strides = array<i32>} : memref<64x128xf32, #tpu.memory_space<vmem>>, vector<1x16xf32>,
      %broadcast_in_dim3A_93 = arith.constant 0.000000e+00 : f32
      %broadcast_in_dim3A_94 = vector.broadcast %broadcast_in_dim3A_93 : f32 to vector<16xf32>
      %swap3A_95 = arith.index_cast %scan3A_45 : i32 to index
      %swap3A_96 = arith.constant 112 : index
      %swap3A_97 = tpu.vector_load %arg7[%swap3A_95, %swap3A_96] {strides = array<i32>} : memref<64x128xf32, #tpu.memory_space<vmem>>, vector<1x16xf32>,
      %swap3A_98 = vector.shape_cast %swap3A_97 : vector<1x16xf32> to vector<16xf32>
      %swap3A_99 = vector.shape_cast %broadcast_in_dim3A_94 : vector<16xf32> to vector<1x16xf32>
      tpu.vector_store %arg7[%swap3A_95, %swap3A_96], %swap3A_99 {strides = array<i32>} : memref<64x128xf32, #tpu.memory_space<vmem>>, vector<1x16xf32>,
    }
    %scan3A_5 = arith.constant 64 : i32
    "tpu.region"() ({
      %run_scoped3A_45 = tpu.sem_alloc : memref<!tpu.dma_semaphore, #tpu.memory_space<semaphore_mem>>
      tpu.enqueue_dma source(%arg3 : memref<80x128xf32, #tpu.memory_space<hbm>>) target(%arg6 : memref<80x128xf32, #tpu.memory_space<vmem>>) target_semaphore(%run_scoped3A_45 : memref<!tpu.dma_semaphore, #tpu.memory_space<semaphore_mem>>)
      tpu.wait_dma2 semaphore(%run_scoped3A_45 : memref<!tpu.dma_semaphore, #tpu.memory_space<semaphore_mem>>) src(%arg3 : memref<80x128xf32, #tpu.memory_space<hbm>>) dst(%arg6 : memref<80x128xf32, #tpu.memory_space<vmem>>)
      tpu.yield
    }) : () -> ()
    %scan3A_6 = arith.constant 0 : i32
    %scan3A_7 = arith.constant 0 : i32
    %scan3A_8 = arith.constant 10 : i32
    %scan3A_9 = arith.addi %scan3A_7, %scan3A_8 : i32
    %scan3A_10 = arith.constant 1 : i32
    scf.for %scan3A_45 = %scan3A_7 to %scan3A_9 step %scan3A_10  : i32 {
      %mul3A_46 = arith.constant 640 : i32
      %mul3A_47 = arith.muli %arg1, %mul3A_46 : i32
      %mul3A_48 = arith.constant 64 : i32
      %mul3A_49 = arith.muli %scan3A_45, %mul3A_48 : i32
      %add3A_50 = arith.addi %mul3A_47, %mul3A_49 : i32
      "tpu.region"() ({
        %run_scoped3A_51 = tpu.sem_alloc : memref<!tpu.dma_semaphore, #tpu.memory_space<semaphore_mem>>
        %dma_start3A_52 = arith.constant 0 : i32
        %dma_start3A_53 = tpu.memref_slice %arg8[%add3A_50, %dma_start3A_52] : memref<10240x128xf32, #tpu.memory_space<vmem_shared>> -> memref<64x128xf32, #tpu.memory_space<vmem_shared>>
        %dma_start3A_54 = arith.constant 0 : i32
        %dma_start3A_55 = tpu.memref_slice %arg8[%add3A_50, %dma_start3A_54] : memref<10240x128xf32, #tpu.memory_space<vmem_shared>> -> memref<64x128xf32, #tpu.memory_space<vmem_shared>>
        tpu.enqueue_dma source(%arg7 : memref<64x128xf32, #tpu.memory_space<vmem>>) target(%dma_start3A_55 : memref<64x128xf32, #tpu.memory_space<vmem_shared>>) target_semaphore(%run_scoped3A_51 : memref<!tpu.dma_semaphore, #tpu.memory_space<semaphore_mem>>)
        %dma_wait3A_56 = arith.constant 0 : i32
        %dma_wait3A_57 = tpu.memref_slice %arg8[%add3A_50, %dma_wait3A_56] : memref<10240x128xf32, #tpu.memory_space<vmem_shared>> -> memref<64x128xf32, #tpu.memory_space<vmem_shared>>
        %dma_wait3A_58 = arith.constant 0 : i32
        %dma_wait3A_59 = tpu.memref_slice %arg8[%add3A_50, %dma_wait3A_58] : memref<10240x128xf32, #tpu.memory_space<vmem_shared>> -> memref<64x128xf32, #tpu.memory_space<vmem_shared>>
        tpu.wait_dma2 semaphore(%run_scoped3A_51 : memref<!tpu.dma_semaphore, #tpu.memory_space<semaphore_mem>>) src(%arg7 : memref<64x128xf32, #tpu.memory_space<vmem>>) dst(%dma_wait3A_59 : memref<64x128xf32, #tpu.memory_space<vmem_shared>>)
        tpu.yield
      }) : () -> ()
    }
    %scan3A_11 = arith.constant 10 : i32
    %barrier3A = arith.constant 0 : index
    tpu.barrier barrier_id(%barrier3A)
    %mul3A_12 = arith.constant 10000 : i32
    %mul3A_13 = arith.muli %add3A, %mul3A_12 : i32
    %add3A_14 = arith.constant 0 : i32
    %add3A_15 = arith.addi %mul3A_13, %add3A_14 : i32
    %multiple_of3A = tpu.assume_multiple %add3A_15, 8 : i32
    %dma_start3A = arith.constant 0 : i32
    %dma_start3A_16 = arith.constant 0 : i32
    %dma_start3A_17 = tpu.memref_slice %arg5[%dma_start3A, %dma_start3A_16] : memref<2x80xi32, #tpu.memory_space<vmem>> -> memref<1x80xi32, #tpu.memory_space<vmem>>
    %dma_start3A_18 = tpu.memref_squeeze %dma_start3A_17 : memref<1x80xi32, #tpu.memory_space<vmem>> -> memref<80xi32, #tpu.memory_space<vmem>>
    %dma_start3A_19 = tpu.memref_slice %arg2[%multiple_of3A] : memref<320000xi32, #tpu.memory_space<hbm>> -> memref<80xi32, #tpu.memory_space<hbm>>
    %dma_start3A_20 = arith.constant 0 : i32
    %dma_start3A_21 = tpu.memref_slice %arg5[%dma_start3A, %dma_start3A_20] : memref<2x80xi32, #tpu.memory_space<vmem>> -> memref<1x80xi32, #tpu.memory_space<vmem>>
    %dma_start3A_22 = tpu.memref_squeeze %dma_start3A_21 : memref<1x80xi32, #tpu.memory_space<vmem>> -> memref<80xi32, #tpu.memory_space<vmem>>
    %dma_start3A_23 = tpu.memref_slice %arg2[%multiple_of3A] : memref<320000xi32, #tpu.memory_space<hbm>> -> memref<80xi32, #tpu.memory_space<hbm>>
    tpu.enqueue_dma source(%dma_start3A_23 : memref<80xi32, #tpu.memory_space<hbm>>) target(%dma_start3A_22 : memref<80xi32, #tpu.memory_space<vmem>>) target_semaphore(%arg9 : memref<!tpu.dma_semaphore, #tpu.memory_space<semaphore_mem>>)
    %scan3A_24 = arith.constant 0 : i32
    %scan3A_25 = arith.constant 0 : i32
    %scan3A_26 = arith.constant 62 : i32
    %scan3A_27 = arith.addi %scan3A_25, %scan3A_26 : i32
    %scan3A_28 = arith.constant 1 : i32
    scf.for %scan3A_45 = %scan3A_25 to %scan3A_27 step %scan3A_28  : i32 {
      %mul3A_46 = arith.constant 2 : i32
      %mul3A_47 = arith.muli %mul3A_46, %scan3A_45 : i32
      %dma_wait3A_48 = arith.constant 0 : i32
      %dma_wait3A_49 = arith.constant 0 : i32
      %dma_wait3A_50 = tpu.memref_slice %arg5[%dma_wait3A_48, %dma_wait3A_49] : memref<2x80xi32, #tpu.memory_space<vmem>> -> memref<1x80xi32, #tpu.memory_space<vmem>>
      %dma_wait3A_51 = tpu.memref_squeeze %dma_wait3A_50 : memref<1x80xi32, #tpu.memory_space<vmem>> -> memref<80xi32, #tpu.memory_space<vmem>>
      %dma_wait3A_52 = arith.constant 0 : i32
      %dma_wait3A_53 = tpu.memref_slice %arg2[%dma_wait3A_52] : memref<320000xi32, #tpu.memory_space<hbm>> -> memref<80xi32, #tpu.memory_space<hbm>>
      %dma_wait3A_54 = arith.constant 0 : i32
      %dma_wait3A_55 = tpu.memref_slice %arg5[%dma_wait3A_48, %dma_wait3A_54] : memref<2x80xi32, #tpu.memory_space<vmem>> -> memref<1x80xi32, #tpu.memory_space<vmem>>
      %dma_wait3A_56 = tpu.memref_squeeze %dma_wait3A_55 : memref<1x80xi32, #tpu.memory_space<vmem>> -> memref<80xi32, #tpu.memory_space<vmem>>
      %dma_wait3A_57 = arith.constant 0 : i32
      %dma_wait3A_58 = tpu.memref_slice %arg2[%dma_wait3A_57] : memref<320000xi32, #tpu.memory_space<hbm>> -> memref<80xi32, #tpu.memory_space<hbm>>
      tpu.wait_dma2 semaphore(%arg9 : memref<!tpu.dma_semaphore, #tpu.memory_space<semaphore_mem>>) src(%dma_wait3A_58 : memref<80xi32, #tpu.memory_space<hbm>>) dst(%dma_wait3A_56 : memref<80xi32, #tpu.memory_space<vmem>>)
      %add3A_59 = arith.constant 1 : i32
      %add3A_60 = arith.addi %mul3A_47, %add3A_59 : i32
      %lt3A = arith.constant 125 : i32
      %lt3A_61 = arith.cmpi slt, %add3A_60, %lt3A : i32
      %convert_element_type3A = arith.extui %lt3A_61 : i1 to i32
      %cond3A = arith.constant 0 : i32
      %cond3A_62 = arith.cmpi ne, %convert_element_type3A, %cond3A : i32
      scf.if %cond3A_62 {
        %add3A_87 = arith.constant 1 : i32
        %add3A_88 = arith.addi %mul3A_47, %add3A_87 : i32
        %mul3A_89 = arith.constant 10000 : i32
        %mul3A_90 = arith.muli %add3A, %mul3A_89 : i32
        %mul3A_91 = arith.constant 80 : i32
        %mul3A_92 = arith.muli %add3A_88, %mul3A_91 : i32
        %add3A_93 = arith.addi %mul3A_90, %mul3A_92 : i32
        %multiple_of3A_94 = tpu.assume_multiple %add3A_93, 8 : i32
        %dma_start3A_95 = arith.constant 1 : i32
        %dma_start3A_96 = arith.constant 0 : i32
        %dma_start3A_97 = tpu.memref_slice %arg5[%dma_start3A_95, %dma_start3A_96] : memref<2x80xi32, #tpu.memory_space<vmem>> -> memref<1x80xi32, #tpu.memory_space<vmem>>
        %dma_start3A_98 = tpu.memref_squeeze %dma_start3A_97 : memref<1x80xi32, #tpu.memory_space<vmem>> -> memref<80xi32, #tpu.memory_space<vmem>>
        %dma_start3A_99 = tpu.memref_slice %arg2[%multiple_of3A_94] : memref<320000xi32, #tpu.memory_space<hbm>> -> memref<80xi32, #tpu.memory_space<hbm>>
        %dma_start3A_100 = arith.constant 0 : i32
        %dma_start3A_101 = tpu.memref_slice %arg5[%dma_start3A_95, %dma_start3A_100] : memref<2x80xi32, #tpu.memory_space<vmem>> -> memref<1x80xi32, #tpu.memory_space<vmem>>
        %dma_start3A_102 = tpu.memref_squeeze %dma_start3A_101 : memref<1x80xi32, #tpu.memory_space<vmem>> -> memref<80xi32, #tpu.memory_space<vmem>>
        %dma_start3A_103 = tpu.memref_slice %arg2[%multiple_of3A_94] : memref<320000xi32, #tpu.memory_space<hbm>> -> memref<80xi32, #tpu.memory_space<hbm>>
        tpu.enqueue_dma source(%dma_start3A_103 : memref<80xi32, #tpu.memory_space<hbm>>) target(%dma_start3A_102 : memref<80xi32, #tpu.memory_space<vmem>>) target_semaphore(%arg10 : memref<!tpu.dma_semaphore, #tpu.memory_space<semaphore_mem>>)
      } else {
      }
      %run_scoped3A_63 = arith.constant 0 : i32
      "tpu.region"() ({
        %run_scoped3A_87 = tpu.sem_alloc : memref<!tpu.dma_semaphore, #tpu.memory_space<semaphore_mem>>
        %dma_start3A_88 = arith.constant 0 : i32
        %dma_start3A_89 = tpu.memref_slice %arg5[%run_scoped3A_63, %dma_start3A_88] : memref<2x80xi32, #tpu.memory_space<vmem>> -> memref<1x80xi32, #tpu.memory_space<vmem>>
        %dma_start3A_90 = tpu.memref_squeeze %dma_start3A_89 : memref<1x80xi32, #tpu.memory_space<vmem>> -> memref<80xi32, #tpu.memory_space<vmem>>
        %dma_start3A_91 = arith.constant 0 : i32
        %dma_start3A_92 = arith.constant 0 : i32
        %dma_start3A_93 = tpu.memref_slice %arg8[%dma_start3A_91, %dma_start3A_92] : memref<10240x128xf32, #tpu.memory_space<vmem_shared>> -> memref<10240x128xf32, #tpu.memory_space<vmem_shared>>
        tpu.enqueue_indirect_dma source(%arg6 : memref<80x128xf32, #tpu.memory_space<vmem>>) target(%dma_start3A_93 : memref<10240x128xf32, #tpu.memory_space<vmem_shared>>) offsets(%dma_start3A_90 : memref<80xi32, #tpu.memory_space<vmem>>) semaphore(%run_scoped3A_87 : memref<!tpu.dma_semaphore, #tpu.memory_space<semaphore_mem>>) {add = true}
        %dma_wait3A_94 = arith.constant 0 : i32
        %dma_wait3A_95 = tpu.memref_slice %arg5[%run_scoped3A_63, %dma_wait3A_94] : memref<2x80xi32, #tpu.memory_space<vmem>> -> memref<1x80xi32, #tpu.memory_space<vmem>>
        %dma_wait3A_96 = tpu.memref_squeeze %dma_wait3A_95 : memref<1x80xi32, #tpu.memory_space<vmem>> -> memref<80xi32, #tpu.memory_space<vmem>>
        %dma_wait3A_97 = arith.constant 0 : i32
        %dma_wait3A_98 = arith.constant 0 : i32
        %dma_wait3A_99 = tpu.memref_slice %arg8[%dma_wait3A_97, %dma_wait3A_98] : memref<10240x128xf32, #tpu.memory_space<vmem_shared>> -> memref<10240x128xf32, #tpu.memory_space<vmem_shared>>
        tpu.wait_indirect_dma semaphore(%run_scoped3A_87 : memref<!tpu.dma_semaphore, #tpu.memory_space<semaphore_mem>>) src(%arg6 : memref<80x128xf32, #tpu.memory_space<vmem>>) dst(%dma_wait3A_99 : memref<10240x128xf32, #tpu.memory_space<vmem_shared>>)
        tpu.yield
      }) : () -> ()
      %mul3A_64 = arith.constant 2 : i32
      %mul3A_65 = arith.muli %mul3A_64, %scan3A_45 : i32
      %add3A_66 = arith.constant 1 : i32
      %add3A_67 = arith.addi %mul3A_65, %add3A_66 : i32
      %dma_wait3A_68 = arith.constant 1 : i32
      %dma_wait3A_69 = arith.constant 0 : i32
      %dma_wait3A_70 = tpu.memref_slice %arg5[%dma_wait3A_68, %dma_wait3A_69] : memref<2x80xi32, #tpu.memory_space<vmem>> -> memref<1x80xi32, #tpu.memory_space<vmem>>
      %dma_wait3A_71 = tpu.memref_squeeze %dma_wait3A_70 : memref<1x80xi32, #tpu.memory_space<vmem>> -> memref<80xi32, #tpu.memory_space<vmem>>
      %dma_wait3A_72 = arith.constant 0 : i32
      %dma_wait3A_73 = tpu.memref_slice %arg2[%dma_wait3A_72] : memref<320000xi32, #tpu.memory_space<hbm>> -> memref<80xi32, #tpu.memory_space<hbm>>
      %dma_wait3A_74 = arith.constant 0 : i32
      %dma_wait3A_75 = tpu.memref_slice %arg5[%dma_wait3A_68, %dma_wait3A_74] : memref<2x80xi32, #tpu.memory_space<vmem>> -> memref<1x80xi32, #tpu.memory_space<vmem>>
      %dma_wait3A_76 = tpu.memref_squeeze %dma_wait3A_75 : memref<1x80xi32, #tpu.memory_space<vmem>> -> memref<80xi32, #tpu.memory_space<vmem>>
      %dma_wait3A_77 = arith.constant 0 : i32
      %dma_wait3A_78 = tpu.memref_slice %arg2[%dma_wait3A_77] : memref<320000xi32, #tpu.memory_space<hbm>> -> memref<80xi32, #tpu.memory_space<hbm>>
      tpu.wait_dma2 semaphore(%arg10 : memref<!tpu.dma_semaphore, #tpu.memory_space<semaphore_mem>>) src(%dma_wait3A_78 : memref<80xi32, #tpu.memory_space<hbm>>) dst(%dma_wait3A_76 : memref<80xi32, #tpu.memory_space<vmem>>)
      %add3A_79 = arith.constant 1 : i32
      %add3A_80 = arith.addi %add3A_67, %add3A_79 : i32
      %lt3A_81 = arith.constant 125 : i32
      %lt3A_82 = arith.cmpi slt, %add3A_80, %lt3A_81 : i32
      %convert_element_type3A_83 = arith.extui %lt3A_82 : i1 to i32
      %cond3A_84 = arith.constant 0 : i32
      %cond3A_85 = arith.cmpi ne, %convert_element_type3A_83, %cond3A_84 : i32
      scf.if %cond3A_85 {
        %add3A_87 = arith.constant 1 : i32
        %add3A_88 = arith.addi %add3A_67, %add3A_87 : i32
        %mul3A_89 = arith.constant 10000 : i32
        %mul3A_90 = arith.muli %add3A, %mul3A_89 : i32
        %mul3A_91 = arith.constant 80 : i32
        %mul3A_92 = arith.muli %add3A_88, %mul3A_91 : i32
        %add3A_93 = arith.addi %mul3A_90, %mul3A_92 : i32
        %multiple_of3A_94 = tpu.assume_multiple %add3A_93, 8 : i32
        %dma_start3A_95 = arith.constant 0 : i32
        %dma_start3A_96 = arith.constant 0 : i32
        %dma_start3A_97 = tpu.memref_slice %arg5[%dma_start3A_95, %dma_start3A_96] : memref<2x80xi32, #tpu.memory_space<vmem>> -> memref<1x80xi32, #tpu.memory_space<vmem>>
        %dma_start3A_98 = tpu.memref_squeeze %dma_start3A_97 : memref<1x80xi32, #tpu.memory_space<vmem>> -> memref<80xi32, #tpu.memory_space<vmem>>
        %dma_start3A_99 = tpu.memref_slice %arg2[%multiple_of3A_94] : memref<320000xi32, #tpu.memory_space<hbm>> -> memref<80xi32, #tpu.memory_space<hbm>>
        %dma_start3A_100 = arith.constant 0 : i32
        %dma_start3A_101 = tpu.memref_slice %arg5[%dma_start3A_95, %dma_start3A_100] : memref<2x80xi32, #tpu.memory_space<vmem>> -> memref<1x80xi32, #tpu.memory_space<vmem>>
        %dma_start3A_102 = tpu.memref_squeeze %dma_start3A_101 : memref<1x80xi32, #tpu.memory_space<vmem>> -> memref<80xi32, #tpu.memory_space<vmem>>
        %dma_start3A_103 = tpu.memref_slice %arg2[%multiple_of3A_94] : memref<320000xi32, #tpu.memory_space<hbm>> -> memref<80xi32, #tpu.memory_space<hbm>>
        tpu.enqueue_dma source(%dma_start3A_103 : memref<80xi32, #tpu.memory_space<hbm>>) target(%dma_start3A_102 : memref<80xi32, #tpu.memory_space<vmem>>) target_semaphore(%arg9 : memref<!tpu.dma_semaphore, #tpu.memory_space<semaphore_mem>>)
      } else {
      }
      %run_scoped3A_86 = arith.constant 1 : i32
      "tpu.region"() ({
        %run_scoped3A_87 = tpu.sem_alloc : memref<!tpu.dma_semaphore, #tpu.memory_space<semaphore_mem>>
        %dma_start3A_88 = arith.constant 0 : i32
        %dma_start3A_89 = tpu.memref_slice %arg5[%run_scoped3A_86, %dma_start3A_88] : memref<2x80xi32, #tpu.memory_space<vmem>> -> memref<1x80xi32, #tpu.memory_space<vmem>>
        %dma_start3A_90 = tpu.memref_squeeze %dma_start3A_89 : memref<1x80xi32, #tpu.memory_space<vmem>> -> memref<80xi32, #tpu.memory_space<vmem>>
        %dma_start3A_91 = arith.constant 0 : i32
        %dma_start3A_92 = arith.constant 0 : i32
        %dma_start3A_93 = tpu.memref_slice %arg8[%dma_start3A_91, %dma_start3A_92] : memref<10240x128xf32, #tpu.memory_space<vmem_shared>> -> memref<10240x128xf32, #tpu.memory_space<vmem_shared>>
        tpu.enqueue_indirect_dma source(%arg6 : memref<80x128xf32, #tpu.memory_space<vmem>>) target(%dma_start3A_93 : memref<10240x128xf32, #tpu.memory_space<vmem_shared>>) offsets(%dma_start3A_90 : memref<80xi32, #tpu.memory_space<vmem>>) semaphore(%run_scoped3A_87 : memref<!tpu.dma_semaphore, #tpu.memory_space<semaphore_mem>>) {add = true}
        %dma_wait3A_94 = arith.constant 0 : i32
        %dma_wait3A_95 = tpu.memref_slice %arg5[%run_scoped3A_86, %dma_wait3A_94] : memref<2x80xi32, #tpu.memory_space<vmem>> -> memref<1x80xi32, #tpu.memory_space<vmem>>
        %dma_wait3A_96 = tpu.memref_squeeze %dma_wait3A_95 : memref<1x80xi32, #tpu.memory_space<vmem>> -> memref<80xi32, #tpu.memory_space<vmem>>
        %dma_wait3A_97 = arith.constant 0 : i32
        %dma_wait3A_98 = arith.constant 0 : i32
        %dma_wait3A_99 = tpu.memref_slice %arg8[%dma_wait3A_97, %dma_wait3A_98] : memref<10240x128xf32, #tpu.memory_space<vmem_shared>> -> memref<10240x128xf32, #tpu.memory_space<vmem_shared>>
        tpu.wait_indirect_dma semaphore(%run_scoped3A_87 : memref<!tpu.dma_semaphore, #tpu.memory_space<semaphore_mem>>) src(%arg6 : memref<80x128xf32, #tpu.memory_space<vmem>>) dst(%dma_wait3A_99 : memref<10240x128xf32, #tpu.memory_space<vmem_shared>>)
        tpu.yield
      }) : () -> ()
    }
    %scan3A_29 = arith.constant 62 : i32
    %dma_wait3A = arith.constant 0 : i32
    %dma_wait3A_30 = arith.constant 0 : i32
    %dma_wait3A_31 = tpu.memref_slice %arg5[%dma_wait3A, %dma_wait3A_30] : memref<2x80xi32, #tpu.memory_space<vmem>> -> memref<1x80xi32, #tpu.memory_space<vmem>>
    %dma_wait3A_32 = tpu.memref_squeeze %dma_wait3A_31 : memref<1x80xi32, #tpu.memory_space<vmem>> -> memref<80xi32, #tpu.memory_space<vmem>>
    %dma_wait3A_33 = arith.constant 0 : i32
    %dma_wait3A_34 = tpu.memref_slice %arg2[%dma_wait3A_33] : memref<320000xi32, #tpu.memory_space<hbm>> -> memref<80xi32, #tpu.memory_space<hbm>>
    %dma_wait3A_35 = arith.constant 0 : i32
    %dma_wait3A_36 = tpu.memref_slice %arg5[%dma_wait3A, %dma_wait3A_35] : memref<2x80xi32, #tpu.memory_space<vmem>> -> memref<1x80xi32, #tpu.memory_space<vmem>>
    %dma_wait3A_37 = tpu.memref_squeeze %dma_wait3A_36 : memref<1x80xi32, #tpu.memory_space<vmem>> -> memref<80xi32, #tpu.memory_space<vmem>>
    %dma_wait3A_38 = arith.constant 0 : i32
    %dma_wait3A_39 = tpu.memref_slice %arg2[%dma_wait3A_38] : memref<320000xi32, #tpu.memory_space<hbm>> -> memref<80xi32, #tpu.memory_space<hbm>>
    tpu.wait_dma2 semaphore(%arg9 : memref<!tpu.dma_semaphore, #tpu.memory_space<semaphore_mem>>) src(%dma_wait3A_39 : memref<80xi32, #tpu.memory_space<hbm>>) dst(%dma_wait3A_37 : memref<80xi32, #tpu.memory_space<vmem>>)
    %run_scoped3A = arith.constant 0 : i32
    "tpu.region"() ({
      %run_scoped3A_45 = tpu.sem_alloc : memref<!tpu.dma_semaphore, #tpu.memory_space<semaphore_mem>>
      %dma_start3A_46 = arith.constant 0 : i32
      %dma_start3A_47 = tpu.memref_slice %arg5[%run_scoped3A, %dma_start3A_46] : memref<2x80xi32, #tpu.memory_space<vmem>> -> memref<1x80xi32, #tpu.memory_space<vmem>>
      %dma_start3A_48 = tpu.memref_squeeze %dma_start3A_47 : memref<1x80xi32, #tpu.memory_space<vmem>> -> memref<80xi32, #tpu.memory_space<vmem>>
      %dma_start3A_49 = arith.constant 0 : i32
      %dma_start3A_50 = arith.constant 0 : i32
      %dma_start3A_51 = tpu.memref_slice %arg8[%dma_start3A_49, %dma_start3A_50] : memref<10240x128xf32, #tpu.memory_space<vmem_shared>> -> memref<10240x128xf32, #tpu.memory_space<vmem_shared>>
      tpu.enqueue_indirect_dma source(%arg6 : memref<80x128xf32, #tpu.memory_space<vmem>>) target(%dma_start3A_51 : memref<10240x128xf32, #tpu.memory_space<vmem_shared>>) offsets(%dma_start3A_48 : memref<80xi32, #tpu.memory_space<vmem>>) semaphore(%run_scoped3A_45 : memref<!tpu.dma_semaphore, #tpu.memory_space<semaphore_mem>>) {add = true}
      %dma_wait3A_52 = arith.constant 0 : i32
      %dma_wait3A_53 = tpu.memref_slice %arg5[%run_scoped3A, %dma_wait3A_52] : memref<2x80xi32, #tpu.memory_space<vmem>> -> memref<1x80xi32, #tpu.memory_space<vmem>>
      %dma_wait3A_54 = tpu.memref_squeeze %dma_wait3A_53 : memref<1x80xi32, #tpu.memory_space<vmem>> -> memref<80xi32, #tpu.memory_space<vmem>>
      %dma_wait3A_55 = arith.constant 0 : i32
      %dma_wait3A_56 = arith.constant 0 : i32
      %dma_wait3A_57 = tpu.memref_slice %arg8[%dma_wait3A_55, %dma_wait3A_56] : memref<10240x128xf32, #tpu.memory_space<vmem_shared>> -> memref<10240x128xf32, #tpu.memory_space<vmem_shared>>
      tpu.wait_indirect_dma semaphore(%run_scoped3A_45 : memref<!tpu.dma_semaphore, #tpu.memory_space<semaphore_mem>>) src(%arg6 : memref<80x128xf32, #tpu.memory_space<vmem>>) dst(%dma_wait3A_57 : memref<10240x128xf32, #tpu.memory_space<vmem_shared>>)
      tpu.yield
    }) : () -> ()
    %barrier3A_40 = arith.constant 0 : index
    tpu.barrier barrier_id(%barrier3A_40)
    %mul3A_41 = arith.constant 640 : i32
    %mul3A_42 = arith.muli %arg1, %mul3A_41 : i32
    %mul3A_43 = arith.constant 640 : i32
    %mul3A_44 = arith.muli %arg1, %mul3A_43 : i32
    "tpu.region"() ({
      %run_scoped3A_45 = tpu.sem_alloc : memref<!tpu.dma_semaphore, #tpu.memory_space<semaphore_mem>>
      %dma_start3A_46 = arith.constant 0 : i32
      %dma_start3A_47 = tpu.memref_slice %arg4[%arg0, %mul3A_44, %dma_start3A_46] : memref<2x10240x128xf32, #tpu.memory_space<hbm>> -> memref<1x640x128xf32, #tpu.memory_space<hbm>>
      %dma_start3A_48 = tpu.memref_squeeze %dma_start3A_47 : memref<1x640x128xf32, #tpu.memory_space<hbm>> -> memref<640x128xf32, #tpu.memory_space<hbm>>
      %dma_start3A_49 = arith.constant 0 : i32
      %dma_start3A_50 = tpu.memref_slice %arg8[%mul3A_42, %dma_start3A_49] : memref<10240x128xf32, #tpu.memory_space<vmem_shared>> -> memref<640x128xf32, #tpu.memory_space<vmem_shared>>
      tpu.enqueue_dma source(%dma_start3A_50 : memref<640x128xf32, #tpu.memory_space<vmem_shared>>) target(%dma_start3A_48 : memref<640x128xf32, #tpu.memory_space<hbm>>) target_semaphore(%run_scoped3A_45 : memref<!tpu.dma_semaphore, #tpu.memory_space<semaphore_mem>>)
      %dma_wait3A_51 = arith.constant 0 : i32
      %dma_wait3A_52 = tpu.memref_slice %arg4[%arg0, %mul3A_44, %dma_wait3A_51] : memref<2x10240x128xf32, #tpu.memory_space<hbm>> -> memref<1x640x128xf32, #tpu.memory_space<hbm>>
      %dma_wait3A_53 = tpu.memref_squeeze %dma_wait3A_52 : memref<1x640x128xf32, #tpu.memory_space<hbm>> -> memref<640x128xf32, #tpu.memory_space<hbm>>
      %dma_wait3A_54 = arith.constant 0 : i32
      %dma_wait3A_55 = tpu.memref_slice %arg8[%mul3A_42, %dma_wait3A_54] : memref<10240x128xf32, #tpu.memory_space<vmem_shared>> -> memref<640x128xf32, #tpu.memory_space<vmem_shared>>
      tpu.wait_dma2 semaphore(%run_scoped3A_45 : memref<!tpu.dma_semaphore, #tpu.memory_space<semaphore_mem>>) src(%dma_wait3A_55 : memref<640x128xf32, #tpu.memory_space<vmem_shared>>) dst(%dma_wait3A_53 : memref<640x128xf32, #tpu.memory_space<hbm>>)
      tpu.yield
    }) : () -> ()
    return
  }
}

#map = affine_map<(d0, d1) -> (0)>
#map1 = affine_map<(d0, d1) -> (0, 0)>
#map2 = affine_map<(d0, d1) -> (0, 0, 0)>
module attributes {stable_mosaic.version = 14 : i64} {
  func.func @_sc_msg(%arg0: i32, %arg1: i32, %arg2: memref<320000xi32, #tpu.memory_space<hbm>>, %arg3: memref<320000xi32, #tpu.memory_space<hbm>>, %arg4: memref<10000x128xf32, #tpu.memory_space<hbm>>, %arg5: memref<2x10240x128xf32, #tpu.memory_space<hbm>>, %arg6: memref<2x80xi32, #tpu.memory_space<vmem>>, %arg7: memref<2x80xi32, #tpu.memory_space<vmem>>, %arg8: memref<2x80x128xf32, #tpu.memory_space<vmem>>, %arg9: memref<64x128xf32, #tpu.memory_space<vmem>>, %arg10: memref<10240x128xf32, #tpu.memory_space<vmem_shared>>, %arg11: memref<!tpu.dma_semaphore, #tpu.memory_space<semaphore_mem>>, %arg12: memref<!tpu.dma_semaphore, #tpu.memory_space<semaphore_mem>>, %arg13: memref<!tpu.dma_semaphore, #tpu.memory_space<semaphore_mem>>, %arg14: memref<!tpu.dma_semaphore, #tpu.memory_space<semaphore_mem>>) attributes {dimension_semantics = [#tpu.dimension_semantics<core_parallel>, #tpu.dimension_semantics<subcore_parallel>], iteration_bounds = array<i64: 2, 16>, scalar_prefetch = 0 : i64, scratch_operands = 9 : i64, tpu.core_type = #tpu.core_type<sc_vector_subcore>, window_params = [{transform_indices = #map}, {transform_indices = #map}, {transform_indices = #map1}, {transform_indices = #map2}]} {
    %mul3A = arith.constant 16 : i32
    %mul3A_0 = arith.muli %arg0, %mul3A : i32
    %add3A = arith.addi %mul3A_0, %arg1 : i32
    %scan3A = arith.constant 0 : i32
    %scan3A_1 = arith.constant 0 : i32
    %scan3A_2 = arith.constant 64 : i32
    %scan3A_3 = arith.addi %scan3A_1, %scan3A_2 : i32
    %scan3A_4 = arith.constant 1 : i32
    scf.for %scan3A_116 = %scan3A_1 to %scan3A_3 step %scan3A_4  : i32 {
      %broadcast_in_dim3A = arith.constant 0.000000e+00 : f32
      %broadcast_in_dim3A_117 = vector.broadcast %broadcast_in_dim3A : f32 to vector<16xf32>
      %swap3A = arith.index_cast %scan3A_116 : i32 to index
      %swap3A_118 = arith.constant 0 : index
      %swap3A_119 = tpu.vector_load %arg9[%swap3A, %swap3A_118] {strides = array<i32>} : memref<64x128xf32, #tpu.memory_space<vmem>>, vector<1x16xf32>,
      %swap3A_120 = vector.shape_cast %swap3A_119 : vector<1x16xf32> to vector<16xf32>
      %swap3A_121 = vector.shape_cast %broadcast_in_dim3A_117 : vector<16xf32> to vector<1x16xf32>
      tpu.vector_store %arg9[%swap3A, %swap3A_118], %swap3A_121 {strides = array<i32>} : memref<64x128xf32, #tpu.memory_space<vmem>>, vector<1x16xf32>,
      %broadcast_in_dim3A_122 = arith.constant 0.000000e+00 : f32
      %broadcast_in_dim3A_123 = vector.broadcast %broadcast_in_dim3A_122 : f32 to vector<16xf32>
      %swap3A_124 = arith.index_cast %scan3A_116 : i32 to index
      %swap3A_125 = arith.constant 16 : index
      %swap3A_126 = tpu.vector_load %arg9[%swap3A_124, %swap3A_125] {strides = array<i32>} : memref<64x128xf32, #tpu.memory_space<vmem>>, vector<1x16xf32>,
      %swap3A_127 = vector.shape_cast %swap3A_126 : vector<1x16xf32> to vector<16xf32>
      %swap3A_128 = vector.shape_cast %broadcast_in_dim3A_123 : vector<16xf32> to vector<1x16xf32>
      tpu.vector_store %arg9[%swap3A_124, %swap3A_125], %swap3A_128 {strides = array<i32>} : memref<64x128xf32, #tpu.memory_space<vmem>>, vector<1x16xf32>,
      %broadcast_in_dim3A_129 = arith.constant 0.000000e+00 : f32
      %broadcast_in_dim3A_130 = vector.broadcast %broadcast_in_dim3A_129 : f32 to vector<16xf32>
      %swap3A_131 = arith.index_cast %scan3A_116 : i32 to index
      %swap3A_132 = arith.constant 32 : index
      %swap3A_133 = tpu.vector_load %arg9[%swap3A_131, %swap3A_132] {strides = array<i32>} : memref<64x128xf32, #tpu.memory_space<vmem>>, vector<1x16xf32>,
      %swap3A_134 = vector.shape_cast %swap3A_133 : vector<1x16xf32> to vector<16xf32>
      %swap3A_135 = vector.shape_cast %broadcast_in_dim3A_130 : vector<16xf32> to vector<1x16xf32>
      tpu.vector_store %arg9[%swap3A_131, %swap3A_132], %swap3A_135 {strides = array<i32>} : memref<64x128xf32, #tpu.memory_space<vmem>>, vector<1x16xf32>,
      %broadcast_in_dim3A_136 = arith.constant 0.000000e+00 : f32
      %broadcast_in_dim3A_137 = vector.broadcast %broadcast_in_dim3A_136 : f32 to vector<16xf32>
      %swap3A_138 = arith.index_cast %scan3A_116 : i32 to index
      %swap3A_139 = arith.constant 48 : index
      %swap3A_140 = tpu.vector_load %arg9[%swap3A_138, %swap3A_139] {strides = array<i32>} : memref<64x128xf32, #tpu.memory_space<vmem>>, vector<1x16xf32>,
      %swap3A_141 = vector.shape_cast %swap3A_140 : vector<1x16xf32> to vector<16xf32>
      %swap3A_142 = vector.shape_cast %broadcast_in_dim3A_137 : vector<16xf32> to vector<1x16xf32>
      tpu.vector_store %arg9[%swap3A_138, %swap3A_139], %swap3A_142 {strides = array<i32>} : memref<64x128xf32, #tpu.memory_space<vmem>>, vector<1x16xf32>,
      %broadcast_in_dim3A_143 = arith.constant 0.000000e+00 : f32
      %broadcast_in_dim3A_144 = vector.broadcast %broadcast_in_dim3A_143 : f32 to vector<16xf32>
      %swap3A_145 = arith.index_cast %scan3A_116 : i32 to index
      %swap3A_146 = arith.constant 64 : index
      %swap3A_147 = tpu.vector_load %arg9[%swap3A_145, %swap3A_146] {strides = array<i32>} : memref<64x128xf32, #tpu.memory_space<vmem>>, vector<1x16xf32>,
      %swap3A_148 = vector.shape_cast %swap3A_147 : vector<1x16xf32> to vector<16xf32>
      %swap3A_149 = vector.shape_cast %broadcast_in_dim3A_144 : vector<16xf32> to vector<1x16xf32>
      tpu.vector_store %arg9[%swap3A_145, %swap3A_146], %swap3A_149 {strides = array<i32>} : memref<64x128xf32, #tpu.memory_space<vmem>>, vector<1x16xf32>,
      %broadcast_in_dim3A_150 = arith.constant 0.000000e+00 : f32
      %broadcast_in_dim3A_151 = vector.broadcast %broadcast_in_dim3A_150 : f32 to vector<16xf32>
      %swap3A_152 = arith.index_cast %scan3A_116 : i32 to index
      %swap3A_153 = arith.constant 80 : index
      %swap3A_154 = tpu.vector_load %arg9[%swap3A_152, %swap3A_153] {strides = array<i32>} : memref<64x128xf32, #tpu.memory_space<vmem>>, vector<1x16xf32>,
      %swap3A_155 = vector.shape_cast %swap3A_154 : vector<1x16xf32> to vector<16xf32>
      %swap3A_156 = vector.shape_cast %broadcast_in_dim3A_151 : vector<16xf32> to vector<1x16xf32>
      tpu.vector_store %arg9[%swap3A_152, %swap3A_153], %swap3A_156 {strides = array<i32>} : memref<64x128xf32, #tpu.memory_space<vmem>>, vector<1x16xf32>,
      %broadcast_in_dim3A_157 = arith.constant 0.000000e+00 : f32
      %broadcast_in_dim3A_158 = vector.broadcast %broadcast_in_dim3A_157 : f32 to vector<16xf32>
      %swap3A_159 = arith.index_cast %scan3A_116 : i32 to index
      %swap3A_160 = arith.constant 96 : index
      %swap3A_161 = tpu.vector_load %arg9[%swap3A_159, %swap3A_160] {strides = array<i32>} : memref<64x128xf32, #tpu.memory_space<vmem>>, vector<1x16xf32>,
      %swap3A_162 = vector.shape_cast %swap3A_161 : vector<1x16xf32> to vector<16xf32>
      %swap3A_163 = vector.shape_cast %broadcast_in_dim3A_158 : vector<16xf32> to vector<1x16xf32>
      tpu.vector_store %arg9[%swap3A_159, %swap3A_160], %swap3A_163 {strides = array<i32>} : memref<64x128xf32, #tpu.memory_space<vmem>>, vector<1x16xf32>,
      %broadcast_in_dim3A_164 = arith.constant 0.000000e+00 : f32
      %broadcast_in_dim3A_165 = vector.broadcast %broadcast_in_dim3A_164 : f32 to vector<16xf32>
      %swap3A_166 = arith.index_cast %scan3A_116 : i32 to index
      %swap3A_167 = arith.constant 112 : index
      %swap3A_168 = tpu.vector_load %arg9[%swap3A_166, %swap3A_167] {strides = array<i32>} : memref<64x128xf32, #tpu.memory_space<vmem>>, vector<1x16xf32>,
      %swap3A_169 = vector.shape_cast %swap3A_168 : vector<1x16xf32> to vector<16xf32>
      %swap3A_170 = vector.shape_cast %broadcast_in_dim3A_165 : vector<16xf32> to vector<1x16xf32>
      tpu.vector_store %arg9[%swap3A_166, %swap3A_167], %swap3A_170 {strides = array<i32>} : memref<64x128xf32, #tpu.memory_space<vmem>>, vector<1x16xf32>,
    }
    %scan3A_5 = arith.constant 64 : i32
    %scan3A_6 = arith.constant 0 : i32
    %scan3A_7 = arith.constant 0 : i32
    %scan3A_8 = arith.constant 10 : i32
    %scan3A_9 = arith.addi %scan3A_7, %scan3A_8 : i32
    %scan3A_10 = arith.constant 1 : i32
    scf.for %scan3A_116 = %scan3A_7 to %scan3A_9 step %scan3A_10  : i32 {
      %mul3A_117 = arith.constant 640 : i32
      %mul3A_118 = arith.muli %arg1, %mul3A_117 : i32
      %mul3A_119 = arith.constant 64 : i32
      %mul3A_120 = arith.muli %scan3A_116, %mul3A_119 : i32
      %add3A_121 = arith.addi %mul3A_118, %mul3A_120 : i32
      "tpu.region"() ({
        %run_scoped3A_122 = tpu.sem_alloc : memref<!tpu.dma_semaphore, #tpu.memory_space<semaphore_mem>>
        %dma_start3A_123 = arith.constant 0 : i32
        %dma_start3A_124 = tpu.memref_slice %arg10[%add3A_121, %dma_start3A_123] : memref<10240x128xf32, #tpu.memory_space<vmem_shared>> -> memref<64x128xf32, #tpu.memory_space<vmem_shared>>
        %dma_start3A_125 = arith.constant 0 : i32
        %dma_start3A_126 = tpu.memref_slice %arg10[%add3A_121, %dma_start3A_125] : memref<10240x128xf32, #tpu.memory_space<vmem_shared>> -> memref<64x128xf32, #tpu.memory_space<vmem_shared>>
        tpu.enqueue_dma source(%arg9 : memref<64x128xf32, #tpu.memory_space<vmem>>) target(%dma_start3A_126 : memref<64x128xf32, #tpu.memory_space<vmem_shared>>) target_semaphore(%run_scoped3A_122 : memref<!tpu.dma_semaphore, #tpu.memory_space<semaphore_mem>>)
        %dma_wait3A_127 = arith.constant 0 : i32
        %dma_wait3A_128 = tpu.memref_slice %arg10[%add3A_121, %dma_wait3A_127] : memref<10240x128xf32, #tpu.memory_space<vmem_shared>> -> memref<64x128xf32, #tpu.memory_space<vmem_shared>>
        %dma_wait3A_129 = arith.constant 0 : i32
        %dma_wait3A_130 = tpu.memref_slice %arg10[%add3A_121, %dma_wait3A_129] : memref<10240x128xf32, #tpu.memory_space<vmem_shared>> -> memref<64x128xf32, #tpu.memory_space<vmem_shared>>
        tpu.wait_dma2 semaphore(%run_scoped3A_122 : memref<!tpu.dma_semaphore, #tpu.memory_space<semaphore_mem>>) src(%arg9 : memref<64x128xf32, #tpu.memory_space<vmem>>) dst(%dma_wait3A_130 : memref<64x128xf32, #tpu.memory_space<vmem_shared>>)
        tpu.yield
      }) : () -> ()
    }
    %scan3A_11 = arith.constant 10 : i32
    %barrier3A = arith.constant 0 : index
    tpu.barrier barrier_id(%barrier3A)
    %mul3A_12 = arith.constant 10000 : i32
    %mul3A_13 = arith.muli %add3A, %mul3A_12 : i32
    %add3A_14 = arith.constant 0 : i32
    %add3A_15 = arith.addi %mul3A_13, %add3A_14 : i32
    %multiple_of3A = tpu.assume_multiple %add3A_15, 8 : i32
    %dma_start3A = arith.constant 0 : i32
    %dma_start3A_16 = arith.constant 0 : i32
    %dma_start3A_17 = tpu.memref_slice %arg6[%dma_start3A, %dma_start3A_16] : memref<2x80xi32, #tpu.memory_space<vmem>> -> memref<1x80xi32, #tpu.memory_space<vmem>>
    %dma_start3A_18 = tpu.memref_squeeze %dma_start3A_17 : memref<1x80xi32, #tpu.memory_space<vmem>> -> memref<80xi32, #tpu.memory_space<vmem>>
    %dma_start3A_19 = tpu.memref_slice %arg2[%multiple_of3A] : memref<320000xi32, #tpu.memory_space<hbm>> -> memref<80xi32, #tpu.memory_space<hbm>>
    %dma_start3A_20 = arith.constant 0 : i32
    %dma_start3A_21 = tpu.memref_slice %arg6[%dma_start3A, %dma_start3A_20] : memref<2x80xi32, #tpu.memory_space<vmem>> -> memref<1x80xi32, #tpu.memory_space<vmem>>
    %dma_start3A_22 = tpu.memref_squeeze %dma_start3A_21 : memref<1x80xi32, #tpu.memory_space<vmem>> -> memref<80xi32, #tpu.memory_space<vmem>>
    %dma_start3A_23 = tpu.memref_slice %arg2[%multiple_of3A] : memref<320000xi32, #tpu.memory_space<hbm>> -> memref<80xi32, #tpu.memory_space<hbm>>
    tpu.enqueue_dma source(%dma_start3A_23 : memref<80xi32, #tpu.memory_space<hbm>>) target(%dma_start3A_22 : memref<80xi32, #tpu.memory_space<vmem>>) target_semaphore(%arg11 : memref<!tpu.dma_semaphore, #tpu.memory_space<semaphore_mem>>)
    %dma_start3A_24 = arith.constant 0 : i32
    %dma_start3A_25 = arith.constant 0 : i32
    %dma_start3A_26 = tpu.memref_slice %arg7[%dma_start3A_24, %dma_start3A_25] : memref<2x80xi32, #tpu.memory_space<vmem>> -> memref<1x80xi32, #tpu.memory_space<vmem>>
    %dma_start3A_27 = tpu.memref_squeeze %dma_start3A_26 : memref<1x80xi32, #tpu.memory_space<vmem>> -> memref<80xi32, #tpu.memory_space<vmem>>
    %dma_start3A_28 = tpu.memref_slice %arg3[%multiple_of3A] : memref<320000xi32, #tpu.memory_space<hbm>> -> memref<80xi32, #tpu.memory_space<hbm>>
    %dma_start3A_29 = arith.constant 0 : i32
    %dma_start3A_30 = tpu.memref_slice %arg7[%dma_start3A_24, %dma_start3A_29] : memref<2x80xi32, #tpu.memory_space<vmem>> -> memref<1x80xi32, #tpu.memory_space<vmem>>
    %dma_start3A_31 = tpu.memref_squeeze %dma_start3A_30 : memref<1x80xi32, #tpu.memory_space<vmem>> -> memref<80xi32, #tpu.memory_space<vmem>>
    %dma_start3A_32 = tpu.memref_slice %arg3[%multiple_of3A] : memref<320000xi32, #tpu.memory_space<hbm>> -> memref<80xi32, #tpu.memory_space<hbm>>
    tpu.enqueue_dma source(%dma_start3A_32 : memref<80xi32, #tpu.memory_space<hbm>>) target(%dma_start3A_31 : memref<80xi32, #tpu.memory_space<vmem>>) target_semaphore(%arg11 : memref<!tpu.dma_semaphore, #tpu.memory_space<semaphore_mem>>)
    %dma_wait3A = arith.constant 0 : i32
    %dma_wait3A_33 = arith.constant 0 : i32
    %dma_wait3A_34 = tpu.memref_slice %arg6[%dma_wait3A, %dma_wait3A_33] : memref<2x80xi32, #tpu.memory_space<vmem>> -> memref<1x80xi32, #tpu.memory_space<vmem>>
    %dma_wait3A_35 = tpu.memref_squeeze %dma_wait3A_34 : memref<1x80xi32, #tpu.memory_space<vmem>> -> memref<80xi32, #tpu.memory_space<vmem>>
    %dma_wait3A_36 = arith.constant 0 : i32
    %dma_wait3A_37 = tpu.memref_slice %arg2[%dma_wait3A_36] : memref<320000xi32, #tpu.memory_space<hbm>> -> memref<80xi32, #tpu.memory_space<hbm>>
    %dma_wait3A_38 = arith.constant 0 : i32
    %dma_wait3A_39 = tpu.memref_slice %arg6[%dma_wait3A, %dma_wait3A_38] : memref<2x80xi32, #tpu.memory_space<vmem>> -> memref<1x80xi32, #tpu.memory_space<vmem>>
    %dma_wait3A_40 = tpu.memref_squeeze %dma_wait3A_39 : memref<1x80xi32, #tpu.memory_space<vmem>> -> memref<80xi32, #tpu.memory_space<vmem>>
    %dma_wait3A_41 = arith.constant 0 : i32
    %dma_wait3A_42 = tpu.memref_slice %arg2[%dma_wait3A_41] : memref<320000xi32, #tpu.memory_space<hbm>> -> memref<80xi32, #tpu.memory_space<hbm>>
    tpu.wait_dma2 semaphore(%arg11 : memref<!tpu.dma_semaphore, #tpu.memory_space<semaphore_mem>>) src(%dma_wait3A_42 : memref<80xi32, #tpu.memory_space<hbm>>) dst(%dma_wait3A_40 : memref<80xi32, #tpu.memory_space<vmem>>)
    %dma_wait3A_43 = arith.constant 0 : i32
    %dma_wait3A_44 = arith.constant 0 : i32
    %dma_wait3A_45 = tpu.memref_slice %arg7[%dma_wait3A_43, %dma_wait3A_44] : memref<2x80xi32, #tpu.memory_space<vmem>> -> memref<1x80xi32, #tpu.memory_space<vmem>>
    %dma_wait3A_46 = tpu.memref_squeeze %dma_wait3A_45 : memref<1x80xi32, #tpu.memory_space<vmem>> -> memref<80xi32, #tpu.memory_space<vmem>>
    %dma_wait3A_47 = arith.constant 0 : i32
    %dma_wait3A_48 = tpu.memref_slice %arg3[%dma_wait3A_47] : memref<320000xi32, #tpu.memory_space<hbm>> -> memref<80xi32, #tpu.memory_space<hbm>>
    %dma_wait3A_49 = arith.constant 0 : i32
    %dma_wait3A_50 = tpu.memref_slice %arg7[%dma_wait3A_43, %dma_wait3A_49] : memref<2x80xi32, #tpu.memory_space<vmem>> -> memref<1x80xi32, #tpu.memory_space<vmem>>
    %dma_wait3A_51 = tpu.memref_squeeze %dma_wait3A_50 : memref<1x80xi32, #tpu.memory_space<vmem>> -> memref<80xi32, #tpu.memory_space<vmem>>
    %dma_wait3A_52 = arith.constant 0 : i32
    %dma_wait3A_53 = tpu.memref_slice %arg3[%dma_wait3A_52] : memref<320000xi32, #tpu.memory_space<hbm>> -> memref<80xi32, #tpu.memory_space<hbm>>
    tpu.wait_dma2 semaphore(%arg11 : memref<!tpu.dma_semaphore, #tpu.memory_space<semaphore_mem>>) src(%dma_wait3A_53 : memref<80xi32, #tpu.memory_space<hbm>>) dst(%dma_wait3A_51 : memref<80xi32, #tpu.memory_space<vmem>>)
    %dma_start3A_54 = arith.constant 0 : i32
    %dma_start3A_55 = arith.constant 0 : i32
    %dma_start3A_56 = arith.constant 0 : i32
    %dma_start3A_57 = arith.constant 0 : i32
    %dma_start3A_58 = tpu.memref_slice %arg8[%dma_start3A_55, %dma_start3A_56, %dma_start3A_57] : memref<2x80x128xf32, #tpu.memory_space<vmem>> -> memref<1x80x128xf32, #tpu.memory_space<vmem>>
    %dma_start3A_59 = tpu.memref_squeeze %dma_start3A_58 : memref<1x80x128xf32, #tpu.memory_space<vmem>> -> memref<80x128xf32, #tpu.memory_space<vmem>>
    %dma_start3A_60 = arith.constant 0 : i32
    %dma_start3A_61 = tpu.memref_slice %arg6[%dma_start3A_54, %dma_start3A_60] : memref<2x80xi32, #tpu.memory_space<vmem>> -> memref<1x80xi32, #tpu.memory_space<vmem>>
    %dma_start3A_62 = tpu.memref_squeeze %dma_start3A_61 : memref<1x80xi32, #tpu.memory_space<vmem>> -> memref<80xi32, #tpu.memory_space<vmem>>
    %dma_start3A_63 = arith.constant 0 : i32
    %dma_start3A_64 = arith.constant 0 : i32
    %dma_start3A_65 = tpu.memref_slice %arg4[%dma_start3A_63, %dma_start3A_64] : memref<10000x128xf32, #tpu.memory_space<hbm>> -> memref<10000x128xf32, #tpu.memory_space<hbm>>
    tpu.enqueue_indirect_dma source(%dma_start3A_65 : memref<10000x128xf32, #tpu.memory_space<hbm>>) target(%dma_start3A_59 : memref<80x128xf32, #tpu.memory_space<vmem>>) offsets(%dma_start3A_62 : memref<80xi32, #tpu.memory_space<vmem>>) semaphore(%arg13 : memref<!tpu.dma_semaphore, #tpu.memory_space<semaphore_mem>>)
    %mul3A_66 = arith.constant 10000 : i32
    %mul3A_67 = arith.muli %add3A, %mul3A_66 : i32
    %add3A_68 = arith.constant 80 : i32
    %add3A_69 = arith.addi %mul3A_67, %add3A_68 : i32
    %multiple_of3A_70 = tpu.assume_multiple %add3A_69, 8 : i32
    %dma_start3A_71 = arith.constant 1 : i32
    %dma_start3A_72 = arith.constant 0 : i32
    %dma_start3A_73 = tpu.memref_slice %arg6[%dma_start3A_71, %dma_start3A_72] : memref<2x80xi32, #tpu.memory_space<vmem>> -> memref<1x80xi32, #tpu.memory_space<vmem>>
    %dma_start3A_74 = tpu.memref_squeeze %dma_start3A_73 : memref<1x80xi32, #tpu.memory_space<vmem>> -> memref<80xi32, #tpu.memory_space<vmem>>
    %dma_start3A_75 = tpu.memref_slice %arg2[%multiple_of3A_70] : memref<320000xi32, #tpu.memory_space<hbm>> -> memref<80xi32, #tpu.memory_space<hbm>>
    %dma_start3A_76 = arith.constant 0 : i32
    %dma_start3A_77 = tpu.memref_slice %arg6[%dma_start3A_71, %dma_start3A_76] : memref<2x80xi32, #tpu.memory_space<vmem>> -> memref<1x80xi32, #tpu.memory_space<vmem>>
    %dma_start3A_78 = tpu.memref_squeeze %dma_start3A_77 : memref<1x80xi32, #tpu.memory_space<vmem>> -> memref<80xi32, #tpu.memory_space<vmem>>
    %dma_start3A_79 = tpu.memref_slice %arg2[%multiple_of3A_70] : memref<320000xi32, #tpu.memory_space<hbm>> -> memref<80xi32, #tpu.memory_space<hbm>>
    tpu.enqueue_dma source(%dma_start3A_79 : memref<80xi32, #tpu.memory_space<hbm>>) target(%dma_start3A_78 : memref<80xi32, #tpu.memory_space<vmem>>) target_semaphore(%arg12 : memref<!tpu.dma_semaphore, #tpu.memory_space<semaphore_mem>>)
    %dma_start3A_80 = arith.constant 1 : i32
    %dma_start3A_81 = arith.constant 0 : i32
    %dma_start3A_82 = tpu.memref_slice %arg7[%dma_start3A_80, %dma_start3A_81] : memref<2x80xi32, #tpu.memory_space<vmem>> -> memref<1x80xi32, #tpu.memory_space<vmem>>
    %dma_start3A_83 = tpu.memref_squeeze %dma_start3A_82 : memref<1x80xi32, #tpu.memory_space<vmem>> -> memref<80xi32, #tpu.memory_space<vmem>>
    %dma_start3A_84 = tpu.memref_slice %arg3[%multiple_of3A_70] : memref<320000xi32, #tpu.memory_space<hbm>> -> memref<80xi32, #tpu.memory_space<hbm>>
    %dma_start3A_85 = arith.constant 0 : i32
    %dma_start3A_86 = tpu.memref_slice %arg7[%dma_start3A_80, %dma_start3A_85] : memref<2x80xi32, #tpu.memory_space<vmem>> -> memref<1x80xi32, #tpu.memory_space<vmem>>
    %dma_start3A_87 = tpu.memref_squeeze %dma_start3A_86 : memref<1x80xi32, #tpu.memory_space<vmem>> -> memref<80xi32, #tpu.memory_space<vmem>>
    %dma_start3A_88 = tpu.memref_slice %arg3[%multiple_of3A_70] : memref<320000xi32, #tpu.memory_space<hbm>> -> memref<80xi32, #tpu.memory_space<hbm>>
    tpu.enqueue_dma source(%dma_start3A_88 : memref<80xi32, #tpu.memory_space<hbm>>) target(%dma_start3A_87 : memref<80xi32, #tpu.memory_space<vmem>>) target_semaphore(%arg12 : memref<!tpu.dma_semaphore, #tpu.memory_space<semaphore_mem>>)
    %scan3A_89 = arith.constant 0 : i32
    %scan3A_90 = arith.constant 0 : i32
    %scan3A_91 = arith.constant 62 : i32
    %scan3A_92 = arith.addi %scan3A_90, %scan3A_91 : i32
    %scan3A_93 = arith.constant 1 : i32
    scf.for %scan3A_116 = %scan3A_90 to %scan3A_92 step %scan3A_93  : i32 {
      %mul3A_117 = arith.constant 2 : i32
      %mul3A_118 = arith.muli %mul3A_117, %scan3A_116 : i32
      %add3A_119 = arith.constant 1 : i32
      %add3A_120 = arith.addi %mul3A_118, %add3A_119 : i32
      %lt3A = arith.constant 125 : i32
      %lt3A_121 = arith.cmpi slt, %add3A_120, %lt3A : i32
      %convert_element_type3A = arith.extui %lt3A_121 : i1 to i32
      %cond3A = arith.constant 0 : i32
      %cond3A_122 = arith.cmpi ne, %convert_element_type3A, %cond3A : i32
      scf.if %cond3A_122 {
        %dma_wait3A_182 = arith.constant 1 : i32
        %dma_wait3A_183 = arith.constant 0 : i32
        %dma_wait3A_184 = tpu.memref_slice %arg6[%dma_wait3A_182, %dma_wait3A_183] : memref<2x80xi32, #tpu.memory_space<vmem>> -> memref<1x80xi32, #tpu.memory_space<vmem>>
        %dma_wait3A_185 = tpu.memref_squeeze %dma_wait3A_184 : memref<1x80xi32, #tpu.memory_space<vmem>> -> memref<80xi32, #tpu.memory_space<vmem>>
        %dma_wait3A_186 = arith.constant 0 : i32
        %dma_wait3A_187 = tpu.memref_slice %arg2[%dma_wait3A_186] : memref<320000xi32, #tpu.memory_space<hbm>> -> memref<80xi32, #tpu.memory_space<hbm>>
        %dma_wait3A_188 = arith.constant 0 : i32
        %dma_wait3A_189 = tpu.memref_slice %arg6[%dma_wait3A_182, %dma_wait3A_188] : memref<2x80xi32, #tpu.memory_space<vmem>> -> memref<1x80xi32, #tpu.memory_space<vmem>>
        %dma_wait3A_190 = tpu.memref_squeeze %dma_wait3A_189 : memref<1x80xi32, #tpu.memory_space<vmem>> -> memref<80xi32, #tpu.memory_space<vmem>>
        %dma_wait3A_191 = arith.constant 0 : i32
        %dma_wait3A_192 = tpu.memref_slice %arg2[%dma_wait3A_191] : memref<320000xi32, #tpu.memory_space<hbm>> -> memref<80xi32, #tpu.memory_space<hbm>>
        tpu.wait_dma2 semaphore(%arg12 : memref<!tpu.dma_semaphore, #tpu.memory_space<semaphore_mem>>) src(%dma_wait3A_192 : memref<80xi32, #tpu.memory_space<hbm>>) dst(%dma_wait3A_190 : memref<80xi32, #tpu.memory_space<vmem>>)
        %dma_wait3A_193 = arith.constant 1 : i32
        %dma_wait3A_194 = arith.constant 0 : i32
        %dma_wait3A_195 = tpu.memref_slice %arg7[%dma_wait3A_193, %dma_wait3A_194] : memref<2x80xi32, #tpu.memory_space<vmem>> -> memref<1x80xi32, #tpu.memory_space<vmem>>
        %dma_wait3A_196 = tpu.memref_squeeze %dma_wait3A_195 : memref<1x80xi32, #tpu.memory_space<vmem>> -> memref<80xi32, #tpu.memory_space<vmem>>
        %dma_wait3A_197 = arith.constant 0 : i32
        %dma_wait3A_198 = tpu.memref_slice %arg3[%dma_wait3A_197] : memref<320000xi32, #tpu.memory_space<hbm>> -> memref<80xi32, #tpu.memory_space<hbm>>
        %dma_wait3A_199 = arith.constant 0 : i32
        %dma_wait3A_200 = tpu.memref_slice %arg7[%dma_wait3A_193, %dma_wait3A_199] : memref<2x80xi32, #tpu.memory_space<vmem>> -> memref<1x80xi32, #tpu.memory_space<vmem>>
        %dma_wait3A_201 = tpu.memref_squeeze %dma_wait3A_200 : memref<1x80xi32, #tpu.memory_space<vmem>> -> memref<80xi32, #tpu.memory_space<vmem>>
        %dma_wait3A_202 = arith.constant 0 : i32
        %dma_wait3A_203 = tpu.memref_slice %arg3[%dma_wait3A_202] : memref<320000xi32, #tpu.memory_space<hbm>> -> memref<80xi32, #tpu.memory_space<hbm>>
        tpu.wait_dma2 semaphore(%arg12 : memref<!tpu.dma_semaphore, #tpu.memory_space<semaphore_mem>>) src(%dma_wait3A_203 : memref<80xi32, #tpu.memory_space<hbm>>) dst(%dma_wait3A_201 : memref<80xi32, #tpu.memory_space<vmem>>)
        %dma_start3A_204 = arith.constant 1 : i32
        %dma_start3A_205 = arith.constant 1 : i32
        %dma_start3A_206 = arith.constant 0 : i32
        %dma_start3A_207 = arith.constant 0 : i32
        %dma_start3A_208 = tpu.memref_slice %arg8[%dma_start3A_205, %dma_start3A_206, %dma_start3A_207] : memref<2x80x128xf32, #tpu.memory_space<vmem>> -> memref<1x80x128xf32, #tpu.memory_space<vmem>>
        %dma_start3A_209 = tpu.memref_squeeze %dma_start3A_208 : memref<1x80x128xf32, #tpu.memory_space<vmem>> -> memref<80x128xf32, #tpu.memory_space<vmem>>
        %dma_start3A_210 = arith.constant 0 : i32
        %dma_start3A_211 = tpu.memref_slice %arg6[%dma_start3A_204, %dma_start3A_210] : memref<2x80xi32, #tpu.memory_space<vmem>> -> memref<1x80xi32, #tpu.memory_space<vmem>>
        %dma_start3A_212 = tpu.memref_squeeze %dma_start3A_211 : memref<1x80xi32, #tpu.memory_space<vmem>> -> memref<80xi32, #tpu.memory_space<vmem>>
        %dma_start3A_213 = arith.constant 0 : i32
        %dma_start3A_214 = arith.constant 0 : i32
        %dma_start3A_215 = tpu.memref_slice %arg4[%dma_start3A_213, %dma_start3A_214] : memref<10000x128xf32, #tpu.memory_space<hbm>> -> memref<10000x128xf32, #tpu.memory_space<hbm>>
        tpu.enqueue_indirect_dma source(%dma_start3A_215 : memref<10000x128xf32, #tpu.memory_space<hbm>>) target(%dma_start3A_209 : memref<80x128xf32, #tpu.memory_space<vmem>>) offsets(%dma_start3A_212 : memref<80xi32, #tpu.memory_space<vmem>>) semaphore(%arg14 : memref<!tpu.dma_semaphore, #tpu.memory_space<semaphore_mem>>)
      } else {
      }
      %dma_wait3A_123 = arith.constant 0 : i32
      %dma_wait3A_124 = arith.constant 0 : i32
      %dma_wait3A_125 = arith.constant 0 : i32
      %dma_wait3A_126 = tpu.memref_slice %arg8[%dma_wait3A_123, %dma_wait3A_124, %dma_wait3A_125] : memref<2x80x128xf32, #tpu.memory_space<vmem>> -> memref<1x80x128xf32, #tpu.memory_space<vmem>>
      %dma_wait3A_127 = tpu.memref_squeeze %dma_wait3A_126 : memref<1x80x128xf32, #tpu.memory_space<vmem>> -> memref<80x128xf32, #tpu.memory_space<vmem>>
      %dma_wait3A_128 = arith.constant 0 : i32
      %dma_wait3A_129 = arith.constant 0 : i32
      %dma_wait3A_130 = tpu.memref_slice %arg4[%dma_wait3A_128, %dma_wait3A_129] : memref<10000x128xf32, #tpu.memory_space<hbm>> -> memref<80x128xf32, #tpu.memory_space<hbm>>
      %dma_wait3A_131 = arith.constant 0 : i32
      %dma_wait3A_132 = arith.constant 0 : i32
      %dma_wait3A_133 = tpu.memref_slice %arg8[%dma_wait3A_123, %dma_wait3A_131, %dma_wait3A_132] : memref<2x80x128xf32, #tpu.memory_space<vmem>> -> memref<1x80x128xf32, #tpu.memory_space<vmem>>
      %dma_wait3A_134 = tpu.memref_squeeze %dma_wait3A_133 : memref<1x80x128xf32, #tpu.memory_space<vmem>> -> memref<80x128xf32, #tpu.memory_space<vmem>>
      %dma_wait3A_135 = arith.constant 0 : i32
      %dma_wait3A_136 = arith.constant 0 : i32
      %dma_wait3A_137 = tpu.memref_slice %arg4[%dma_wait3A_135, %dma_wait3A_136] : memref<10000x128xf32, #tpu.memory_space<hbm>> -> memref<80x128xf32, #tpu.memory_space<hbm>>
      tpu.wait_dma2 semaphore(%arg13 : memref<!tpu.dma_semaphore, #tpu.memory_space<semaphore_mem>>) src(%dma_wait3A_137 : memref<80x128xf32, #tpu.memory_space<hbm>>) dst(%dma_wait3A_134 : memref<80x128xf32, #tpu.memory_space<vmem>>)
      %run_scoped3A_138 = arith.constant 0 : i32
      %run_scoped3A_139 = arith.constant 0 : i32
      "tpu.region"() ({
        %run_scoped3A_182 = tpu.sem_alloc : memref<!tpu.dma_semaphore, #tpu.memory_space<semaphore_mem>>
        %dma_start3A_183 = arith.constant 0 : i32
        %dma_start3A_184 = arith.constant 0 : i32
        %dma_start3A_185 = tpu.memref_slice %arg8[%run_scoped3A_138, %dma_start3A_183, %dma_start3A_184] : memref<2x80x128xf32, #tpu.memory_space<vmem>> -> memref<1x80x128xf32, #tpu.memory_space<vmem>>
        %dma_start3A_186 = tpu.memref_squeeze %dma_start3A_185 : memref<1x80x128xf32, #tpu.memory_space<vmem>> -> memref<80x128xf32, #tpu.memory_space<vmem>>
        %dma_start3A_187 = arith.constant 0 : i32
        %dma_start3A_188 = tpu.memref_slice %arg7[%run_scoped3A_139, %dma_start3A_187] : memref<2x80xi32, #tpu.memory_space<vmem>> -> memref<1x80xi32, #tpu.memory_space<vmem>>
        %dma_start3A_189 = tpu.memref_squeeze %dma_start3A_188 : memref<1x80xi32, #tpu.memory_space<vmem>> -> memref<80xi32, #tpu.memory_space<vmem>>
        %dma_start3A_190 = arith.constant 0 : i32
        %dma_start3A_191 = arith.constant 0 : i32
        %dma_start3A_192 = tpu.memref_slice %arg10[%dma_start3A_190, %dma_start3A_191] : memref<10240x128xf32, #tpu.memory_space<vmem_shared>> -> memref<10240x128xf32, #tpu.memory_space<vmem_shared>>
        tpu.enqueue_indirect_dma source(%dma_start3A_186 : memref<80x128xf32, #tpu.memory_space<vmem>>) target(%dma_start3A_192 : memref<10240x128xf32, #tpu.memory_space<vmem_shared>>) offsets(%dma_start3A_189 : memref<80xi32, #tpu.memory_space<vmem>>) semaphore(%run_scoped3A_182 : memref<!tpu.dma_semaphore, #tpu.memory_space<semaphore_mem>>) {add = true}
        %dma_wait3A_193 = arith.constant 0 : i32
        %dma_wait3A_194 = arith.constant 0 : i32
        %dma_wait3A_195 = tpu.memref_slice %arg8[%run_scoped3A_138, %dma_wait3A_193, %dma_wait3A_194] : memref<2x80x128xf32, #tpu.memory_space<vmem>> -> memref<1x80x128xf32, #tpu.memory_space<vmem>>
        %dma_wait3A_196 = tpu.memref_squeeze %dma_wait3A_195 : memref<1x80x128xf32, #tpu.memory_space<vmem>> -> memref<80x128xf32, #tpu.memory_space<vmem>>
        %dma_wait3A_197 = arith.constant 0 : i32
        %dma_wait3A_198 = tpu.memref_slice %arg7[%run_scoped3A_139, %dma_wait3A_197] : memref<2x80xi32, #tpu.memory_space<vmem>> -> memref<1x80xi32, #tpu.memory_space<vmem>>
        %dma_wait3A_199 = tpu.memref_squeeze %dma_wait3A_198 : memref<1x80xi32, #tpu.memory_space<vmem>> -> memref<80xi32, #tpu.memory_space<vmem>>
        %dma_wait3A_200 = arith.constant 0 : i32
        %dma_wait3A_201 = arith.constant 0 : i32
        %dma_wait3A_202 = tpu.memref_slice %arg10[%dma_wait3A_200, %dma_wait3A_201] : memref<10240x128xf32, #tpu.memory_space<vmem_shared>> -> memref<10240x128xf32, #tpu.memory_space<vmem_shared>>
        tpu.wait_indirect_dma semaphore(%run_scoped3A_182 : memref<!tpu.dma_semaphore, #tpu.memory_space<semaphore_mem>>) src(%dma_wait3A_196 : memref<80x128xf32, #tpu.memory_space<vmem>>) dst(%dma_wait3A_202 : memref<10240x128xf32, #tpu.memory_space<vmem_shared>>)
        tpu.yield
      }) : () -> ()
      %add3A_140 = arith.constant 2 : i32
      %add3A_141 = arith.addi %mul3A_118, %add3A_140 : i32
      %lt3A_142 = arith.constant 125 : i32
      %lt3A_143 = arith.cmpi slt, %add3A_141, %lt3A_142 : i32
      %convert_element_type3A_144 = arith.extui %lt3A_143 : i1 to i32
      %cond3A_145 = arith.constant 0 : i32
      %cond3A_146 = arith.cmpi ne, %convert_element_type3A_144, %cond3A_145 : i32
      scf.if %cond3A_146 {
        %add3A_182 = arith.constant 2 : i32
        %add3A_183 = arith.addi %mul3A_118, %add3A_182 : i32
        %mul3A_184 = arith.constant 10000 : i32
        %mul3A_185 = arith.muli %add3A, %mul3A_184 : i32
        %mul3A_186 = arith.constant 80 : i32
        %mul3A_187 = arith.muli %add3A_183, %mul3A_186 : i32
        %add3A_188 = arith.addi %mul3A_185, %mul3A_187 : i32
        %multiple_of3A_189 = tpu.assume_multiple %add3A_188, 8 : i32
        %dma_start3A_190 = arith.constant 0 : i32
        %dma_start3A_191 = arith.constant 0 : i32
        %dma_start3A_192 = tpu.memref_slice %arg6[%dma_start3A_190, %dma_start3A_191] : memref<2x80xi32, #tpu.memory_space<vmem>> -> memref<1x80xi32, #tpu.memory_space<vmem>>
        %dma_start3A_193 = tpu.memref_squeeze %dma_start3A_192 : memref<1x80xi32, #tpu.memory_space<vmem>> -> memref<80xi32, #tpu.memory_space<vmem>>
        %dma_start3A_194 = tpu.memref_slice %arg2[%multiple_of3A_189] : memref<320000xi32, #tpu.memory_space<hbm>> -> memref<80xi32, #tpu.memory_space<hbm>>
        %dma_start3A_195 = arith.constant 0 : i32
        %dma_start3A_196 = tpu.memref_slice %arg6[%dma_start3A_190, %dma_start3A_195] : memref<2x80xi32, #tpu.memory_space<vmem>> -> memref<1x80xi32, #tpu.memory_space<vmem>>
        %dma_start3A_197 = tpu.memref_squeeze %dma_start3A_196 : memref<1x80xi32, #tpu.memory_space<vmem>> -> memref<80xi32, #tpu.memory_space<vmem>>
        %dma_start3A_198 = tpu.memref_slice %arg2[%multiple_of3A_189] : memref<320000xi32, #tpu.memory_space<hbm>> -> memref<80xi32, #tpu.memory_space<hbm>>
        tpu.enqueue_dma source(%dma_start3A_198 : memref<80xi32, #tpu.memory_space<hbm>>) target(%dma_start3A_197 : memref<80xi32, #tpu.memory_space<vmem>>) target_semaphore(%arg11 : memref<!tpu.dma_semaphore, #tpu.memory_space<semaphore_mem>>)
        %dma_start3A_199 = arith.constant 0 : i32
        %dma_start3A_200 = arith.constant 0 : i32
        %dma_start3A_201 = tpu.memref_slice %arg7[%dma_start3A_199, %dma_start3A_200] : memref<2x80xi32, #tpu.memory_space<vmem>> -> memref<1x80xi32, #tpu.memory_space<vmem>>
        %dma_start3A_202 = tpu.memref_squeeze %dma_start3A_201 : memref<1x80xi32, #tpu.memory_space<vmem>> -> memref<80xi32, #tpu.memory_space<vmem>>
        %dma_start3A_203 = tpu.memref_slice %arg3[%multiple_of3A_189] : memref<320000xi32, #tpu.memory_space<hbm>> -> memref<80xi32, #tpu.memory_space<hbm>>
        %dma_start3A_204 = arith.constant 0 : i32
        %dma_start3A_205 = tpu.memref_slice %arg7[%dma_start3A_199, %dma_start3A_204] : memref<2x80xi32, #tpu.memory_space<vmem>> -> memref<1x80xi32, #tpu.memory_space<vmem>>
        %dma_start3A_206 = tpu.memref_squeeze %dma_start3A_205 : memref<1x80xi32, #tpu.memory_space<vmem>> -> memref<80xi32, #tpu.memory_space<vmem>>
        %dma_start3A_207 = tpu.memref_slice %arg3[%multiple_of3A_189] : memref<320000xi32, #tpu.memory_space<hbm>> -> memref<80xi32, #tpu.memory_space<hbm>>
        tpu.enqueue_dma source(%dma_start3A_207 : memref<80xi32, #tpu.memory_space<hbm>>) target(%dma_start3A_206 : memref<80xi32, #tpu.memory_space<vmem>>) target_semaphore(%arg11 : memref<!tpu.dma_semaphore, #tpu.memory_space<semaphore_mem>>)
      } else {
      }
      %mul3A_147 = arith.constant 2 : i32
      %mul3A_148 = arith.muli %mul3A_147, %scan3A_116 : i32
      %add3A_149 = arith.constant 1 : i32
      %add3A_150 = arith.addi %mul3A_148, %add3A_149 : i32
      %add3A_151 = arith.constant 1 : i32
      %add3A_152 = arith.addi %add3A_150, %add3A_151 : i32
      %lt3A_153 = arith.constant 125 : i32
      %lt3A_154 = arith.cmpi slt, %add3A_152, %lt3A_153 : i32
      %convert_element_type3A_155 = arith.extui %lt3A_154 : i1 to i32
      %cond3A_156 = arith.constant 0 : i32
      %cond3A_157 = arith.cmpi ne, %convert_element_type3A_155, %cond3A_156 : i32
      scf.if %cond3A_157 {
        %dma_wait3A_182 = arith.constant 0 : i32
        %dma_wait3A_183 = arith.constant 0 : i32
        %dma_wait3A_184 = tpu.memref_slice %arg6[%dma_wait3A_182, %dma_wait3A_183] : memref<2x80xi32, #tpu.memory_space<vmem>> -> memref<1x80xi32, #tpu.memory_space<vmem>>
        %dma_wait3A_185 = tpu.memref_squeeze %dma_wait3A_184 : memref<1x80xi32, #tpu.memory_space<vmem>> -> memref<80xi32, #tpu.memory_space<vmem>>
        %dma_wait3A_186 = arith.constant 0 : i32
        %dma_wait3A_187 = tpu.memref_slice %arg2[%dma_wait3A_186] : memref<320000xi32, #tpu.memory_space<hbm>> -> memref<80xi32, #tpu.memory_space<hbm>>
        %dma_wait3A_188 = arith.constant 0 : i32
        %dma_wait3A_189 = tpu.memref_slice %arg6[%dma_wait3A_182, %dma_wait3A_188] : memref<2x80xi32, #tpu.memory_space<vmem>> -> memref<1x80xi32, #tpu.memory_space<vmem>>
        %dma_wait3A_190 = tpu.memref_squeeze %dma_wait3A_189 : memref<1x80xi32, #tpu.memory_space<vmem>> -> memref<80xi32, #tpu.memory_space<vmem>>
        %dma_wait3A_191 = arith.constant 0 : i32
        %dma_wait3A_192 = tpu.memref_slice %arg2[%dma_wait3A_191] : memref<320000xi32, #tpu.memory_space<hbm>> -> memref<80xi32, #tpu.memory_space<hbm>>
        tpu.wait_dma2 semaphore(%arg11 : memref<!tpu.dma_semaphore, #tpu.memory_space<semaphore_mem>>) src(%dma_wait3A_192 : memref<80xi32, #tpu.memory_space<hbm>>) dst(%dma_wait3A_190 : memref<80xi32, #tpu.memory_space<vmem>>)
        %dma_wait3A_193 = arith.constant 0 : i32
        %dma_wait3A_194 = arith.constant 0 : i32
        %dma_wait3A_195 = tpu.memref_slice %arg7[%dma_wait3A_193, %dma_wait3A_194] : memref<2x80xi32, #tpu.memory_space<vmem>> -> memref<1x80xi32, #tpu.memory_space<vmem>>
        %dma_wait3A_196 = tpu.memref_squeeze %dma_wait3A_195 : memref<1x80xi32, #tpu.memory_space<vmem>> -> memref<80xi32, #tpu.memory_space<vmem>>
        %dma_wait3A_197 = arith.constant 0 : i32
        %dma_wait3A_198 = tpu.memref_slice %arg3[%dma_wait3A_197] : memref<320000xi32, #tpu.memory_space<hbm>> -> memref<80xi32, #tpu.memory_space<hbm>>
        %dma_wait3A_199 = arith.constant 0 : i32
        %dma_wait3A_200 = tpu.memref_slice %arg7[%dma_wait3A_193, %dma_wait3A_199] : memref<2x80xi32, #tpu.memory_space<vmem>> -> memref<1x80xi32, #tpu.memory_space<vmem>>
        %dma_wait3A_201 = tpu.memref_squeeze %dma_wait3A_200 : memref<1x80xi32, #tpu.memory_space<vmem>> -> memref<80xi32, #tpu.memory_space<vmem>>
        %dma_wait3A_202 = arith.constant 0 : i32
        %dma_wait3A_203 = tpu.memref_slice %arg3[%dma_wait3A_202] : memref<320000xi32, #tpu.memory_space<hbm>> -> memref<80xi32, #tpu.memory_space<hbm>>
        tpu.wait_dma2 semaphore(%arg11 : memref<!tpu.dma_semaphore, #tpu.memory_space<semaphore_mem>>) src(%dma_wait3A_203 : memref<80xi32, #tpu.memory_space<hbm>>) dst(%dma_wait3A_201 : memref<80xi32, #tpu.memory_space<vmem>>)
        %dma_start3A_204 = arith.constant 0 : i32
        %dma_start3A_205 = arith.constant 0 : i32
        %dma_start3A_206 = arith.constant 0 : i32
        %dma_start3A_207 = arith.constant 0 : i32
        %dma_start3A_208 = tpu.memref_slice %arg8[%dma_start3A_205, %dma_start3A_206, %dma_start3A_207] : memref<2x80x128xf32, #tpu.memory_space<vmem>> -> memref<1x80x128xf32, #tpu.memory_space<vmem>>
        %dma_start3A_209 = tpu.memref_squeeze %dma_start3A_208 : memref<1x80x128xf32, #tpu.memory_space<vmem>> -> memref<80x128xf32, #tpu.memory_space<vmem>>
        %dma_start3A_210 = arith.constant 0 : i32
        %dma_start3A_211 = tpu.memref_slice %arg6[%dma_start3A_204, %dma_start3A_210] : memref<2x80xi32, #tpu.memory_space<vmem>> -> memref<1x80xi32, #tpu.memory_space<vmem>>
        %dma_start3A_212 = tpu.memref_squeeze %dma_start3A_211 : memref<1x80xi32, #tpu.memory_space<vmem>> -> memref<80xi32, #tpu.memory_space<vmem>>
        %dma_start3A_213 = arith.constant 0 : i32
        %dma_start3A_214 = arith.constant 0 : i32
        %dma_start3A_215 = tpu.memref_slice %arg4[%dma_start3A_213, %dma_start3A_214] : memref<10000x128xf32, #tpu.memory_space<hbm>> -> memref<10000x128xf32, #tpu.memory_space<hbm>>
        tpu.enqueue_indirect_dma source(%dma_start3A_215 : memref<10000x128xf32, #tpu.memory_space<hbm>>) target(%dma_start3A_209 : memref<80x128xf32, #tpu.memory_space<vmem>>) offsets(%dma_start3A_212 : memref<80xi32, #tpu.memory_space<vmem>>) semaphore(%arg13 : memref<!tpu.dma_semaphore, #tpu.memory_space<semaphore_mem>>)
      } else {
      }
      %dma_wait3A_158 = arith.constant 1 : i32
      %dma_wait3A_159 = arith.constant 0 : i32
      %dma_wait3A_160 = arith.constant 0 : i32
      %dma_wait3A_161 = tpu.memref_slice %arg8[%dma_wait3A_158, %dma_wait3A_159, %dma_wait3A_160] : memref<2x80x128xf32, #tpu.memory_space<vmem>> -> memref<1x80x128xf32, #tpu.memory_space<vmem>>
      %dma_wait3A_162 = tpu.memref_squeeze %dma_wait3A_161 : memref<1x80x128xf32, #tpu.memory_space<vmem>> -> memref<80x128xf32, #tpu.memory_space<vmem>>
      %dma_wait3A_163 = arith.constant 0 : i32
      %dma_wait3A_164 = arith.constant 0 : i32
      %dma_wait3A_165 = tpu.memref_slice %arg4[%dma_wait3A_163, %dma_wait3A_164] : memref<10000x128xf32, #tpu.memory_space<hbm>> -> memref<80x128xf32, #tpu.memory_space<hbm>>
      %dma_wait3A_166 = arith.constant 0 : i32
      %dma_wait3A_167 = arith.constant 0 : i32
      %dma_wait3A_168 = tpu.memref_slice %arg8[%dma_wait3A_158, %dma_wait3A_166, %dma_wait3A_167] : memref<2x80x128xf32, #tpu.memory_space<vmem>> -> memref<1x80x128xf32, #tpu.memory_space<vmem>>
      %dma_wait3A_169 = tpu.memref_squeeze %dma_wait3A_168 : memref<1x80x128xf32, #tpu.memory_space<vmem>> -> memref<80x128xf32, #tpu.memory_space<vmem>>
      %dma_wait3A_170 = arith.constant 0 : i32
      %dma_wait3A_171 = arith.constant 0 : i32
      %dma_wait3A_172 = tpu.memref_slice %arg4[%dma_wait3A_170, %dma_wait3A_171] : memref<10000x128xf32, #tpu.memory_space<hbm>> -> memref<80x128xf32, #tpu.memory_space<hbm>>
      tpu.wait_dma2 semaphore(%arg14 : memref<!tpu.dma_semaphore, #tpu.memory_space<semaphore_mem>>) src(%dma_wait3A_172 : memref<80x128xf32, #tpu.memory_space<hbm>>) dst(%dma_wait3A_169 : memref<80x128xf32, #tpu.memory_space<vmem>>)
      %run_scoped3A_173 = arith.constant 1 : i32
      %run_scoped3A_174 = arith.constant 1 : i32
      "tpu.region"() ({
        %run_scoped3A_182 = tpu.sem_alloc : memref<!tpu.dma_semaphore, #tpu.memory_space<semaphore_mem>>
        %dma_start3A_183 = arith.constant 0 : i32
        %dma_start3A_184 = arith.constant 0 : i32
        %dma_start3A_185 = tpu.memref_slice %arg8[%run_scoped3A_173, %dma_start3A_183, %dma_start3A_184] : memref<2x80x128xf32, #tpu.memory_space<vmem>> -> memref<1x80x128xf32, #tpu.memory_space<vmem>>
        %dma_start3A_186 = tpu.memref_squeeze %dma_start3A_185 : memref<1x80x128xf32, #tpu.memory_space<vmem>> -> memref<80x128xf32, #tpu.memory_space<vmem>>
        %dma_start3A_187 = arith.constant 0 : i32
        %dma_start3A_188 = tpu.memref_slice %arg7[%run_scoped3A_174, %dma_start3A_187] : memref<2x80xi32, #tpu.memory_space<vmem>> -> memref<1x80xi32, #tpu.memory_space<vmem>>
        %dma_start3A_189 = tpu.memref_squeeze %dma_start3A_188 : memref<1x80xi32, #tpu.memory_space<vmem>> -> memref<80xi32, #tpu.memory_space<vmem>>
        %dma_start3A_190 = arith.constant 0 : i32
        %dma_start3A_191 = arith.constant 0 : i32
        %dma_start3A_192 = tpu.memref_slice %arg10[%dma_start3A_190, %dma_start3A_191] : memref<10240x128xf32, #tpu.memory_space<vmem_shared>> -> memref<10240x128xf32, #tpu.memory_space<vmem_shared>>
        tpu.enqueue_indirect_dma source(%dma_start3A_186 : memref<80x128xf32, #tpu.memory_space<vmem>>) target(%dma_start3A_192 : memref<10240x128xf32, #tpu.memory_space<vmem_shared>>) offsets(%dma_start3A_189 : memref<80xi32, #tpu.memory_space<vmem>>) semaphore(%run_scoped3A_182 : memref<!tpu.dma_semaphore, #tpu.memory_space<semaphore_mem>>) {add = true}
        %dma_wait3A_193 = arith.constant 0 : i32
        %dma_wait3A_194 = arith.constant 0 : i32
        %dma_wait3A_195 = tpu.memref_slice %arg8[%run_scoped3A_173, %dma_wait3A_193, %dma_wait3A_194] : memref<2x80x128xf32, #tpu.memory_space<vmem>> -> memref<1x80x128xf32, #tpu.memory_space<vmem>>
        %dma_wait3A_196 = tpu.memref_squeeze %dma_wait3A_195 : memref<1x80x128xf32, #tpu.memory_space<vmem>> -> memref<80x128xf32, #tpu.memory_space<vmem>>
        %dma_wait3A_197 = arith.constant 0 : i32
        %dma_wait3A_198 = tpu.memref_slice %arg7[%run_scoped3A_174, %dma_wait3A_197] : memref<2x80xi32, #tpu.memory_space<vmem>> -> memref<1x80xi32, #tpu.memory_space<vmem>>
        %dma_wait3A_199 = tpu.memref_squeeze %dma_wait3A_198 : memref<1x80xi32, #tpu.memory_space<vmem>> -> memref<80xi32, #tpu.memory_space<vmem>>
        %dma_wait3A_200 = arith.constant 0 : i32
        %dma_wait3A_201 = arith.constant 0 : i32
        %dma_wait3A_202 = tpu.memref_slice %arg10[%dma_wait3A_200, %dma_wait3A_201] : memref<10240x128xf32, #tpu.memory_space<vmem_shared>> -> memref<10240x128xf32, #tpu.memory_space<vmem_shared>>
        tpu.wait_indirect_dma semaphore(%run_scoped3A_182 : memref<!tpu.dma_semaphore, #tpu.memory_space<semaphore_mem>>) src(%dma_wait3A_196 : memref<80x128xf32, #tpu.memory_space<vmem>>) dst(%dma_wait3A_202 : memref<10240x128xf32, #tpu.memory_space<vmem_shared>>)
        tpu.yield
      }) : () -> ()
      %add3A_175 = arith.constant 2 : i32
      %add3A_176 = arith.addi %add3A_150, %add3A_175 : i32
      %lt3A_177 = arith.constant 125 : i32
      %lt3A_178 = arith.cmpi slt, %add3A_176, %lt3A_177 : i32
      %convert_element_type3A_179 = arith.extui %lt3A_178 : i1 to i32
      %cond3A_180 = arith.constant 0 : i32
      %cond3A_181 = arith.cmpi ne, %convert_element_type3A_179, %cond3A_180 : i32
      scf.if %cond3A_181 {
        %add3A_182 = arith.constant 2 : i32
        %add3A_183 = arith.addi %add3A_150, %add3A_182 : i32
        %mul3A_184 = arith.constant 10000 : i32
        %mul3A_185 = arith.muli %add3A, %mul3A_184 : i32
        %mul3A_186 = arith.constant 80 : i32
        %mul3A_187 = arith.muli %add3A_183, %mul3A_186 : i32
        %add3A_188 = arith.addi %mul3A_185, %mul3A_187 : i32
        %multiple_of3A_189 = tpu.assume_multiple %add3A_188, 8 : i32
        %dma_start3A_190 = arith.constant 1 : i32
        %dma_start3A_191 = arith.constant 0 : i32
        %dma_start3A_192 = tpu.memref_slice %arg6[%dma_start3A_190, %dma_start3A_191] : memref<2x80xi32, #tpu.memory_space<vmem>> -> memref<1x80xi32, #tpu.memory_space<vmem>>
        %dma_start3A_193 = tpu.memref_squeeze %dma_start3A_192 : memref<1x80xi32, #tpu.memory_space<vmem>> -> memref<80xi32, #tpu.memory_space<vmem>>
        %dma_start3A_194 = tpu.memref_slice %arg2[%multiple_of3A_189] : memref<320000xi32, #tpu.memory_space<hbm>> -> memref<80xi32, #tpu.memory_space<hbm>>
        %dma_start3A_195 = arith.constant 0 : i32
        %dma_start3A_196 = tpu.memref_slice %arg6[%dma_start3A_190, %dma_start3A_195] : memref<2x80xi32, #tpu.memory_space<vmem>> -> memref<1x80xi32, #tpu.memory_space<vmem>>
        %dma_start3A_197 = tpu.memref_squeeze %dma_start3A_196 : memref<1x80xi32, #tpu.memory_space<vmem>> -> memref<80xi32, #tpu.memory_space<vmem>>
        %dma_start3A_198 = tpu.memref_slice %arg2[%multiple_of3A_189] : memref<320000xi32, #tpu.memory_space<hbm>> -> memref<80xi32, #tpu.memory_space<hbm>>
        tpu.enqueue_dma source(%dma_start3A_198 : memref<80xi32, #tpu.memory_space<hbm>>) target(%dma_start3A_197 : memref<80xi32, #tpu.memory_space<vmem>>) target_semaphore(%arg12 : memref<!tpu.dma_semaphore, #tpu.memory_space<semaphore_mem>>)
        %dma_start3A_199 = arith.constant 1 : i32
        %dma_start3A_200 = arith.constant 0 : i32
        %dma_start3A_201 = tpu.memref_slice %arg7[%dma_start3A_199, %dma_start3A_200] : memref<2x80xi32, #tpu.memory_space<vmem>> -> memref<1x80xi32, #tpu.memory_space<vmem>>
        %dma_start3A_202 = tpu.memref_squeeze %dma_start3A_201 : memref<1x80xi32, #tpu.memory_space<vmem>> -> memref<80xi32, #tpu.memory_space<vmem>>
        %dma_start3A_203 = tpu.memref_slice %arg3[%multiple_of3A_189] : memref<320000xi32, #tpu.memory_space<hbm>> -> memref<80xi32, #tpu.memory_space<hbm>>
        %dma_start3A_204 = arith.constant 0 : i32
        %dma_start3A_205 = tpu.memref_slice %arg7[%dma_start3A_199, %dma_start3A_204] : memref<2x80xi32, #tpu.memory_space<vmem>> -> memref<1x80xi32, #tpu.memory_space<vmem>>
        %dma_start3A_206 = tpu.memref_squeeze %dma_start3A_205 : memref<1x80xi32, #tpu.memory_space<vmem>> -> memref<80xi32, #tpu.memory_space<vmem>>
        %dma_start3A_207 = tpu.memref_slice %arg3[%multiple_of3A_189] : memref<320000xi32, #tpu.memory_space<hbm>> -> memref<80xi32, #tpu.memory_space<hbm>>
        tpu.enqueue_dma source(%dma_start3A_207 : memref<80xi32, #tpu.memory_space<hbm>>) target(%dma_start3A_206 : memref<80xi32, #tpu.memory_space<vmem>>) target_semaphore(%arg12 : memref<!tpu.dma_semaphore, #tpu.memory_space<semaphore_mem>>)
      } else {
      }
    }
    %scan3A_94 = arith.constant 62 : i32
    %dma_wait3A_95 = arith.constant 0 : i32
    %dma_wait3A_96 = arith.constant 0 : i32
    %dma_wait3A_97 = arith.constant 0 : i32
    %dma_wait3A_98 = tpu.memref_slice %arg8[%dma_wait3A_95, %dma_wait3A_96, %dma_wait3A_97] : memref<2x80x128xf32, #tpu.memory_space<vmem>> -> memref<1x80x128xf32, #tpu.memory_space<vmem>>
    %dma_wait3A_99 = tpu.memref_squeeze %dma_wait3A_98 : memref<1x80x128xf32, #tpu.memory_space<vmem>> -> memref<80x128xf32, #tpu.memory_space<vmem>>
    %dma_wait3A_100 = arith.constant 0 : i32
    %dma_wait3A_101 = arith.constant 0 : i32
    %dma_wait3A_102 = tpu.memref_slice %arg4[%dma_wait3A_100, %dma_wait3A_101] : memref<10000x128xf32, #tpu.memory_space<hbm>> -> memref<80x128xf32, #tpu.memory_space<hbm>>
    %dma_wait3A_103 = arith.constant 0 : i32
    %dma_wait3A_104 = arith.constant 0 : i32
    %dma_wait3A_105 = tpu.memref_slice %arg8[%dma_wait3A_95, %dma_wait3A_103, %dma_wait3A_104] : memref<2x80x128xf32, #tpu.memory_space<vmem>> -> memref<1x80x128xf32, #tpu.memory_space<vmem>>
    %dma_wait3A_106 = tpu.memref_squeeze %dma_wait3A_105 : memref<1x80x128xf32, #tpu.memory_space<vmem>> -> memref<80x128xf32, #tpu.memory_space<vmem>>
    %dma_wait3A_107 = arith.constant 0 : i32
    %dma_wait3A_108 = arith.constant 0 : i32
    %dma_wait3A_109 = tpu.memref_slice %arg4[%dma_wait3A_107, %dma_wait3A_108] : memref<10000x128xf32, #tpu.memory_space<hbm>> -> memref<80x128xf32, #tpu.memory_space<hbm>>
    tpu.wait_dma2 semaphore(%arg13 : memref<!tpu.dma_semaphore, #tpu.memory_space<semaphore_mem>>) src(%dma_wait3A_109 : memref<80x128xf32, #tpu.memory_space<hbm>>) dst(%dma_wait3A_106 : memref<80x128xf32, #tpu.memory_space<vmem>>)
    %run_scoped3A = arith.constant 0 : i32
    %run_scoped3A_110 = arith.constant 0 : i32
    "tpu.region"() ({
      %run_scoped3A_116 = tpu.sem_alloc : memref<!tpu.dma_semaphore, #tpu.memory_space<semaphore_mem>>
      %dma_start3A_117 = arith.constant 0 : i32
      %dma_start3A_118 = arith.constant 0 : i32
      %dma_start3A_119 = tpu.memref_slice %arg8[%run_scoped3A, %dma_start3A_117, %dma_start3A_118] : memref<2x80x128xf32, #tpu.memory_space<vmem>> -> memref<1x80x128xf32, #tpu.memory_space<vmem>>
      %dma_start3A_120 = tpu.memref_squeeze %dma_start3A_119 : memref<1x80x128xf32, #tpu.memory_space<vmem>> -> memref<80x128xf32, #tpu.memory_space<vmem>>
      %dma_start3A_121 = arith.constant 0 : i32
      %dma_start3A_122 = tpu.memref_slice %arg7[%run_scoped3A_110, %dma_start3A_121] : memref<2x80xi32, #tpu.memory_space<vmem>> -> memref<1x80xi32, #tpu.memory_space<vmem>>
      %dma_start3A_123 = tpu.memref_squeeze %dma_start3A_122 : memref<1x80xi32, #tpu.memory_space<vmem>> -> memref<80xi32, #tpu.memory_space<vmem>>
      %dma_start3A_124 = arith.constant 0 : i32
      %dma_start3A_125 = arith.constant 0 : i32
      %dma_start3A_126 = tpu.memref_slice %arg10[%dma_start3A_124, %dma_start3A_125] : memref<10240x128xf32, #tpu.memory_space<vmem_shared>> -> memref<10240x128xf32, #tpu.memory_space<vmem_shared>>
      tpu.enqueue_indirect_dma source(%dma_start3A_120 : memref<80x128xf32, #tpu.memory_space<vmem>>) target(%dma_start3A_126 : memref<10240x128xf32, #tpu.memory_space<vmem_shared>>) offsets(%dma_start3A_123 : memref<80xi32, #tpu.memory_space<vmem>>) semaphore(%run_scoped3A_116 : memref<!tpu.dma_semaphore, #tpu.memory_space<semaphore_mem>>) {add = true}
      %dma_wait3A_127 = arith.constant 0 : i32
      %dma_wait3A_128 = arith.constant 0 : i32
      %dma_wait3A_129 = tpu.memref_slice %arg8[%run_scoped3A, %dma_wait3A_127, %dma_wait3A_128] : memref<2x80x128xf32, #tpu.memory_space<vmem>> -> memref<1x80x128xf32, #tpu.memory_space<vmem>>
      %dma_wait3A_130 = tpu.memref_squeeze %dma_wait3A_129 : memref<1x80x128xf32, #tpu.memory_space<vmem>> -> memref<80x128xf32, #tpu.memory_space<vmem>>
      %dma_wait3A_131 = arith.constant 0 : i32
      %dma_wait3A_132 = tpu.memref_slice %arg7[%run_scoped3A_110, %dma_wait3A_131] : memref<2x80xi32, #tpu.memory_space<vmem>> -> memref<1x80xi32, #tpu.memory_space<vmem>>
      %dma_wait3A_133 = tpu.memref_squeeze %dma_wait3A_132 : memref<1x80xi32, #tpu.memory_space<vmem>> -> memref<80xi32, #tpu.memory_space<vmem>>
      %dma_wait3A_134 = arith.constant 0 : i32
      %dma_wait3A_135 = arith.constant 0 : i32
      %dma_wait3A_136 = tpu.memref_slice %arg10[%dma_wait3A_134, %dma_wait3A_135] : memref<10240x128xf32, #tpu.memory_space<vmem_shared>> -> memref<10240x128xf32, #tpu.memory_space<vmem_shared>>
      tpu.wait_indirect_dma semaphore(%run_scoped3A_116 : memref<!tpu.dma_semaphore, #tpu.memory_space<semaphore_mem>>) src(%dma_wait3A_130 : memref<80x128xf32, #tpu.memory_space<vmem>>) dst(%dma_wait3A_136 : memref<10240x128xf32, #tpu.memory_space<vmem_shared>>)
      tpu.yield
    }) : () -> ()
    %barrier3A_111 = arith.constant 0 : index
    tpu.barrier barrier_id(%barrier3A_111)
    %mul3A_112 = arith.constant 640 : i32
    %mul3A_113 = arith.muli %arg1, %mul3A_112 : i32
    %mul3A_114 = arith.constant 640 : i32
    %mul3A_115 = arith.muli %arg1, %mul3A_114 : i32
    "tpu.region"() ({
      %run_scoped3A_116 = tpu.sem_alloc : memref<!tpu.dma_semaphore, #tpu.memory_space<semaphore_mem>>
      %dma_start3A_117 = arith.constant 0 : i32
      %dma_start3A_118 = tpu.memref_slice %arg5[%arg0, %mul3A_115, %dma_start3A_117] : memref<2x10240x128xf32, #tpu.memory_space<hbm>> -> memref<1x640x128xf32, #tpu.memory_space<hbm>>
      %dma_start3A_119 = tpu.memref_squeeze %dma_start3A_118 : memref<1x640x128xf32, #tpu.memory_space<hbm>> -> memref<640x128xf32, #tpu.memory_space<hbm>>
      %dma_start3A_120 = arith.constant 0 : i32
      %dma_start3A_121 = tpu.memref_slice %arg10[%mul3A_113, %dma_start3A_120] : memref<10240x128xf32, #tpu.memory_space<vmem_shared>> -> memref<640x128xf32, #tpu.memory_space<vmem_shared>>
      tpu.enqueue_dma source(%dma_start3A_121 : memref<640x128xf32, #tpu.memory_space<vmem_shared>>) target(%dma_start3A_119 : memref<640x128xf32, #tpu.memory_space<hbm>>) target_semaphore(%run_scoped3A_116 : memref<!tpu.dma_semaphore, #tpu.memory_space<semaphore_mem>>)
      %dma_wait3A_122 = arith.constant 0 : i32
      %dma_wait3A_123 = tpu.memref_slice %arg5[%arg0, %mul3A_115, %dma_wait3A_122] : memref<2x10240x128xf32, #tpu.memory_space<hbm>> -> memref<1x640x128xf32, #tpu.memory_space<hbm>>
      %dma_wait3A_124 = tpu.memref_squeeze %dma_wait3A_123 : memref<1x640x128xf32, #tpu.memory_space<hbm>> -> memref<640x128xf32, #tpu.memory_space<hbm>>
      %dma_wait3A_125 = arith.constant 0 : i32
      %dma_wait3A_126 = tpu.memref_slice %arg10[%mul3A_113, %dma_wait3A_125] : memref<10240x128xf32, #tpu.memory_space<vmem_shared>> -> memref<640x128xf32, #tpu.memory_space<vmem_shared>>
      tpu.wait_dma2 semaphore(%run_scoped3A_116 : memref<!tpu.dma_semaphore, #tpu.memory_space<semaphore_mem>>) src(%dma_wait3A_126 : memref<640x128xf32, #tpu.memory_space<vmem_shared>>) dst(%dma_wait3A_124 : memref<640x128xf32, #tpu.memory_space<hbm>>)
      tpu.yield
    }) : () -> ()
    return
  }
}

#map = affine_map<(d0, d1) -> (0, 0)>
#map1 = affine_map<(d0, d1) -> (0)>
module attributes {stable_mosaic.version = 14 : i64} {
  func.func @_sc_unsort(%arg0: i32, %arg1: i32, %arg2: memref<16384x128xf32, #tpu.memory_space<hbm>>, %arg3: memref<16384xi32, #tpu.memory_space<hbm>>, %arg4: memref<16384x128xf32, #tpu.memory_space<hbm>>, %arg5: memref<128xi32, #tpu.memory_space<vmem>>, %arg6: memref<128x128xf32, #tpu.memory_space<vmem>>, %arg7: memref<!tpu.dma_semaphore, #tpu.memory_space<semaphore_mem>>) attributes {dimension_semantics = [#tpu.dimension_semantics<core_parallel>, #tpu.dimension_semantics<subcore_parallel>], iteration_bounds = array<i64: 2, 16>, scalar_prefetch = 0 : i64, scratch_operands = 3 : i64, tpu.core_type = #tpu.core_type<sc_vector_subcore>, window_params = [{transform_indices = #map}, {transform_indices = #map1}, {transform_indices = #map}]} {
    %mul3A = arith.constant 16 : i32
    %mul3A_0 = arith.muli %arg0, %mul3A : i32
    %add3A = arith.addi %mul3A_0, %arg1 : i32
    %mul3A_1 = arith.constant 512 : i32
    %mul3A_2 = arith.muli %add3A, %mul3A_1 : i32
    %add3A_3 = arith.constant 0 : i32
    %add3A_4 = arith.addi %mul3A_2, %add3A_3 : i32
    %multiple_of3A = tpu.assume_multiple %add3A_4, 8 : i32
    "tpu.region"() ({
      %run_scoped3A = tpu.sem_alloc : memref<!tpu.dma_semaphore, #tpu.memory_space<semaphore_mem>>
      %dma_start3A_42 = tpu.memref_slice %arg3[%multiple_of3A] : memref<16384xi32, #tpu.memory_space<hbm>> -> memref<128xi32, #tpu.memory_space<hbm>>
      %dma_start3A_43 = tpu.memref_slice %arg3[%multiple_of3A] : memref<16384xi32, #tpu.memory_space<hbm>> -> memref<128xi32, #tpu.memory_space<hbm>>
      tpu.enqueue_dma source(%dma_start3A_43 : memref<128xi32, #tpu.memory_space<hbm>>) target(%arg5 : memref<128xi32, #tpu.memory_space<vmem>>) target_semaphore(%run_scoped3A : memref<!tpu.dma_semaphore, #tpu.memory_space<semaphore_mem>>)
      %dma_wait3A_44 = tpu.memref_slice %arg3[%multiple_of3A] : memref<16384xi32, #tpu.memory_space<hbm>> -> memref<128xi32, #tpu.memory_space<hbm>>
      %dma_wait3A_45 = tpu.memref_slice %arg3[%multiple_of3A] : memref<16384xi32, #tpu.memory_space<hbm>> -> memref<128xi32, #tpu.memory_space<hbm>>
      tpu.wait_dma2 semaphore(%run_scoped3A : memref<!tpu.dma_semaphore, #tpu.memory_space<semaphore_mem>>) src(%dma_wait3A_45 : memref<128xi32, #tpu.memory_space<hbm>>) dst(%arg5 : memref<128xi32, #tpu.memory_space<vmem>>)
      tpu.yield
    }) : () -> ()
    %dma_start3A = arith.constant 0 : i32
    %dma_start3A_5 = arith.constant 0 : i32
    %dma_start3A_6 = tpu.memref_slice %arg2[%dma_start3A, %dma_start3A_5] : memref<16384x128xf32, #tpu.memory_space<hbm>> -> memref<16384x128xf32, #tpu.memory_space<hbm>>
    tpu.enqueue_indirect_dma source(%dma_start3A_6 : memref<16384x128xf32, #tpu.memory_space<hbm>>) target(%arg6 : memref<128x128xf32, #tpu.memory_space<vmem>>) offsets(%arg5 : memref<128xi32, #tpu.memory_space<vmem>>) semaphore(%arg7 : memref<!tpu.dma_semaphore, #tpu.memory_space<semaphore_mem>>)
    %dma_wait3A = arith.constant 0 : i32
    %dma_wait3A_7 = arith.constant 0 : i32
    %dma_wait3A_8 = tpu.memref_slice %arg2[%dma_wait3A, %dma_wait3A_7] : memref<16384x128xf32, #tpu.memory_space<hbm>> -> memref<16384x128xf32, #tpu.memory_space<hbm>>
    tpu.wait_indirect_dma semaphore(%arg7 : memref<!tpu.dma_semaphore, #tpu.memory_space<semaphore_mem>>) src(%dma_wait3A_8 : memref<16384x128xf32, #tpu.memory_space<hbm>>) dst(%arg6 : memref<128x128xf32, #tpu.memory_space<vmem>>)
    "tpu.region"() ({
      %run_scoped3A = tpu.sem_alloc : memref<!tpu.dma_semaphore, #tpu.memory_space<semaphore_mem>>
      %dma_start3A_42 = arith.constant 0 : i32
      %dma_start3A_43 = tpu.memref_slice %arg4[%multiple_of3A, %dma_start3A_42] : memref<16384x128xf32, #tpu.memory_space<hbm>> -> memref<128x128xf32, #tpu.memory_space<hbm>>
      %dma_start3A_44 = arith.constant 0 : i32
      %dma_start3A_45 = tpu.memref_slice %arg4[%multiple_of3A, %dma_start3A_44] : memref<16384x128xf32, #tpu.memory_space<hbm>> -> memref<128x128xf32, #tpu.memory_space<hbm>>
      tpu.enqueue_dma source(%arg6 : memref<128x128xf32, #tpu.memory_space<vmem>>) target(%dma_start3A_45 : memref<128x128xf32, #tpu.memory_space<hbm>>) target_semaphore(%run_scoped3A : memref<!tpu.dma_semaphore, #tpu.memory_space<semaphore_mem>>)
      %dma_wait3A_46 = arith.constant 0 : i32
      %dma_wait3A_47 = tpu.memref_slice %arg4[%multiple_of3A, %dma_wait3A_46] : memref<16384x128xf32, #tpu.memory_space<hbm>> -> memref<128x128xf32, #tpu.memory_space<hbm>>
      %dma_wait3A_48 = arith.constant 0 : i32
      %dma_wait3A_49 = tpu.memref_slice %arg4[%multiple_of3A, %dma_wait3A_48] : memref<16384x128xf32, #tpu.memory_space<hbm>> -> memref<128x128xf32, #tpu.memory_space<hbm>>
      tpu.wait_dma2 semaphore(%run_scoped3A : memref<!tpu.dma_semaphore, #tpu.memory_space<semaphore_mem>>) src(%arg6 : memref<128x128xf32, #tpu.memory_space<vmem>>) dst(%dma_wait3A_49 : memref<128x128xf32, #tpu.memory_space<hbm>>)
      tpu.yield
    }) : () -> ()
    %mul3A_9 = arith.constant 512 : i32
    %mul3A_10 = arith.muli %add3A, %mul3A_9 : i32
    %add3A_11 = arith.constant 128 : i32
    %add3A_12 = arith.addi %mul3A_10, %add3A_11 : i32
    %multiple_of3A_13 = tpu.assume_multiple %add3A_12, 8 : i32
    "tpu.region"() ({
      %run_scoped3A = tpu.sem_alloc : memref<!tpu.dma_semaphore, #tpu.memory_space<semaphore_mem>>
      %dma_start3A_42 = tpu.memref_slice %arg3[%multiple_of3A_13] : memref<16384xi32, #tpu.memory_space<hbm>> -> memref<128xi32, #tpu.memory_space<hbm>>
      %dma_start3A_43 = tpu.memref_slice %arg3[%multiple_of3A_13] : memref<16384xi32, #tpu.memory_space<hbm>> -> memref<128xi32, #tpu.memory_space<hbm>>
      tpu.enqueue_dma source(%dma_start3A_43 : memref<128xi32, #tpu.memory_space<hbm>>) target(%arg5 : memref<128xi32, #tpu.memory_space<vmem>>) target_semaphore(%run_scoped3A : memref<!tpu.dma_semaphore, #tpu.memory_space<semaphore_mem>>)
      %dma_wait3A_44 = tpu.memref_slice %arg3[%multiple_of3A_13] : memref<16384xi32, #tpu.memory_space<hbm>> -> memref<128xi32, #tpu.memory_space<hbm>>
      %dma_wait3A_45 = tpu.memref_slice %arg3[%multiple_of3A_13] : memref<16384xi32, #tpu.memory_space<hbm>> -> memref<128xi32, #tpu.memory_space<hbm>>
      tpu.wait_dma2 semaphore(%run_scoped3A : memref<!tpu.dma_semaphore, #tpu.memory_space<semaphore_mem>>) src(%dma_wait3A_45 : memref<128xi32, #tpu.memory_space<hbm>>) dst(%arg5 : memref<128xi32, #tpu.memory_space<vmem>>)
      tpu.yield
    }) : () -> ()
    %dma_start3A_14 = arith.constant 0 : i32
    %dma_start3A_15 = arith.constant 0 : i32
    %dma_start3A_16 = tpu.memref_slice %arg2[%dma_start3A_14, %dma_start3A_15] : memref<16384x128xf32, #tpu.memory_space<hbm>> -> memref<16384x128xf32, #tpu.memory_space<hbm>>
    tpu.enqueue_indirect_dma source(%dma_start3A_16 : memref<16384x128xf32, #tpu.memory_space<hbm>>) target(%arg6 : memref<128x128xf32, #tpu.memory_space<vmem>>) offsets(%arg5 : memref<128xi32, #tpu.memory_space<vmem>>) semaphore(%arg7 : memref<!tpu.dma_semaphore, #tpu.memory_space<semaphore_mem>>)
    %dma_wait3A_17 = arith.constant 0 : i32
    %dma_wait3A_18 = arith.constant 0 : i32
    %dma_wait3A_19 = tpu.memref_slice %arg2[%dma_wait3A_17, %dma_wait3A_18] : memref<16384x128xf32, #tpu.memory_space<hbm>> -> memref<16384x128xf32, #tpu.memory_space<hbm>>
    tpu.wait_indirect_dma semaphore(%arg7 : memref<!tpu.dma_semaphore, #tpu.memory_space<semaphore_mem>>) src(%dma_wait3A_19 : memref<16384x128xf32, #tpu.memory_space<hbm>>) dst(%arg6 : memref<128x128xf32, #tpu.memory_space<vmem>>)
    "tpu.region"() ({
      %run_scoped3A = tpu.sem_alloc : memref<!tpu.dma_semaphore, #tpu.memory_space<semaphore_mem>>
      %dma_start3A_42 = arith.constant 0 : i32
      %dma_start3A_43 = tpu.memref_slice %arg4[%multiple_of3A_13, %dma_start3A_42] : memref<16384x128xf32, #tpu.memory_space<hbm>> -> memref<128x128xf32, #tpu.memory_space<hbm>>
      %dma_start3A_44 = arith.constant 0 : i32
      %dma_start3A_45 = tpu.memref_slice %arg4[%multiple_of3A_13, %dma_start3A_44] : memref<16384x128xf32, #tpu.memory_space<hbm>> -> memref<128x128xf32, #tpu.memory_space<hbm>>
      tpu.enqueue_dma source(%arg6 : memref<128x128xf32, #tpu.memory_space<vmem>>) target(%dma_start3A_45 : memref<128x128xf32, #tpu.memory_space<hbm>>) target_semaphore(%run_scoped3A : memref<!tpu.dma_semaphore, #tpu.memory_space<semaphore_mem>>)
      %dma_wait3A_46 = arith.constant 0 : i32
      %dma_wait3A_47 = tpu.memref_slice %arg4[%multiple_of3A_13, %dma_wait3A_46] : memref<16384x128xf32, #tpu.memory_space<hbm>> -> memref<128x128xf32, #tpu.memory_space<hbm>>
      %dma_wait3A_48 = arith.constant 0 : i32
      %dma_wait3A_49 = tpu.memref_slice %arg4[%multiple_of3A_13, %dma_wait3A_48] : memref<16384x128xf32, #tpu.memory_space<hbm>> -> memref<128x128xf32, #tpu.memory_space<hbm>>
      tpu.wait_dma2 semaphore(%run_scoped3A : memref<!tpu.dma_semaphore, #tpu.memory_space<semaphore_mem>>) src(%arg6 : memref<128x128xf32, #tpu.memory_space<vmem>>) dst(%dma_wait3A_49 : memref<128x128xf32, #tpu.memory_space<hbm>>)
      tpu.yield
    }) : () -> ()
    %mul3A_20 = arith.constant 512 : i32
    %mul3A_21 = arith.muli %add3A, %mul3A_20 : i32
    %add3A_22 = arith.constant 256 : i32
    %add3A_23 = arith.addi %mul3A_21, %add3A_22 : i32
    %multiple_of3A_24 = tpu.assume_multiple %add3A_23, 8 : i32
    "tpu.region"() ({
      %run_scoped3A = tpu.sem_alloc : memref<!tpu.dma_semaphore, #tpu.memory_space<semaphore_mem>>
      %dma_start3A_42 = tpu.memref_slice %arg3[%multiple_of3A_24] : memref<16384xi32, #tpu.memory_space<hbm>> -> memref<128xi32, #tpu.memory_space<hbm>>
      %dma_start3A_43 = tpu.memref_slice %arg3[%multiple_of3A_24] : memref<16384xi32, #tpu.memory_space<hbm>> -> memref<128xi32, #tpu.memory_space<hbm>>
      tpu.enqueue_dma source(%dma_start3A_43 : memref<128xi32, #tpu.memory_space<hbm>>) target(%arg5 : memref<128xi32, #tpu.memory_space<vmem>>) target_semaphore(%run_scoped3A : memref<!tpu.dma_semaphore, #tpu.memory_space<semaphore_mem>>)
      %dma_wait3A_44 = tpu.memref_slice %arg3[%multiple_of3A_24] : memref<16384xi32, #tpu.memory_space<hbm>> -> memref<128xi32, #tpu.memory_space<hbm>>
      %dma_wait3A_45 = tpu.memref_slice %arg3[%multiple_of3A_24] : memref<16384xi32, #tpu.memory_space<hbm>> -> memref<128xi32, #tpu.memory_space<hbm>>
      tpu.wait_dma2 semaphore(%run_scoped3A : memref<!tpu.dma_semaphore, #tpu.memory_space<semaphore_mem>>) src(%dma_wait3A_45 : memref<128xi32, #tpu.memory_space<hbm>>) dst(%arg5 : memref<128xi32, #tpu.memory_space<vmem>>)
      tpu.yield
    }) : () -> ()
    %dma_start3A_25 = arith.constant 0 : i32
    %dma_start3A_26 = arith.constant 0 : i32
    %dma_start3A_27 = tpu.memref_slice %arg2[%dma_start3A_25, %dma_start3A_26] : memref<16384x128xf32, #tpu.memory_space<hbm>> -> memref<16384x128xf32, #tpu.memory_space<hbm>>
    tpu.enqueue_indirect_dma source(%dma_start3A_27 : memref<16384x128xf32, #tpu.memory_space<hbm>>) target(%arg6 : memref<128x128xf32, #tpu.memory_space<vmem>>) offsets(%arg5 : memref<128xi32, #tpu.memory_space<vmem>>) semaphore(%arg7 : memref<!tpu.dma_semaphore, #tpu.memory_space<semaphore_mem>>)
    %dma_wait3A_28 = arith.constant 0 : i32
    %dma_wait3A_29 = arith.constant 0 : i32
    %dma_wait3A_30 = tpu.memref_slice %arg2[%dma_wait3A_28, %dma_wait3A_29] : memref<16384x128xf32, #tpu.memory_space<hbm>> -> memref<16384x128xf32, #tpu.memory_space<hbm>>
    tpu.wait_indirect_dma semaphore(%arg7 : memref<!tpu.dma_semaphore, #tpu.memory_space<semaphore_mem>>) src(%dma_wait3A_30 : memref<16384x128xf32, #tpu.memory_space<hbm>>) dst(%arg6 : memref<128x128xf32, #tpu.memory_space<vmem>>)
    "tpu.region"() ({
      %run_scoped3A = tpu.sem_alloc : memref<!tpu.dma_semaphore, #tpu.memory_space<semaphore_mem>>
      %dma_start3A_42 = arith.constant 0 : i32
      %dma_start3A_43 = tpu.memref_slice %arg4[%multiple_of3A_24, %dma_start3A_42] : memref<16384x128xf32, #tpu.memory_space<hbm>> -> memref<128x128xf32, #tpu.memory_space<hbm>>
      %dma_start3A_44 = arith.constant 0 : i32
      %dma_start3A_45 = tpu.memref_slice %arg4[%multiple_of3A_24, %dma_start3A_44] : memref<16384x128xf32, #tpu.memory_space<hbm>> -> memref<128x128xf32, #tpu.memory_space<hbm>>
      tpu.enqueue_dma source(%arg6 : memref<128x128xf32, #tpu.memory_space<vmem>>) target(%dma_start3A_45 : memref<128x128xf32, #tpu.memory_space<hbm>>) target_semaphore(%run_scoped3A : memref<!tpu.dma_semaphore, #tpu.memory_space<semaphore_mem>>)
      %dma_wait3A_46 = arith.constant 0 : i32
      %dma_wait3A_47 = tpu.memref_slice %arg4[%multiple_of3A_24, %dma_wait3A_46] : memref<16384x128xf32, #tpu.memory_space<hbm>> -> memref<128x128xf32, #tpu.memory_space<hbm>>
      %dma_wait3A_48 = arith.constant 0 : i32
      %dma_wait3A_49 = tpu.memref_slice %arg4[%multiple_of3A_24, %dma_wait3A_48] : memref<16384x128xf32, #tpu.memory_space<hbm>> -> memref<128x128xf32, #tpu.memory_space<hbm>>
      tpu.wait_dma2 semaphore(%run_scoped3A : memref<!tpu.dma_semaphore, #tpu.memory_space<semaphore_mem>>) src(%arg6 : memref<128x128xf32, #tpu.memory_space<vmem>>) dst(%dma_wait3A_49 : memref<128x128xf32, #tpu.memory_space<hbm>>)
      tpu.yield
    }) : () -> ()
    %mul3A_31 = arith.constant 512 : i32
    %mul3A_32 = arith.muli %add3A, %mul3A_31 : i32
    %add3A_33 = arith.constant 384 : i32
    %add3A_34 = arith.addi %mul3A_32, %add3A_33 : i32
    %multiple_of3A_35 = tpu.assume_multiple %add3A_34, 8 : i32
    "tpu.region"() ({
      %run_scoped3A = tpu.sem_alloc : memref<!tpu.dma_semaphore, #tpu.memory_space<semaphore_mem>>
      %dma_start3A_42 = tpu.memref_slice %arg3[%multiple_of3A_35] : memref<16384xi32, #tpu.memory_space<hbm>> -> memref<128xi32, #tpu.memory_space<hbm>>
      %dma_start3A_43 = tpu.memref_slice %arg3[%multiple_of3A_35] : memref<16384xi32, #tpu.memory_space<hbm>> -> memref<128xi32, #tpu.memory_space<hbm>>
      tpu.enqueue_dma source(%dma_start3A_43 : memref<128xi32, #tpu.memory_space<hbm>>) target(%arg5 : memref<128xi32, #tpu.memory_space<vmem>>) target_semaphore(%run_scoped3A : memref<!tpu.dma_semaphore, #tpu.memory_space<semaphore_mem>>)
      %dma_wait3A_44 = tpu.memref_slice %arg3[%multiple_of3A_35] : memref<16384xi32, #tpu.memory_space<hbm>> -> memref<128xi32, #tpu.memory_space<hbm>>
      %dma_wait3A_45 = tpu.memref_slice %arg3[%multiple_of3A_35] : memref<16384xi32, #tpu.memory_space<hbm>> -> memref<128xi32, #tpu.memory_space<hbm>>
      tpu.wait_dma2 semaphore(%run_scoped3A : memref<!tpu.dma_semaphore, #tpu.memory_space<semaphore_mem>>) src(%dma_wait3A_45 : memref<128xi32, #tpu.memory_space<hbm>>) dst(%arg5 : memref<128xi32, #tpu.memory_space<vmem>>)
      tpu.yield
    }) : () -> ()
    %dma_start3A_36 = arith.constant 0 : i32
    %dma_start3A_37 = arith.constant 0 : i32
    %dma_start3A_38 = tpu.memref_slice %arg2[%dma_start3A_36, %dma_start3A_37] : memref<16384x128xf32, #tpu.memory_space<hbm>> -> memref<16384x128xf32, #tpu.memory_space<hbm>>
    tpu.enqueue_indirect_dma source(%dma_start3A_38 : memref<16384x128xf32, #tpu.memory_space<hbm>>) target(%arg6 : memref<128x128xf32, #tpu.memory_space<vmem>>) offsets(%arg5 : memref<128xi32, #tpu.memory_space<vmem>>) semaphore(%arg7 : memref<!tpu.dma_semaphore, #tpu.memory_space<semaphore_mem>>)
    %dma_wait3A_39 = arith.constant 0 : i32
    %dma_wait3A_40 = arith.constant 0 : i32
    %dma_wait3A_41 = tpu.memref_slice %arg2[%dma_wait3A_39, %dma_wait3A_40] : memref<16384x128xf32, #tpu.memory_space<hbm>> -> memref<16384x128xf32, #tpu.memory_space<hbm>>
    tpu.wait_indirect_dma semaphore(%arg7 : memref<!tpu.dma_semaphore, #tpu.memory_space<semaphore_mem>>) src(%dma_wait3A_41 : memref<16384x128xf32, #tpu.memory_space<hbm>>) dst(%arg6 : memref<128x128xf32, #tpu.memory_space<vmem>>)
    "tpu.region"() ({
      %run_scoped3A = tpu.sem_alloc : memref<!tpu.dma_semaphore, #tpu.memory_space<semaphore_mem>>
      %dma_start3A_42 = arith.constant 0 : i32
      %dma_start3A_43 = tpu.memref_slice %arg4[%multiple_of3A_35, %dma_start3A_42] : memref<16384x128xf32, #tpu.memory_space<hbm>> -> memref<128x128xf32, #tpu.memory_space<hbm>>
      %dma_start3A_44 = arith.constant 0 : i32
      %dma_start3A_45 = tpu.memref_slice %arg4[%multiple_of3A_35, %dma_start3A_44] : memref<16384x128xf32, #tpu.memory_space<hbm>> -> memref<128x128xf32, #tpu.memory_space<hbm>>
      tpu.enqueue_dma source(%arg6 : memref<128x128xf32, #tpu.memory_space<vmem>>) target(%dma_start3A_45 : memref<128x128xf32, #tpu.memory_space<hbm>>) target_semaphore(%run_scoped3A : memref<!tpu.dma_semaphore, #tpu.memory_space<semaphore_mem>>)
      %dma_wait3A_46 = arith.constant 0 : i32
      %dma_wait3A_47 = tpu.memref_slice %arg4[%multiple_of3A_35, %dma_wait3A_46] : memref<16384x128xf32, #tpu.memory_space<hbm>> -> memref<128x128xf32, #tpu.memory_space<hbm>>
      %dma_wait3A_48 = arith.constant 0 : i32
      %dma_wait3A_49 = tpu.memref_slice %arg4[%multiple_of3A_35, %dma_wait3A_48] : memref<16384x128xf32, #tpu.memory_space<hbm>> -> memref<128x128xf32, #tpu.memory_space<hbm>>
      tpu.wait_dma2 semaphore(%run_scoped3A : memref<!tpu.dma_semaphore, #tpu.memory_space<semaphore_mem>>) src(%arg6 : memref<128x128xf32, #tpu.memory_space<vmem>>) dst(%dma_wait3A_49 : memref<128x128xf32, #tpu.memory_space<hbm>>)
      tpu.yield
    }) : () -> ()
    return
  }
}

module attributes {stable_mosaic.version = 14 : i64} {
  func.func @_tc_mid_body(%arg0: memref<2x10240x128xf32, #tpu.memory_space<vmem>>, %arg1: memref<2x10240x128xf32, #tpu.memory_space<vmem>>, %arg2: memref<128xf32, #tpu.memory_space<vmem>>, %arg3: memref<128x128xf32, #tpu.memory_space<vmem>>, %arg4: memref<10000x128xf32, #tpu.memory_space<vmem>>) attributes {dimension_semantics = [], scalar_prefetch = 0 : i64, scratch_operands = 0 : i64, tpu.core_type = #tpu.core_type<tc>} {
    %get3A = arith.constant 0 : index
    %get3A_0 = arith.constant 0 : index
    %get3A_1 = arith.constant 0 : index
    %get3A_2 = vector.load %arg1[%get3A, %get3A_0, %get3A_1] : memref<2x10240x128xf32, #tpu.memory_space<vmem>>, vector<1x10240x128xf32>
    %get3A_3 = vector.shape_cast %get3A_2 : vector<1x10240x128xf32> to vector<10240x128xf32>
    %get3A_4 = arith.constant 1 : index
    %get3A_5 = arith.constant 0 : index
    %get3A_6 = arith.constant 0 : index
    %get3A_7 = vector.load %arg1[%get3A_4, %get3A_5, %get3A_6] : memref<2x10240x128xf32, #tpu.memory_space<vmem>>, vector<1x10240x128xf32>
    %get3A_8 = vector.shape_cast %get3A_7 : vector<1x10240x128xf32> to vector<10240x128xf32>
    %add3A = arith.addf %get3A_3, %get3A_8 : vector<10240x128xf32>
    %slice3A = vector.extract_strided_slice %add3A {offsets = [0, 0], sizes = [10000, 1], strides = [1, 1]} : vector<10240x128xf32> to vector<10000x1xf32>
    %gt3A = arith.constant 0.000000e+00 : f32
    %gt3A_9 = vector.broadcast %gt3A : f32 to vector<10000x1xf32>
    %gt3A_10 = arith.cmpf ogt, %slice3A, %gt3A_9 : vector<10000x1xf32>
    %rsqrt3A = math.rsqrt %slice3A : vector<10000x1xf32>
    %jit3A = arith.constant 0.000000e+00 : f32
    %broadcast_in_dim3A = vector.broadcast %jit3A : f32 to vector<10000x1xf32>
    %select_n3A = arith.select %gt3A_10, %rsqrt3A, %broadcast_in_dim3A : vector<10000x1xi1>, vector<10000x1xf32>
    %get3A_11 = arith.constant 0 : index
    %get3A_12 = arith.constant 0 : index
    %get3A_13 = arith.constant 0 : index
    %get3A_14 = vector.load %arg0[%get3A_11, %get3A_12, %get3A_13] : memref<2x10240x128xf32, #tpu.memory_space<vmem>>, vector<1x10240x128xf32>
    %get3A_15 = vector.shape_cast %get3A_14 : vector<1x10240x128xf32> to vector<10240x128xf32>
    %get3A_16 = arith.constant 1 : index
    %get3A_17 = arith.constant 0 : index
    %get3A_18 = arith.constant 0 : index
    %get3A_19 = vector.load %arg0[%get3A_16, %get3A_17, %get3A_18] : memref<2x10240x128xf32, #tpu.memory_space<vmem>>, vector<1x10240x128xf32>
    %get3A_20 = vector.shape_cast %get3A_19 : vector<1x10240x128xf32> to vector<10240x128xf32>
    %add3A_21 = arith.addf %get3A_15, %get3A_20 : vector<10240x128xf32>
    %slice3A_22 = vector.extract_strided_slice %add3A_21 {offsets = [0, 0], sizes = [10000, 128], strides = [1, 1]} : vector<10240x128xf32> to vector<10000x128xf32>
    %mul3A = vector.broadcast %select_n3A : vector<10000x1xf32> to vector<10000x128xf32>
    %mul3A_23 = arith.mulf %slice3A_22, %mul3A : vector<10000x128xf32>
    %get3A_24 = arith.constant 0 : index
    %get3A_25 = vector.load %arg2[%get3A_24] : memref<128xf32, #tpu.memory_space<vmem>>, vector<128xf32>
    %broadcast_in_dim3A_26 = vector.shape_cast %get3A_25 : vector<128xf32> to vector<1x128xf32>
    %add3A_27 = vector.broadcast %broadcast_in_dim3A_26 : vector<1x128xf32> to vector<10000x128xf32>
    %add3A_28 = arith.addf %mul3A_23, %add3A_27 : vector<10000x128xf32>
    %max3A = arith.constant 0.000000e+00 : f32
    %max3A_29 = vector.broadcast %max3A : f32 to vector<10000x128xf32>
    %max3A_30 = arith.maximumf %add3A_28, %max3A_29 : vector<10000x128xf32>
    %get3A_31 = arith.constant 0 : index
    %get3A_32 = arith.constant 0 : index
    %get3A_33 = vector.load %arg3[%get3A_31, %get3A_32] : memref<128x128xf32, #tpu.memory_space<vmem>>, vector<128x128xf32>
    %dot_general3A = arith.constant dense<0.000000e+00> : vector<10000x128xf32>
    %dot_general3A_34 = tpu.matmul %max3A_30, %get3A_33, %dot_general3A {dimension_numbers = #tpu.dot_dimension_numbers<[1], [0], [0], [1], [0, 0, 1, 1], [], []>, transpose_lhs_hint = false} : vector<10000x128xf32>, vector<128x128xf32>, vector<10000x128xf32> -> vector<10000x128xf32>
    %mul3A_35 = vector.broadcast %select_n3A : vector<10000x1xf32> to vector<10000x128xf32>
    %mul3A_36 = arith.mulf %dot_general3A_34, %mul3A_35 : vector<10000x128xf32>
    %swap3A = arith.constant 0 : index
    %swap3A_37 = arith.constant 0 : index
    %swap3A_38 = vector.load %arg4[%swap3A, %swap3A_37] : memref<10000x128xf32, #tpu.memory_space<vmem>>, vector<10000x128xf32>
    tpu.vector_store %arg4[%swap3A, %swap3A_37], %mul3A_36 {strides = array<i32>} : memref<10000x128xf32, #tpu.memory_space<vmem>>, vector<10000x128xf32>,
    return
  }
}

module attributes {stable_mosaic.version = 14 : i64} {
  func.func @_tc_pre_body(%arg0: memref<10000x128xf32, #tpu.memory_space<vmem>>, %arg1: memref<128x128xf32, #tpu.memory_space<vmem>>, %arg2: memref<2x10240x128xf32, #tpu.memory_space<vmem>>, %arg3: memref<10000x128xf32, #tpu.memory_space<vmem>>) attributes {dimension_semantics = [], scalar_prefetch = 0 : i64, scratch_operands = 0 : i64, tpu.core_type = #tpu.core_type<tc>} {
    %get3A = arith.constant 0 : index
    %get3A_0 = arith.constant 0 : index
    %get3A_1 = arith.constant 0 : index
    %get3A_2 = vector.load %arg2[%get3A, %get3A_0, %get3A_1] : memref<2x10240x128xf32, #tpu.memory_space<vmem>>, vector<1x10240x128xf32>
    %get3A_3 = vector.shape_cast %get3A_2 : vector<1x10240x128xf32> to vector<10240x128xf32>
    %get3A_4 = arith.constant 1 : index
    %get3A_5 = arith.constant 0 : index
    %get3A_6 = arith.constant 0 : index
    %get3A_7 = vector.load %arg2[%get3A_4, %get3A_5, %get3A_6] : memref<2x10240x128xf32, #tpu.memory_space<vmem>>, vector<1x10240x128xf32>
    %get3A_8 = vector.shape_cast %get3A_7 : vector<1x10240x128xf32> to vector<10240x128xf32>
    %add3A = arith.addf %get3A_3, %get3A_8 : vector<10240x128xf32>
    %slice3A = vector.extract_strided_slice %add3A {offsets = [0, 0], sizes = [10000, 1], strides = [1, 1]} : vector<10240x128xf32> to vector<10000x1xf32>
    %gt3A = arith.constant 0.000000e+00 : f32
    %gt3A_9 = vector.broadcast %gt3A : f32 to vector<10000x1xf32>
    %gt3A_10 = arith.cmpf ogt, %slice3A, %gt3A_9 : vector<10000x1xf32>
    %rsqrt3A = math.rsqrt %slice3A : vector<10000x1xf32>
    %jit3A = arith.constant 0.000000e+00 : f32
    %broadcast_in_dim3A = vector.broadcast %jit3A : f32 to vector<10000x1xf32>
    %select_n3A = arith.select %gt3A_10, %rsqrt3A, %broadcast_in_dim3A : vector<10000x1xi1>, vector<10000x1xf32>
    %get3A_11 = arith.constant 0 : index
    %get3A_12 = arith.constant 0 : index
    %get3A_13 = vector.load %arg0[%get3A_11, %get3A_12] : memref<10000x128xf32, #tpu.memory_space<vmem>>, vector<10000x128xf32>
    %get3A_14 = arith.constant 0 : index
    %get3A_15 = arith.constant 0 : index
    %get3A_16 = vector.load %arg1[%get3A_14, %get3A_15] : memref<128x128xf32, #tpu.memory_space<vmem>>, vector<128x128xf32>
    %dot_general3A = arith.constant dense<0.000000e+00> : vector<10000x128xf32>
    %dot_general3A_17 = tpu.matmul %get3A_13, %get3A_16, %dot_general3A {dimension_numbers = #tpu.dot_dimension_numbers<[1], [0], [0], [1], [0, 0, 1, 1], [], []>, transpose_lhs_hint = false} : vector<10000x128xf32>, vector<128x128xf32>, vector<10000x128xf32> -> vector<10000x128xf32>
    %mul3A = vector.broadcast %select_n3A : vector<10000x1xf32> to vector<10000x128xf32>
    %mul3A_18 = arith.mulf %dot_general3A_17, %mul3A : vector<10000x128xf32>
    %swap3A = arith.constant 0 : index
    %swap3A_19 = arith.constant 0 : index
    %swap3A_20 = vector.load %arg3[%swap3A, %swap3A_19] : memref<10000x128xf32, #tpu.memory_space<vmem>>, vector<10000x128xf32>
    tpu.vector_store %arg3[%swap3A, %swap3A_19], %mul3A_18 {strides = array<i32>} : memref<10000x128xf32, #tpu.memory_space<vmem>>, vector<10000x128xf32>,
    return
  }
}

module attributes {stable_mosaic.version = 14 : i64} {
  func.func @_tc_sorta_body(%arg0: i32, %arg1: memref<256x1xi32, #tpu.memory_space<vmem>>, %arg2: memref<256x1xf32, #tpu.memory_space<vmem>>, %arg3: memref<1x200xf32, #tpu.memory_space<vmem>>, %arg4: memref<1x200xf32, #tpu.memory_space<vmem>>) attributes {dimension_semantics = [#tpu.dimension_semantics<arbitrary>], iteration_bounds = array<i64: 64>, scalar_prefetch = 0 : i64, scratch_operands = 1 : i64, tpu.core_type = #tpu.core_type<tc>, window_params = [{transform_indices = @transform_0, window_bounds = array<i64: 256, 1>}, {transform_indices = @transform_1, window_bounds = array<i64: 256, 1>}, {pipeline_mode = #tpu.pipeline_mode<synchronous>, transform_indices = @transform_2, window_bounds = array<i64: 1, 200>}]} {
    %eq3A = arith.constant 0 : i32
    %eq3A_0 = arith.cmpi eq, %arg0, %eq3A : i32
    %convert_element_type3A = arith.extui %eq3A_0 : i1 to i32
    %cond3A = arith.constant 0 : i32
    %cond3A_1 = arith.cmpi ne, %convert_element_type3A, %cond3A : i32
    scf.if %cond3A_1 {
      %broadcast_in_dim3A_43 = arith.constant 0.000000e+00 : f32
      %broadcast_in_dim3A_44 = vector.broadcast %broadcast_in_dim3A_43 : f32 to vector<1x200xf32>
      %swap3A_45 = arith.constant 0 : index
      %swap3A_46 = arith.constant 0 : index
      %swap3A_47 = vector.load %arg4[%swap3A_45, %swap3A_46] : memref<1x200xf32, #tpu.memory_space<vmem>>, vector<1x200xf32>
      tpu.vector_store %arg4[%swap3A_45, %swap3A_46], %broadcast_in_dim3A_44 {strides = array<i32>} : memref<1x200xf32, #tpu.memory_space<vmem>>, vector<1x200xf32>,
    } else {
    }
    %get3A = arith.constant 0 : index
    %get3A_2 = arith.constant 0 : index
    %get3A_3 = vector.load %arg1[%get3A, %get3A_2] : memref<256x1xi32, #tpu.memory_space<vmem>>, vector<256x1xi32>
    %iota3A = tpu.iota {dimensions = array<i32: 1>} : vector<1x200xi32>
    %eq3A_4 = vector.broadcast %get3A_3 : vector<256x1xi32> to vector<256x200xi32>
    %eq3A_5 = vector.broadcast %iota3A : vector<1x200xi32> to vector<256x200xi32>
    %eq3A_6 = arith.cmpi eq, %eq3A_4, %eq3A_5 : vector<256x200xi32>
    %convert_element_type3A_7 = arith.extui %eq3A_6 : vector<256x200xi1> to vector<256x200xi32>
    %convert_element_type3A_8 = arith.sitofp %convert_element_type3A_7 : vector<256x200xi32> to vector<256x200xf32>
    %convert_element_type3A_9 = arith.truncf %convert_element_type3A_8 : vector<256x200xf32> to vector<256x200xbf16>
    %iota3A_10 = tpu.iota {dimensions = array<i32: 0>} : vector<256x256xi32>
    %iota3A_11 = tpu.iota {dimensions = array<i32: 1>} : vector<256x256xi32>
    %lt3A = arith.cmpi slt, %iota3A_11, %iota3A_10 : vector<256x256xi32>
    %convert_element_type3A_12 = arith.extui %lt3A : vector<256x256xi1> to vector<256x256xi32>
    %convert_element_type3A_13 = arith.sitofp %convert_element_type3A_12 : vector<256x256xi32> to vector<256x256xf32>
    %convert_element_type3A_14 = arith.truncf %convert_element_type3A_13 : vector<256x256xf32> to vector<256x256xbf16>
    %dot_general3A = arith.constant dense<0.000000e+00> : vector<256x200xf32>
    %dot_general3A_15 = tpu.matmul %convert_element_type3A_14, %convert_element_type3A_9, %dot_general3A {dimension_numbers = #tpu.dot_dimension_numbers<[1], [0], [0], [1], [0, 0, 1, 1], [], []>, transpose_lhs_hint = false} : vector<256x256xbf16>, vector<256x200xbf16>, vector<256x200xf32> -> vector<256x200xf32>
    %mul3A = arith.mulf %dot_general3A_15, %convert_element_type3A_8 : vector<256x200xf32>
    %reduce_sum3A = arith.constant dense<0.000000e+00> : vector<256xf32>
    %reduce_sum3A_16 = vector.multi_reduction <add>, %mul3A, %reduce_sum3A [1] : vector<256x200xf32> to vector<256xf32>
    %broadcast_in_dim3A = vector.shape_cast %reduce_sum3A_16 : vector<256xf32> to vector<256x1xf32>
    %get3A_17 = arith.constant 0 : index
    %get3A_18 = arith.constant 0 : index
    %get3A_19 = vector.load %arg4[%get3A_17, %get3A_18] : memref<1x200xf32, #tpu.memory_space<vmem>>, vector<1x200xf32>
    %mul3A_20 = vector.broadcast %get3A_19 : vector<1x200xf32> to vector<256x200xf32>
    %mul3A_21 = arith.mulf %mul3A_20, %convert_element_type3A_8 : vector<256x200xf32>
    %reduce_sum3A_22 = arith.constant dense<0.000000e+00> : vector<256xf32>
    %reduce_sum3A_23 = vector.multi_reduction <add>, %mul3A_21, %reduce_sum3A_22 [1] : vector<256x200xf32> to vector<256xf32>
    %broadcast_in_dim3A_24 = vector.shape_cast %reduce_sum3A_23 : vector<256xf32> to vector<256x1xf32>
    %add3A = arith.addf %broadcast_in_dim3A_24, %broadcast_in_dim3A : vector<256x1xf32>
    %swap3A = arith.constant 0 : index
    %swap3A_25 = arith.constant 0 : index
    %swap3A_26 = vector.load %arg2[%swap3A, %swap3A_25] : memref<256x1xf32, #tpu.memory_space<vmem>>, vector<256x1xf32>
    tpu.vector_store %arg2[%swap3A, %swap3A_25], %add3A {strides = array<i32>} : memref<256x1xf32, #tpu.memory_space<vmem>>, vector<256x1xf32>,
    %get3A_27 = arith.constant 0 : index
    %get3A_28 = arith.constant 0 : index
    %get3A_29 = vector.load %arg4[%get3A_27, %get3A_28] : memref<1x200xf32, #tpu.memory_space<vmem>>, vector<1x200xf32>
    %reduce_sum3A_30 = arith.constant dense<0.000000e+00> : vector<200xf32>
    %reduce_sum3A_31 = vector.multi_reduction <add>, %convert_element_type3A_8, %reduce_sum3A_30 [0] : vector<256x200xf32> to vector<200xf32>
    %broadcast_in_dim3A_32 = vector.shape_cast %reduce_sum3A_31 : vector<200xf32> to vector<1x200xf32>
    %add3A_33 = arith.addf %get3A_29, %broadcast_in_dim3A_32 : vector<1x200xf32>
    %swap3A_34 = arith.constant 0 : index
    %swap3A_35 = arith.constant 0 : index
    %swap3A_36 = vector.load %arg4[%swap3A_34, %swap3A_35] : memref<1x200xf32, #tpu.memory_space<vmem>>, vector<1x200xf32>
    tpu.vector_store %arg4[%swap3A_34, %swap3A_35], %add3A_33 {strides = array<i32>} : memref<1x200xf32, #tpu.memory_space<vmem>>, vector<1x200xf32>,
    %get3A_37 = arith.constant 0 : index
    %get3A_38 = arith.constant 0 : index
    %get3A_39 = vector.load %arg4[%get3A_37, %get3A_38] : memref<1x200xf32, #tpu.memory_space<vmem>>, vector<1x200xf32>
    %swap3A_40 = arith.constant 0 : index
    %swap3A_41 = arith.constant 0 : index
    %swap3A_42 = vector.load %arg3[%swap3A_40, %swap3A_41] : memref<1x200xf32, #tpu.memory_space<vmem>>, vector<1x200xf32>
    tpu.vector_store %arg3[%swap3A_40, %swap3A_41], %get3A_39 {strides = array<i32>} : memref<1x200xf32, #tpu.memory_space<vmem>>, vector<1x200xf32>,
    return
  }
  func.func @transform_0(%arg0: i32) -> (i32, i32) {
    %c0_i32 = arith.constant 0 : i32
    %c0_i32_0 = arith.constant 0 : i32
    return %arg0, %c0_i32 : i32, i32
  }
  func.func @transform_1(%arg0: i32) -> (i32, i32) {
    %c0_i32 = arith.constant 0 : i32
    %c0_i32_0 = arith.constant 0 : i32
    return %arg0, %c0_i32 : i32, i32
  }
  func.func @transform_2(%arg0: i32) -> (i32, i32) {
    %c0_i32 = arith.constant 0 : i32
    %c0_i32_0 = arith.constant 0 : i32
    %c0_i32_1 = arith.constant 0 : i32
    return %c0_i32, %c0_i32_0 : i32, i32
  }
}

module attributes {stable_mosaic.version = 14 : i64} {
  func.func @_tc_sortb_body(%arg0: memref<16384x1xf32, #tpu.memory_space<vmem>>, %arg1: memref<1x200xf32, #tpu.memory_space<vmem>>, %arg2: memref<16384x1xi32, #tpu.memory_space<vmem>>, %arg3: memref<16384x1xi32, #tpu.memory_space<vmem>>, %arg4: memref<1x200xf32, #tpu.memory_space<vmem>>, %arg5: memref<64x2xi32, #tpu.memory_space<vmem>>) attributes {dimension_semantics = [], scalar_prefetch = 0 : i64, scratch_operands = 0 : i64, tpu.core_type = #tpu.core_type<tc>} {
    %get3A = arith.constant 0 : index
    %get3A_0 = arith.constant 0 : index
    %get3A_1 = vector.load %arg1[%get3A, %get3A_0] : memref<1x200xf32, #tpu.memory_space<vmem>>, vector<1x200xf32>
    %iota3A = tpu.iota {dimensions = array<i32: 0>} : vector<200x200xi32>
    %iota3A_2 = tpu.iota {dimensions = array<i32: 1>} : vector<200x200xi32>
    %le3A = arith.cmpi sle, %iota3A, %iota3A_2 : vector<200x200xi32>
    %convert_element_type3A = arith.extui %le3A : vector<200x200xi1> to vector<200x200xi32>
    %convert_element_type3A_3 = arith.sitofp %convert_element_type3A : vector<200x200xi32> to vector<200x200xf32>
    %dot_general3A = arith.constant dense<0.000000e+00> : vector<1x200xf32>
    %dot_general3A_4 = tpu.matmul %get3A_1, %convert_element_type3A_3, %dot_general3A {dimension_numbers = #tpu.dot_dimension_numbers<[1], [0], [0], [1], [0, 0, 1, 1], [], []>, transpose_lhs_hint = false} : vector<1x200xf32>, vector<200x200xf32>, vector<1x200xf32> -> vector<1x200xf32>
    %sub3A = arith.subf %dot_general3A_4, %get3A_1 : vector<1x200xf32>
    %iota3A_5 = tpu.iota {dimensions = array<i32: 1>} : vector<1x200xi32>
    %get3A_6 = arith.constant 0 : index
    %get3A_7 = arith.constant 0 : index
    %get3A_8 = vector.load %arg2[%get3A_6, %get3A_7] : memref<16384x1xi32, #tpu.memory_space<vmem>>, vector<16384x1xi32>
    %eq3A = vector.broadcast %get3A_8 : vector<16384x1xi32> to vector<16384x200xi32>
    %eq3A_9 = vector.broadcast %iota3A_5 : vector<1x200xi32> to vector<16384x200xi32>
    %eq3A_10 = arith.cmpi eq, %eq3A, %eq3A_9 : vector<16384x200xi32>
    %convert_element_type3A_11 = arith.extui %eq3A_10 : vector<16384x200xi1> to vector<16384x200xi32>
    %convert_element_type3A_12 = arith.sitofp %convert_element_type3A_11 : vector<16384x200xi32> to vector<16384x200xf32>
    %mul3A = vector.broadcast %sub3A : vector<1x200xf32> to vector<16384x200xf32>
    %mul3A_13 = arith.mulf %convert_element_type3A_12, %mul3A : vector<16384x200xf32>
    %reduce_sum3A = arith.constant dense<0.000000e+00> : vector<16384xf32>
    %reduce_sum3A_14 = vector.multi_reduction <add>, %mul3A_13, %reduce_sum3A [1] : vector<16384x200xf32> to vector<16384xf32>
    %broadcast_in_dim3A = vector.shape_cast %reduce_sum3A_14 : vector<16384xf32> to vector<16384x1xf32>
    %get3A_15 = arith.constant 0 : index
    %get3A_16 = arith.constant 0 : index
    %get3A_17 = vector.load %arg0[%get3A_15, %get3A_16] : memref<16384x1xf32, #tpu.memory_space<vmem>>, vector<16384x1xf32>
    %add3A = arith.addf %get3A_17, %broadcast_in_dim3A : vector<16384x1xf32>
    %convert_element_type3A_18 = arith.fptosi %add3A : vector<16384x1xf32> to vector<16384x1xi32>
    %swap3A = arith.constant 0 : index
    %swap3A_19 = arith.constant 0 : index
    %swap3A_20 = vector.load %arg3[%swap3A, %swap3A_19] : memref<16384x1xi32, #tpu.memory_space<vmem>>, vector<16384x1xi32>
    tpu.vector_store %arg3[%swap3A, %swap3A_19], %convert_element_type3A_18 {strides = array<i32>} : memref<16384x1xi32, #tpu.memory_space<vmem>>, vector<16384x1xi32>,
    %swap3A_21 = arith.constant 0 : index
    %swap3A_22 = arith.constant 0 : index
    %swap3A_23 = vector.load %arg4[%swap3A_21, %swap3A_22] : memref<1x200xf32, #tpu.memory_space<vmem>>, vector<1x200xf32>
    tpu.vector_store %arg4[%swap3A_21, %swap3A_22], %dot_general3A_4 {strides = array<i32>} : memref<1x200xf32, #tpu.memory_space<vmem>>, vector<1x200xf32>,
    %iota3A_24 = tpu.iota {dimensions = array<i32: 0>} : vector<64x1xi32>
    %convert_element_type3A_25 = arith.sitofp %iota3A_24 : vector<64x1xi32> to vector<64x1xf32>
    %mul3A_26 = arith.constant 2.560000e+02 : f32
    %mul3A_27 = vector.broadcast %mul3A_26 : f32 to vector<64x1xf32>
    %mul3A_28 = arith.mulf %convert_element_type3A_25, %mul3A_27 : vector<64x1xf32>
    %le3A_29 = vector.broadcast %dot_general3A_4 : vector<1x200xf32> to vector<64x200xf32>
    %le3A_30 = vector.broadcast %mul3A_28 : vector<64x1xf32> to vector<64x200xf32>
    %le3A_31 = arith.cmpf ole, %le3A_29, %le3A_30 : vector<64x200xf32>
    %convert_element_type3A_32 = arith.extui %le3A_31 : vector<64x200xi1> to vector<64x200xi32>
    %convert_element_type3A_33 = arith.sitofp %convert_element_type3A_32 : vector<64x200xi32> to vector<64x200xf32>
    %reduce_sum3A_34 = arith.constant dense<0.000000e+00> : vector<64xf32>
    %reduce_sum3A_35 = vector.multi_reduction <add>, %convert_element_type3A_33, %reduce_sum3A_34 [1] : vector<64x200xf32> to vector<64xf32>
    %broadcast_in_dim3A_36 = vector.shape_cast %reduce_sum3A_35 : vector<64xf32> to vector<64x1xf32>
    %add3A_37 = arith.constant 2.550000e+02 : f32
    %add3A_38 = vector.broadcast %add3A_37 : f32 to vector<64x1xf32>
    %add3A_39 = arith.addf %mul3A_28, %add3A_38 : vector<64x1xf32>
    %le3A_40 = vector.broadcast %dot_general3A_4 : vector<1x200xf32> to vector<64x200xf32>
    %le3A_41 = vector.broadcast %add3A_39 : vector<64x1xf32> to vector<64x200xf32>
    %le3A_42 = arith.cmpf ole, %le3A_40, %le3A_41 : vector<64x200xf32>
    %convert_element_type3A_43 = arith.extui %le3A_42 : vector<64x200xi1> to vector<64x200xi32>
    %convert_element_type3A_44 = arith.sitofp %convert_element_type3A_43 : vector<64x200xi32> to vector<64x200xf32>
    %reduce_sum3A_45 = arith.constant dense<0.000000e+00> : vector<64xf32>
    %reduce_sum3A_46 = vector.multi_reduction <add>, %convert_element_type3A_44, %reduce_sum3A_45 [1] : vector<64x200xf32> to vector<64xf32>
    %broadcast_in_dim3A_47 = vector.shape_cast %reduce_sum3A_46 : vector<64xf32> to vector<64x1xf32>
    %concatenate3A = tpu.concatenate %broadcast_in_dim3A_36, %broadcast_in_dim3A_47 in 1 : vector<64x1xf32>, vector<64x1xf32> -> vector<64x2xf32>
    %convert_element_type3A_48 = arith.fptosi %concatenate3A : vector<64x2xf32> to vector<64x2xi32>
    %swap3A_49 = arith.constant 0 : index
    %swap3A_50 = arith.constant 0 : index
    %swap3A_51 = vector.load %arg5[%swap3A_49, %swap3A_50] : memref<64x2xi32, #tpu.memory_space<vmem>>, vector<64x2xi32>
    tpu.vector_store %arg5[%swap3A_49, %swap3A_50], %convert_element_type3A_48 {strides = array<i32>} : memref<64x2xi32, #tpu.memory_space<vmem>>, vector<64x2xi32>,
    return
  }
}

module attributes {stable_mosaic.version = 14 : i64} {
  func.func @_tc_fin_body(%arg0: memref<2x10240x128xf32, #tpu.memory_space<vmem>>, %arg1: memref<2x10240x128xf32, #tpu.memory_space<vmem>>, %arg2: memref<128xf32, #tpu.memory_space<vmem>>, %arg3: memref<200x128x128xf32, #tpu.memory_space<vmem>>, %arg4: memref<10000x128xf32, #tpu.memory_space<vmem>>, %arg5: memref<200x128x128xbf16, #tpu.memory_space<vmem>>) attributes {dimension_semantics = [], scalar_prefetch = 0 : i64, scratch_operands = 0 : i64, tpu.core_type = #tpu.core_type<tc>} {
    %get3A = arith.constant 0 : index
    %get3A_0 = arith.constant 0 : index
    %get3A_1 = arith.constant 0 : index
    %get3A_2 = vector.load %arg1[%get3A, %get3A_0, %get3A_1] : memref<2x10240x128xf32, #tpu.memory_space<vmem>>, vector<1x10240x128xf32>
    %get3A_3 = vector.shape_cast %get3A_2 : vector<1x10240x128xf32> to vector<10240x128xf32>
    %get3A_4 = arith.constant 1 : index
    %get3A_5 = arith.constant 0 : index
    %get3A_6 = arith.constant 0 : index
    %get3A_7 = vector.load %arg1[%get3A_4, %get3A_5, %get3A_6] : memref<2x10240x128xf32, #tpu.memory_space<vmem>>, vector<1x10240x128xf32>
    %get3A_8 = vector.shape_cast %get3A_7 : vector<1x10240x128xf32> to vector<10240x128xf32>
    %add3A = arith.addf %get3A_3, %get3A_8 : vector<10240x128xf32>
    %slice3A = vector.extract_strided_slice %add3A {offsets = [0, 0], sizes = [10000, 1], strides = [1, 1]} : vector<10240x128xf32> to vector<10000x1xf32>
    %gt3A = arith.constant 0.000000e+00 : f32
    %gt3A_9 = vector.broadcast %gt3A : f32 to vector<10000x1xf32>
    %gt3A_10 = arith.cmpf ogt, %slice3A, %gt3A_9 : vector<10000x1xf32>
    %rsqrt3A = math.rsqrt %slice3A : vector<10000x1xf32>
    %jit3A = arith.constant 0.000000e+00 : f32
    %broadcast_in_dim3A = vector.broadcast %jit3A : f32 to vector<10000x1xf32>
    %select_n3A = arith.select %gt3A_10, %rsqrt3A, %broadcast_in_dim3A : vector<10000x1xi1>, vector<10000x1xf32>
    %get3A_11 = arith.constant 0 : index
    %get3A_12 = arith.constant 0 : index
    %get3A_13 = arith.constant 0 : index
    %get3A_14 = vector.load %arg0[%get3A_11, %get3A_12, %get3A_13] : memref<2x10240x128xf32, #tpu.memory_space<vmem>>, vector<1x10240x128xf32>
    %get3A_15 = vector.shape_cast %get3A_14 : vector<1x10240x128xf32> to vector<10240x128xf32>
    %get3A_16 = arith.constant 1 : index
    %get3A_17 = arith.constant 0 : index
    %get3A_18 = arith.constant 0 : index
    %get3A_19 = vector.load %arg0[%get3A_16, %get3A_17, %get3A_18] : memref<2x10240x128xf32, #tpu.memory_space<vmem>>, vector<1x10240x128xf32>
    %get3A_20 = vector.shape_cast %get3A_19 : vector<1x10240x128xf32> to vector<10240x128xf32>
    %add3A_21 = arith.addf %get3A_15, %get3A_20 : vector<10240x128xf32>
    %slice3A_22 = vector.extract_strided_slice %add3A_21 {offsets = [0, 0], sizes = [10000, 128], strides = [1, 1]} : vector<10240x128xf32> to vector<10000x128xf32>
    %mul3A = vector.broadcast %select_n3A : vector<10000x1xf32> to vector<10000x128xf32>
    %mul3A_23 = arith.mulf %slice3A_22, %mul3A : vector<10000x128xf32>
    %get3A_24 = arith.constant 0 : index
    %get3A_25 = vector.load %arg2[%get3A_24] : memref<128xf32, #tpu.memory_space<vmem>>, vector<128xf32>
    %broadcast_in_dim3A_26 = vector.shape_cast %get3A_25 : vector<128xf32> to vector<1x128xf32>
    %add3A_27 = vector.broadcast %broadcast_in_dim3A_26 : vector<1x128xf32> to vector<10000x128xf32>
    %add3A_28 = arith.addf %mul3A_23, %add3A_27 : vector<10000x128xf32>
    %swap3A = arith.constant 0 : index
    %swap3A_29 = arith.constant 0 : index
    %swap3A_30 = vector.load %arg4[%swap3A, %swap3A_29] : memref<10000x128xf32, #tpu.memory_space<vmem>>, vector<10000x128xf32>
    tpu.vector_store %arg4[%swap3A, %swap3A_29], %add3A_28 {strides = array<i32>} : memref<10000x128xf32, #tpu.memory_space<vmem>>, vector<10000x128xf32>,
    %get3A_31 = arith.constant 0 : index
    %get3A_32 = arith.constant 0 : index
    %get3A_33 = arith.constant 0 : index
    %get3A_34 = vector.load %arg3[%get3A_31, %get3A_32, %get3A_33] : memref<200x128x128xf32, #tpu.memory_space<vmem>>, vector<200x128x128xf32>
    %convert_element_type3A = arith.truncf %get3A_34 : vector<200x128x128xf32> to vector<200x128x128xbf16>
    %swap3A_35 = arith.constant 0 : index
    %swap3A_36 = arith.constant 0 : index
    %swap3A_37 = arith.constant 0 : index
    %swap3A_38 = vector.load %arg5[%swap3A_35, %swap3A_36, %swap3A_37] : memref<200x128x128xbf16, #tpu.memory_space<vmem>>, vector<200x128x128xbf16>
    tpu.vector_store %arg5[%swap3A_35, %swap3A_36, %swap3A_37], %convert_element_type3A {strides = array<i32>} : memref<200x128x128xbf16, #tpu.memory_space<vmem>>, vector<200x128x128xbf16>,
    return
  }
}

module attributes {stable_mosaic.version = 14 : i64} {
  func.func @_tc_score_body(%arg0: i32, %arg1: memref<64x2xi32, #tpu.memory_space<smem>>, %arg2: memref<1x200xf32, #tpu.memory_space<vmem>>, %arg3: memref<256x128xf32, #tpu.memory_space<vmem>>, %arg4: memref<200x128x128xbf16, #tpu.memory_space<vmem>>, %arg5: memref<256x128xf32, #tpu.memory_space<vmem>>) attributes {dimension_semantics = [#tpu.dimension_semantics<arbitrary>], iteration_bounds = array<i64: 64>, scalar_prefetch = 0 : i64, scratch_operands = 0 : i64, tpu.core_type = #tpu.core_type<tc>, window_params = [{transform_indices = @transform_0, window_bounds = array<i64: 64, 2>}, {pipeline_mode = #tpu.pipeline_mode<synchronous>, transform_indices = @transform_1, window_bounds = array<i64: 1, 200>}, {transform_indices = @transform_2, window_bounds = array<i64: 256, 128>}, {pipeline_mode = #tpu.pipeline_mode<synchronous>, transform_indices = @transform_3, window_bounds = array<i64: 200, 128, 128>}, {transform_indices = @transform_4, window_bounds = array<i64: 256, 128>}]} {
    %get3A = arith.index_cast %arg0 : i32 to index
    %get3A_0 = arith.constant 0 : index
    %get3A_1 = memref.load %arg1[%get3A, %get3A_0] : memref<64x2xi32, #tpu.memory_space<smem>>
    %get3A_2 = arith.index_cast %arg0 : i32 to index
    %get3A_3 = arith.constant 1 : index
    %get3A_4 = memref.load %arg1[%get3A_2, %get3A_3] : memref<64x2xi32, #tpu.memory_space<smem>>
    %iota3A = tpu.iota {dimensions = array<i32: 0>} : vector<256x1xi32>
    %convert_element_type3A = arith.sitofp %iota3A : vector<256x1xi32> to vector<256x1xf32>
    %convert_element_type3A_5 = arith.sitofp %arg0 : i32 to f32
    %mul3A = arith.constant 2.560000e+02 : f32
    %mul3A_6 = arith.mulf %mul3A, %convert_element_type3A_5 : f32
    %add3A = vector.broadcast %mul3A_6 : f32 to vector<256x1xf32>
    %add3A_7 = arith.addf %convert_element_type3A, %add3A : vector<256x1xf32>
    %get3A_8 = arith.constant 0 : index
    %get3A_9 = arith.constant 0 : index
    %get3A_10 = vector.load %arg2[%get3A_8, %get3A_9] : memref<1x200xf32, #tpu.memory_space<vmem>>, vector<1x200xf32>
    %le3A = vector.broadcast %get3A_10 : vector<1x200xf32> to vector<256x200xf32>
    %le3A_11 = vector.broadcast %add3A_7 : vector<256x1xf32> to vector<256x200xf32>
    %le3A_12 = arith.cmpf ole, %le3A, %le3A_11 : vector<256x200xf32>
    %convert_element_type3A_13 = arith.extui %le3A_12 : vector<256x200xi1> to vector<256x200xi32>
    %convert_element_type3A_14 = arith.sitofp %convert_element_type3A_13 : vector<256x200xi32> to vector<256x200xf32>
    %reduce_sum3A = arith.constant dense<0.000000e+00> : vector<256xf32>
    %reduce_sum3A_15 = vector.multi_reduction <add>, %convert_element_type3A_14, %reduce_sum3A [1] : vector<256x200xf32> to vector<256xf32>
    %broadcast_in_dim3A = vector.shape_cast %reduce_sum3A_15 : vector<256xf32> to vector<256x1xf32>
    %broadcast_in_dim3A_16 = arith.constant 0.000000e+00 : f32
    %broadcast_in_dim3A_17 = vector.broadcast %broadcast_in_dim3A_16 : f32 to vector<256x128xf32>
    %swap3A = arith.constant 0 : index
    %swap3A_18 = arith.constant 0 : index
    %swap3A_19 = vector.load %arg5[%swap3A, %swap3A_18] : memref<256x128xf32, #tpu.memory_space<vmem>>, vector<256x128xf32>
    tpu.vector_store %arg5[%swap3A, %swap3A_18], %broadcast_in_dim3A_17 {strides = array<i32>} : memref<256x128xf32, #tpu.memory_space<vmem>>, vector<256x128xf32>,
    %get3A_20 = arith.constant 0 : index
    %get3A_21 = arith.constant 0 : index
    %get3A_22 = vector.load %arg3[%get3A_20, %get3A_21] : memref<256x128xf32, #tpu.memory_space<vmem>>, vector<256x128xf32>
    %convert_element_type3A_23 = arith.truncf %get3A_22 : vector<256x128xf32> to vector<256x128xbf16>
    %add3A_24 = arith.constant 1 : i32
    %add3A_25 = arith.addi %get3A_4, %add3A_24 : i32
    %while3A = arith.constant 0 : i32
    %while3A_26 = arith.subi %add3A_25, %get3A_1 : i32
    %while3A_27 = arith.addi %get3A_1, %while3A_26 : i32
    %while3A_28 = arith.constant 1 : i32
    %while3A_29 = arith.divsi %while3A_26, %while3A_28 : i32
    %while3A_30 = arith.muli %while3A_29, %while3A_28 : i32
    %while3A_31 = arith.addi %get3A_1, %while3A_30 : i32
    %while3A_32 = arith.constant 1 : i32
    scf.for %while3A_34 = %get3A_1 to %while3A_31 step %while3A_32  : i32 {
      %convert_element_type3A_35 = arith.sitofp %while3A_34 : i32 to f32
      %eq3A = vector.broadcast %convert_element_type3A_35 : f32 to vector<256x1xf32>
      %eq3A_36 = arith.cmpf oeq, %broadcast_in_dim3A, %eq3A : vector<256x1xf32>
      %jit3A = arith.constant 0.000000e+00 : bf16
      %broadcast_in_dim3A_37 = vector.shape_cast %eq3A_36 : vector<256x1xi1> to vector<256x1xi1>
      %broadcast_in_dim3A_38 = vector.broadcast %broadcast_in_dim3A_37 : vector<256x1xi1> to vector<256x128xi1>
      %broadcast_in_dim3A_39 = vector.broadcast %jit3A : bf16 to vector<256x128xbf16>
      %select_n3A = arith.select %broadcast_in_dim3A_38, %convert_element_type3A_23, %broadcast_in_dim3A_39 : vector<256x128xi1>, vector<256x128xbf16>
      %get3A_40 = arith.constant 0 : index
      %get3A_41 = arith.constant 0 : index
      %get3A_42 = vector.load %arg5[%get3A_40, %get3A_41] : memref<256x128xf32, #tpu.memory_space<vmem>>, vector<256x128xf32>
      %get3A_43 = arith.index_cast %while3A_34 : i32 to index
      %get3A_44 = arith.constant 0 : index
      %get3A_45 = arith.constant 0 : index
      %get3A_46 = vector.load %arg4[%get3A_43, %get3A_44, %get3A_45] : memref<200x128x128xbf16, #tpu.memory_space<vmem>>, vector<1x128x128xbf16>
      %get3A_47 = vector.shape_cast %get3A_46 : vector<1x128x128xbf16> to vector<128x128xbf16>
      %dot_general3A = arith.constant dense<0.000000e+00> : vector<256x128xf32>
      %dot_general3A_48 = tpu.matmul %select_n3A, %get3A_47, %dot_general3A {dimension_numbers = #tpu.dot_dimension_numbers<[1], [0], [0], [1], [0, 0, 1, 1], [], []>, transpose_lhs_hint = false} : vector<256x128xbf16>, vector<128x128xbf16>, vector<256x128xf32> -> vector<256x128xf32>
      %add3A_49 = arith.addf %get3A_42, %dot_general3A_48 : vector<256x128xf32>
      %swap3A_50 = arith.constant 0 : index
      %swap3A_51 = arith.constant 0 : index
      %swap3A_52 = vector.load %arg5[%swap3A_50, %swap3A_51] : memref<256x128xf32, #tpu.memory_space<vmem>>, vector<256x128xf32>
      tpu.vector_store %arg5[%swap3A_50, %swap3A_51], %add3A_49 {strides = array<i32>} : memref<256x128xf32, #tpu.memory_space<vmem>>, vector<256x128xf32>,
    }
    %while3A_33 = arith.constant 1 : i32
    scf.for %while3A_34 = %while3A_31 to %while3A_27 step %while3A_33  : i32 {
      %convert_element_type3A_35 = arith.sitofp %while3A_34 : i32 to f32
      %eq3A = vector.broadcast %convert_element_type3A_35 : f32 to vector<256x1xf32>
      %eq3A_36 = arith.cmpf oeq, %broadcast_in_dim3A, %eq3A : vector<256x1xf32>
      %jit3A = arith.constant 0.000000e+00 : bf16
      %broadcast_in_dim3A_37 = vector.shape_cast %eq3A_36 : vector<256x1xi1> to vector<256x1xi1>
      %broadcast_in_dim3A_38 = vector.broadcast %broadcast_in_dim3A_37 : vector<256x1xi1> to vector<256x128xi1>
      %broadcast_in_dim3A_39 = vector.broadcast %jit3A : bf16 to vector<256x128xbf16>
      %select_n3A = arith.select %broadcast_in_dim3A_38, %convert_element_type3A_23, %broadcast_in_dim3A_39 : vector<256x128xi1>, vector<256x128xbf16>
      %get3A_40 = arith.constant 0 : index
      %get3A_41 = arith.constant 0 : index
      %get3A_42 = vector.load %arg5[%get3A_40, %get3A_41] : memref<256x128xf32, #tpu.memory_space<vmem>>, vector<256x128xf32>
      %get3A_43 = arith.index_cast %while3A_34 : i32 to index
      %get3A_44 = arith.constant 0 : index
      %get3A_45 = arith.constant 0 : index
      %get3A_46 = vector.load %arg4[%get3A_43, %get3A_44, %get3A_45] : memref<200x128x128xbf16, #tpu.memory_space<vmem>>, vector<1x128x128xbf16>
      %get3A_47 = vector.shape_cast %get3A_46 : vector<1x128x128xbf16> to vector<128x128xbf16>
      %dot_general3A = arith.constant dense<0.000000e+00> : vector<256x128xf32>
      %dot_general3A_48 = tpu.matmul %select_n3A, %get3A_47, %dot_general3A {dimension_numbers = #tpu.dot_dimension_numbers<[1], [0], [0], [1], [0, 0, 1, 1], [], []>, transpose_lhs_hint = false} : vector<256x128xbf16>, vector<128x128xbf16>, vector<256x128xf32> -> vector<256x128xf32>
      %add3A_49 = arith.addf %get3A_42, %dot_general3A_48 : vector<256x128xf32>
      %swap3A_50 = arith.constant 0 : index
      %swap3A_51 = arith.constant 0 : index
      %swap3A_52 = vector.load %arg5[%swap3A_50, %swap3A_51] : memref<256x128xf32, #tpu.memory_space<vmem>>, vector<256x128xf32>
      tpu.vector_store %arg5[%swap3A_50, %swap3A_51], %add3A_49 {strides = array<i32>} : memref<256x128xf32, #tpu.memory_space<vmem>>, vector<256x128xf32>,
    }
    return
  }
  func.func @transform_0(%arg0: i32) -> (i32, i32) {
    %c0_i32 = arith.constant 0 : i32
    %c0_i32_0 = arith.constant 0 : i32
    %c0_i32_1 = arith.constant 0 : i32
    return %c0_i32, %c0_i32_0 : i32, i32
  }
  func.func @transform_1(%arg0: i32) -> (i32, i32) {
    %c0_i32 = arith.constant 0 : i32
    %c0_i32_0 = arith.constant 0 : i32
    %c0_i32_1 = arith.constant 0 : i32
    return %c0_i32, %c0_i32_0 : i32, i32
  }
  func.func @transform_2(%arg0: i32) -> (i32, i32) {
    %c0_i32 = arith.constant 0 : i32
    %c0_i32_0 = arith.constant 0 : i32
    return %arg0, %c0_i32 : i32, i32
  }
  func.func @transform_3(%arg0: i32) -> (i32, i32, i32) {
    %c0_i32 = arith.constant 0 : i32
    %c0_i32_0 = arith.constant 0 : i32
    %c0_i32_1 = arith.constant 0 : i32
    %c0_i32_2 = arith.constant 0 : i32
    return %c0_i32, %c0_i32_0, %c0_i32_1 : i32, i32, i32
  }
  func.func @transform_4(%arg0: i32) -> (i32, i32) {
    %c0_i32 = arith.constant 0 : i32
    %c0_i32_0 = arith.constant 0 : i32
    return %arg0, %c0_i32 : i32, i32
  }
}

module attributes {stable_mosaic.version = 14 : i64} {
  func.func @_tc_final_body(%arg0: memref<16384x128xf32, #tpu.memory_space<vmem>>, %arg1: memref<16384x128xf32, #tpu.memory_space<vmem>>, %arg2: memref<16384x1xf32, #tpu.memory_space<vmem>>) attributes {dimension_semantics = [], scalar_prefetch = 0 : i64, scratch_operands = 0 : i64, tpu.core_type = #tpu.core_type<tc>} {
    %get3A = arith.constant 0 : index
    %get3A_0 = arith.constant 0 : index
    %get3A_1 = vector.load %arg0[%get3A, %get3A_0] : memref<16384x128xf32, #tpu.memory_space<vmem>>, vector<16384x128xf32>
    %get3A_2 = arith.constant 0 : index
    %get3A_3 = arith.constant 0 : index
    %get3A_4 = vector.load %arg1[%get3A_2, %get3A_3] : memref<16384x128xf32, #tpu.memory_space<vmem>>, vector<16384x128xf32>
    %mul3A = arith.mulf %get3A_1, %get3A_4 : vector<16384x128xf32>
    %reduce_sum3A = arith.constant dense<0.000000e+00> : vector<16384xf32>
    %reduce_sum3A_5 = vector.multi_reduction <add>, %mul3A, %reduce_sum3A [1] : vector<16384x128xf32> to vector<16384xf32>
    %broadcast_in_dim3A = vector.shape_cast %reduce_sum3A_5 : vector<16384xf32> to vector<16384x1xf32>
    %swap3A = arith.constant 0 : index
    %swap3A_6 = arith.constant 0 : index
    %swap3A_7 = vector.load %arg2[%swap3A, %swap3A_6] : memref<16384x1xf32, #tpu.memory_space<vmem>>, vector<16384x1xf32>
    tpu.vector_store %arg2[%swap3A, %swap3A_6], %broadcast_in_dim3A {strides = array<i32>} : memref<16384x1xf32, #tpu.memory_space<vmem>>, vector<16384x1xf32>,
    return
  }
}

</mosaic_0001>

<sc_bundles>
// kernel: kernel.14.cloned.1.call-start
scs
__scs_entry_jumppad:
0x0: {  	(pc) =	sbr.rel $0x88, $3  }
0x1: {  	(tag) =	ssettag $0x0;
	lr =	simm.s32 $0x1  }
0x2: {  	[smem:$0x3F97] =	sst lr;
	_ =	strace $0xD0000000  }
0x3: {  	_ = 	snop  }
0x4: {  	_ = 	snop  }
0x5: {  	_ = 	snop  }
0x6: {  	_ = 	snop  }
0x7: {  	_ = 	snop  }
__scs_overlays_trampoline_lowered:
0x8: {  	[smem:$0x3FA6] =	sst s0  }
0x9: {  	[smem:$0x3FA7] =	sst s1  }
0xa: {  	[smem:$0x3FA8] =	sst s2  }
0xb: {  	[smem:$0x3FA9] =	sst s3  }
0xc: {  	[smem:$0x3FAA] =	sst s4  }
0xd: {  	[smem:$0x3FAB] =	sst s5  }
0xe: {  	[smem:$0x3FAC] =	sst s6  }
0xf: {  	[smem:$0x3FAD] =	sst s7  }
0x10: {  	[smem:$0x3FAE] =	sst s8  }
0x11: {  	[smem:$0x3FAF] =	sst s9;
	s0 =	simm.s32 @!p0 $0x0  }
0x12: {  	s1 =	sld [smem:$0x3F95];
	s0 =	simm.s32 @p0 $0x1  }
0x13: {  	[smem:$0x3FB0] =	sst s0;
	s0 =	simm.s32 @!p1 $0x0  }
0x14: {  	s2 =	sld [smem:$0x3F94];
	s0 =	simm.s32 @p1 $0x1  }
0x15: {  	[smem:$0x3FB1] =	sst s0;
	s0 =	simm.s32 @!p2 $0x0  }
0x16: {  	s3 =	sld [smem:$0x3FDB];
	s0 =	simm.s32 @p2 $0x1  }
0x17: {  	s4 =	simm.s32 $0x1BF5;
	[smem:$0x3FB3] =	sst s0  }
0x18: {  	s0 =	sld [smem:$0x3F96];
	_ =	swait.ge [sflag:s4], $0x0  }
0x19: {  	s7 =	sld [smem:$0x3F97]  }
0x1a: {  	s8 =	sadd.s32 $0xFFFFE003, lr  }
0x1b: {  	s9 =	sadd.s32 $0xFFFFFEF7, lr;
	s5 =	simm.s32 $0xFFFFFFFF;
	p2 =	slt.u32 s8, $0xFFFFF086  }
0x1c: {  	p1 =	slt.u32 s9, $0xF7A;
	s5 =	simm.s32 @!p2 $0x0  }
0x1d: {  	s5 =	simm.s32 @p1 $0x1;
	p0 =	seq.s32 s7, s2  }
0x1e: {  	s7 =	smul.u32 @!p0 $0xF7A, s2;
	p2 =	seq.s32 @!p0 s5, $0x0  }
0x1f: {  	s9 =	smul.u32 $0xF7A, s1;
	s8 =	simm.s32 @!p0 $0x1BF5;
	p2 =	por !p2, p0  }
0x20: {  	[sflag:s8] =	ssyncset.s32 @!p0 $0xFFFFF086;
	s6 =	sadd.s32 @!p0 s3, s7;
	s7 =	simm.s32 @!p0 $0x108  }
0x21: {  	s3 =	sadd.s32 s3, s9;
	s6 =	sadd.s32 @!p0 $0x88, s6;
	s7 =	simm.s32 @p2 $0x1082  }
0x22: {  	[simem:s7], [sflag:s8] =	dma.local @!p0 [hbm:s6], $0xF7A  }
0x23: {  	s9 =	sor.u32 $0xD0000000, s2;
	s6 =	simm.s32 $0x108;
	_ =	swait.ge @!p0 [sflag:s8], $0x0  }
0x24: {  	s3 =	sadd.s32 $0x88, s3;
	s6 =	simm.s32 @!p1 $0x1082;
	[sflag:s4] =	ssyncset.s32 $0xFFFFF086  }
0x25: {  	[simem:s6], [sflag:s4] =	dma.local [hbm:s3], $0xF7A  }
0x26: {  	[smem:$0x3F97] =	sst s1;
	(tag) =	ssettag s2;
	_ =	strace s9  }
0x27: {  	s1 =	sld [smem:$0x3FA7]  }
0x28: {  	s2 =	sld [smem:$0x3FA8]  }
0x29: {  	s4 =	sld [smem:$0x3FAA]  }
0x2a: {  	p0 =	seq.s32 s5, $0x0;
	s5 =	sld [smem:$0x3FAB]  }
0x2b: {  	s6 =	sld [smem:$0x3FAC]  }
0x2c: {  	s7 =	sld [smem:$0x3FAD]  }
0x2d: {  	s3 =	simm.s32 $0x108;
	s8 =	sld [smem:$0x3FAE]  }
0x2e: {  	s3 =	simm.s32 @!p0 $0x1082;
	s9 =	sld [smem:$0x3FAF]  }
0x2f: {  	lr =	sadd.s32 s0, s3;
	s0 =	sld [smem:$0x3FA6]  }
0x30: {  	s3 =	sld [smem:$0x3FA9]  }
0x31: {  	[smem:$0x3FB2] =	sst s10  }
0x32: {  	s10 =	sld [smem:$0x3FB0];
	_ =	sdelay $0x3  }
0x33: {  	p0 =	seq.s32 s10, $0x1;
	s10 =	sld [smem:$0x3FB2];
	_ =	sdelay $0x3  }
0x34: {  	[smem:$0x3FB2] =	sst s10  }
0x35: {  	s10 =	sld [smem:$0x3FB1];
	_ =	sdelay $0x3  }
0x36: {  	p1 =	seq.s32 s10, $0x1;
	s10 =	sld [smem:$0x3FB2];
	_ =	sdelay $0x3  }
0x37: {  	[smem:$0x3FB2] =	sst s10  }
0x38: {  	s10 =	sld [smem:$0x3FB3]  }
0x39: {  	_ = 	snop;
	(pc) =	sbr.ind lr, $3  }
0x3a: {  	_ = 	snop  }
0x3b: {  	_ = 	snop  }
0x3c: {  	p2 =	seq.s32 s10, $0x1;
	s10 =	sld [smem:$0x3FB2]  }
0x3d: {  	_ =	shalt  }
0x3e: {  	_ =	shalt  }
0x3f: {  	_ =	shalt  }
0x40: {  	_ =	shalt  }
0x41: {  	_ =	shalt  }
0x42: {  	_ =	shalt  }
0x43: {  	_ =	shalt  }
0x44: {  	_ =	shalt  }
0x45: {  	_ =	shalt  }
0x46: {  	_ =	shalt  }
0x47: {  	_ =	shalt  }
0x48: {  	_ =	shalt  }
0x49: {  	_ =	shalt  }
0x4a: {  	_ =	shalt  }
0x4b: {  	_ =	shalt  }
0x4c: {  	_ =	shalt  }
0x4d: {  	_ =	shalt  }
0x4e: {  	_ =	shalt  }
0x4f: {  	_ =	shalt  }
0x50: {  	_ =	shalt  }
0x51: {  	_ =	shalt  }
0x52: {  	_ =	shalt  }
0x53: {  	_ =	shalt  }
0x54: {  	_ =	shalt  }
0x55: {  	_ =	shalt  }
0x56: {  	_ =	shalt  }
0x57: {  	_ =	shalt  }
0x58: {  	_ =	shalt  }
0x59: {  	_ =	shalt  }
0x5a: {  	_ =	shalt  }
0x5b: {  	_ =	shalt  }
0x5c: {  	_ =	shalt  }
0x5d: {  	_ =	shalt  }
0x5e: {  	_ =	shalt  }
0x5f: {  	_ =	shalt  }
0x60: {  	_ =	shalt  }
0x61: {  	_ =	shalt  }
0x62: {  	_ =	shalt  }
0x63: {  	_ =	shalt  }
0x64: {  	_ =	shalt  }
0x65: {  	_ =	shalt  }
0x66: {  	_ =	shalt  }
0x67: {  	_ =	shalt  }
0x68: {  	_ =	shalt  }
0x69: {  	_ =	shalt  }
0x6a: {  	_ =	shalt  }
0x6b: {  	_ =	shalt  }
0x6c: {  	_ =	shalt  }
0x6d: {  	_ =	shalt  }
0x6e: {  	_ =	shalt  }
0x6f: {  	_ =	shalt  }
0x70: {  	_ =	shalt  }
0x71: {  	_ =	shalt  }
0x72: {  	_ =	shalt  }
0x73: {  	_ =	shalt  }
0x74: {  	_ =	shalt  }
0x75: {  	_ =	shalt  }
0x76: {  	_ =	shalt  }
0x77: {  	_ =	shalt  }
0x78: {  	_ =	shalt  }
0x79: {  	_ =	shalt  }
0x7a: {  	_ =	shalt  }
0x7b: {  	_ =	shalt  }
0x7c: {  	_ =	shalt  }
0x7d: {  	_ =	shalt  }
0x7e: {  	_ =	shalt  }
0x7f: {  	_ =	shalt  }
0x80: {  	_ =	shalt  }
0x81: {  	_ =	shalt  }
0x82: {  	_ =	shalt  }
0x83: {  	_ =	shalt  }
0x84: {  	_ =	shalt  }
0x85: {  	_ =	shalt  }
0x86: {  	_ =	shalt  }
0x87: {  	_ =	shalt  }
.Lfunc_end0:
.L_simem_size_0:
called_computation_lowered:
.L_overlay_start_0:
0x88: {  	s2 =	sld [smem:$0x3FD9]  }
0x89: {  	s3 =	sld [smem:$0x3FFE];
	_ =	sdelay $0x1  }
0x8a: {  	s1 =	srdreg.scid  }
0x8b: {  	s0 =	sand.u32 $0x1, s1  }
0x8c: {  	s17 =	sshll.u32 s0, $0xA;
	s2 =	sadd.s32 s3, s2  }
0x8d: {  	s2 =	sadd.s32 s2, s17  }
0x8e: {  	[smem:$0x3FBE] =	sst s2  }
0x8f: {  	_ = 	snop  }
0x90: {  	s2 =	sld [smem:$0x3FD0];
	(tm) =	ssettm $0x1  }
0x91: {  	s18 =	sld [smem:$0x3FFB];
	_ =	sdelay $0x3  }
0x92: {  	_ =	strace s18  }
0x93: {  	s3 =	sld [smem:$0x3FFC];
	_ =	sdelay $0x3  }
0x94: {  	_ =	strace s3  }
0x95: {  	s3 =	sld [smem:$0x3FFD];
	_ =	sdelay $0x3  }
0x96: {  	_ =	strace s3  }
0x97: {  	_ =	strace $0x8FFFFFFF  }
0x98: {  	s19 =	sld [smem:$0x3FDB];
	_ =	sdelay $0x1  }
0x99: {  	s4 =	simm.s32 $_scs_section_size  }
0x9a: {  	s5 =	simm.s32 $_size__tile_overlayer_lowered;
	s6 =	simm.s32 $_tile_overlayer_lowered  }
0x9b: {  	s22 =	simm.s32 $0x1BFF;
	s21 =	sshll.u32 s6, $0x1;
	s3 =	sadd.s32 s4, s19  }
0x9c: {  	s7 =	simm.s32 $0x0;
	s20 =	sshll.u32 s5, $0x1;
	s5 =	sadd.s32 s21, s3  }
0x9d: {  	[timem:s7], [sflag:s22] =	dma.local [hbm:s5], s20  }
0x9e: {  	_ =	swait.ge [sflag:s22], s20  }
0x9f: {  	s4 =	ssub.s32 $0x0, s20;
	[sflag:s22] =	ssyncset.done $0x0  }
0xa0: {  	[sflag:s22] =	ssyncadd.s32 s4;
	_ =	sdelay $0x1  }
0xa1: {  	s23 =	simm.s32 $0x1B8B  }
0xa2: {  	_ =	swait.ge [sflag:s23], $0x1  }
0xa3: {  	[sflag:s23] =	ssyncset.done $0x0  }
0xa4: {  	s25 =	simm.s32 $0x1B8E;
	s24 =	sld [smem:$0x3FFE];
	[sflag:s23] =	ssyncadd.s32 $0xFFFFFFFF  }
0xa5: {  	s26 =	simm.s32 $execute0_lowered;
	[smem:$0x3FD2] =	sst s25  }
0xa6: {  	s5 =	sshll.u32 s26, $0x1;
	_ =	strace $0x80000046;
	[dreg:$0x1] =	wrdreg $0xFFFFFFFF  }
0xa7: {  	s28 =	simm.s32 $_size_execute0_lowered;
	s3 =	sadd.s32 s3, s5;
	[dreg:$0x0] =	wrdreg $0x0  }
0xa8: {  	s5 =	sshll.u32 s28, $0x1;
	[dreg:$0x2] =	wrdreg s3  }
0xa9: {  	[dreg:$0x3] =	wrdreg s5  }
0xaa: {  	[dreg:$0x4] =	wrdreg $0xC0  }
0xab: {  	_ =	task [dreg:s7], $0x5FFFF  }
0xac: {  	[dreg:$0x1] =	wrdreg $0xFFFFFFFF  }
0xad: {  	[dreg:$0x0] =	wrdreg $0x60  }
0xae: {  	[dreg:$0x2] =	wrdreg s24  }
0xaf: {  	[dreg:$0x3] =	wrdreg s2  }
0xb0: {  	[dreg:$0x4] =	wrdreg $0x49000  }
0xb1: {  	[dreg:$0x5] =	wrdreg $0x9  }
0xb2: {  	_ =	task.clear_ibuf [dreg:s7], $0x6FFFF;
	_ =	strace $0x90000046  }
0xb3: {  	s29 =	simm.s32 $0x9;
	_ =	strace $0x80000048  }
0xb4: {  	_ =	swait.ge [sflag:s29], $0x1  }
0xb5: {  	[sflag:s29] =	ssyncadd.s32 $0xFFFFFFFF  }
0xb6: {  	_ =	strace $0x90000048  }
0xb7: {  	_ =	sfence  }
0xb8: {  	s30 =	sld [smem:$0x0];
	_ =	sdelay $0x2  }
0xb9: {  	s31 =	sshll.u32 s1, $0xD;
	s1 =	sshrl.u32 s1, $0x2  }
0xba: {  	s3 =	sand.u32 $0x4000, s31;
	s1 =	sadd.s32 s1, s30  }
0xbb: {  	s0 =	sor.u32 s3, s0;
	s1 =	sshll.u32 s1, $0x11  }
0xbc: {  	s0 =	sor.u32 s1, s0  }
0xbd: {  	s0 =	sadd.s32 $0x8F2B, s0  }
0xbe: {  	[sflag:s0] =	ssyncadd.remote.s32 $0x1  }
0xbf: {  	_ =	sfence.sel $0xFFFF  }
0xc0: {  	[dreg:$0x0] =	wrdreg $0xFFFFFFFF;
	(pc) =	sbr.abs _section_cstart, $3  }
0xc1: {  	[dreg:$0x1] =	wrdreg $0xFFFFFFFF  }
0xc2: {  	_ =	task.clear_ibuf [dreg:s7], $0x2FFFF;
	_ =	strace $0x9FFFFFFF  }
0xc3: {  	(tm) =	ssettm $0x7FFFFFFF  }
tec
execute0_lowered:
.L_overlay_start_1:
0x0: {  	(tag) =	ssettag $0x1  }
0x1: {  	s6 =	rddreg [dreg:$0x0]  }
0x2: {  	s1 =	rddreg [dreg:$0x1]  }
0x3: {  	s2 =	rddreg [dreg:$0x2];
	s3 =	srdreg.scid  }
0x4: {  	s4 =	simm.s32 $0x0;
	s21 =	simm.s32 $0x100;
	s9 =	sand.u32 $0x1, s3  }
0x5: {  	s22 =	simm.s32 $0x3;
	s3 =	stileid.u32;
	s7 =	smul.u32 $0x140000, s9  }
0x6: {  	s28 =	simm.s32 $0x2;
	s29 =	simm.s32 $0x0;
	s8 =	smul.u32 $0x14000, s3  }
0x7: {  	[smem:$0x7FF] =	sst s4;
	s5 =	sadd.s32 $0x2E00, s6;
	s24 =	smul.u32 $0x50000, s3  }
0x8: {  	_ =	strace $0x80000047;
	s10 =	sshll.u32 s9, $0x4;
	s16 =	smul.u32 $0x27100, s9  }
0x9: {  	s11 =	ssub.s32 $0x2, s9;
	s17 =	smul.u32 $0x2710, s3;
	s23 =	sor.u32 s3, s10  }
0xa: {  	s25 =	sshrl.u32 s11, $0x1;
	s7 =	sadd.s32 s8, s7;
	s8 =	smul.u32 $0x2710, s23  }
0xb: {  	s26 =	sshrl.u32 s24, $0x2;
	s30 =	ssub.s32 s11, s25;
	s19 =	sadd.s32 s17, s16  }
0xc: {  	s23 =	simm.s32 $0x2900;
	s24 =	simm.s32 $0x1;
	s25 =	simm.s32 $0x80  }
0xd: {  	s7 =	sshrl.u32 s7, $0x3;
	s9 =	smax.u32 s30, $0x1;
	s20 =	sadd.s32 $0x50, s19  }
0xe: {  	s19 =	sadd.s32 $0xA0, s19;
	s12 =	sadd.s32 s7, s6;
	s6 =	sadd.s32 s26, s2  }
0xf: {  	s31 =	sshrl.u32 s8, $0x3;
	s20 =	sshrl.u32 s20, $0x3;
	s26 =	simm.s32 $0x50  }
0x10: {  	s7 =	sadd.s32 s5, s31;
	s8 =	sadd.s32 $0x16A00, s12;
	s10 =	sadd.s32 $0x2000, s6  }
0x11: {  	s11 =	sadd.s32 $0x4000, s6;
	s12 =	sadd.s32 $0x6000, s6;
	s13 =	sadd.s32 $0x8000, s6  }
0x12: {  	s14 =	sadd.s32 $0xA000, s6;
	s15 =	sadd.s32 $0xC000, s6;
	s16 =	sadd.s32 $0xE000, s6  }
0x13: {  	v0 =	vimm.f32 $0.0e+00;
	s17 =	sadd.s32 $0x10000, s6;
	s18 =	sadd.s32 $0x12000, s6;
	s20 =	sadd.s32 s20, s5  }
.LBB2_1:
0x14: {  	s30 =	simm.s32 $0x0;
	s31 =	simm.s32 $0x200  }
.LBB2_2:
0x15: {  	p0 =	sne.s32 s31, $0x7E00;
	[tilespmem:s30+$0x2970] =	vst v0  }
0x16: {  	[tilespmem:s30+$0x2900] =	vst v0  }
0x17: {  	[tilespmem:s30+$0x2910] =	vst v0  }
.Ltmp0:
0x18: {  	[tilespmem:s30+$0x2920] =	vst v0;
	(pc) =	sbr.rel @p0 .LBB2_2-.Ltmp0, $4  }
0x19: {  	[tilespmem:s30+$0x2930] =	vst v0  }
0x1a: {  	[tilespmem:s30+$0x2940] =	vst v0  }
0x1b: {  	[tilespmem:s30+$0x2950] =	vst v0  }
0x1c: {  	[tilespmem:s30+$0x2960] =	vst v0;
	s30 =	sshra.s32 s31, $0x2;
	s31 =	sadd.s32 $0x200, s31  }
0x1d: {  	[tilespmem:s30+$0x2970] =	vst v0  }
0x1e: {  	[tilespmem:s30+$0x2900] =	vst v0  }
0x1f: {  	[tilespmem:s30+$0x2910] =	vst v0  }
0x20: {  	[tilespmem:s30+$0x2920] =	vst v0  }
0x21: {  	[tilespmem:s30+$0x2930] =	vst v0  }
0x22: {  	[tilespmem:s30+$0x2940] =	vst v0  }
0x23: {  	[tilespmem:s30+$0x2950] =	vst v0  }
0x24: {  	[tilespmem:s30+$0x2960] =	vst v0;
	s30 =	simm.s32 $0x0  }
0x25: {  	[tilespmem:s21], [sflag:$0x3] =	stream.linear.gather [hbm4b:s1+s30], $0x2800, $0x38;
	[tilespmem:$0x18900] =	vst v63  }
0x26: {  	_ =	swait.ge [sflag:s22], $0x2800  }
0x27: {  	[sflag:s22] =	ssyncset.done $0x0  }
0x28: {  	[sflag:s22] =	ssyncadd.s32 $0xFFFFD800  }
0x29: {  	[spmem:s6] =	stream.linear.scatter [tilespmem:s23], [sflag:$0x3], $0x2000, $0x38;
	[tilespmem:$0x18900] =	vst v63  }
0x2a: {  	_ =	swait.ge [sflag:s22], $0x2000  }
0x2b: {  	[sflag:s22] =	ssyncset.done $0x0  }
0x2c: {  	[sflag:s22] =	ssyncadd.s32 $0xFFFFE000  }
0x2d: {  	[spmem:s10] =	stream.linear.scatter [tilespmem:s23], [sflag:$0x3], $0x2000, $0x38;
	[tilespmem:$0x18900] =	vst v63  }
0x2e: {  	_ =	swait.ge [sflag:s22], $0x2000  }
0x2f: {  	[sflag:s22] =	ssyncset.done $0x0  }
0x30: {  	[sflag:s22] =	ssyncadd.s32 $0xFFFFE000  }
0x31: {  	[spmem:s11] =	stream.linear.scatter [tilespmem:s23], [sflag:$0x3], $0x2000, $0x38;
	[tilespmem:$0x18900] =	vst v63  }
0x32: {  	_ =	swait.ge [sflag:s22], $0x2000  }
0x33: {  	[sflag:s22] =	ssyncset.done $0x0  }
0x34: {  	[sflag:s22] =	ssyncadd.s32 $0xFFFFE000  }
0x35: {  	[spmem:s12] =	stream.linear.scatter [tilespmem:s23], [sflag:$0x3], $0x2000, $0x38;
	[tilespmem:$0x18900] =	vst v63  }
0x36: {  	_ =	swait.ge [sflag:s22], $0x2000  }
0x37: {  	[sflag:s22] =	ssyncset.done $0x0  }
0x38: {  	[sflag:s22] =	ssyncadd.s32 $0xFFFFE000  }
0x39: {  	[spmem:s13] =	stream.linear.scatter [tilespmem:s23], [sflag:$0x3], $0x2000, $0x38;
	[tilespmem:$0x18900] =	vst v63  }
0x3a: {  	_ =	swait.ge [sflag:s22], $0x2000  }
0x3b: {  	[sflag:s22] =	ssyncset.done $0x0  }
0x3c: {  	[sflag:s22] =	ssyncadd.s32 $0xFFFFE000  }
0x3d: {  	[spmem:s14] =	stream.linear.scatter [tilespmem:s23], [sflag:$0x3], $0x2000, $0x38;
	[tilespmem:$0x18900] =	vst v63  }
0x3e: {  	_ =	swait.ge [sflag:s22], $0x2000  }
0x3f: {  	[sflag:s22] =	ssyncset.done $0x0  }
0x40: {  	[sflag:s22] =	ssyncadd.s32 $0xFFFFE000  }
0x41: {  	[spmem:s15] =	stream.linear.scatter [tilespmem:s23], [sflag:$0x3], $0x2000, $0x38;
	[tilespmem:$0x18900] =	vst v63  }
0x42: {  	_ =	swait.ge [sflag:s22], $0x2000  }
0x43: {  	[sflag:s22] =	ssyncset.done $0x0  }
0x44: {  	[sflag:s22] =	ssyncadd.s32 $0xFFFFE000  }
0x45: {  	[spmem:s16] =	stream.linear.scatter [tilespmem:s23], [sflag:$0x3], $0x2000, $0x38;
	[tilespmem:$0x18900] =	vst v63  }
0x46: {  	_ =	swait.ge [sflag:s22], $0x2000  }
0x47: {  	[sflag:s22] =	ssyncset.done $0x0  }
0x48: {  	[sflag:s22] =	ssyncadd.s32 $0xFFFFE000  }
0x49: {  	[spmem:s17] =	stream.linear.scatter [tilespmem:s23], [sflag:$0x3], $0x2000, $0x38;
	[tilespmem:$0x18900] =	vst v63  }
0x4a: {  	_ =	swait.ge [sflag:s22], $0x2000  }
0x4b: {  	[sflag:s22] =	ssyncset.done $0x0  }
0x4c: {  	[sflag:s22] =	ssyncadd.s32 $0xFFFFE000  }
0x4d: {  	[spmem:s18] =	stream.linear.scatter [tilespmem:s23], [sflag:$0x3], $0x2000, $0x38;
	[tilespmem:$0x18900] =	vst v63  }
0x4e: {  	_ =	swait.ge [sflag:s22], $0x2000  }
0x4f: {  	[sflag:s22] =	ssyncset.done $0x0  }
0x50: {  	[sflag:s22] =	ssyncadd.s32 $0xFFFFE000  }
0x51: {  	[bflag:$0x0] =	sbarrier.arrive $0xFFFF  }
0x52: {  	[tilespmem:s30], [sflag:$0x1] =	stream.linear.gather [hbm4b:s7+s30], $0x50, $0x38;
	[tilespmem:$0x18900] =	vst v63  }
0x53: {  	_ =	swait.ge [sflag:s24], $0x50  }
0x54: {  	[sflag:s24] =	ssyncset.done $0x0  }
0x55: {  	s30 =	sadd.s32 $0x0, s20;
	[sflag:s24] =	ssyncadd.s32 $0xFFFFFFB0  }
0x56: {  	[tilespmem:s25], [sflag:$0x2] =	stream.linear.gather [hbm4b:s30+s4], $0x50, $0x38;
	[tilespmem:$0x18900] =	vst v63  }
0x57: {  	_ = 	snop  }
0x58: {  	[spmem:s2] =	stream.indirect.scatter.add.f32 [tilespmem:s21], [sflag:$0x3], $0x80, s4, s26, $0xb8;
	[tilespmem:$0x18900] =	vst v63  }
0x59: {  	_ =	swait.ge [sflag:s22], $0x2800  }
0x5a: {  	[sflag:s22] =	ssyncset.done $0x0  }
0x5b: {  	[sflag:s22] =	ssyncadd.s32 $0xFFFFD800  }
0x5c: {  	_ =	swait.ge [sflag:s28], $0x50  }
0x5d: {  	s30 =	sshrl.u32 s19, $0x3;
	[sflag:s28] =	ssyncset.done $0x0  }
0x5e: {  	s30 =	sadd.s32 s5, s30;
	[sflag:s28] =	ssyncadd.s32 $0xFFFFFFB0  }
0x5f: {  	[tilespmem:s4], [sflag:$0x1] =	stream.linear.gather [hbm4b:s30+s4], $0x50, $0x38;
	[tilespmem:$0x18900] =	vst v63  }
0x60: {  	_ = 	snop  }
0x61: {  	[spmem:s2] =	stream.indirect.scatter.add.f32 [tilespmem:s21], [sflag:$0x3], $0x80, s25, s26, $0xb8;
	[tilespmem:$0x18900] =	vst v63  }
0x62: {  	_ =	swait.ge [sflag:s22], $0x2800  }
0x63: {  	s31 =	smov.u32 s19;
	s30 =	simm.s32 $0x14;
	[sflag:s22] =	ssyncset.done $0x0  }
.LBB2_4:
0x64: {  	p0 =	sne.s32 s30, $0x4C4;
	[sflag:s22] =	ssyncadd.s32 $0xFFFFD800;
	s31 =	sadd.s32 $0xA0, s31  }
0x65: {  	s0 =	smov.u32 s30;
	s30 =	sadd.s32 $0x14, s30  }
0x66: {  	_ =	swait.ge [sflag:s24], $0x50  }
0x67: {  	[sflag:s24] =	ssyncset.done $0x0  }
0x68: {  	s0 =	sadd.s32 s0, s20;
	[sflag:s24] =	ssyncadd.s32 $0xFFFFFFB0  }
0x69: {  	[tilespmem:s25], [sflag:$0x2] =	stream.linear.gather [hbm4b:s0+s4], $0x50, $0x38;
	[tilespmem:$0x18900] =	vst v63  }
0x6a: {  	_ = 	snop  }
0x6b: {  	[spmem:s2] =	stream.indirect.scatter.add.f32 [tilespmem:s21], [sflag:$0x3], $0x80, s4, s26, $0xb8;
	[tilespmem:$0x18900] =	vst v63  }
0x6c: {  	_ =	swait.ge [sflag:s22], $0x2800  }
0x6d: {  	[sflag:s22] =	ssyncset.done $0x0  }
0x6e: {  	[sflag:s22] =	ssyncadd.s32 $0xFFFFD800  }
0x6f: {  	_ =	swait.ge [sflag:s28], $0x50  }
0x70: {  	s0 =	sshrl.u32 s31, $0x3;
	[sflag:s28] =	ssyncset.done $0x0  }
0x71: {  	s0 =	sadd.s32 s5, s0;
	[sflag:s28] =	ssyncadd.s32 $0xFFFFFFB0  }
0x72: {  	[tilespmem:s4], [sflag:$0x1] =	stream.linear.gather [hbm4b:s0+s4], $0x50, $0x38;
	[tilespmem:$0x18900] =	vst v63  }
.Ltmp1:
0x73: {  	_ = 	snop;
	(pc) =	sbr.rel @p0 .LBB2_4-.Ltmp1, $4  }
0x74: {  	_ = 	snop  }
0x75: {  	[spmem:s2] =	stream.indirect.scatter.add.f32 [tilespmem:s21], [sflag:$0x3], $0x80, s25, s26, $0xb8;
	[tilespmem:$0x18900] =	vst v63  }
0x76: {  	_ =	swait.ge [sflag:s22], $0x2800  }
0x77: {  	[sflag:s22] =	ssyncset.done $0x0  }
0x78: {  	[sflag:s22] =	ssyncadd.s32 $0xFFFFD800  }
0x79: {  	_ =	swait.ge [sflag:s24], $0x50  }
0x7a: {  	[sflag:s24] =	ssyncset.done $0x0  }
0x7b: {  	[sflag:s24] =	ssyncadd.s32 $0xFFFFFFB0  }
0x7c: {  	[spmem:s2] =	stream.indirect.scatter.add.f32 [tilespmem:s21], [sflag:$0x3], $0x80, s4, s26, $0xb8;
	[tilespmem:$0x18900] =	vst v63  }
0x7d: {  	_ =	swait.ge [sflag:s22], $0x2800  }
0x7e: {  	s0 =	sshll.u32 s3, $0x6;
	s29 =	sadd.s32 $0x1, s29;
	[sflag:s22] =	ssyncset.done $0x0  }
0x7f: {  	s30 =	sshrl.u32 s6, $0x3;
	p0 =	sne.s32 s29, s9;
	[sflag:s22] =	ssyncadd.s32 $0xFFFFD800  }
.Ltmp2:
0x80: {  	s0 =	sor.u32 $0x1C03, s0;
	[bflag:$0x0] =	sbarrier.arrive $0xFFFF;
	(pc) =	sbr.rel @p0 .LBB2_1-.Ltmp2, $4  }
0x81: {  	[hbm:s8], [sflag:s0] =	dma.local [spmem:s30], $0x2800  }
0x82: {  	_ =	swait.ge [sflag:s22], $0x2800  }
0x83: {  	[sflag:s22] =	ssyncset.done $0x0  }
0x84: {  	[sflag:s22] =	ssyncadd.s32 $0xFFFFD800  }
0x85: {  	_ =	sfence.sel $0x180000  }
0x86: {  	[bflag:$0x0] =	sbarrier.arrive $0xFFFF  }
0x87: {  	_ =	strace $0x90000047  }
0x88: {  	[bflag:$0x2] =	sbarrier.arrive $0xFFFF  }
0x89: {  	p0 =	sne.s32 s3, $0x0;
	s0 =	rddreg [dreg:$0x3]  }
0x8a: {  	s0 =	sadd.s32 @!p0 $0x100000, s0  }
0x8b: {  	[sflag:s0] =	ssyncadd.tile.s32 @!p0 $0x1;
	_ =	shalt  }
.Lfunc_end2:
_tile_overlayer_lowered:
.L_overlay_start_2:
0x8c: {  	(tag) =	ssettag $0x2  }
0x8d: {  	s0 =	rddreg [dreg:$0x0];
	s2 =	stileid.u32  }
0x8e: {  	s1 =	rddreg [dreg:$0x1];
	p0 =	sne.s32 s2, $0x0  }
0x8f: {  	s3 =	rddreg [dreg:$0x2];
	[bflag:$0x3] =	sbarrier.arrive $0xFFFF;
	s2 =	simm.s32 @!p0 $0x1C03  }
0x90: {  	[timem:s3], [sflag:s2] =	dma.local @!p0 [hbm:s0], s1  }
0x91: {  	s0 =	simm.s32 @!p0 $0x3  }
0x92: {  	_ =	swait.ge @!p0 [sflag:s0], s1  }
0x93: {  	s1 =	ssub.s32 @!p0 $0x0, s1;
	[sflag:s0] =	ssyncset.done @!p0 $0x0  }
0x94: {  	[sflag:s0] =	ssyncadd.s32 @!p0 s1  }
0x95: {  	[bflag:$0x3] =	sbarrier.arrive $0xFFFF  }
0x96: {  	_ =	shalt  }

// kernel: kernel.17.cloned.1.call-start
scs
__scs_entry_jumppad:
0x0: {  	(pc) =	sbr.rel $0x88, $3  }
0x1: {  	(tag) =	ssettag $0x0;
	lr =	simm.s32 $0x1  }
0x2: {  	[smem:$0x3F97] =	sst lr;
	_ =	strace $0xD0000000  }
0x3: {  	_ = 	snop  }
0x4: {  	_ = 	snop  }
0x5: {  	_ = 	snop  }
0x6: {  	_ = 	snop  }
0x7: {  	_ = 	snop  }
__scs_overlays_trampoline_lowered:
0x8: {  	[smem:$0x3FA6] =	sst s0  }
0x9: {  	[smem:$0x3FA7] =	sst s1  }
0xa: {  	[smem:$0x3FA8] =	sst s2  }
0xb: {  	[smem:$0x3FA9] =	sst s3  }
0xc: {  	[smem:$0x3FAA] =	sst s4  }
0xd: {  	[smem:$0x3FAB] =	sst s5  }
0xe: {  	[smem:$0x3FAC] =	sst s6  }
0xf: {  	[smem:$0x3FAD] =	sst s7  }
0x10: {  	[smem:$0x3FAE] =	sst s8  }
0x11: {  	[smem:$0x3FAF] =	sst s9;
	s0 =	simm.s32 @!p0 $0x0  }
0x12: {  	s1 =	sld [smem:$0x3F95];
	s0 =	simm.s32 @p0 $0x1  }
0x13: {  	[smem:$0x3FB0] =	sst s0;
	s0 =	simm.s32 @!p1 $0x0  }
0x14: {  	s2 =	sld [smem:$0x3F94];
	s0 =	simm.s32 @p1 $0x1  }
0x15: {  	[smem:$0x3FB1] =	sst s0;
	s0 =	simm.s32 @!p2 $0x0  }
0x16: {  	s3 =	sld [smem:$0x3FDB];
	s0 =	simm.s32 @p2 $0x1  }
0x17: {  	s4 =	simm.s32 $0x1BF5;
	[smem:$0x3FB3] =	sst s0  }
0x18: {  	s0 =	sld [smem:$0x3F96];
	_ =	swait.ge [sflag:s4], $0x0  }
0x19: {  	s7 =	sld [smem:$0x3F97]  }
0x1a: {  	s8 =	sadd.s32 $0xFFFFE003, lr  }
0x1b: {  	s9 =	sadd.s32 $0xFFFFFEF7, lr;
	s5 =	simm.s32 $0xFFFFFFFF;
	p2 =	slt.u32 s8, $0xFFFFF086  }
0x1c: {  	p1 =	slt.u32 s9, $0xF7A;
	s5 =	simm.s32 @!p2 $0x0  }
0x1d: {  	s5 =	simm.s32 @p1 $0x1;
	p0 =	seq.s32 s7, s2  }
0x1e: {  	s7 =	smul.u32 @!p0 $0xF7A, s2;
	p2 =	seq.s32 @!p0 s5, $0x0  }
0x1f: {  	s9 =	smul.u32 $0xF7A, s1;
	s8 =	simm.s32 @!p0 $0x1BF5;
	p2 =	por !p2, p0  }
0x20: {  	[sflag:s8] =	ssyncset.s32 @!p0 $0xFFFFF086;
	s6 =	sadd.s32 @!p0 s3, s7;
	s7 =	simm.s32 @!p0 $0x108  }
0x21: {  	s3 =	sadd.s32 s3, s9;
	s6 =	sadd.s32 @!p0 $0x88, s6;
	s7 =	simm.s32 @p2 $0x1082  }
0x22: {  	[simem:s7], [sflag:s8] =	dma.local @!p0 [hbm:s6], $0xF7A  }
0x23: {  	s9 =	sor.u32 $0xD0000000, s2;
	s6 =	simm.s32 $0x108;
	_ =	swait.ge @!p0 [sflag:s8], $0x0  }
0x24: {  	s3 =	sadd.s32 $0x88, s3;
	s6 =	simm.s32 @!p1 $0x1082;
	[sflag:s4] =	ssyncset.s32 $0xFFFFF086  }
0x25: {  	[simem:s6], [sflag:s4] =	dma.local [hbm:s3], $0xF7A  }
0x26: {  	[smem:$0x3F97] =	sst s1;
	(tag) =	ssettag s2;
	_ =	strace s9  }
0x27: {  	s1 =	sld [smem:$0x3FA7]  }
0x28: {  	s2 =	sld [smem:$0x3FA8]  }
0x29: {  	s4 =	sld [smem:$0x3FAA]  }
0x2a: {  	p0 =	seq.s32 s5, $0x0;
	s5 =	sld [smem:$0x3FAB]  }
0x2b: {  	s6 =	sld [smem:$0x3FAC]  }
0x2c: {  	s7 =	sld [smem:$0x3FAD]  }
0x2d: {  	s3 =	simm.s32 $0x108;
	s8 =	sld [smem:$0x3FAE]  }
0x2e: {  	s3 =	simm.s32 @!p0 $0x1082;
	s9 =	sld [smem:$0x3FAF]  }
0x2f: {  	lr =	sadd.s32 s0, s3;
	s0 =	sld [smem:$0x3FA6]  }
0x30: {  	s3 =	sld [smem:$0x3FA9]  }
0x31: {  	[smem:$0x3FB2] =	sst s10  }
0x32: {  	s10 =	sld [smem:$0x3FB0];
	_ =	sdelay $0x3  }
0x33: {  	p0 =	seq.s32 s10, $0x1;
	s10 =	sld [smem:$0x3FB2];
	_ =	sdelay $0x3  }
0x34: {  	[smem:$0x3FB2] =	sst s10  }
0x35: {  	s10 =	sld [smem:$0x3FB1];
	_ =	sdelay $0x3  }
0x36: {  	p1 =	seq.s32 s10, $0x1;
	s10 =	sld [smem:$0x3FB2];
	_ =	sdelay $0x3  }
0x37: {  	[smem:$0x3FB2] =	sst s10  }
0x38: {  	s10 =	sld [smem:$0x3FB3]  }
0x39: {  	_ = 	snop;
	(pc) =	sbr.ind lr, $3  }
0x3a: {  	_ = 	snop  }
0x3b: {  	_ = 	snop  }
0x3c: {  	p2 =	seq.s32 s10, $0x1;
	s10 =	sld [smem:$0x3FB2]  }
0x3d: {  	_ =	shalt  }
0x3e: {  	_ =	shalt  }
0x3f: {  	_ =	shalt  }
0x40: {  	_ =	shalt  }
0x41: {  	_ =	shalt  }
0x42: {  	_ =	shalt  }
0x43: {  	_ =	shalt  }
0x44: {  	_ =	shalt  }
0x45: {  	_ =	shalt  }
0x46: {  	_ =	shalt  }
0x47: {  	_ =	shalt  }
0x48: {  	_ =	shalt  }
0x49: {  	_ =	shalt  }
0x4a: {  	_ =	shalt  }
0x4b: {  	_ =	shalt  }
0x4c: {  	_ =	shalt  }
0x4d: {  	_ =	shalt  }
0x4e: {  	_ =	shalt  }
0x4f: {  	_ =	shalt  }
0x50: {  	_ =	shalt  }
0x51: {  	_ =	shalt  }
0x52: {  	_ =	shalt  }
0x53: {  	_ =	shalt  }
0x54: {  	_ =	shalt  }
0x55: {  	_ =	shalt  }
0x56: {  	_ =	shalt  }
0x57: {  	_ =	shalt  }
0x58: {  	_ =	shalt  }
0x59: {  	_ =	shalt  }
0x5a: {  	_ =	shalt  }
0x5b: {  	_ =	shalt  }
0x5c: {  	_ =	shalt  }
0x5d: {  	_ =	shalt  }
0x5e: {  	_ =	shalt  }
0x5f: {  	_ =	shalt  }
0x60: {  	_ =	shalt  }
0x61: {  	_ =	shalt  }
0x62: {  	_ =	shalt  }
0x63: {  	_ =	shalt  }
0x64: {  	_ =	shalt  }
0x65: {  	_ =	shalt  }
0x66: {  	_ =	shalt  }
0x67: {  	_ =	shalt  }
0x68: {  	_ =	shalt  }
0x69: {  	_ =	shalt  }
0x6a: {  	_ =	shalt  }
0x6b: {  	_ =	shalt  }
0x6c: {  	_ =	shalt  }
0x6d: {  	_ =	shalt  }
0x6e: {  	_ =	shalt  }
0x6f: {  	_ =	shalt  }
0x70: {  	_ =	shalt  }
0x71: {  	_ =	shalt  }
0x72: {  	_ =	shalt  }
0x73: {  	_ =	shalt  }
0x74: {  	_ =	shalt  }
0x75: {  	_ =	shalt  }
0x76: {  	_ =	shalt  }
0x77: {  	_ =	shalt  }
0x78: {  	_ =	shalt  }
0x79: {  	_ =	shalt  }
0x7a: {  	_ =	shalt  }
0x7b: {  	_ =	shalt  }
0x7c: {  	_ =	shalt  }
0x7d: {  	_ =	shalt  }
0x7e: {  	_ =	shalt  }
0x7f: {  	_ =	shalt  }
0x80: {  	_ =	shalt  }
0x81: {  	_ =	shalt  }
0x82: {  	_ =	shalt  }
0x83: {  	_ =	shalt  }
0x84: {  	_ =	shalt  }
0x85: {  	_ =	shalt  }
0x86: {  	_ =	shalt  }
0x87: {  	_ =	shalt  }
.Lfunc_end0:
.L_simem_size_0:
called_computation.1_lowered:
.L_overlay_start_0:
0x88: {  	s2 =	sld [smem:$0x3FD9]  }
0x89: {  	s3 =	sld [smem:$0x3FFE];
	_ =	sdelay $0x1  }
0x8a: {  	s1 =	srdreg.scid  }
0x8b: {  	s0 =	sand.u32 $0x1, s1  }
0x8c: {  	s16 =	sshll.u32 s0, $0xA;
	s2 =	sadd.s32 s3, s2  }
0x8d: {  	s2 =	sadd.s32 s2, s16  }
0x8e: {  	[smem:$0x3FBE] =	sst s2  }
0x8f: {  	_ = 	snop  }
0x90: {  	(tm) =	ssettm $0x1  }
0x91: {  	s17 =	sld [smem:$0x3FFB];
	_ =	sdelay $0x3  }
0x92: {  	_ =	strace s17  }
0x93: {  	s2 =	sld [smem:$0x3FFC];
	_ =	sdelay $0x3  }
0x94: {  	_ =	strace s2  }
0x95: {  	s2 =	sld [smem:$0x3FFD];
	_ =	sdelay $0x3  }
0x96: {  	_ =	strace s2  }
0x97: {  	_ =	strace $0x8FFFFFFF  }
0x98: {  	s18 =	sld [smem:$0x3FDB];
	_ =	sdelay $0x1  }
0x99: {  	s19 =	simm.s32 $_scs_section_size  }
0x9a: {  	s4 =	simm.s32 $_size__tile_overlayer_lowered;
	s5 =	simm.s32 $_tile_overlayer_lowered  }
0x9b: {  	s22 =	simm.s32 $0x1BFF;
	s21 =	sshll.u32 s5, $0x1;
	s2 =	sadd.s32 s19, s18  }
0x9c: {  	s6 =	simm.s32 $0x0;
	s20 =	sshll.u32 s4, $0x1;
	s4 =	sadd.s32 s21, s2  }
0x9d: {  	[timem:s6], [sflag:s22] =	dma.local [hbm:s4], s20  }
0x9e: {  	_ =	swait.ge [sflag:s22], s20  }
0x9f: {  	s3 =	ssub.s32 $0x0, s20;
	[sflag:s22] =	ssyncset.done $0x0  }
0xa0: {  	[sflag:s22] =	ssyncadd.s32 s3;
	_ =	sdelay $0x1  }
0xa1: {  	s23 =	simm.s32 $0x1B8B  }
0xa2: {  	_ =	swait.ge [sflag:s23], $0x1  }
0xa3: {  	[sflag:s23] =	ssyncset.done $0x0  }
0xa4: {  	s25 =	simm.s32 $0x1B8E;
	s24 =	sld [smem:$0x3FFE];
	[sflag:s23] =	ssyncadd.s32 $0xFFFFFFFF  }
0xa5: {  	s26 =	simm.s32 $execute0_lowered;
	[smem:$0x3FD2] =	sst s25  }
0xa6: {  	s4 =	sshll.u32 s26, $0x1;
	_ =	strace $0x80000049;
	[dreg:$0x1] =	wrdreg $0xFFFFFFFF  }
0xa7: {  	s28 =	simm.s32 $_size_execute0_lowered;
	s2 =	sadd.s32 s2, s4;
	[dreg:$0x0] =	wrdreg $0x0  }
0xa8: {  	s4 =	sshll.u32 s28, $0x1;
	[dreg:$0x2] =	wrdreg s2  }
0xa9: {  	[dreg:$0x3] =	wrdreg s4  }
0xaa: {  	[dreg:$0x4] =	wrdreg $0xC0  }
0xab: {  	_ =	task [dreg:s6], $0x5FFFF  }
0xac: {  	[dreg:$0x1] =	wrdreg $0xFFFFFFFF  }
0xad: {  	[dreg:$0x0] =	wrdreg $0x60  }
0xae: {  	[dreg:$0x2] =	wrdreg s24  }
0xaf: {  	[dreg:$0x3] =	wrdreg $0x72000  }
0xb0: {  	[dreg:$0x4] =	wrdreg $0x9  }
0xb1: {  	_ =	task.clear_ibuf [dreg:s6], $0x5FFFF;
	_ =	strace $0x90000049  }
0xb2: {  	s29 =	simm.s32 $0x9;
	_ =	strace $0x8000004B  }
0xb3: {  	_ =	swait.ge [sflag:s29], $0x1  }
0xb4: {  	[sflag:s29] =	ssyncadd.s32 $0xFFFFFFFF  }
0xb5: {  	_ =	strace $0x9000004B  }
0xb6: {  	_ =	sfence  }
0xb7: {  	s30 =	sld [smem:$0x0];
	_ =	sdelay $0x2  }
0xb8: {  	s31 =	sshll.u32 s1, $0xD;
	s1 =	sshrl.u32 s1, $0x2  }
0xb9: {  	s3 =	sand.u32 $0x4000, s31;
	s1 =	sadd.s32 s1, s30  }
0xba: {  	s0 =	sor.u32 s3, s0;
	s1 =	sshll.u32 s1, $0x11  }
0xbb: {  	s0 =	sor.u32 s1, s0  }
0xbc: {  	s0 =	sadd.s32 $0x8F2B, s0  }
0xbd: {  	[sflag:s0] =	ssyncadd.remote.s32 $0x1  }
0xbe: {  	_ =	sfence.sel $0xFFFF  }
0xbf: {  	[dreg:$0x0] =	wrdreg $0xFFFFFFFF;
	(pc) =	sbr.abs _section_cstart, $3  }
0xc0: {  	[dreg:$0x1] =	wrdreg $0xFFFFFFFF  }
0xc1: {  	_ =	task.clear_ibuf [dreg:s6], $0x2FFFF;
	_ =	strace $0x9FFFFFFF  }
0xc2: {  	(tm) =	ssettm $0x7FFFFFFF  }
0xc3: {  	_ =	shalt  }
tec
execute0_lowered:
.L_overlay_start_1:
0x0: {  	(tag) =	ssettag $0x1  }
0x1: {  	s0 =	rddreg [dreg:$0x0]  }
0x2: {  	s1 =	rddreg [dreg:$0x1]  }
0x3: {  	s2 =	srdreg.scid;
	s12 =	stileid.u32  }
0x4: {  	s3 =	simm.s32 $0x0;
	s29 =	simm.s32 $0x5200;
	s6 =	smul.u32 $0x14000, s12  }
0x5: {  	s30 =	simm.s32 $0x5;
	s31 =	simm.s32 $0x100;
	s8 =	smul.u32 $0x50000, s12  }
0x6: {  	s2 =	sand.u32 $0x1, s2;
	[smem:$0x7FF] =	sst s3;
	s17 =	smul.u32 $0x2710, s12  }
0x7: {  	s4 =	sadd.s32 $0xCC00, s0;
	s5 =	smul.u32 $0x140000, s2;
	s7 =	sshll.u32 s2, $0x4  }
0x8: {  	_ =	strace $0x8000004A;
	s14 =	smul.u32 $0x27100, s2;
	s7 =	sor.u32 s12, s7  }
0x9: {  	s23 =	ssub.s32 $0x2, s2;
	s2 =	simm.s32 $0x50;
	s7 =	smul.u32 $0x2710, s7  }
0xa: {  	s10 =	sshrl.u32 s23, $0x1;
	s8 =	sshrl.u32 s8, $0x2;
	s12 =	simm.s32 $0x2A00  }
0xb: {  	s6 =	sadd.s32 s6, s5;
	s5 =	sadd.s32 $0x2E00, s0;
	s11 =	sshrl.u32 s7, $0x3  }
0xc: {  	s9 =	sshrl.u32 s6, $0x3;
	s6 =	sadd.s32 $0x66A00, s0;
	s25 =	sadd.s32 s4, s11  }
0xd: {  	s0 =	sadd.s32 s9, s0;
	s26 =	sadd.s32 s5, s11;
	[dreg:$0x3] =	wrdreg s25  }
0xe: {  	s9 =	ssub.s32 s23, s10;
	s0 =	sadd.s32 $0x8DC00, s0;
	[dreg:$0x4] =	wrdreg s26  }
0xf: {  	s7 =	sadd.s32 s8, s1;
	s15 =	smax.u32 s9, $0x1;
	[dreg:$0x7] =	wrdreg s0  }
0x10: {  	s10 =	simm.s32 $0x180;
	s16 =	sadd.s32 $0x2000, s7;
	[dreg:$0x8] =	wrdreg s15  }
0x11: {  	s24 =	sadd.s32 $0xA, s11;
	s18 =	sadd.s32 $0x4000, s7;
	[dreg:$0x9] =	wrdreg s16  }
0x12: {  	s19 =	sadd.s32 $0x6000, s7;
	s20 =	sadd.s32 $0x8000, s7;
	[dreg:$0xa] =	wrdreg s18  }
0x13: {  	s21 =	sadd.s32 $0xA000, s7;
	s22 =	sadd.s32 $0xC000, s7;
	[dreg:$0xb] =	wrdreg s19  }
0x14: {  	s23 =	sadd.s32 $0xE000, s7;
	s28 =	sadd.s32 $0x12000, s7;
	[dreg:$0xc] =	wrdreg s20  }
0x15: {  	s9 =	simm.s32 $0x80;
	s13 =	sadd.s32 s4, s24;
	[dreg:$0xd] =	wrdreg s21  }
0x16: {  	s8 =	sadd.s32 s5, s24;
	[dreg:$0xe] =	wrdreg s22;
	s0 =	sadd.s32 s17, s14  }
0x17: {  	[dreg:$0xf] =	wrdreg s23;
	s24 =	sadd.s32 $0x4D8, s11;
	s11 =	simm.s32 $0x2  }
0x18: {  	s14 =	simm.s32 $0x4;
	s15 =	simm.s32 $0x0;
	[dreg:$0x5] =	wrdreg s13  }
0x19: {  	[dreg:$0x6] =	wrdreg s8;
	s25 =	sadd.s32 $0xF0, s0;
	s21 =	sadd.s32 s4, s24  }
0x1a: {  	s22 =	sadd.s32 s5, s24;
	s8 =	simm.s32 $0x200;
	s13 =	simm.s32 $0x3  }
0x1b: {  	s26 =	sshrl.u32 s25, $0x3;
	s25 =	sadd.s32 $0xA0, s0;
	s0 =	simm.s32 $0x1  }
0x1c: {  	v0 =	vimm.f32 $0.0e+00;
	s23 =	sadd.s32 s26, s5;
	s24 =	sadd.s32 s26, s4;
	s26 =	sadd.s32 $0x10000, s7  }
.LBB2_1:
0x1d: {  	s16 =	simm.s32 $0x0;
	s17 =	simm.s32 $0x200  }
.LBB2_2:
0x1e: {  	p0 =	sne.s32 s17, $0x7E00;
	[tilespmem:s16+$0x5270] =	vst v0  }
0x1f: {  	[tilespmem:s16+$0x5200] =	vst v0  }
0x20: {  	[tilespmem:s16+$0x5210] =	vst v0  }
.Ltmp0:
0x21: {  	[tilespmem:s16+$0x5220] =	vst v0;
	(pc) =	sbr.rel @p0 .LBB2_2-.Ltmp0, $4  }
0x22: {  	[tilespmem:s16+$0x5230] =	vst v0  }
0x23: {  	[tilespmem:s16+$0x5240] =	vst v0  }
0x24: {  	[tilespmem:s16+$0x5250] =	vst v0  }
0x25: {  	[tilespmem:s16+$0x5260] =	vst v0;
	s16 =	sshra.s32 s17, $0x2;
	s17 =	sadd.s32 $0x200, s17  }
0x26: {  	[tilespmem:s16+$0x5270] =	vst v0  }
0x27: {  	[tilespmem:s16+$0x5200] =	vst v0  }
0x28: {  	[tilespmem:s16+$0x5210] =	vst v0  }
0x29: {  	[tilespmem:s16+$0x5220] =	vst v0  }
0x2a: {  	[tilespmem:s16+$0x5230] =	vst v0  }
0x2b: {  	[tilespmem:s16+$0x5240] =	vst v0  }
0x2c: {  	[tilespmem:s16+$0x5250] =	vst v0  }
0x2d: {  	[tilespmem:s16+$0x5260] =	vst v0  }
0x2e: {  	[spmem:s7] =	stream.linear.scatter [tilespmem:s29], [sflag:$0x5], $0x2000, $0x38;
	[tilespmem:$0x1B200] =	vst v63  }
0x2f: {  	_ =	swait.ge [sflag:s30], $0x2000  }
0x30: {  	[sflag:s30] =	ssyncset.done $0x0  }
0x31: {  	s19 =	rddreg [dreg:$0x9];
	[sflag:s30] =	ssyncadd.s32 $0xFFFFE000  }
0x32: {  	[spmem:s19] =	stream.linear.scatter [tilespmem:s29], [sflag:$0x5], $0x2000, $0x38;
	[tilespmem:$0x1B200] =	vst v63  }
0x33: {  	_ =	swait.ge [sflag:s30], $0x2000  }
0x34: {  	[sflag:s30] =	ssyncset.done $0x0  }
0x35: {  	s20 =	rddreg [dreg:$0xa];
	[sflag:s30] =	ssyncadd.s32 $0xFFFFE000  }
0x36: {  	[spmem:s20] =	stream.linear.scatter [tilespmem:s29], [sflag:$0x5], $0x2000, $0x38;
	[tilespmem:$0x1B200] =	vst v63  }
0x37: {  	_ =	swait.ge [sflag:s30], $0x2000  }
0x38: {  	[sflag:s30] =	ssyncset.done $0x0  }
0x39: {  	s17 =	rddreg [dreg:$0xb];
	[sflag:s30] =	ssyncadd.s32 $0xFFFFE000  }
0x3a: {  	[spmem:s17] =	stream.linear.scatter [tilespmem:s29], [sflag:$0x5], $0x2000, $0x38;
	[tilespmem:$0x1B200] =	vst v63  }
0x3b: {  	_ =	swait.ge [sflag:s30], $0x2000  }
0x3c: {  	[sflag:s30] =	ssyncset.done $0x0  }
0x3d: {  	s18 =	rddreg [dreg:$0xc];
	[sflag:s30] =	ssyncadd.s32 $0xFFFFE000  }
0x3e: {  	[spmem:s18] =	stream.linear.scatter [tilespmem:s29], [sflag:$0x5], $0x2000, $0x38;
	[tilespmem:$0x1B200] =	vst v63  }
0x3f: {  	_ =	swait.ge [sflag:s30], $0x2000  }
0x40: {  	[sflag:s30] =	ssyncset.done $0x0  }
0x41: {  	s19 =	rddreg [dreg:$0xd];
	[sflag:s30] =	ssyncadd.s32 $0xFFFFE000  }
0x42: {  	[spmem:s19] =	stream.linear.scatter [tilespmem:s29], [sflag:$0x5], $0x2000, $0x38;
	[tilespmem:$0x1B200] =	vst v63  }
0x43: {  	_ =	swait.ge [sflag:s30], $0x2000  }
0x44: {  	[sflag:s30] =	ssyncset.done $0x0  }
0x45: {  	s20 =	rddreg [dreg:$0xe];
	[sflag:s30] =	ssyncadd.s32 $0xFFFFE000  }
0x46: {  	[spmem:s20] =	stream.linear.scatter [tilespmem:s29], [sflag:$0x5], $0x2000, $0x38;
	[tilespmem:$0x1B200] =	vst v63  }
0x47: {  	_ =	swait.ge [sflag:s30], $0x2000  }
0x48: {  	[sflag:s30] =	ssyncset.done $0x0  }
0x49: {  	s17 =	rddreg [dreg:$0xf];
	[sflag:s30] =	ssyncadd.s32 $0xFFFFE000  }
0x4a: {  	[spmem:s17] =	stream.linear.scatter [tilespmem:s29], [sflag:$0x5], $0x2000, $0x38;
	[tilespmem:$0x1B200] =	vst v63  }
0x4b: {  	_ =	swait.ge [sflag:s30], $0x2000  }
0x4c: {  	[sflag:s30] =	ssyncset.done $0x0  }
0x4d: {  	[sflag:s30] =	ssyncadd.s32 $0xFFFFE000  }
0x4e: {  	[spmem:s26] =	stream.linear.scatter [tilespmem:s29], [sflag:$0x5], $0x2000, $0x38;
	[tilespmem:$0x1B200] =	vst v63  }
0x4f: {  	_ =	swait.ge [sflag:s30], $0x2000  }
0x50: {  	[sflag:s30] =	ssyncset.done $0x0  }
0x51: {  	[sflag:s30] =	ssyncadd.s32 $0xFFFFE000  }
0x52: {  	[spmem:s28] =	stream.linear.scatter [tilespmem:s29], [sflag:$0x5], $0x2000, $0x38;
	[tilespmem:$0x1B200] =	vst v63  }
0x53: {  	_ =	swait.ge [sflag:s30], $0x2000  }
0x54: {  	[sflag:s30] =	ssyncset.done $0x0  }
0x55: {  	[sflag:s30] =	ssyncadd.s32 $0xFFFFE000  }
0x56: {  	[bflag:$0x0] =	sbarrier.arrive $0xFFFF  }
0x57: {  	s16 =	simm.s32 $0x0;
	s17 =	rddreg [dreg:$0x3]  }
0x58: {  	[tilespmem:s16], [sflag:$0x1] =	stream.linear.gather [hbm4b:s17+s16], $0x50, $0x38;
	[tilespmem:$0x1B200] =	vst v63  }
0x59: {  	s18 =	rddreg [dreg:$0x4]  }
0x5a: {  	[tilespmem:s31], [sflag:$0x1] =	stream.linear.gather [hbm4b:s18+s16], $0x50, $0x38;
	[tilespmem:$0x1B200] =	vst v63  }
0x5b: {  	_ =	swait.ge [sflag:s0], $0x50  }
0x5c: {  	[sflag:s0] =	ssyncset.done $0x0  }
0x5d: {  	[sflag:s0] =	ssyncadd.s32 $0xFFFFFFB0  }
0x5e: {  	_ =	swait.ge [sflag:s0], $0x50  }
0x5f: {  	[sflag:s0] =	ssyncset.done $0x0  }
0x60: {  	[sflag:s0] =	ssyncadd.s32 $0xFFFFFFB0  }
0x61: {  	[tilespmem:s8], [sflag:$0x3] =	stream.indirect.gather [hbm4b:s6+s2], $0x80, s16, s2, $0xb8;
	[tilespmem:$0x1B200] =	vst v63  }
0x62: {  	s19 =	rddreg [dreg:$0x5]  }
0x63: {  	[tilespmem:s9], [sflag:$0x2] =	stream.linear.gather [hbm4b:s19+s16], $0x50, $0x38;
	[tilespmem:$0x1B200] =	vst v63  }
0x64: {  	s20 =	rddreg [dreg:$0x6]  }
0x65: {  	[tilespmem:s10], [sflag:$0x2] =	stream.linear.gather [hbm4b:s20+s16], $0x50, $0x38;
	[tilespmem:$0x1B200] =	vst v63  }
0x66: {  	_ =	swait.ge [sflag:s11], $0x50  }
0x67: {  	[sflag:s11] =	ssyncset.done $0x0  }
0x68: {  	[sflag:s11] =	ssyncadd.s32 $0xFFFFFFB0  }
0x69: {  	_ =	swait.ge [sflag:s11], $0x50  }
0x6a: {  	[sflag:s11] =	ssyncset.done $0x0  }
0x6b: {  	[sflag:s11] =	ssyncadd.s32 $0xFFFFFFB0  }
0x6c: {  	[tilespmem:s12], [sflag:$0x4] =	stream.indirect.gather [hbm4b:s6+s2], $0x80, s9, s2, $0xb8;
	[tilespmem:$0x1B200] =	vst v63  }
0x6d: {  	_ =	swait.ge [sflag:s13], $0x2800  }
0x6e: {  	[sflag:s13] =	ssyncset.done $0x0  }
0x6f: {  	[sflag:s13] =	ssyncadd.s32 $0xFFFFD800  }
0x70: {  	[spmem:s1] =	stream.indirect.scatter.add.f32 [tilespmem:s8], [sflag:$0x5], $0x80, s31, s2, $0xb8;
	[tilespmem:$0x1B200] =	vst v63  }
0x71: {  	_ =	swait.ge [sflag:s30], $0x2800  }
0x72: {  	s18 =	sshrl.u32 s25, $0x3;
	[sflag:s30] =	ssyncset.done $0x0  }
0x73: {  	s19 =	sadd.s32 s4, s18;
	[sflag:s30] =	ssyncadd.s32 $0xFFFFD800  }
0x74: {  	[tilespmem:s3], [sflag:$0x1] =	stream.linear.gather [hbm4b:s19+s3], $0x50, $0x38;
	[tilespmem:$0x1B200] =	vst v63  }
0x75: {  	s16 =	sadd.s32 s5, s18  }
0x76: {  	[tilespmem:s31], [sflag:$0x1] =	stream.linear.gather [hbm4b:s16+s3], $0x50, $0x38;
	[tilespmem:$0x1B200] =	vst v63  }
0x77: {  	_ =	swait.ge [sflag:s0], $0x50  }
0x78: {  	[sflag:s0] =	ssyncset.done $0x0  }
0x79: {  	[sflag:s0] =	ssyncadd.s32 $0xFFFFFFB0  }
0x7a: {  	_ =	swait.ge [sflag:s0], $0x50  }
0x7b: {  	[sflag:s0] =	ssyncset.done $0x0  }
0x7c: {  	[sflag:s0] =	ssyncadd.s32 $0xFFFFFFB0  }
0x7d: {  	[tilespmem:s8], [sflag:$0x3] =	stream.indirect.gather [hbm4b:s6+s2], $0x80, s3, s2, $0xb8;
	[tilespmem:$0x1B200] =	vst v63  }
0x7e: {  	_ =	swait.ge [sflag:s14], $0x2800  }
0x7f: {  	[sflag:s14] =	ssyncset.done $0x0  }
0x80: {  	[sflag:s14] =	ssyncadd.s32 $0xFFFFD800  }
0x81: {  	[spmem:s1] =	stream.indirect.scatter.add.f32 [tilespmem:s12], [sflag:$0x5], $0x80, s10, s2, $0xb8;
	[tilespmem:$0x1B200] =	vst v63  }
0x82: {  	_ =	swait.ge [sflag:s30], $0x2800  }
0x83: {  	s17 =	sadd.s32 $0xA0, s25;
	s20 =	sadd.s32 $0x0, s24;
	[sflag:s30] =	ssyncset.done $0x0  }
0x84: {  	s18 =	sadd.s32 $0x0, s23;
	s16 =	simm.s32 $0x14;
	[sflag:s30] =	ssyncadd.s32 $0xFFFFD800  }
0x85: {  	[tilespmem:s9], [sflag:$0x2] =	stream.linear.gather [hbm4b:s20+s3], $0x50, $0x38;
	[tilespmem:$0x1B200] =	vst v63  }
.LBB2_4:
0x86: {  	[tilespmem:s10], [sflag:$0x2] =	stream.linear.gather [hbm4b:s18+s3], $0x50, $0x38;
	[tilespmem:$0x1B200] =	vst v63  }
0x87: {  	s18 =	smov.u32 s16  }
0x88: {  	p0 =	sne.s32 s16, $0x4B0;
	s16 =	sadd.s32 $0x14, s16;
	_ =	swait.ge [sflag:s11], $0x50  }
0x89: {  	[sflag:s11] =	ssyncset.done $0x0  }
0x8a: {  	[sflag:s11] =	ssyncadd.s32 $0xFFFFFFB0  }
0x8b: {  	_ =	swait.ge [sflag:s11], $0x50  }
0x8c: {  	[sflag:s11] =	ssyncset.done $0x0  }
0x8d: {  	[sflag:s11] =	ssyncadd.s32 $0xFFFFFFB0  }
0x8e: {  	[tilespmem:s12], [sflag:$0x4] =	stream.indirect.gather [hbm4b:s6+s2], $0x80, s9, s2, $0xb8;
	[tilespmem:$0x1B200] =	vst v63  }
0x8f: {  	_ =	swait.ge [sflag:s13], $0x2800  }
0x90: {  	[sflag:s13] =	ssyncset.done $0x0  }
0x91: {  	[sflag:s13] =	ssyncadd.s32 $0xFFFFD800  }
0x92: {  	[spmem:s1] =	stream.indirect.scatter.add.f32 [tilespmem:s8], [sflag:$0x5], $0x80, s31, s2, $0xb8;
	[tilespmem:$0x1B200] =	vst v63  }
0x93: {  	_ =	swait.ge [sflag:s30], $0x2800  }
0x94: {  	s19 =	sshrl.u32 s17, $0x3;
	[sflag:s30] =	ssyncset.done $0x0  }
0x95: {  	s20 =	sadd.s32 s4, s19;
	[sflag:s30] =	ssyncadd.s32 $0xFFFFD800  }
0x96: {  	[tilespmem:s3], [sflag:$0x1] =	stream.linear.gather [hbm4b:s20+s3], $0x50, $0x38;
	[tilespmem:$0x1B200] =	vst v63  }
0x97: {  	s19 =	sadd.s32 s5, s19  }
0x98: {  	[tilespmem:s31], [sflag:$0x1] =	stream.linear.gather [hbm4b:s19+s3], $0x50, $0x38;
	[tilespmem:$0x1B200] =	vst v63  }
0x99: {  	_ =	swait.ge [sflag:s0], $0x50  }
0x9a: {  	[sflag:s0] =	ssyncset.done $0x0  }
0x9b: {  	[sflag:s0] =	ssyncadd.s32 $0xFFFFFFB0  }
0x9c: {  	_ =	swait.ge [sflag:s0], $0x50  }
0x9d: {  	[sflag:s0] =	ssyncset.done $0x0  }
0x9e: {  	[sflag:s0] =	ssyncadd.s32 $0xFFFFFFB0  }
0x9f: {  	[tilespmem:s8], [sflag:$0x3] =	stream.indirect.gather [hbm4b:s6+s2], $0x80, s3, s2, $0xb8;
	[tilespmem:$0x1B200] =	vst v63  }
0xa0: {  	_ =	swait.ge [sflag:s14], $0x2800  }
0xa1: {  	[sflag:s14] =	ssyncset.done $0x0  }
0xa2: {  	[sflag:s14] =	ssyncadd.s32 $0xFFFFD800  }
0xa3: {  	[spmem:s1] =	stream.indirect.scatter.add.f32 [tilespmem:s12], [sflag:$0x5], $0x80, s10, s2, $0xb8;
	[tilespmem:$0x1B200] =	vst v63  }
.Ltmp1:
0xa4: {  	_ =	swait.ge [sflag:s30], $0x2800;
	(pc) =	sbr.rel @p0 .LBB2_4-.Ltmp1, $4  }
0xa5: {  	[sflag:s30] =	ssyncset.done $0x0  }
0xa6: {  	s19 =	sadd.s32 s18, s24;
	[sflag:s30] =	ssyncadd.s32 $0xFFFFD800  }
0xa7: {  	[tilespmem:s9], [sflag:$0x2] =	stream.linear.gather [hbm4b:s19+s3], $0x50, $0x38;
	[tilespmem:$0x1B200] =	vst v63  }
0xa8: {  	s17 =	sadd.s32 $0xA0, s17;
	s18 =	sadd.s32 s18, s23  }
0xa9: {  	[tilespmem:s10], [sflag:$0x2] =	stream.linear.gather [hbm4b:s18+s3], $0x50, $0x38;
	[tilespmem:$0x1B200] =	vst v63  }
0xaa: {  	_ =	swait.ge [sflag:s11], $0x50  }
0xab: {  	[sflag:s11] =	ssyncset.done $0x0  }
0xac: {  	[sflag:s11] =	ssyncadd.s32 $0xFFFFFFB0  }
0xad: {  	_ =	swait.ge [sflag:s11], $0x50  }
0xae: {  	[sflag:s11] =	ssyncset.done $0x0  }
0xaf: {  	[sflag:s11] =	ssyncadd.s32 $0xFFFFFFB0  }
0xb0: {  	[tilespmem:s12], [sflag:$0x4] =	stream.indirect.gather [hbm4b:s6+s2], $0x80, s9, s2, $0xb8;
	[tilespmem:$0x1B200] =	vst v63  }
0xb1: {  	_ =	swait.ge [sflag:s13], $0x2800  }
0xb2: {  	[sflag:s13] =	ssyncset.done $0x0  }
0xb3: {  	[sflag:s13] =	ssyncadd.s32 $0xFFFFD800  }
0xb4: {  	[spmem:s1] =	stream.indirect.scatter.add.f32 [tilespmem:s8], [sflag:$0x5], $0x80, s31, s2, $0xb8;
	[tilespmem:$0x1B200] =	vst v63  }
0xb5: {  	_ =	swait.ge [sflag:s30], $0x2800  }
0xb6: {  	[sflag:s30] =	ssyncset.done $0x0  }
0xb7: {  	[sflag:s30] =	ssyncadd.s32 $0xFFFFD800  }
0xb8: {  	[tilespmem:s3], [sflag:$0x1] =	stream.linear.gather [hbm4b:s21+s3], $0x50, $0x38;
	[tilespmem:$0x1B200] =	vst v63  }
0xb9: {  	_ = 	snop  }
0xba: {  	[tilespmem:s31], [sflag:$0x1] =	stream.linear.gather [hbm4b:s22+s3], $0x50, $0x38;
	[tilespmem:$0x1B200] =	vst v63  }
0xbb: {  	_ =	swait.ge [sflag:s0], $0x50  }
0xbc: {  	[sflag:s0] =	ssyncset.done $0x0  }
0xbd: {  	[sflag:s0] =	ssyncadd.s32 $0xFFFFFFB0  }
0xbe: {  	_ =	swait.ge [sflag:s0], $0x50  }
0xbf: {  	[sflag:s0] =	ssyncset.done $0x0  }
0xc0: {  	[sflag:s0] =	ssyncadd.s32 $0xFFFFFFB0  }
0xc1: {  	[tilespmem:s8], [sflag:$0x3] =	stream.indirect.gather [hbm4b:s6+s2], $0x80, s3, s2, $0xb8;
	[tilespmem:$0x1B200] =	vst v63  }
0xc2: {  	_ =	swait.ge [sflag:s14], $0x2800  }
0xc3: {  	[sflag:s14] =	ssyncset.done $0x0  }
0xc4: {  	[sflag:s14] =	ssyncadd.s32 $0xFFFFD800  }
0xc5: {  	[spmem:s1] =	stream.indirect.scatter.add.f32 [tilespmem:s12], [sflag:$0x5], $0x80, s10, s2, $0xb8;
	[tilespmem:$0x1B200] =	vst v63  }
0xc6: {  	_ =	swait.ge [sflag:s30], $0x2800  }
0xc7: {  	[sflag:s30] =	ssyncset.done $0x0  }
0xc8: {  	[sflag:s30] =	ssyncadd.s32 $0xFFFFD800  }
0xc9: {  	_ =	swait.ge [sflag:s13], $0x2800  }
0xca: {  	[sflag:s13] =	ssyncset.done $0x0  }
0xcb: {  	[sflag:s13] =	ssyncadd.s32 $0xFFFFD800  }
0xcc: {  	[spmem:s1] =	stream.indirect.scatter.add.f32 [tilespmem:s8], [sflag:$0x5], $0x80, s31, s2, $0xb8;
	[tilespmem:$0x1B200] =	vst v63  }
0xcd: {  	_ =	swait.ge [sflag:s30], $0x2800  }
0xce: {  	[sflag:s30] =	ssyncset.done $0x0  }
0xcf: {  	s16 =	stileid.u32;
	[sflag:s30] =	ssyncadd.s32 $0xFFFFD800  }
0xd0: {  	s16 =	sshll.u32 s16, $0x6;
	[bflag:$0x0] =	sbarrier.arrive $0xFFFF  }
0xd1: {  	s17 =	sshrl.u32 s7, $0x3;
	s16 =	sor.u32 $0x1C05, s16;
	s19 =	rddreg [dreg:$0x7]  }
0xd2: {  	[hbm:s19], [sflag:s16] =	dma.local [spmem:s17], $0x2800  }
0xd3: {  	_ =	swait.ge [sflag:s30], $0x2800  }
0xd4: {  	s15 =	sadd.s32 $0x1, s15;
	s20 =	rddreg [dreg:$0x8]  }
0xd5: {  	p0 =	sne.s32 s15, s20  }
.Ltmp2:
0xd6: {  	_ = 	snop;
	(pc) =	sbr.rel @p0 .LBB2_1-.Ltmp2, $3  }
0xd7: {  	_ =	sdelay $0x1  }
0xd8: {  	[sflag:s30] =	ssyncset.done $0x0  }
0xd9: {  	[sflag:s30] =	ssyncadd.s32 $0xFFFFD800  }
0xda: {  	_ =	sfence.sel $0x180000  }
0xdb: {  	[bflag:$0x0] =	sbarrier.arrive $0xFFFF  }
0xdc: {  	_ =	strace $0x9000004A  }
0xdd: {  	s0 =	stileid.u32;
	[bflag:$0x2] =	sbarrier.arrive $0xFFFF  }
0xde: {  	p0 =	sne.s32 s0, $0x0;
	s0 =	rddreg [dreg:$0x2]  }
0xdf: {  	s0 =	sadd.s32 @!p0 $0x100000, s0  }
0xe0: {  	[sflag:s0] =	ssyncadd.tile.s32 @!p0 $0x1;
	_ =	shalt  }
.Lfunc_end2:
_tile_overlayer_lowered:
.L_overlay_start_2:
0xe1: {  	(tag) =	ssettag $0x2  }
0xe2: {  	s0 =	rddreg [dreg:$0x0];
	s2 =	stileid.u32  }
0xe3: {  	s1 =	rddreg [dreg:$0x1];
	p0 =	sne.s32 s2, $0x0  }
0xe4: {  	s3 =	rddreg [dreg:$0x2];
	[bflag:$0x3] =	sbarrier.arrive $0xFFFF;
	s2 =	simm.s32 @!p0 $0x1C05  }
0xe5: {  	[timem:s3], [sflag:s2] =	dma.local @!p0 [hbm:s0], s1  }
0xe6: {  	s0 =	simm.s32 @!p0 $0x5  }
0xe7: {  	_ =	swait.ge @!p0 [sflag:s0], s1  }
0xe8: {  	s1 =	ssub.s32 @!p0 $0x0, s1;
	[sflag:s0] =	ssyncset.done @!p0 $0x0  }
0xe9: {  	[sflag:s0] =	ssyncadd.s32 @!p0 s1  }
0xea: {  	[bflag:$0x3] =	sbarrier.arrive $0xFFFF  }
0xeb: {  	_ =	shalt  }

// kernel: kernel.20.cloned.1.call-start
scs
__scs_entry_jumppad:
0x0: {  	(pc) =	sbr.rel $0x88, $3  }
0x1: {  	(tag) =	ssettag $0x0;
	lr =	simm.s32 $0x1  }
0x2: {  	[smem:$0x3F97] =	sst lr;
	_ =	strace $0xD0000000  }
0x3: {  	_ = 	snop  }
0x4: {  	_ = 	snop  }
0x5: {  	_ = 	snop  }
0x6: {  	_ = 	snop  }
0x7: {  	_ = 	snop  }
__scs_overlays_trampoline_lowered:
0x8: {  	[smem:$0x3FA6] =	sst s0  }
0x9: {  	[smem:$0x3FA7] =	sst s1  }
0xa: {  	[smem:$0x3FA8] =	sst s2  }
0xb: {  	[smem:$0x3FA9] =	sst s3  }
0xc: {  	[smem:$0x3FAA] =	sst s4  }
0xd: {  	[smem:$0x3FAB] =	sst s5  }
0xe: {  	[smem:$0x3FAC] =	sst s6  }
0xf: {  	[smem:$0x3FAD] =	sst s7  }
0x10: {  	[smem:$0x3FAE] =	sst s8  }
0x11: {  	[smem:$0x3FAF] =	sst s9;
	s0 =	simm.s32 @!p0 $0x0  }
0x12: {  	s1 =	sld [smem:$0x3F95];
	s0 =	simm.s32 @p0 $0x1  }
0x13: {  	[smem:$0x3FB0] =	sst s0;
	s0 =	simm.s32 @!p1 $0x0  }
0x14: {  	s2 =	sld [smem:$0x3F94];
	s0 =	simm.s32 @p1 $0x1  }
0x15: {  	[smem:$0x3FB1] =	sst s0;
	s0 =	simm.s32 @!p2 $0x0  }
0x16: {  	s3 =	sld [smem:$0x3FDB];
	s0 =	simm.s32 @p2 $0x1  }
0x17: {  	s4 =	simm.s32 $0x1BF5;
	[smem:$0x3FB3] =	sst s0  }
0x18: {  	s0 =	sld [smem:$0x3F96];
	_ =	swait.ge [sflag:s4], $0x0  }
0x19: {  	s7 =	sld [smem:$0x3F97]  }
0x1a: {  	s8 =	sadd.s32 $0xFFFFE003, lr  }
0x1b: {  	s9 =	sadd.s32 $0xFFFFFEF7, lr;
	s5 =	simm.s32 $0xFFFFFFFF;
	p2 =	slt.u32 s8, $0xFFFFF086  }
0x1c: {  	p1 =	slt.u32 s9, $0xF7A;
	s5 =	simm.s32 @!p2 $0x0  }
0x1d: {  	s5 =	simm.s32 @p1 $0x1;
	p0 =	seq.s32 s7, s2  }
0x1e: {  	s7 =	smul.u32 @!p0 $0xF7A, s2;
	p2 =	seq.s32 @!p0 s5, $0x0  }
0x1f: {  	s9 =	smul.u32 $0xF7A, s1;
	s8 =	simm.s32 @!p0 $0x1BF5;
	p2 =	por !p2, p0  }
0x20: {  	[sflag:s8] =	ssyncset.s32 @!p0 $0xFFFFF086;
	s6 =	sadd.s32 @!p0 s3, s7;
	s7 =	simm.s32 @!p0 $0x108  }
0x21: {  	s3 =	sadd.s32 s3, s9;
	s6 =	sadd.s32 @!p0 $0x88, s6;
	s7 =	simm.s32 @p2 $0x1082  }
0x22: {  	[simem:s7], [sflag:s8] =	dma.local @!p0 [hbm:s6], $0xF7A  }
0x23: {  	s9 =	sor.u32 $0xD0000000, s2;
	s6 =	simm.s32 $0x108;
	_ =	swait.ge @!p0 [sflag:s8], $0x0  }
0x24: {  	s3 =	sadd.s32 $0x88, s3;
	s6 =	simm.s32 @!p1 $0x1082;
	[sflag:s4] =	ssyncset.s32 $0xFFFFF086  }
0x25: {  	[simem:s6], [sflag:s4] =	dma.local [hbm:s3], $0xF7A  }
0x26: {  	[smem:$0x3F97] =	sst s1;
	(tag) =	ssettag s2;
	_ =	strace s9  }
0x27: {  	s1 =	sld [smem:$0x3FA7]  }
0x28: {  	s2 =	sld [smem:$0x3FA8]  }
0x29: {  	s4 =	sld [smem:$0x3FAA]  }
0x2a: {  	p0 =	seq.s32 s5, $0x0;
	s5 =	sld [smem:$0x3FAB]  }
0x2b: {  	s6 =	sld [smem:$0x3FAC]  }
0x2c: {  	s7 =	sld [smem:$0x3FAD]  }
0x2d: {  	s3 =	simm.s32 $0x108;
	s8 =	sld [smem:$0x3FAE]  }
0x2e: {  	s3 =	simm.s32 @!p0 $0x1082;
	s9 =	sld [smem:$0x3FAF]  }
0x2f: {  	lr =	sadd.s32 s0, s3;
	s0 =	sld [smem:$0x3FA6]  }
0x30: {  	s3 =	sld [smem:$0x3FA9]  }
0x31: {  	[smem:$0x3FB2] =	sst s10  }
0x32: {  	s10 =	sld [smem:$0x3FB0];
	_ =	sdelay $0x3  }
0x33: {  	p0 =	seq.s32 s10, $0x1;
	s10 =	sld [smem:$0x3FB2];
	_ =	sdelay $0x3  }
0x34: {  	[smem:$0x3FB2] =	sst s10  }
0x35: {  	s10 =	sld [smem:$0x3FB1];
	_ =	sdelay $0x3  }
0x36: {  	p1 =	seq.s32 s10, $0x1;
	s10 =	sld [smem:$0x3FB2];
	_ =	sdelay $0x3  }
0x37: {  	[smem:$0x3FB2] =	sst s10  }
0x38: {  	s10 =	sld [smem:$0x3FB3]  }
0x39: {  	_ = 	snop;
	(pc) =	sbr.ind lr, $3  }
0x3a: {  	_ = 	snop  }
0x3b: {  	_ = 	snop  }
0x3c: {  	p2 =	seq.s32 s10, $0x1;
	s10 =	sld [smem:$0x3FB2]  }
0x3d: {  	_ =	shalt  }
0x3e: {  	_ =	shalt  }
0x3f: {  	_ =	shalt  }
0x40: {  	_ =	shalt  }
0x41: {  	_ =	shalt  }
0x42: {  	_ =	shalt  }
0x43: {  	_ =	shalt  }
0x44: {  	_ =	shalt  }
0x45: {  	_ =	shalt  }
0x46: {  	_ =	shalt  }
0x47: {  	_ =	shalt  }
0x48: {  	_ =	shalt  }
0x49: {  	_ =	shalt  }
0x4a: {  	_ =	shalt  }
0x4b: {  	_ =	shalt  }
0x4c: {  	_ =	shalt  }
0x4d: {  	_ =	shalt  }
0x4e: {  	_ =	shalt  }
0x4f: {  	_ =	shalt  }
0x50: {  	_ =	shalt  }
0x51: {  	_ =	shalt  }
0x52: {  	_ =	shalt  }
0x53: {  	_ =	shalt  }
0x54: {  	_ =	shalt  }
0x55: {  	_ =	shalt  }
0x56: {  	_ =	shalt  }
0x57: {  	_ =	shalt  }
0x58: {  	_ =	shalt  }
0x59: {  	_ =	shalt  }
0x5a: {  	_ =	shalt  }
0x5b: {  	_ =	shalt  }
0x5c: {  	_ =	shalt  }
0x5d: {  	_ =	shalt  }
0x5e: {  	_ =	shalt  }
0x5f: {  	_ =	shalt  }
0x60: {  	_ =	shalt  }
0x61: {  	_ =	shalt  }
0x62: {  	_ =	shalt  }
0x63: {  	_ =	shalt  }
0x64: {  	_ =	shalt  }
0x65: {  	_ =	shalt  }
0x66: {  	_ =	shalt  }
0x67: {  	_ =	shalt  }
0x68: {  	_ =	shalt  }
0x69: {  	_ =	shalt  }
0x6a: {  	_ =	shalt  }
0x6b: {  	_ =	shalt  }
0x6c: {  	_ =	shalt  }
0x6d: {  	_ =	shalt  }
0x6e: {  	_ =	shalt  }
0x6f: {  	_ =	shalt  }
0x70: {  	_ =	shalt  }
0x71: {  	_ =	shalt  }
0x72: {  	_ =	shalt  }
0x73: {  	_ =	shalt  }
0x74: {  	_ =	shalt  }
0x75: {  	_ =	shalt  }
0x76: {  	_ =	shalt  }
0x77: {  	_ =	shalt  }
0x78: {  	_ =	shalt  }
0x79: {  	_ =	shalt  }
0x7a: {  	_ =	shalt  }
0x7b: {  	_ =	shalt  }
0x7c: {  	_ =	shalt  }
0x7d: {  	_ =	shalt  }
0x7e: {  	_ =	shalt  }
0x7f: {  	_ =	shalt  }
0x80: {  	_ =	shalt  }
0x81: {  	_ =	shalt  }
0x82: {  	_ =	shalt  }
0x83: {  	_ =	shalt  }
0x84: {  	_ =	shalt  }
0x85: {  	_ =	shalt  }
0x86: {  	_ =	shalt  }
0x87: {  	_ =	shalt  }
.Lfunc_end0:
.L_simem_size_0:
called_computation.2_lowered:
.L_overlay_start_0:
0x88: {  	s2 =	sld [smem:$0x3FD9]  }
0x89: {  	s3 =	sld [smem:$0x3FFE];
	_ =	sdelay $0x1  }
0x8a: {  	s1 =	srdreg.scid  }
0x8b: {  	s0 =	sand.u32 $0x1, s1  }
0x8c: {  	s16 =	sshll.u32 s0, $0xA;
	s2 =	sadd.s32 s3, s2  }
0x8d: {  	s2 =	sadd.s32 s2, s16  }
0x8e: {  	[smem:$0x3FBE] =	sst s2  }
0x8f: {  	_ = 	snop  }
0x90: {  	(tm) =	ssettm $0x1  }
0x91: {  	s17 =	sld [smem:$0x3FFB];
	_ =	sdelay $0x3  }
0x92: {  	_ =	strace s17  }
0x93: {  	s2 =	sld [smem:$0x3FFC];
	_ =	sdelay $0x3  }
0x94: {  	_ =	strace s2  }
0x95: {  	s2 =	sld [smem:$0x3FFD];
	_ =	sdelay $0x3  }
0x96: {  	_ =	strace s2  }
0x97: {  	_ =	strace $0x8FFFFFFF  }
0x98: {  	s18 =	sld [smem:$0x3FDB];
	_ =	sdelay $0x1  }
0x99: {  	s19 =	simm.s32 $_scs_section_size  }
0x9a: {  	s4 =	simm.s32 $_size__tile_overlayer_lowered;
	s5 =	simm.s32 $_tile_overlayer_lowered  }
0x9b: {  	s22 =	simm.s32 $0x1BFF;
	s21 =	sshll.u32 s5, $0x1;
	s2 =	sadd.s32 s19, s18  }
0x9c: {  	s6 =	simm.s32 $0x0;
	s20 =	sshll.u32 s4, $0x1;
	s4 =	sadd.s32 s21, s2  }
0x9d: {  	[timem:s6], [sflag:s22] =	dma.local [hbm:s4], s20  }
0x9e: {  	_ =	swait.ge [sflag:s22], s20  }
0x9f: {  	s3 =	ssub.s32 $0x0, s20;
	[sflag:s22] =	ssyncset.done $0x0  }
0xa0: {  	[sflag:s22] =	ssyncadd.s32 s3;
	_ =	sdelay $0x1  }
0xa1: {  	s23 =	simm.s32 $0x1B8B  }
0xa2: {  	_ =	swait.ge [sflag:s23], $0x1  }
0xa3: {  	[sflag:s23] =	ssyncset.done $0x0  }
0xa4: {  	s25 =	simm.s32 $0x1B8E;
	s24 =	sld [smem:$0x3FFE];
	[sflag:s23] =	ssyncadd.s32 $0xFFFFFFFF  }
0xa5: {  	s26 =	simm.s32 $execute0_lowered;
	[smem:$0x3FD2] =	sst s25  }
0xa6: {  	s4 =	sshll.u32 s26, $0x1;
	_ =	strace $0x8000004C;
	[dreg:$0x1] =	wrdreg $0xFFFFFFFF  }
0xa7: {  	s28 =	simm.s32 $_size_execute0_lowered;
	s2 =	sadd.s32 s2, s4;
	[dreg:$0x0] =	wrdreg $0x0  }
0xa8: {  	s4 =	sshll.u32 s28, $0x1;
	[dreg:$0x2] =	wrdreg s2  }
0xa9: {  	[dreg:$0x3] =	wrdreg s4  }
0xaa: {  	[dreg:$0x4] =	wrdreg $0xC0  }
0xab: {  	_ =	task [dreg:s6], $0x5FFFF  }
0xac: {  	[dreg:$0x1] =	wrdreg $0xFFFFFFFF  }
0xad: {  	[dreg:$0x0] =	wrdreg $0x60  }
0xae: {  	[dreg:$0x2] =	wrdreg s24  }
0xaf: {  	[dreg:$0x3] =	wrdreg $0x72000  }
0xb0: {  	[dreg:$0x4] =	wrdreg $0x9  }
0xb1: {  	_ =	task.clear_ibuf [dreg:s6], $0x5FFFF;
	_ =	strace $0x9000004C  }
0xb2: {  	s29 =	simm.s32 $0x9;
	_ =	strace $0x8000004E  }
0xb3: {  	_ =	swait.ge [sflag:s29], $0x1  }
0xb4: {  	[sflag:s29] =	ssyncadd.s32 $0xFFFFFFFF  }
0xb5: {  	_ =	strace $0x9000004E  }
0xb6: {  	_ =	sfence  }
0xb7: {  	s30 =	sld [smem:$0x0];
	_ =	sdelay $0x2  }
0xb8: {  	s31 =	sshll.u32 s1, $0xD;
	s1 =	sshrl.u32 s1, $0x2  }
0xb9: {  	s3 =	sand.u32 $0x4000, s31;
	s1 =	sadd.s32 s1, s30  }
0xba: {  	s0 =	sor.u32 s3, s0;
	s1 =	sshll.u32 s1, $0x11  }
0xbb: {  	s0 =	sor.u32 s1, s0  }
0xbc: {  	s0 =	sadd.s32 $0x8F2B, s0  }
0xbd: {  	[sflag:s0] =	ssyncadd.remote.s32 $0x1  }
0xbe: {  	_ =	sfence.sel $0xFFFF  }
0xbf: {  	[dreg:$0x0] =	wrdreg $0xFFFFFFFF;
	(pc) =	sbr.abs _section_cstart, $3  }
0xc0: {  	[dreg:$0x1] =	wrdreg $0xFFFFFFFF  }
0xc1: {  	_ =	task.clear_ibuf [dreg:s6], $0x2FFFF;
	_ =	strace $0x9FFFFFFF  }
0xc2: {  	(tm) =	ssettm $0x7FFFFFFF  }
0xc3: {  	_ =	shalt  }
tec
execute0_lowered:
.L_overlay_start_1:
0x0: {  	(tag) =	ssettag $0x1  }
0x1: {  	s0 =	rddreg [dreg:$0x0]  }
0x2: {  	s1 =	rddreg [dreg:$0x1]  }
0x3: {  	s2 =	srdreg.scid;
	s12 =	stileid.u32  }
0x4: {  	s3 =	simm.s32 $0x0;
	s29 =	simm.s32 $0x5200;
	s6 =	smul.u32 $0x14000, s12  }
0x5: {  	s30 =	simm.s32 $0x5;
	s31 =	simm.s32 $0x100;
	s8 =	smul.u32 $0x50000, s12  }
0x6: {  	s2 =	sand.u32 $0x1, s2;
	[smem:$0x7FF] =	sst s3;
	s17 =	smul.u32 $0x2710, s12  }
0x7: {  	s4 =	sadd.s32 $0xCC00, s0;
	s5 =	smul.u32 $0x140000, s2;
	s7 =	sshll.u32 s2, $0x4  }
0x8: {  	_ =	strace $0x8000004D;
	s14 =	smul.u32 $0x27100, s2;
	s7 =	sor.u32 s12, s7  }
0x9: {  	s23 =	ssub.s32 $0x2, s2;
	s2 =	simm.s32 $0x50;
	s7 =	smul.u32 $0x2710, s7  }
0xa: {  	s10 =	sshrl.u32 s23, $0x1;
	s8 =	sshrl.u32 s8, $0x2;
	s12 =	simm.s32 $0x2A00  }
0xb: {  	s6 =	sadd.s32 s6, s5;
	s5 =	sadd.s32 $0x2E00, s0;
	s11 =	sshrl.u32 s7, $0x3  }
0xc: {  	s9 =	sshrl.u32 s6, $0x3;
	s6 =	sadd.s32 $0x66A00, s0;
	s25 =	sadd.s32 s4, s11  }
0xd: {  	s0 =	sadd.s32 s9, s0;
	s26 =	sadd.s32 s5, s11;
	[dreg:$0x3] =	wrdreg s25  }
0xe: {  	s9 =	ssub.s32 s23, s10;
	s0 =	sadd.s32 $0x8DC00, s0;
	[dreg:$0x4] =	wrdreg s26  }
0xf: {  	s7 =	sadd.s32 s8, s1;
	s15 =	smax.u32 s9, $0x1;
	[dreg:$0x7] =	wrdreg s0  }
0x10: {  	s10 =	simm.s32 $0x180;
	s16 =	sadd.s32 $0x2000, s7;
	[dreg:$0x8] =	wrdreg s15  }
0x11: {  	s24 =	sadd.s32 $0xA, s11;
	s18 =	sadd.s32 $0x4000, s7;
	[dreg:$0x9] =	wrdreg s16  }
0x12: {  	s19 =	sadd.s32 $0x6000, s7;
	s20 =	sadd.s32 $0x8000, s7;
	[dreg:$0xa] =	wrdreg s18  }
0x13: {  	s21 =	sadd.s32 $0xA000, s7;
	s22 =	sadd.s32 $0xC000, s7;
	[dreg:$0xb] =	wrdreg s19  }
0x14: {  	s23 =	sadd.s32 $0xE000, s7;
	s28 =	sadd.s32 $0x12000, s7;
	[dreg:$0xc] =	wrdreg s20  }
0x15: {  	s9 =	simm.s32 $0x80;
	s13 =	sadd.s32 s4, s24;
	[dreg:$0xd] =	wrdreg s21  }
0x16: {  	s8 =	sadd.s32 s5, s24;
	[dreg:$0xe] =	wrdreg s22;
	s0 =	sadd.s32 s17, s14  }
0x17: {  	[dreg:$0xf] =	wrdreg s23;
	s24 =	sadd.s32 $0x4D8, s11;
	s11 =	simm.s32 $0x2  }
0x18: {  	s14 =	simm.s32 $0x4;
	s15 =	simm.s32 $0x0;
	[dreg:$0x5] =	wrdreg s13  }
0x19: {  	[dreg:$0x6] =	wrdreg s8;
	s25 =	sadd.s32 $0xF0, s0;
	s21 =	sadd.s32 s4, s24  }
0x1a: {  	s22 =	sadd.s32 s5, s24;
	s8 =	simm.s32 $0x200;
	s13 =	simm.s32 $0x3  }
0x1b: {  	s26 =	sshrl.u32 s25, $0x3;
	s25 =	sadd.s32 $0xA0, s0;
	s0 =	simm.s32 $0x1  }
0x1c: {  	v0 =	vimm.f32 $0.0e+00;
	s23 =	sadd.s32 s26, s5;
	s24 =	sadd.s32 s26, s4;
	s26 =	sadd.s32 $0x10000, s7  }
.LBB2_1:
0x1d: {  	s16 =	simm.s32 $0x0;
	s17 =	simm.s32 $0x200  }
.LBB2_2:
0x1e: {  	p0 =	sne.s32 s17, $0x7E00;
	[tilespmem:s16+$0x5270] =	vst v0  }
0x1f: {  	[tilespmem:s16+$0x5200] =	vst v0  }
0x20: {  	[tilespmem:s16+$0x5210] =	vst v0  }
.Ltmp0:
0x21: {  	[tilespmem:s16+$0x5220] =	vst v0;
	(pc) =	sbr.rel @p0 .LBB2_2-.Ltmp0, $4  }
0x22: {  	[tilespmem:s16+$0x5230] =	vst v0  }
0x23: {  	[tilespmem:s16+$0x5240] =	vst v0  }
0x24: {  	[tilespmem:s16+$0x5250] =	vst v0  }
0x25: {  	[tilespmem:s16+$0x5260] =	vst v0;
	s16 =	sshra.s32 s17, $0x2;
	s17 =	sadd.s32 $0x200, s17  }
0x26: {  	[tilespmem:s16+$0x5270] =	vst v0  }
0x27: {  	[tilespmem:s16+$0x5200] =	vst v0  }
0x28: {  	[tilespmem:s16+$0x5210] =	vst v0  }
0x29: {  	[tilespmem:s16+$0x5220] =	vst v0  }
0x2a: {  	[tilespmem:s16+$0x5230] =	vst v0  }
0x2b: {  	[tilespmem:s16+$0x5240] =	vst v0  }
0x2c: {  	[tilespmem:s16+$0x5250] =	vst v0  }
0x2d: {  	[tilespmem:s16+$0x5260] =	vst v0  }
0x2e: {  	[spmem:s7] =	stream.linear.scatter [tilespmem:s29], [sflag:$0x5], $0x2000, $0x38;
	[tilespmem:$0x1B200] =	vst v63  }
0x2f: {  	_ =	swait.ge [sflag:s30], $0x2000  }
0x30: {  	[sflag:s30] =	ssyncset.done $0x0  }
0x31: {  	s19 =	rddreg [dreg:$0x9];
	[sflag:s30] =	ssyncadd.s32 $0xFFFFE000  }
0x32: {  	[spmem:s19] =	stream.linear.scatter [tilespmem:s29], [sflag:$0x5], $0x2000, $0x38;
	[tilespmem:$0x1B200] =	vst v63  }
0x33: {  	_ =	swait.ge [sflag:s30], $0x2000  }
0x34: {  	[sflag:s30] =	ssyncset.done $0x0  }
0x35: {  	s20 =	rddreg [dreg:$0xa];
	[sflag:s30] =	ssyncadd.s32 $0xFFFFE000  }
0x36: {  	[spmem:s20] =	stream.linear.scatter [tilespmem:s29], [sflag:$0x5], $0x2000, $0x38;
	[tilespmem:$0x1B200] =	vst v63  }
0x37: {  	_ =	swait.ge [sflag:s30], $0x2000  }
0x38: {  	[sflag:s30] =	ssyncset.done $0x0  }
0x39: {  	s17 =	rddreg [dreg:$0xb];
	[sflag:s30] =	ssyncadd.s32 $0xFFFFE000  }
0x3a: {  	[spmem:s17] =	stream.linear.scatter [tilespmem:s29], [sflag:$0x5], $0x2000, $0x38;
	[tilespmem:$0x1B200] =	vst v63  }
0x3b: {  	_ =	swait.ge [sflag:s30], $0x2000  }
0x3c: {  	[sflag:s30] =	ssyncset.done $0x0  }
0x3d: {  	s18 =	rddreg [dreg:$0xc];
	[sflag:s30] =	ssyncadd.s32 $0xFFFFE000  }
0x3e: {  	[spmem:s18] =	stream.linear.scatter [tilespmem:s29], [sflag:$0x5], $0x2000, $0x38;
	[tilespmem:$0x1B200] =	vst v63  }
0x3f: {  	_ =	swait.ge [sflag:s30], $0x2000  }
0x40: {  	[sflag:s30] =	ssyncset.done $0x0  }
0x41: {  	s19 =	rddreg [dreg:$0xd];
	[sflag:s30] =	ssyncadd.s32 $0xFFFFE000  }
0x42: {  	[spmem:s19] =	stream.linear.scatter [tilespmem:s29], [sflag:$0x5], $0x2000, $0x38;
	[tilespmem:$0x1B200] =	vst v63  }
0x43: {  	_ =	swait.ge [sflag:s30], $0x2000  }
0x44: {  	[sflag:s30] =	ssyncset.done $0x0  }
0x45: {  	s20 =	rddreg [dreg:$0xe];
	[sflag:s30] =	ssyncadd.s32 $0xFFFFE000  }
0x46: {  	[spmem:s20] =	stream.linear.scatter [tilespmem:s29], [sflag:$0x5], $0x2000, $0x38;
	[tilespmem:$0x1B200] =	vst v63  }
0x47: {  	_ =	swait.ge [sflag:s30], $0x2000  }
0x48: {  	[sflag:s30] =	ssyncset.done $0x0  }
0x49: {  	s17 =	rddreg [dreg:$0xf];
	[sflag:s30] =	ssyncadd.s32 $0xFFFFE000  }
0x4a: {  	[spmem:s17] =	stream.linear.scatter [tilespmem:s29], [sflag:$0x5], $0x2000, $0x38;
	[tilespmem:$0x1B200] =	vst v63  }
0x4b: {  	_ =	swait.ge [sflag:s30], $0x2000  }
0x4c: {  	[sflag:s30] =	ssyncset.done $0x0  }
0x4d: {  	[sflag:s30] =	ssyncadd.s32 $0xFFFFE000  }
0x4e: {  	[spmem:s26] =	stream.linear.scatter [tilespmem:s29], [sflag:$0x5], $0x2000, $0x38;
	[tilespmem:$0x1B200] =	vst v63  }
0x4f: {  	_ =	swait.ge [sflag:s30], $0x2000  }
0x50: {  	[sflag:s30] =	ssyncset.done $0x0  }
0x51: {  	[sflag:s30] =	ssyncadd.s32 $0xFFFFE000  }
0x52: {  	[spmem:s28] =	stream.linear.scatter [tilespmem:s29], [sflag:$0x5], $0x2000, $0x38;
	[tilespmem:$0x1B200] =	vst v63  }
0x53: {  	_ =	swait.ge [sflag:s30], $0x2000  }
0x54: {  	[sflag:s30] =	ssyncset.done $0x0  }
0x55: {  	[sflag:s30] =	ssyncadd.s32 $0xFFFFE000  }
0x56: {  	[bflag:$0x0] =	sbarrier.arrive $0xFFFF  }
0x57: {  	s16 =	simm.s32 $0x0;
	s17 =	rddreg [dreg:$0x3]  }
0x58: {  	[tilespmem:s16], [sflag:$0x1] =	stream.linear.gather [hbm4b:s17+s16], $0x50, $0x38;
	[tilespmem:$0x1B200] =	vst v63  }
0x59: {  	s18 =	rddreg [dreg:$0x4]  }
0x5a: {  	[tilespmem:s31], [sflag:$0x1] =	stream.linear.gather [hbm4b:s18+s16], $0x50, $0x38;
	[tilespmem:$0x1B200] =	vst v63  }
0x5b: {  	_ =	swait.ge [sflag:s0], $0x50  }
0x5c: {  	[sflag:s0] =	ssyncset.done $0x0  }
0x5d: {  	[sflag:s0] =	ssyncadd.s32 $0xFFFFFFB0  }
0x5e: {  	_ =	swait.ge [sflag:s0], $0x50  }
0x5f: {  	[sflag:s0] =	ssyncset.done $0x0  }
0x60: {  	[sflag:s0] =	ssyncadd.s32 $0xFFFFFFB0  }
0x61: {  	[tilespmem:s8], [sflag:$0x3] =	stream.indirect.gather [hbm4b:s6+s2], $0x80, s16, s2, $0xb8;
	[tilespmem:$0x1B200] =	vst v63  }
0x62: {  	s19 =	rddreg [dreg:$0x5]  }
0x63: {  	[tilespmem:s9], [sflag:$0x2] =	stream.linear.gather [hbm4b:s19+s16], $0x50, $0x38;
	[tilespmem:$0x1B200] =	vst v63  }
0x64: {  	s20 =	rddreg [dreg:$0x6]  }
0x65: {  	[tilespmem:s10], [sflag:$0x2] =	stream.linear.gather [hbm4b:s20+s16], $0x50, $0x38;
	[tilespmem:$0x1B200] =	vst v63  }
0x66: {  	_ =	swait.ge [sflag:s11], $0x50  }
0x67: {  	[sflag:s11] =	ssyncset.done $0x0  }
0x68: {  	[sflag:s11] =	ssyncadd.s32 $0xFFFFFFB0  }
0x69: {  	_ =	swait.ge [sflag:s11], $0x50  }
0x6a: {  	[sflag:s11] =	ssyncset.done $0x0  }
0x6b: {  	[sflag:s11] =	ssyncadd.s32 $0xFFFFFFB0  }
0x6c: {  	[tilespmem:s12], [sflag:$0x4] =	stream.indirect.gather [hbm4b:s6+s2], $0x80, s9, s2, $0xb8;
	[tilespmem:$0x1B200] =	vst v63  }
0x6d: {  	_ =	swait.ge [sflag:s13], $0x2800  }
0x6e: {  	[sflag:s13] =	ssyncset.done $0x0  }
0x6f: {  	[sflag:s13] =	ssyncadd.s32 $0xFFFFD800  }
0x70: {  	[spmem:s1] =	stream.indirect.scatter.add.f32 [tilespmem:s8], [sflag:$0x5], $0x80, s31, s2, $0xb8;
	[tilespmem:$0x1B200] =	vst v63  }
0x71: {  	_ =	swait.ge [sflag:s30], $0x2800  }
0x72: {  	s18 =	sshrl.u32 s25, $0x3;
	[sflag:s30] =	ssyncset.done $0x0  }
0x73: {  	s19 =	sadd.s32 s4, s18;
	[sflag:s30] =	ssyncadd.s32 $0xFFFFD800  }
0x74: {  	[tilespmem:s3], [sflag:$0x1] =	stream.linear.gather [hbm4b:s19+s3], $0x50, $0x38;
	[tilespmem:$0x1B200] =	vst v63  }
0x75: {  	s16 =	sadd.s32 s5, s18  }
0x76: {  	[tilespmem:s31], [sflag:$0x1] =	stream.linear.gather [hbm4b:s16+s3], $0x50, $0x38;
	[tilespmem:$0x1B200] =	vst v63  }
0x77: {  	_ =	swait.ge [sflag:s0], $0x50  }
0x78: {  	[sflag:s0] =	ssyncset.done $0x0  }
0x79: {  	[sflag:s0] =	ssyncadd.s32 $0xFFFFFFB0  }
0x7a: {  	_ =	swait.ge [sflag:s0], $0x50  }
0x7b: {  	[sflag:s0] =	ssyncset.done $0x0  }
0x7c: {  	[sflag:s0] =	ssyncadd.s32 $0xFFFFFFB0  }
0x7d: {  	[tilespmem:s8], [sflag:$0x3] =	stream.indirect.gather [hbm4b:s6+s2], $0x80, s3, s2, $0xb8;
	[tilespmem:$0x1B200] =	vst v63  }
0x7e: {  	_ =	swait.ge [sflag:s14], $0x2800  }
0x7f: {  	[sflag:s14] =	ssyncset.done $0x0  }
0x80: {  	[sflag:s14] =	ssyncadd.s32 $0xFFFFD800  }
0x81: {  	[spmem:s1] =	stream.indirect.scatter.add.f32 [tilespmem:s12], [sflag:$0x5], $0x80, s10, s2, $0xb8;
	[tilespmem:$0x1B200] =	vst v63  }
0x82: {  	_ =	swait.ge [sflag:s30], $0x2800  }
0x83: {  	s17 =	sadd.s32 $0xA0, s25;
	s20 =	sadd.s32 $0x0, s24;
	[sflag:s30] =	ssyncset.done $0x0  }
0x84: {  	s18 =	sadd.s32 $0x0, s23;
	s16 =	simm.s32 $0x14;
	[sflag:s30] =	ssyncadd.s32 $0xFFFFD800  }
0x85: {  	[tilespmem:s9], [sflag:$0x2] =	stream.linear.gather [hbm4b:s20+s3], $0x50, $0x38;
	[tilespmem:$0x1B200] =	vst v63  }
.LBB2_4:
0x86: {  	[tilespmem:s10], [sflag:$0x2] =	stream.linear.gather [hbm4b:s18+s3], $0x50, $0x38;
	[tilespmem:$0x1B200] =	vst v63  }
0x87: {  	s18 =	smov.u32 s16  }
0x88: {  	p0 =	sne.s32 s16, $0x4B0;
	s16 =	sadd.s32 $0x14, s16;
	_ =	swait.ge [sflag:s11], $0x50  }
0x89: {  	[sflag:s11] =	ssyncset.done $0x0  }
0x8a: {  	[sflag:s11] =	ssyncadd.s32 $0xFFFFFFB0  }
0x8b: {  	_ =	swait.ge [sflag:s11], $0x50  }
0x8c: {  	[sflag:s11] =	ssyncset.done $0x0  }
0x8d: {  	[sflag:s11] =	ssyncadd.s32 $0xFFFFFFB0  }
0x8e: {  	[tilespmem:s12], [sflag:$0x4] =	stream.indirect.gather [hbm4b:s6+s2], $0x80, s9, s2, $0xb8;
	[tilespmem:$0x1B200] =	vst v63  }
0x8f: {  	_ =	swait.ge [sflag:s13], $0x2800  }
0x90: {  	[sflag:s13] =	ssyncset.done $0x0  }
0x91: {  	[sflag:s13] =	ssyncadd.s32 $0xFFFFD800  }
0x92: {  	[spmem:s1] =	stream.indirect.scatter.add.f32 [tilespmem:s8], [sflag:$0x5], $0x80, s31, s2, $0xb8;
	[tilespmem:$0x1B200] =	vst v63  }
0x93: {  	_ =	swait.ge [sflag:s30], $0x2800  }
0x94: {  	s19 =	sshrl.u32 s17, $0x3;
	[sflag:s30] =	ssyncset.done $0x0  }
0x95: {  	s20 =	sadd.s32 s4, s19;
	[sflag:s30] =	ssyncadd.s32 $0xFFFFD800  }
0x96: {  	[tilespmem:s3], [sflag:$0x1] =	stream.linear.gather [hbm4b:s20+s3], $0x50, $0x38;
	[tilespmem:$0x1B200] =	vst v63  }
0x97: {  	s19 =	sadd.s32 s5, s19  }
0x98: {  	[tilespmem:s31], [sflag:$0x1] =	stream.linear.gather [hbm4b:s19+s3], $0x50, $0x38;
	[tilespmem:$0x1B200] =	vst v63  }
0x99: {  	_ =	swait.ge [sflag:s0], $0x50  }
0x9a: {  	[sflag:s0] =	ssyncset.done $0x0  }
0x9b: {  	[sflag:s0] =	ssyncadd.s32 $0xFFFFFFB0  }
0x9c: {  	_ =	swait.ge [sflag:s0], $0x50  }
0x9d: {  	[sflag:s0] =	ssyncset.done $0x0  }
0x9e: {  	[sflag:s0] =	ssyncadd.s32 $0xFFFFFFB0  }
0x9f: {  	[tilespmem:s8], [sflag:$0x3] =	stream.indirect.gather [hbm4b:s6+s2], $0x80, s3, s2, $0xb8;
	[tilespmem:$0x1B200] =	vst v63  }
0xa0: {  	_ =	swait.ge [sflag:s14], $0x2800  }
0xa1: {  	[sflag:s14] =	ssyncset.done $0x0  }
0xa2: {  	[sflag:s14] =	ssyncadd.s32 $0xFFFFD800  }
0xa3: {  	[spmem:s1] =	stream.indirect.scatter.add.f32 [tilespmem:s12], [sflag:$0x5], $0x80, s10, s2, $0xb8;
	[tilespmem:$0x1B200] =	vst v63  }
.Ltmp1:
0xa4: {  	_ =	swait.ge [sflag:s30], $0x2800;
	(pc) =	sbr.rel @p0 .LBB2_4-.Ltmp1, $4  }
0xa5: {  	[sflag:s30] =	ssyncset.done $0x0  }
0xa6: {  	s19 =	sadd.s32 s18, s24;
	[sflag:s30] =	ssyncadd.s32 $0xFFFFD800  }
0xa7: {  	[tilespmem:s9], [sflag:$0x2] =	stream.linear.gather [hbm4b:s19+s3], $0x50, $0x38;
	[tilespmem:$0x1B200] =	vst v63  }
0xa8: {  	s17 =	sadd.s32 $0xA0, s17;
	s18 =	sadd.s32 s18, s23  }
0xa9: {  	[tilespmem:s10], [sflag:$0x2] =	stream.linear.gather [hbm4b:s18+s3], $0x50, $0x38;
	[tilespmem:$0x1B200] =	vst v63  }
0xaa: {  	_ =	swait.ge [sflag:s11], $0x50  }
0xab: {  	[sflag:s11] =	ssyncset.done $0x0  }
0xac: {  	[sflag:s11] =	ssyncadd.s32 $0xFFFFFFB0  }
0xad: {  	_ =	swait.ge [sflag:s11], $0x50  }
0xae: {  	[sflag:s11] =	ssyncset.done $0x0  }
0xaf: {  	[sflag:s11] =	ssyncadd.s32 $0xFFFFFFB0  }
0xb0: {  	[tilespmem:s12], [sflag:$0x4] =	stream.indirect.gather [hbm4b:s6+s2], $0x80, s9, s2, $0xb8;
	[tilespmem:$0x1B200] =	vst v63  }
0xb1: {  	_ =	swait.ge [sflag:s13], $0x2800  }
0xb2: {  	[sflag:s13] =	ssyncset.done $0x0  }
0xb3: {  	[sflag:s13] =	ssyncadd.s32 $0xFFFFD800  }
0xb4: {  	[spmem:s1] =	stream.indirect.scatter.add.f32 [tilespmem:s8], [sflag:$0x5], $0x80, s31, s2, $0xb8;
	[tilespmem:$0x1B200] =	vst v63  }
0xb5: {  	_ =	swait.ge [sflag:s30], $0x2800  }
0xb6: {  	[sflag:s30] =	ssyncset.done $0x0  }
0xb7: {  	[sflag:s30] =	ssyncadd.s32 $0xFFFFD800  }
0xb8: {  	[tilespmem:s3], [sflag:$0x1] =	stream.linear.gather [hbm4b:s21+s3], $0x50, $0x38;
	[tilespmem:$0x1B200] =	vst v63  }
0xb9: {  	_ = 	snop  }
0xba: {  	[tilespmem:s31], [sflag:$0x1] =	stream.linear.gather [hbm4b:s22+s3], $0x50, $0x38;
	[tilespmem:$0x1B200] =	vst v63  }
0xbb: {  	_ =	swait.ge [sflag:s0], $0x50  }
0xbc: {  	[sflag:s0] =	ssyncset.done $0x0  }
0xbd: {  	[sflag:s0] =	ssyncadd.s32 $0xFFFFFFB0  }
0xbe: {  	_ =	swait.ge [sflag:s0], $0x50  }
0xbf: {  	[sflag:s0] =	ssyncset.done $0x0  }
0xc0: {  	[sflag:s0] =	ssyncadd.s32 $0xFFFFFFB0  }
0xc1: {  	[tilespmem:s8], [sflag:$0x3] =	stream.indirect.gather [hbm4b:s6+s2], $0x80, s3, s2, $0xb8;
	[tilespmem:$0x1B200] =	vst v63  }
0xc2: {  	_ =	swait.ge [sflag:s14], $0x2800  }
0xc3: {  	[sflag:s14] =	ssyncset.done $0x0  }
0xc4: {  	[sflag:s14] =	ssyncadd.s32 $0xFFFFD800  }
0xc5: {  	[spmem:s1] =	stream.indirect.scatter.add.f32 [tilespmem:s12], [sflag:$0x5], $0x80, s10, s2, $0xb8;
	[tilespmem:$0x1B200] =	vst v63  }
0xc6: {  	_ =	swait.ge [sflag:s30], $0x2800  }
0xc7: {  	[sflag:s30] =	ssyncset.done $0x0  }
0xc8: {  	[sflag:s30] =	ssyncadd.s32 $0xFFFFD800  }
0xc9: {  	_ =	swait.ge [sflag:s13], $0x2800  }
0xca: {  	[sflag:s13] =	ssyncset.done $0x0  }
0xcb: {  	[sflag:s13] =	ssyncadd.s32 $0xFFFFD800  }
0xcc: {  	[spmem:s1] =	stream.indirect.scatter.add.f32 [tilespmem:s8], [sflag:$0x5], $0x80, s31, s2, $0xb8;
	[tilespmem:$0x1B200] =	vst v63  }
0xcd: {  	_ =	swait.ge [sflag:s30], $0x2800  }
0xce: {  	[sflag:s30] =	ssyncset.done $0x0  }
0xcf: {  	s16 =	stileid.u32;
	[sflag:s30] =	ssyncadd.s32 $0xFFFFD800  }
0xd0: {  	s16 =	sshll.u32 s16, $0x6;
	[bflag:$0x0] =	sbarrier.arrive $0xFFFF  }
0xd1: {  	s17 =	sshrl.u32 s7, $0x3;
	s16 =	sor.u32 $0x1C05, s16;
	s19 =	rddreg [dreg:$0x7]  }
0xd2: {  	[hbm:s19], [sflag:s16] =	dma.local [spmem:s17], $0x2800  }
0xd3: {  	_ =	swait.ge [sflag:s30], $0x2800  }
0xd4: {  	s15 =	sadd.s32 $0x1, s15;
	s20 =	rddreg [dreg:$0x8]  }
0xd5: {  	p0 =	sne.s32 s15, s20  }
.Ltmp2:
0xd6: {  	_ = 	snop;
	(pc) =	sbr.rel @p0 .LBB2_1-.Ltmp2, $3  }
0xd7: {  	_ =	sdelay $0x1  }
0xd8: {  	[sflag:s30] =	ssyncset.done $0x0  }
0xd9: {  	[sflag:s30] =	ssyncadd.s32 $0xFFFFD800  }
0xda: {  	_ =	sfence.sel $0x180000  }
0xdb: {  	[bflag:$0x0] =	sbarrier.arrive $0xFFFF  }
0xdc: {  	_ =	strace $0x9000004D  }
0xdd: {  	s0 =	stileid.u32;
	[bflag:$0x2] =	sbarrier.arrive $0xFFFF  }
0xde: {  	p0 =	sne.s32 s0, $0x0;
	s0 =	rddreg [dreg:$0x2]  }
0xdf: {  	s0 =	sadd.s32 @!p0 $0x100000, s0  }
0xe0: {  	[sflag:s0] =	ssyncadd.tile.s32 @!p0 $0x1;
	_ =	shalt  }
.Lfunc_end2:
_tile_overlayer_lowered:
.L_overlay_start_2:
0xe1: {  	(tag) =	ssettag $0x2  }
0xe2: {  	s0 =	rddreg [dreg:$0x0];
	s2 =	stileid.u32  }
0xe3: {  	s1 =	rddreg [dreg:$0x1];
	p0 =	sne.s32 s2, $0x0  }
0xe4: {  	s3 =	rddreg [dreg:$0x2];
	[bflag:$0x3] =	sbarrier.arrive $0xFFFF;
	s2 =	simm.s32 @!p0 $0x1C05  }
0xe5: {  	[timem:s3], [sflag:s2] =	dma.local @!p0 [hbm:s0], s1  }
0xe6: {  	s0 =	simm.s32 @!p0 $0x5  }
0xe7: {  	_ =	swait.ge @!p0 [sflag:s0], s1  }
0xe8: {  	s1 =	ssub.s32 @!p0 $0x0, s1;
	[sflag:s0] =	ssyncset.done @!p0 $0x0  }
0xe9: {  	[sflag:s0] =	ssyncadd.s32 @!p0 s1  }
0xea: {  	[bflag:$0x3] =	sbarrier.arrive $0xFFFF  }
0xeb: {  	_ =	shalt  }

// kernel: kernel.23.cloned.1.call-start
scs
__scs_entry_jumppad:
0x0: {  	(pc) =	sbr.rel $0x88, $3  }
0x1: {  	(tag) =	ssettag $0x0;
	lr =	simm.s32 $0x1  }
0x2: {  	[smem:$0x3F97] =	sst lr;
	_ =	strace $0xD0000000  }
0x3: {  	_ = 	snop  }
0x4: {  	_ = 	snop  }
0x5: {  	_ = 	snop  }
0x6: {  	_ = 	snop  }
0x7: {  	_ = 	snop  }
__scs_overlays_trampoline_lowered:
0x8: {  	[smem:$0x3FA6] =	sst s0  }
0x9: {  	[smem:$0x3FA7] =	sst s1  }
0xa: {  	[smem:$0x3FA8] =	sst s2  }
0xb: {  	[smem:$0x3FA9] =	sst s3  }
0xc: {  	[smem:$0x3FAA] =	sst s4  }
0xd: {  	[smem:$0x3FAB] =	sst s5  }
0xe: {  	[smem:$0x3FAC] =	sst s6  }
0xf: {  	[smem:$0x3FAD] =	sst s7  }
0x10: {  	[smem:$0x3FAE] =	sst s8  }
0x11: {  	[smem:$0x3FAF] =	sst s9;
	s0 =	simm.s32 @!p0 $0x0  }
0x12: {  	s1 =	sld [smem:$0x3F95];
	s0 =	simm.s32 @p0 $0x1  }
0x13: {  	[smem:$0x3FB0] =	sst s0;
	s0 =	simm.s32 @!p1 $0x0  }
0x14: {  	s2 =	sld [smem:$0x3F94];
	s0 =	simm.s32 @p1 $0x1  }
0x15: {  	[smem:$0x3FB1] =	sst s0;
	s0 =	simm.s32 @!p2 $0x0  }
0x16: {  	s3 =	sld [smem:$0x3FDB];
	s0 =	simm.s32 @p2 $0x1  }
0x17: {  	s4 =	simm.s32 $0x1BF5;
	[smem:$0x3FB3] =	sst s0  }
0x18: {  	s0 =	sld [smem:$0x3F96];
	_ =	swait.ge [sflag:s4], $0x0  }
0x19: {  	s7 =	sld [smem:$0x3F97]  }
0x1a: {  	s8 =	sadd.s32 $0xFFFFE003, lr  }
0x1b: {  	s9 =	sadd.s32 $0xFFFFFEF7, lr;
	s5 =	simm.s32 $0xFFFFFFFF;
	p2 =	slt.u32 s8, $0xFFFFF086  }
0x1c: {  	p1 =	slt.u32 s9, $0xF7A;
	s5 =	simm.s32 @!p2 $0x0  }
0x1d: {  	s5 =	simm.s32 @p1 $0x1;
	p0 =	seq.s32 s7, s2  }
0x1e: {  	s7 =	smul.u32 @!p0 $0xF7A, s2;
	p2 =	seq.s32 @!p0 s5, $0x0  }
0x1f: {  	s9 =	smul.u32 $0xF7A, s1;
	s8 =	simm.s32 @!p0 $0x1BF5;
	p2 =	por !p2, p0  }
0x20: {  	[sflag:s8] =	ssyncset.s32 @!p0 $0xFFFFF086;
	s6 =	sadd.s32 @!p0 s3, s7;
	s7 =	simm.s32 @!p0 $0x108  }
0x21: {  	s3 =	sadd.s32 s3, s9;
	s6 =	sadd.s32 @!p0 $0x88, s6;
	s7 =	simm.s32 @p2 $0x1082  }
0x22: {  	[simem:s7], [sflag:s8] =	dma.local @!p0 [hbm:s6], $0xF7A  }
0x23: {  	s9 =	sor.u32 $0xD0000000, s2;
	s6 =	simm.s32 $0x108;
	_ =	swait.ge @!p0 [sflag:s8], $0x0  }
0x24: {  	s3 =	sadd.s32 $0x88, s3;
	s6 =	simm.s32 @!p1 $0x1082;
	[sflag:s4] =	ssyncset.s32 $0xFFFFF086  }
0x25: {  	[simem:s6], [sflag:s4] =	dma.local [hbm:s3], $0xF7A  }
0x26: {  	[smem:$0x3F97] =	sst s1;
	(tag) =	ssettag s2;
	_ =	strace s9  }
0x27: {  	s1 =	sld [smem:$0x3FA7]  }
0x28: {  	s2 =	sld [smem:$0x3FA8]  }
0x29: {  	s4 =	sld [smem:$0x3FAA]  }
0x2a: {  	p0 =	seq.s32 s5, $0x0;
	s5 =	sld [smem:$0x3FAB]  }
0x2b: {  	s6 =	sld [smem:$0x3FAC]  }
0x2c: {  	s7 =	sld [smem:$0x3FAD]  }
0x2d: {  	s3 =	simm.s32 $0x108;
	s8 =	sld [smem:$0x3FAE]  }
0x2e: {  	s3 =	simm.s32 @!p0 $0x1082;
	s9 =	sld [smem:$0x3FAF]  }
0x2f: {  	lr =	sadd.s32 s0, s3;
	s0 =	sld [smem:$0x3FA6]  }
0x30: {  	s3 =	sld [smem:$0x3FA9]  }
0x31: {  	[smem:$0x3FB2] =	sst s10  }
0x32: {  	s10 =	sld [smem:$0x3FB0];
	_ =	sdelay $0x3  }
0x33: {  	p0 =	seq.s32 s10, $0x1;
	s10 =	sld [smem:$0x3FB2];
	_ =	sdelay $0x3  }
0x34: {  	[smem:$0x3FB2] =	sst s10  }
0x35: {  	s10 =	sld [smem:$0x3FB1];
	_ =	sdelay $0x3  }
0x36: {  	p1 =	seq.s32 s10, $0x1;
	s10 =	sld [smem:$0x3FB2];
	_ =	sdelay $0x3  }
0x37: {  	[smem:$0x3FB2] =	sst s10  }
0x38: {  	s10 =	sld [smem:$0x3FB3]  }
0x39: {  	_ = 	snop;
	(pc) =	sbr.ind lr, $3  }
0x3a: {  	_ = 	snop  }
0x3b: {  	_ = 	snop  }
0x3c: {  	p2 =	seq.s32 s10, $0x1;
	s10 =	sld [smem:$0x3FB2]  }
0x3d: {  	_ =	shalt  }
0x3e: {  	_ =	shalt  }
0x3f: {  	_ =	shalt  }
0x40: {  	_ =	shalt  }
0x41: {  	_ =	shalt  }
0x42: {  	_ =	shalt  }
0x43: {  	_ =	shalt  }
0x44: {  	_ =	shalt  }
0x45: {  	_ =	shalt  }
0x46: {  	_ =	shalt  }
0x47: {  	_ =	shalt  }
0x48: {  	_ =	shalt  }
0x49: {  	_ =	shalt  }
0x4a: {  	_ =	shalt  }
0x4b: {  	_ =	shalt  }
0x4c: {  	_ =	shalt  }
0x4d: {  	_ =	shalt  }
0x4e: {  	_ =	shalt  }
0x4f: {  	_ =	shalt  }
0x50: {  	_ =	shalt  }
0x51: {  	_ =	shalt  }
0x52: {  	_ =	shalt  }
0x53: {  	_ =	shalt  }
0x54: {  	_ =	shalt  }
0x55: {  	_ =	shalt  }
0x56: {  	_ =	shalt  }
0x57: {  	_ =	shalt  }
0x58: {  	_ =	shalt  }
0x59: {  	_ =	shalt  }
0x5a: {  	_ =	shalt  }
0x5b: {  	_ =	shalt  }
0x5c: {  	_ =	shalt  }
0x5d: {  	_ =	shalt  }
0x5e: {  	_ =	shalt  }
0x5f: {  	_ =	shalt  }
0x60: {  	_ =	shalt  }
0x61: {  	_ =	shalt  }
0x62: {  	_ =	shalt  }
0x63: {  	_ =	shalt  }
0x64: {  	_ =	shalt  }
0x65: {  	_ =	shalt  }
0x66: {  	_ =	shalt  }
0x67: {  	_ =	shalt  }
0x68: {  	_ =	shalt  }
0x69: {  	_ =	shalt  }
0x6a: {  	_ =	shalt  }
0x6b: {  	_ =	shalt  }
0x6c: {  	_ =	shalt  }
0x6d: {  	_ =	shalt  }
0x6e: {  	_ =	shalt  }
0x6f: {  	_ =	shalt  }
0x70: {  	_ =	shalt  }
0x71: {  	_ =	shalt  }
0x72: {  	_ =	shalt  }
0x73: {  	_ =	shalt  }
0x74: {  	_ =	shalt  }
0x75: {  	_ =	shalt  }
0x76: {  	_ =	shalt  }
0x77: {  	_ =	shalt  }
0x78: {  	_ =	shalt  }
0x79: {  	_ =	shalt  }
0x7a: {  	_ =	shalt  }
0x7b: {  	_ =	shalt  }
0x7c: {  	_ =	shalt  }
0x7d: {  	_ =	shalt  }
0x7e: {  	_ =	shalt  }
0x7f: {  	_ =	shalt  }
0x80: {  	_ =	shalt  }
0x81: {  	_ =	shalt  }
0x82: {  	_ =	shalt  }
0x83: {  	_ =	shalt  }
0x84: {  	_ =	shalt  }
0x85: {  	_ =	shalt  }
0x86: {  	_ =	shalt  }
0x87: {  	_ =	shalt  }
.Lfunc_end0:
.L_simem_size_0:
called_computation.3_lowered:
.L_overlay_start_0:
0x88: {  	s2 =	sld [smem:$0x3FD9]  }
0x89: {  	s3 =	sld [smem:$0x3FFE];
	_ =	sdelay $0x1  }
0x8a: {  	s1 =	srdreg.scid  }
0x8b: {  	s0 =	sand.u32 $0x1, s1  }
0x8c: {  	s17 =	sshll.u32 s0, $0xA;
	s2 =	sadd.s32 s3, s2  }
0x8d: {  	s2 =	sadd.s32 s2, s17  }
0x8e: {  	[smem:$0x3FBE] =	sst s2  }
0x8f: {  	_ = 	snop  }
0x90: {  	s2 =	sld [smem:$0x3FC7]  }
0x91: {  	s18 =	sld [smem:$0x3FC6]  }
0x92: {  	s4 =	sld [smem:$0x3FD0];
	(tm) =	ssettm $0x1  }
0x93: {  	s5 =	sld [smem:$0x3FFB];
	_ =	sdelay $0x3  }
0x94: {  	_ =	strace s5  }
0x95: {  	s5 =	sld [smem:$0x3FFC];
	_ =	sdelay $0x3  }
0x96: {  	_ =	strace s5  }
0x97: {  	s5 =	sld [smem:$0x3FFD];
	_ =	sdelay $0x3  }
0x98: {  	_ =	strace s5  }
0x99: {  	_ =	strace $0x8FFFFFFF  }
0x9a: {  	s19 =	sld [smem:$0x3FDB];
	_ =	sdelay $0x1  }
0x9b: {  	s6 =	simm.s32 $_scs_section_size  }
0x9c: {  	s7 =	simm.s32 $_size__tile_overlayer_lowered;
	s8 =	simm.s32 $_tile_overlayer_lowered  }
0x9d: {  	s22 =	simm.s32 $0x1BFF;
	s21 =	sshll.u32 s8, $0x1;
	s5 =	sadd.s32 s6, s19  }
0x9e: {  	s9 =	simm.s32 $0x0;
	s20 =	sshll.u32 s7, $0x1;
	s7 =	sadd.s32 s21, s5  }
0x9f: {  	[timem:s9], [sflag:s22] =	dma.local [hbm:s7], s20  }
0xa0: {  	_ =	swait.ge [sflag:s22], s20  }
0xa1: {  	s6 =	ssub.s32 $0x0, s20;
	[sflag:s22] =	ssyncset.done $0x0  }
0xa2: {  	[sflag:s22] =	ssyncadd.s32 s6;
	_ =	sdelay $0x1  }
0xa3: {  	s23 =	simm.s32 $0x1B8B  }
0xa4: {  	_ =	swait.ge [sflag:s23], $0x1  }
0xa5: {  	[sflag:s23] =	ssyncset.done $0x0  }
0xa6: {  	s25 =	simm.s32 $0x1B8E;
	s24 =	sld [smem:$0x3FFE];
	[sflag:s23] =	ssyncadd.s32 $0xFFFFFFFF  }
0xa7: {  	s26 =	simm.s32 $execute0_lowered;
	[smem:$0x3FD2] =	sst s25  }
0xa8: {  	s7 =	sshll.u32 s26, $0x1;
	_ =	strace $0x8000004F;
	[dreg:$0x1] =	wrdreg $0xFFFFFFFF  }
0xa9: {  	s28 =	simm.s32 $_size_execute0_lowered;
	s5 =	sadd.s32 s5, s7;
	[dreg:$0x0] =	wrdreg $0x0  }
0xaa: {  	s7 =	sshll.u32 s28, $0x1;
	[dreg:$0x2] =	wrdreg s5  }
0xab: {  	[dreg:$0x3] =	wrdreg s7  }
0xac: {  	[dreg:$0x4] =	wrdreg $0xC0  }
0xad: {  	_ =	task [dreg:s9], $0x5FFFF  }
0xae: {  	[dreg:$0x1] =	wrdreg $0xFFFFFFFF  }
0xaf: {  	[dreg:$0x0] =	wrdreg $0x60  }
0xb0: {  	[dreg:$0x2] =	wrdreg s24  }
0xb1: {  	[dreg:$0x3] =	wrdreg s2  }
0xb2: {  	[dreg:$0x4] =	wrdreg s18  }
0xb3: {  	[dreg:$0x5] =	wrdreg s4  }
0xb4: {  	[dreg:$0x6] =	wrdreg $0x9  }
0xb5: {  	_ =	task.clear_ibuf [dreg:s9], $0x7FFFF;
	_ =	strace $0x9000004F  }
0xb6: {  	s29 =	simm.s32 $0x9;
	_ =	strace $0x80000051  }
0xb7: {  	_ =	swait.ge [sflag:s29], $0x1  }
0xb8: {  	[sflag:s29] =	ssyncadd.s32 $0xFFFFFFFF  }
0xb9: {  	_ =	strace $0x90000051  }
0xba: {  	_ =	sfence  }
0xbb: {  	s30 =	sld [smem:$0x0];
	_ =	sdelay $0x2  }
0xbc: {  	s31 =	sshll.u32 s1, $0xD;
	s1 =	sshrl.u32 s1, $0x2  }
0xbd: {  	s3 =	sand.u32 $0x4000, s31;
	s1 =	sadd.s32 s1, s30  }
0xbe: {  	s0 =	sor.u32 s3, s0;
	s1 =	sshll.u32 s1, $0x11  }
0xbf: {  	s0 =	sor.u32 s1, s0  }
0xc0: {  	s0 =	sadd.s32 $0x8F2B, s0  }
0xc1: {  	[sflag:s0] =	ssyncadd.remote.s32 $0x1  }
0xc2: {  	_ =	sfence.sel $0xFFFF  }
0xc3: {  	[dreg:$0x0] =	wrdreg $0xFFFFFFFF;
	(pc) =	sbr.abs _section_cstart, $3  }
0xc4: {  	[dreg:$0x1] =	wrdreg $0xFFFFFFFF  }
0xc5: {  	_ =	task.clear_ibuf [dreg:s9], $0x2FFFF;
	_ =	strace $0x9FFFFFFF  }
0xc6: {  	(tm) =	ssettm $0x7FFFFFFF  }
0xc7: {  	_ =	shalt  }
tec
execute0_lowered:
.L_overlay_start_1:
0x0: {  	(tag) =	ssettag $0x1  }
0x1: {  	s18 =	rddreg [dreg:$0x0]  }
0x2: {  	s15 =	rddreg [dreg:$0x1];
	s1 =	srdreg.scid  }
0x3: {  	s23 =	rddreg [dreg:$0x2];
	s0 =	stileid.u32;
	s24 =	sand.u32 $0x1, s1  }
0x4: {  	s16 =	rddreg [dreg:$0x3];
	s4 =	sshll.u32 s0, $0x9;
	s3 =	sshll.u32 s24, $0xD  }
0x5: {  	s2 =	simm.s32 $0x0;
	s1 =	rddreg [dreg:$0x4];
	s19 =	sor.u32 s4, s3  }
0x6: {  	[smem:$0x7FF] =	sst s2;
	s17 =	sshrl.u32 s19, $0x3  }
0x7: {  	_ =	strace $0x80000050;
	s3 =	simm.s32 $0x2;
	s4 =	sadd.s32 s15, s17  }
0x8: {  	[tilespmem:s2], [sflag:$0x2] =	stream.linear.gather [hbm4b:s4+s2], $0x80, $0x38;
	[tilespmem:$0x4100] =	vst v63  }
0x9: {  	_ =	swait.ge [sflag:s3], $0x80  }
0xa: {  	[sflag:s3] =	ssyncset.done $0x0  }
0xb: {  	s6 =	simm.s32 $0x80;
	s5 =	sadd.s32 s16, s17;
	[sflag:s3] =	ssyncadd.s32 $0xFFFFFF80  }
0xc: {  	[tilespmem:s6], [sflag:$0x2] =	stream.linear.gather [hbm4b:s5+s2], $0x80, $0x38;
	[tilespmem:$0x4100] =	vst v63  }
0xd: {  	_ =	swait.ge [sflag:s3], $0x80  }
0xe: {  	s8 =	simm.s32 $0x100;
	[sflag:s3] =	ssyncset.done $0x0  }
0xf: {  	s9 =	simm.s32 $0x1;
	s7 =	sadd.s32 $0x2E00, s18;
	[sflag:s3] =	ssyncadd.s32 $0xFFFFFF80  }
0x10: {  	[tilespmem:s8], [sflag:$0x1] =	stream.indirect.gather [hbm4b:s7+s6], $0x80, s2, s6, $0xb8;
	[tilespmem:$0x4100] =	vst v63  }
0x11: {  	_ =	swait.ge [sflag:s9], $0x4000  }
0x12: {  	[sflag:s9] =	ssyncset.done $0x0  }
0x13: {  	s10 =	sadd.s32 $0x2A000, s18;
	[sflag:s9] =	ssyncadd.s32 $0xFFFFC000  }
0x14: {  	[hbm4b:s10+s6] =	stream.indirect.scatter [tilespmem:s8], [sflag:$0x2], $0x80, s6, s6, $0xb8;
	[tilespmem:$0x4100] =	vst v63  }
0x15: {  	s20 =	sor.u32 $0x80, s19;
	_ =	swait.ge [sflag:s3], $0x4000  }
0x16: {  	s21 =	sshrl.u32 s20, $0x3;
	[sflag:s3] =	ssyncset.done $0x0  }
0x17: {  	s11 =	sadd.s32 s15, s21;
	[sflag:s3] =	ssyncadd.s32 $0xFFFFC000  }
0x18: {  	[tilespmem:s2], [sflag:$0x2] =	stream.linear.gather [hbm4b:s11+s2], $0x80, $0x38;
	[tilespmem:$0x4100] =	vst v63  }
0x19: {  	_ =	swait.ge [sflag:s3], $0x80  }
0x1a: {  	[sflag:s3] =	ssyncset.done $0x0  }
0x1b: {  	s12 =	sadd.s32 s16, s21;
	[sflag:s3] =	ssyncadd.s32 $0xFFFFFF80  }
0x1c: {  	[tilespmem:s6], [sflag:$0x2] =	stream.linear.gather [hbm4b:s12+s2], $0x80, $0x38;
	[tilespmem:$0x4100] =	vst v63  }
0x1d: {  	_ =	swait.ge [sflag:s3], $0x80  }
0x1e: {  	[sflag:s3] =	ssyncset.done $0x0  }
0x1f: {  	[sflag:s3] =	ssyncadd.s32 $0xFFFFFF80  }
0x20: {  	[tilespmem:s8], [sflag:$0x1] =	stream.indirect.gather [hbm4b:s7+s6], $0x80, s2, s6, $0xb8;
	[tilespmem:$0x4100] =	vst v63  }
0x21: {  	_ =	swait.ge [sflag:s9], $0x4000  }
0x22: {  	[sflag:s9] =	ssyncset.done $0x0  }
0x23: {  	[sflag:s9] =	ssyncadd.s32 $0xFFFFC000  }
0x24: {  	[hbm4b:s10+s6] =	stream.indirect.scatter [tilespmem:s8], [sflag:$0x2], $0x80, s6, s6, $0xb8;
	[tilespmem:$0x4100] =	vst v63  }
0x25: {  	s22 =	sor.u32 $0x100, s19;
	_ =	swait.ge [sflag:s3], $0x4000  }
0x26: {  	s26 =	sshrl.u32 s22, $0x3;
	[sflag:s3] =	ssyncset.done $0x0  }
0x27: {  	s13 =	sadd.s32 s15, s26;
	[sflag:s3] =	ssyncadd.s32 $0xFFFFC000  }
0x28: {  	[tilespmem:s2], [sflag:$0x2] =	stream.linear.gather [hbm4b:s13+s2], $0x80, $0x38;
	[tilespmem:$0x4100] =	vst v63  }
0x29: {  	_ =	swait.ge [sflag:s3], $0x80  }
0x2a: {  	[sflag:s3] =	ssyncset.done $0x0  }
0x2b: {  	s14 =	sadd.s32 s16, s26;
	[sflag:s3] =	ssyncadd.s32 $0xFFFFFF80  }
0x2c: {  	[tilespmem:s6], [sflag:$0x2] =	stream.linear.gather [hbm4b:s14+s2], $0x80, $0x38;
	[tilespmem:$0x4100] =	vst v63  }
0x2d: {  	_ =	swait.ge [sflag:s3], $0x80  }
0x2e: {  	[sflag:s3] =	ssyncset.done $0x0  }
0x2f: {  	[sflag:s3] =	ssyncadd.s32 $0xFFFFFF80  }
0x30: {  	[tilespmem:s8], [sflag:$0x1] =	stream.indirect.gather [hbm4b:s7+s6], $0x80, s2, s6, $0xb8;
	[tilespmem:$0x4100] =	vst v63  }
0x31: {  	_ =	swait.ge [sflag:s9], $0x4000  }
0x32: {  	[sflag:s9] =	ssyncset.done $0x0  }
0x33: {  	[sflag:s9] =	ssyncadd.s32 $0xFFFFC000  }
0x34: {  	[hbm4b:s10+s6] =	stream.indirect.scatter [tilespmem:s8], [sflag:$0x2], $0x80, s6, s6, $0xb8;
	[tilespmem:$0x4100] =	vst v63  }
0x35: {  	s25 =	sor.u32 $0x180, s19;
	_ =	swait.ge [sflag:s3], $0x4000  }
0x36: {  	s28 =	sshrl.u32 s25, $0x3;
	[sflag:s3] =	ssyncset.done $0x0  }
0x37: {  	s15 =	sadd.s32 s15, s28;
	[sflag:s3] =	ssyncadd.s32 $0xFFFFC000  }
0x38: {  	[tilespmem:s2], [sflag:$0x2] =	stream.linear.gather [hbm4b:s15+s2], $0x80, $0x38;
	[tilespmem:$0x4100] =	vst v63  }
0x39: {  	_ =	swait.ge [sflag:s3], $0x80  }
0x3a: {  	[sflag:s3] =	ssyncset.done $0x0  }
0x3b: {  	s16 =	sadd.s32 s16, s28;
	[sflag:s3] =	ssyncadd.s32 $0xFFFFFF80  }
0x3c: {  	[tilespmem:s6], [sflag:$0x2] =	stream.linear.gather [hbm4b:s16+s2], $0x80, $0x38;
	[tilespmem:$0x4100] =	vst v63  }
0x3d: {  	_ =	swait.ge [sflag:s3], $0x80  }
0x3e: {  	[sflag:s3] =	ssyncset.done $0x0  }
0x3f: {  	[sflag:s3] =	ssyncadd.s32 $0xFFFFFF80  }
0x40: {  	[tilespmem:s8], [sflag:$0x1] =	stream.indirect.gather [hbm4b:s7+s6], $0x80, s2, s6, $0xb8;
	[tilespmem:$0x4100] =	vst v63  }
0x41: {  	_ =	swait.ge [sflag:s9], $0x4000  }
0x42: {  	[sflag:s9] =	ssyncset.done $0x0  }
0x43: {  	[sflag:s9] =	ssyncadd.s32 $0xFFFFC000  }
0x44: {  	[hbm4b:s10+s6] =	stream.indirect.scatter [tilespmem:s8], [sflag:$0x2], $0x80, s6, s6, $0xb8;
	[tilespmem:$0x4100] =	vst v63  }
0x45: {  	_ =	swait.ge [sflag:s3], $0x4000  }
0x46: {  	[sflag:s3] =	ssyncset.done $0x0  }
0x47: {  	s17 =	sadd.s32 s23, s17;
	[sflag:s3] =	ssyncadd.s32 $0xFFFFC000  }
0x48: {  	[tilespmem:s2], [sflag:$0x2] =	stream.linear.gather [hbm4b:s17+s2], $0x80, $0x38;
	[tilespmem:$0x4100] =	vst v63  }
0x49: {  	_ =	swait.ge [sflag:s3], $0x80  }
0x4a: {  	[sflag:s3] =	ssyncset.done $0x0  }
0x4b: {  	[sflag:s3] =	ssyncadd.s32 $0xFFFFFF80  }
0x4c: {  	[tilespmem:s8], [sflag:$0x1] =	stream.indirect.gather [hbm4b:s7+s6], $0x80, s2, s6, $0xb8;
	[tilespmem:$0x4100] =	vst v63  }
0x4d: {  	_ =	swait.ge [sflag:s9], $0x4000  }
0x4e: {  	s29 =	sadd.s32 $0x6A000, s18;
	s19 =	sshll.u32 s19, $0x4;
	[sflag:s9] =	ssyncset.done $0x0  }
0x4f: {  	s18 =	sadd.s32 s29, s19;
	[sflag:s9] =	ssyncadd.s32 $0xFFFFC000  }
0x50: {  	[hbm4b:s18+s2] =	stream.linear.scatter [tilespmem:s8], [sflag:$0x2], $0x4000, $0x38;
	[tilespmem:$0x4100] =	vst v63  }
0x51: {  	_ =	swait.ge [sflag:s3], $0x4000  }
0x52: {  	[sflag:s3] =	ssyncset.done $0x0  }
0x53: {  	s19 =	sadd.s32 s23, s21;
	[sflag:s3] =	ssyncadd.s32 $0xFFFFC000  }
0x54: {  	[tilespmem:s2], [sflag:$0x2] =	stream.linear.gather [hbm4b:s19+s2], $0x80, $0x38;
	[tilespmem:$0x4100] =	vst v63  }
0x55: {  	_ =	swait.ge [sflag:s3], $0x80  }
0x56: {  	[sflag:s3] =	ssyncset.done $0x0  }
0x57: {  	[sflag:s3] =	ssyncadd.s32 $0xFFFFFF80  }
0x58: {  	[tilespmem:s8], [sflag:$0x1] =	stream.indirect.gather [hbm4b:s7+s6], $0x80, s2, s6, $0xb8;
	[tilespmem:$0x4100] =	vst v63  }
0x59: {  	_ =	swait.ge [sflag:s9], $0x4000  }
0x5a: {  	s20 =	sshll.u32 s20, $0x4;
	[sflag:s9] =	ssyncset.done $0x0  }
0x5b: {  	s20 =	sadd.s32 s29, s20;
	[sflag:s9] =	ssyncadd.s32 $0xFFFFC000  }
0x5c: {  	[hbm4b:s20+s2] =	stream.linear.scatter [tilespmem:s8], [sflag:$0x2], $0x4000, $0x38;
	[tilespmem:$0x4100] =	vst v63  }
0x5d: {  	_ =	swait.ge [sflag:s3], $0x4000  }
0x5e: {  	[sflag:s3] =	ssyncset.done $0x0  }
0x5f: {  	s21 =	sadd.s32 s23, s26;
	[sflag:s3] =	ssyncadd.s32 $0xFFFFC000  }
0x60: {  	[tilespmem:s2], [sflag:$0x2] =	stream.linear.gather [hbm4b:s21+s2], $0x80, $0x38;
	[tilespmem:$0x4100] =	vst v63  }
0x61: {  	_ =	swait.ge [sflag:s3], $0x80  }
0x62: {  	[sflag:s3] =	ssyncset.done $0x0  }
0x63: {  	[sflag:s3] =	ssyncadd.s32 $0xFFFFFF80  }
0x64: {  	[tilespmem:s8], [sflag:$0x1] =	stream.indirect.gather [hbm4b:s7+s6], $0x80, s2, s6, $0xb8;
	[tilespmem:$0x4100] =	vst v63  }
0x65: {  	_ =	swait.ge [sflag:s9], $0x4000  }
0x66: {  	s22 =	sshll.u32 s22, $0x4;
	[sflag:s9] =	ssyncset.done $0x0  }
0x67: {  	s22 =	sadd.s32 s29, s22;
	[sflag:s9] =	ssyncadd.s32 $0xFFFFC000  }
0x68: {  	[hbm4b:s22+s2] =	stream.linear.scatter [tilespmem:s8], [sflag:$0x2], $0x4000, $0x38;
	[tilespmem:$0x4100] =	vst v63  }
0x69: {  	_ =	swait.ge [sflag:s3], $0x4000  }
0x6a: {  	[sflag:s3] =	ssyncset.done $0x0  }
0x6b: {  	s24 =	ssub.s32 $0x2, s24;
	s23 =	sadd.s32 s23, s28;
	[sflag:s3] =	ssyncadd.s32 $0xFFFFC000  }
0x6c: {  	[tilespmem:s2], [sflag:$0x2] =	stream.linear.gather [hbm4b:s23+s2], $0x80, $0x38;
	[tilespmem:$0x4100] =	vst v63  }
0x6d: {  	s28 =	sshrl.u32 s24, $0x1;
	_ =	swait.ge [sflag:s3], $0x80  }
0x6e: {  	s26 =	ssub.s32 s24, s28;
	[sflag:s3] =	ssyncset.done $0x0  }
0x6f: {  	s31 =	smax.u32 s26, $0x1;
	[sflag:s3] =	ssyncadd.s32 $0xFFFFFF80  }
0x70: {  	[tilespmem:s8], [sflag:$0x1] =	stream.indirect.gather [hbm4b:s7+s6], $0x80, s2, s6, $0xb8;
	[tilespmem:$0x4100] =	vst v63  }
0x71: {  	p0 =	sne.s32 s31, $0x1;
	_ =	swait.ge [sflag:s9], $0x4000  }
.Ltmp0:
0x72: {  	s30 =	sshll.u32 s25, $0x4;
	[sflag:s9] =	ssyncset.done $0x0;
	(pc) =	sbr.rel @!p0 .LBB2_2-.Ltmp0, $4  }
0x73: {  	s24 =	sadd.s32 s29, s30;
	[sflag:s9] =	ssyncadd.s32 $0xFFFFC000  }
0x74: {  	[hbm4b:s24+s2] =	stream.linear.scatter [tilespmem:s8], [sflag:$0x2], $0x4000, $0x38;
	[tilespmem:$0x4100] =	vst v63  }
0x75: {  	_ =	swait.ge [sflag:s3], $0x4000  }
0x76: {  	s25 =	sadd.s32 $0xFFFFFFFF, s31;
	[sflag:s3] =	ssyncset.done $0x0  }
.LBB2_1:
0x77: {  	p0 =	sne.s32 s25, $0x1;
	s25 =	sadd.s32 $0xFFFFFFFF, s25;
	[sflag:s3] =	ssyncadd.s32 $0xFFFFC000  }
0x78: {  	[tilespmem:s2], [sflag:$0x2] =	stream.linear.gather [hbm4b:s4+s2], $0x80, $0x38;
	[tilespmem:$0x4100] =	vst v63  }
0x79: {  	_ =	swait.ge [sflag:s3], $0x80  }
0x7a: {  	[sflag:s3] =	ssyncset.done $0x0  }
0x7b: {  	[sflag:s3] =	ssyncadd.s32 $0xFFFFFF80  }
0x7c: {  	[tilespmem:s6], [sflag:$0x2] =	stream.linear.gather [hbm4b:s5+s2], $0x80, $0x38;
	[tilespmem:$0x4100] =	vst v63  }
0x7d: {  	_ =	swait.ge [sflag:s3], $0x80  }
0x7e: {  	[sflag:s3] =	ssyncset.done $0x0  }
0x7f: {  	[sflag:s3] =	ssyncadd.s32 $0xFFFFFF80  }
0x80: {  	[tilespmem:s8], [sflag:$0x1] =	stream.indirect.gather [hbm4b:s7+s6], $0x80, s2, s6, $0xb8;
	[tilespmem:$0x4100] =	vst v63  }
0x81: {  	_ =	swait.ge [sflag:s9], $0x4000  }
0x82: {  	[sflag:s9] =	ssyncset.done $0x0  }
0x83: {  	[sflag:s9] =	ssyncadd.s32 $0xFFFFC000  }
0x84: {  	[hbm4b:s10+s6] =	stream.indirect.scatter [tilespmem:s8], [sflag:$0x2], $0x80, s6, s6, $0xb8;
	[tilespmem:$0x4100] =	vst v63  }
0x85: {  	_ =	swait.ge [sflag:s3], $0x4000  }
0x86: {  	[sflag:s3] =	ssyncset.done $0x0  }
0x87: {  	[sflag:s3] =	ssyncadd.s32 $0xFFFFC000  }
0x88: {  	[tilespmem:s2], [sflag:$0x2] =	stream.linear.gather [hbm4b:s11+s2], $0x80, $0x38;
	[tilespmem:$0x4100] =	vst v63  }
0x89: {  	_ =	swait.ge [sflag:s3], $0x80  }
0x8a: {  	[sflag:s3] =	ssyncset.done $0x0  }
0x8b: {  	[sflag:s3] =	ssyncadd.s32 $0xFFFFFF80  }
0x8c: {  	[tilespmem:s6], [sflag:$0x2] =	stream.linear.gather [hbm4b:s12+s2], $0x80, $0x38;
	[tilespmem:$0x4100] =	vst v63  }
0x8d: {  	_ =	swait.ge [sflag:s3], $0x80  }
0x8e: {  	[sflag:s3] =	ssyncset.done $0x0  }
0x8f: {  	[sflag:s3] =	ssyncadd.s32 $0xFFFFFF80  }
0x90: {  	[tilespmem:s8], [sflag:$0x1] =	stream.indirect.gather [hbm4b:s7+s6], $0x80, s2, s6, $0xb8;
	[tilespmem:$0x4100] =	vst v63  }
0x91: {  	_ =	swait.ge [sflag:s9], $0x4000  }
0x92: {  	[sflag:s9] =	ssyncset.done $0x0  }
0x93: {  	[sflag:s9] =	ssyncadd.s32 $0xFFFFC000  }
0x94: {  	[hbm4b:s10+s6] =	stream.indirect.scatter [tilespmem:s8], [sflag:$0x2], $0x80, s6, s6, $0xb8;
	[tilespmem:$0x4100] =	vst v63  }
0x95: {  	_ =	swait.ge [sflag:s3], $0x4000  }
0x96: {  	[sflag:s3] =	ssyncset.done $0x0  }
0x97: {  	[sflag:s3] =	ssyncadd.s32 $0xFFFFC000  }
0x98: {  	[tilespmem:s2], [sflag:$0x2] =	stream.linear.gather [hbm4b:s13+s2], $0x80, $0x38;
	[tilespmem:$0x4100] =	vst v63  }
0x99: {  	_ =	swait.ge [sflag:s3], $0x80  }
0x9a: {  	[sflag:s3] =	ssyncset.done $0x0  }
0x9b: {  	[sflag:s3] =	ssyncadd.s32 $0xFFFFFF80  }
0x9c: {  	[tilespmem:s6], [sflag:$0x2] =	stream.linear.gather [hbm4b:s14+s2], $0x80, $0x38;
	[tilespmem:$0x4100] =	vst v63  }
0x9d: {  	_ =	swait.ge [sflag:s3], $0x80  }
0x9e: {  	[sflag:s3] =	ssyncset.done $0x0  }
0x9f: {  	[sflag:s3] =	ssyncadd.s32 $0xFFFFFF80  }
0xa0: {  	[tilespmem:s8], [sflag:$0x1] =	stream.indirect.gather [hbm4b:s7+s6], $0x80, s2, s6, $0xb8;
	[tilespmem:$0x4100] =	vst v63  }
0xa1: {  	_ =	swait.ge [sflag:s9], $0x4000  }
0xa2: {  	[sflag:s9] =	ssyncset.done $0x0  }
0xa3: {  	[sflag:s9] =	ssyncadd.s32 $0xFFFFC000  }
0xa4: {  	[hbm4b:s10+s6] =	stream.indirect.scatter [tilespmem:s8], [sflag:$0x2], $0x80, s6, s6, $0xb8;
	[tilespmem:$0x4100] =	vst v63  }
0xa5: {  	_ =	swait.ge [sflag:s3], $0x4000  }
0xa6: {  	[sflag:s3] =	ssyncset.done $0x0  }
0xa7: {  	[sflag:s3] =	ssyncadd.s32 $0xFFFFC000  }
0xa8: {  	[tilespmem:s2], [sflag:$0x2] =	stream.linear.gather [hbm4b:s15+s2], $0x80, $0x38;
	[tilespmem:$0x4100] =	vst v63  }
0xa9: {  	_ =	swait.ge [sflag:s3], $0x80  }
0xaa: {  	[sflag:s3] =	ssyncset.done $0x0  }
0xab: {  	[sflag:s3] =	ssyncadd.s32 $0xFFFFFF80  }
0xac: {  	[tilespmem:s6], [sflag:$0x2] =	stream.linear.gather [hbm4b:s16+s2], $0x80, $0x38;
	[tilespmem:$0x4100] =	vst v63  }
0xad: {  	_ =	swait.ge [sflag:s3], $0x80  }
0xae: {  	[sflag:s3] =	ssyncset.done $0x0  }
0xaf: {  	[sflag:s3] =	ssyncadd.s32 $0xFFFFFF80  }
0xb0: {  	[tilespmem:s8], [sflag:$0x1] =	stream.indirect.gather [hbm4b:s7+s6], $0x80, s2, s6, $0xb8;
	[tilespmem:$0x4100] =	vst v63  }
0xb1: {  	_ =	swait.ge [sflag:s9], $0x4000  }
0xb2: {  	[sflag:s9] =	ssyncset.done $0x0  }
0xb3: {  	[sflag:s9] =	ssyncadd.s32 $0xFFFFC000  }
0xb4: {  	[hbm4b:s10+s6] =	stream.indirect.scatter [tilespmem:s8], [sflag:$0x2], $0x80, s6, s6, $0xb8;
	[tilespmem:$0x4100] =	vst v63  }
0xb5: {  	_ =	swait.ge [sflag:s3], $0x4000  }
0xb6: {  	[sflag:s3] =	ssyncset.done $0x0  }
0xb7: {  	[sflag:s3] =	ssyncadd.s32 $0xFFFFC000  }
0xb8: {  	[tilespmem:s2], [sflag:$0x2] =	stream.linear.gather [hbm4b:s17+s2], $0x80, $0x38;
	[tilespmem:$0x4100] =	vst v63  }
0xb9: {  	_ =	swait.ge [sflag:s3], $0x80  }
0xba: {  	[sflag:s3] =	ssyncset.done $0x0  }
0xbb: {  	[sflag:s3] =	ssyncadd.s32 $0xFFFFFF80  }
0xbc: {  	[tilespmem:s8], [sflag:$0x1] =	stream.indirect.gather [hbm4b:s7+s6], $0x80, s2, s6, $0xb8;
	[tilespmem:$0x4100] =	vst v63  }
0xbd: {  	_ =	swait.ge [sflag:s9], $0x4000  }
0xbe: {  	[sflag:s9] =	ssyncset.done $0x0  }
0xbf: {  	[sflag:s9] =	ssyncadd.s32 $0xFFFFC000  }
0xc0: {  	[hbm4b:s18+s2] =	stream.linear.scatter [tilespmem:s8], [sflag:$0x2], $0x4000, $0x38;
	[tilespmem:$0x4100] =	vst v63  }
0xc1: {  	_ =	swait.ge [sflag:s3], $0x4000  }
0xc2: {  	[sflag:s3] =	ssyncset.done $0x0  }
0xc3: {  	[sflag:s3] =	ssyncadd.s32 $0xFFFFC000  }
0xc4: {  	[tilespmem:s2], [sflag:$0x2] =	stream.linear.gather [hbm4b:s19+s2], $0x80, $0x38;
	[tilespmem:$0x4100] =	vst v63  }
0xc5: {  	_ =	swait.ge [sflag:s3], $0x80  }
0xc6: {  	[sflag:s3] =	ssyncset.done $0x0  }
0xc7: {  	[sflag:s3] =	ssyncadd.s32 $0xFFFFFF80  }
0xc8: {  	[tilespmem:s8], [sflag:$0x1] =	stream.indirect.gather [hbm4b:s7+s6], $0x80, s2, s6, $0xb8;
	[tilespmem:$0x4100] =	vst v63  }
0xc9: {  	_ =	swait.ge [sflag:s9], $0x4000  }
0xca: {  	[sflag:s9] =	ssyncset.done $0x0  }
0xcb: {  	[sflag:s9] =	ssyncadd.s32 $0xFFFFC000  }
0xcc: {  	[hbm4b:s20+s2] =	stream.linear.scatter [tilespmem:s8], [sflag:$0x2], $0x4000, $0x38;
	[tilespmem:$0x4100] =	vst v63  }
0xcd: {  	_ =	swait.ge [sflag:s3], $0x4000  }
0xce: {  	[sflag:s3] =	ssyncset.done $0x0  }
0xcf: {  	[sflag:s3] =	ssyncadd.s32 $0xFFFFC000  }
0xd0: {  	[tilespmem:s2], [sflag:$0x2] =	stream.linear.gather [hbm4b:s21+s2], $0x80, $0x38;
	[tilespmem:$0x4100] =	vst v63  }
0xd1: {  	_ =	swait.ge [sflag:s3], $0x80  }
0xd2: {  	[sflag:s3] =	ssyncset.done $0x0  }
0xd3: {  	[sflag:s3] =	ssyncadd.s32 $0xFFFFFF80  }
0xd4: {  	[tilespmem:s8], [sflag:$0x1] =	stream.indirect.gather [hbm4b:s7+s6], $0x80, s2, s6, $0xb8;
	[tilespmem:$0x4100] =	vst v63  }
0xd5: {  	_ =	swait.ge [sflag:s9], $0x4000  }
0xd6: {  	[sflag:s9] =	ssyncset.done $0x0  }
0xd7: {  	[sflag:s9] =	ssyncadd.s32 $0xFFFFC000  }
0xd8: {  	[hbm4b:s22+s2] =	stream.linear.scatter [tilespmem:s8], [sflag:$0x2], $0x4000, $0x38;
	[tilespmem:$0x4100] =	vst v63  }
0xd9: {  	_ =	swait.ge [sflag:s3], $0x4000  }
0xda: {  	[sflag:s3] =	ssyncset.done $0x0  }
0xdb: {  	[sflag:s3] =	ssyncadd.s32 $0xFFFFC000  }
0xdc: {  	[tilespmem:s2], [sflag:$0x2] =	stream.linear.gather [hbm4b:s23+s2], $0x80, $0x38;
	[tilespmem:$0x4100] =	vst v63  }
0xdd: {  	_ =	swait.ge [sflag:s3], $0x80  }
0xde: {  	[sflag:s3] =	ssyncset.done $0x0  }
0xdf: {  	[sflag:s3] =	ssyncadd.s32 $0xFFFFFF80  }
0xe0: {  	[tilespmem:s8], [sflag:$0x1] =	stream.indirect.gather [hbm4b:s7+s6], $0x80, s2, s6, $0xb8;
	[tilespmem:$0x4100] =	vst v63  }
0xe1: {  	_ =	swait.ge [sflag:s9], $0x4000  }
.Ltmp1:
0xe2: {  	[sflag:s9] =	ssyncset.done $0x0;
	(pc) =	sbr.rel @p0 .LBB2_1-.Ltmp1, $4  }
0xe3: {  	[sflag:s9] =	ssyncadd.s32 $0xFFFFC000  }
0xe4: {  	[hbm4b:s24+s2] =	stream.linear.scatter [tilespmem:s8], [sflag:$0x2], $0x4000, $0x38;
	[tilespmem:$0x4100] =	vst v63  }
0xe5: {  	_ =	swait.ge [sflag:s3], $0x4000  }
0xe6: {  	[sflag:s3] =	ssyncset.done $0x0  }
.LBB2_2:
0xe7: {  	[sflag:s3] =	ssyncadd.s32 $0xFFFFC000  }
0xe8: {  	_ =	sfence.sel $0x180000  }
0xe9: {  	[bflag:$0x0] =	sbarrier.arrive $0xFFFF  }
0xea: {  	p0 =	sne.s32 s0, $0x0;
	_ =	strace $0x90000050  }
0xeb: {  	s0 =	sadd.s32 @!p0 $0x100000, s1;
	[bflag:$0x2] =	sbarrier.arrive $0xFFFF  }
0xec: {  	[sflag:s0] =	ssyncadd.tile.s32 @!p0 $0x1;
	_ =	shalt  }
.Lfunc_end2:
_tile_overlayer_lowered:
.L_overlay_start_2:
0xed: {  	(tag) =	ssettag $0x2  }
0xee: {  	s0 =	rddreg [dreg:$0x0];
	s2 =	stileid.u32  }
0xef: {  	s1 =	rddreg [dreg:$0x1];
	p0 =	sne.s32 s2, $0x0  }
0xf0: {  	s3 =	rddreg [dreg:$0x2];
	[bflag:$0x3] =	sbarrier.arrive $0xFFFF;
	s2 =	simm.s32 @!p0 $0x1C02  }
0xf1: {  	[timem:s3], [sflag:s2] =	dma.local @!p0 [hbm:s0], s1  }
0xf2: {  	s0 =	simm.s32 @!p0 $0x2  }
0xf3: {  	_ =	swait.ge @!p0 [sflag:s0], s1  }
0xf4: {  	s1 =	ssub.s32 @!p0 $0x0, s1;
	[sflag:s0] =	ssyncset.done @!p0 $0x0  }
0xf5: {  	[sflag:s0] =	ssyncadd.s32 @!p0 s1  }
0xf6: {  	[bflag:$0x3] =	sbarrier.arrive $0xFFFF  }
0xf7: {  	_ =	shalt  }

// kernel: kernel.26.cloned.1.call-start
scs
__scs_entry_jumppad:
0x0: {  	(pc) =	sbr.rel $0x88, $3  }
0x1: {  	(tag) =	ssettag $0x0;
	lr =	simm.s32 $0x1  }
0x2: {  	[smem:$0x3F97] =	sst lr;
	_ =	strace $0xD0000000  }
0x3: {  	_ = 	snop  }
0x4: {  	_ = 	snop  }
0x5: {  	_ = 	snop  }
0x6: {  	_ = 	snop  }
0x7: {  	_ = 	snop  }
__scs_overlays_trampoline_lowered:
0x8: {  	[smem:$0x3FA6] =	sst s0  }
0x9: {  	[smem:$0x3FA7] =	sst s1  }
0xa: {  	[smem:$0x3FA8] =	sst s2  }
0xb: {  	[smem:$0x3FA9] =	sst s3  }
0xc: {  	[smem:$0x3FAA] =	sst s4  }
0xd: {  	[smem:$0x3FAB] =	sst s5  }
0xe: {  	[smem:$0x3FAC] =	sst s6  }
0xf: {  	[smem:$0x3FAD] =	sst s7  }
0x10: {  	[smem:$0x3FAE] =	sst s8  }
0x11: {  	[smem:$0x3FAF] =	sst s9;
	s0 =	simm.s32 @!p0 $0x0  }
0x12: {  	s1 =	sld [smem:$0x3F95];
	s0 =	simm.s32 @p0 $0x1  }
0x13: {  	[smem:$0x3FB0] =	sst s0;
	s0 =	simm.s32 @!p1 $0x0  }
0x14: {  	s2 =	sld [smem:$0x3F94];
	s0 =	simm.s32 @p1 $0x1  }
0x15: {  	[smem:$0x3FB1] =	sst s0;
	s0 =	simm.s32 @!p2 $0x0  }
0x16: {  	s3 =	sld [smem:$0x3FDB];
	s0 =	simm.s32 @p2 $0x1  }
0x17: {  	s4 =	simm.s32 $0x1BF5;
	[smem:$0x3FB3] =	sst s0  }
0x18: {  	s0 =	sld [smem:$0x3F96];
	_ =	swait.ge [sflag:s4], $0x0  }
0x19: {  	s7 =	sld [smem:$0x3F97]  }
0x1a: {  	s8 =	sadd.s32 $0xFFFFE003, lr  }
0x1b: {  	s9 =	sadd.s32 $0xFFFFFEF7, lr;
	s5 =	simm.s32 $0xFFFFFFFF;
	p2 =	slt.u32 s8, $0xFFFFF086  }
0x1c: {  	p1 =	slt.u32 s9, $0xF7A;
	s5 =	simm.s32 @!p2 $0x0  }
0x1d: {  	s5 =	simm.s32 @p1 $0x1;
	p0 =	seq.s32 s7, s2  }
0x1e: {  	s7 =	smul.u32 @!p0 $0xF7A, s2;
	p2 =	seq.s32 @!p0 s5, $0x0  }
0x1f: {  	s9 =	smul.u32 $0xF7A, s1;
	s8 =	simm.s32 @!p0 $0x1BF5;
	p2 =	por !p2, p0  }
0x20: {  	[sflag:s8] =	ssyncset.s32 @!p0 $0xFFFFF086;
	s6 =	sadd.s32 @!p0 s3, s7;
	s7 =	simm.s32 @!p0 $0x108  }
0x21: {  	s3 =	sadd.s32 s3, s9;
	s6 =	sadd.s32 @!p0 $0x88, s6;
	s7 =	simm.s32 @p2 $0x1082  }
0x22: {  	[simem:s7], [sflag:s8] =	dma.local @!p0 [hbm:s6], $0xF7A  }
0x23: {  	s9 =	sor.u32 $0xD0000000, s2;
	s6 =	simm.s32 $0x108;
	_ =	swait.ge @!p0 [sflag:s8], $0x0  }
0x24: {  	s3 =	sadd.s32 $0x88, s3;
	s6 =	simm.s32 @!p1 $0x1082;
	[sflag:s4] =	ssyncset.s32 $0xFFFFF086  }
0x25: {  	[simem:s6], [sflag:s4] =	dma.local [hbm:s3], $0xF7A  }
0x26: {  	[smem:$0x3F97] =	sst s1;
	(tag) =	ssettag s2;
	_ =	strace s9  }
0x27: {  	s1 =	sld [smem:$0x3FA7]  }
0x28: {  	s2 =	sld [smem:$0x3FA8]  }
0x29: {  	s4 =	sld [smem:$0x3FAA]  }
0x2a: {  	p0 =	seq.s32 s5, $0x0;
	s5 =	sld [smem:$0x3FAB]  }
0x2b: {  	s6 =	sld [smem:$0x3FAC]  }
0x2c: {  	s7 =	sld [smem:$0x3FAD]  }
0x2d: {  	s3 =	simm.s32 $0x108;
	s8 =	sld [smem:$0x3FAE]  }
0x2e: {  	s3 =	simm.s32 @!p0 $0x1082;
	s9 =	sld [smem:$0x3FAF]  }
0x2f: {  	lr =	sadd.s32 s0, s3;
	s0 =	sld [smem:$0x3FA6]  }
0x30: {  	s3 =	sld [smem:$0x3FA9]  }
0x31: {  	[smem:$0x3FB2] =	sst s10  }
0x32: {  	s10 =	sld [smem:$0x3FB0];
	_ =	sdelay $0x3  }
0x33: {  	p0 =	seq.s32 s10, $0x1;
	s10 =	sld [smem:$0x3FB2];
	_ =	sdelay $0x3  }
0x34: {  	[smem:$0x3FB2] =	sst s10  }
0x35: {  	s10 =	sld [smem:$0x3FB1];
	_ =	sdelay $0x3  }
0x36: {  	p1 =	seq.s32 s10, $0x1;
	s10 =	sld [smem:$0x3FB2];
	_ =	sdelay $0x3  }
0x37: {  	[smem:$0x3FB2] =	sst s10  }
0x38: {  	s10 =	sld [smem:$0x3FB3]  }
0x39: {  	_ = 	snop;
	(pc) =	sbr.ind lr, $3  }
0x3a: {  	_ = 	snop  }
0x3b: {  	_ = 	snop  }
0x3c: {  	p2 =	seq.s32 s10, $0x1;
	s10 =	sld [smem:$0x3FB2]  }
0x3d: {  	_ =	shalt  }
0x3e: {  	_ =	shalt  }
0x3f: {  	_ =	shalt  }
0x40: {  	_ =	shalt  }
0x41: {  	_ =	shalt  }
0x42: {  	_ =	shalt  }
0x43: {  	_ =	shalt  }
0x44: {  	_ =	shalt  }
0x45: {  	_ =	shalt  }
0x46: {  	_ =	shalt  }
0x47: {  	_ =	shalt  }
0x48: {  	_ =	shalt  }
0x49: {  	_ =	shalt  }
0x4a: {  	_ =	shalt  }
0x4b: {  	_ =	shalt  }
0x4c: {  	_ =	shalt  }
0x4d: {  	_ =	shalt  }
0x4e: {  	_ =	shalt  }
0x4f: {  	_ =	shalt  }
0x50: {  	_ =	shalt  }
0x51: {  	_ =	shalt  }
0x52: {  	_ =	shalt  }
0x53: {  	_ =	shalt  }
0x54: {  	_ =	shalt  }
0x55: {  	_ =	shalt  }
0x56: {  	_ =	shalt  }
0x57: {  	_ =	shalt  }
0x58: {  	_ =	shalt  }
0x59: {  	_ =	shalt  }
0x5a: {  	_ =	shalt  }
0x5b: {  	_ =	shalt  }
0x5c: {  	_ =	shalt  }
0x5d: {  	_ =	shalt  }
0x5e: {  	_ =	shalt  }
0x5f: {  	_ =	shalt  }
0x60: {  	_ =	shalt  }
0x61: {  	_ =	shalt  }
0x62: {  	_ =	shalt  }
0x63: {  	_ =	shalt  }
0x64: {  	_ =	shalt  }
0x65: {  	_ =	shalt  }
0x66: {  	_ =	shalt  }
0x67: {  	_ =	shalt  }
0x68: {  	_ =	shalt  }
0x69: {  	_ =	shalt  }
0x6a: {  	_ =	shalt  }
0x6b: {  	_ =	shalt  }
0x6c: {  	_ =	shalt  }
0x6d: {  	_ =	shalt  }
0x6e: {  	_ =	shalt  }
0x6f: {  	_ =	shalt  }
0x70: {  	_ =	shalt  }
0x71: {  	_ =	shalt  }
0x72: {  	_ =	shalt  }
0x73: {  	_ =	shalt  }
0x74: {  	_ =	shalt  }
0x75: {  	_ =	shalt  }
0x76: {  	_ =	shalt  }
0x77: {  	_ =	shalt  }
0x78: {  	_ =	shalt  }
0x79: {  	_ =	shalt  }
0x7a: {  	_ =	shalt  }
0x7b: {  	_ =	shalt  }
0x7c: {  	_ =	shalt  }
0x7d: {  	_ =	shalt  }
0x7e: {  	_ =	shalt  }
0x7f: {  	_ =	shalt  }
0x80: {  	_ =	shalt  }
0x81: {  	_ =	shalt  }
0x82: {  	_ =	shalt  }
0x83: {  	_ =	shalt  }
0x84: {  	_ =	shalt  }
0x85: {  	_ =	shalt  }
0x86: {  	_ =	shalt  }
0x87: {  	_ =	shalt  }
.Lfunc_end0:
.L_simem_size_0:
called_computation.4_lowered:
.L_overlay_start_0:
0x88: {  	s2 =	sld [smem:$0x3FD9]  }
0x89: {  	s3 =	sld [smem:$0x3FFE];
	_ =	sdelay $0x1  }
0x8a: {  	s1 =	srdreg.scid  }
0x8b: {  	s0 =	sand.u32 $0x1, s1  }
0x8c: {  	s17 =	sshll.u32 s0, $0xA;
	s2 =	sadd.s32 s3, s2  }
0x8d: {  	s2 =	sadd.s32 s2, s17  }
0x8e: {  	[smem:$0x3FBE] =	sst s2  }
0x8f: {  	_ = 	snop  }
0x90: {  	s2 =	sld [smem:$0x3FD0];
	(tm) =	ssettm $0x1  }
0x91: {  	s18 =	sld [smem:$0x3FFB];
	_ =	sdelay $0x3  }
0x92: {  	_ =	strace s18  }
0x93: {  	s3 =	sld [smem:$0x3FFC];
	_ =	sdelay $0x3  }
0x94: {  	_ =	strace s3  }
0x95: {  	s3 =	sld [smem:$0x3FFD];
	_ =	sdelay $0x3  }
0x96: {  	_ =	strace s3  }
0x97: {  	_ =	strace $0x8FFFFFFF  }
0x98: {  	s19 =	sld [smem:$0x3FDB];
	_ =	sdelay $0x1  }
0x99: {  	s4 =	simm.s32 $_scs_section_size  }
0x9a: {  	s5 =	simm.s32 $_size__tile_overlayer_lowered;
	s6 =	simm.s32 $_tile_overlayer_lowered  }
0x9b: {  	s22 =	simm.s32 $0x1BFF;
	s21 =	sshll.u32 s6, $0x1;
	s3 =	sadd.s32 s4, s19  }
0x9c: {  	s7 =	simm.s32 $0x0;
	s20 =	sshll.u32 s5, $0x1;
	s5 =	sadd.s32 s21, s3  }
0x9d: {  	[timem:s7], [sflag:s22] =	dma.local [hbm:s5], s20  }
0x9e: {  	_ =	swait.ge [sflag:s22], s20  }
0x9f: {  	s4 =	ssub.s32 $0x0, s20;
	[sflag:s22] =	ssyncset.done $0x0  }
0xa0: {  	[sflag:s22] =	ssyncadd.s32 s4;
	_ =	sdelay $0x1  }
0xa1: {  	s23 =	simm.s32 $0x1B8B  }
0xa2: {  	_ =	swait.ge [sflag:s23], $0x1  }
0xa3: {  	[sflag:s23] =	ssyncset.done $0x0  }
0xa4: {  	s25 =	simm.s32 $0x1B8E;
	s24 =	sld [smem:$0x3FFE];
	[sflag:s23] =	ssyncadd.s32 $0xFFFFFFFF  }
0xa5: {  	s26 =	simm.s32 $execute0_lowered;
	[smem:$0x3FD2] =	sst s25  }
0xa6: {  	s5 =	sshll.u32 s26, $0x1;
	_ =	strace $0x80000052;
	[dreg:$0x1] =	wrdreg $0xFFFFFFFF  }
0xa7: {  	s28 =	simm.s32 $_size_execute0_lowered;
	s3 =	sadd.s32 s3, s5;
	[dreg:$0x0] =	wrdreg $0x0  }
0xa8: {  	s5 =	sshll.u32 s28, $0x1;
	[dreg:$0x2] =	wrdreg s3  }
0xa9: {  	[dreg:$0x3] =	wrdreg s5  }
0xaa: {  	[dreg:$0x4] =	wrdreg $0xC0  }
0xab: {  	_ =	task [dreg:s7], $0x5FFFF  }
0xac: {  	[dreg:$0x1] =	wrdreg $0xFFFFFFFF  }
0xad: {  	[dreg:$0x0] =	wrdreg $0x60  }
0xae: {  	[dreg:$0x2] =	wrdreg s24  }
0xaf: {  	[dreg:$0x3] =	wrdreg s2  }
0xb0: {  	[dreg:$0x4] =	wrdreg $0x9  }
0xb1: {  	_ =	task.clear_ibuf [dreg:s7], $0x5FFFF;
	_ =	strace $0x90000052  }
0xb2: {  	s29 =	simm.s32 $0x9;
	_ =	strace $0x80000054  }
0xb3: {  	_ =	swait.ge [sflag:s29], $0x1  }
0xb4: {  	[sflag:s29] =	ssyncadd.s32 $0xFFFFFFFF  }
0xb5: {  	_ =	strace $0x90000054  }
0xb6: {  	_ =	sfence  }
0xb7: {  	s30 =	sld [smem:$0x0];
	_ =	sdelay $0x2  }
0xb8: {  	s31 =	sshll.u32 s1, $0xD;
	s1 =	sshrl.u32 s1, $0x2  }
0xb9: {  	s3 =	sand.u32 $0x4000, s31;
	s1 =	sadd.s32 s1, s30  }
0xba: {  	s0 =	sor.u32 s3, s0;
	s1 =	sshll.u32 s1, $0x11  }
0xbb: {  	s0 =	sor.u32 s1, s0  }
0xbc: {  	s0 =	sadd.s32 $0x8F2B, s0  }
0xbd: {  	[sflag:s0] =	ssyncadd.remote.s32 $0x1  }
0xbe: {  	_ =	sfence.sel $0xFFFF  }
0xbf: {  	[dreg:$0x0] =	wrdreg $0xFFFFFFFF;
	(pc) =	sbr.abs _section_cstart, $3  }
0xc0: {  	[dreg:$0x1] =	wrdreg $0xFFFFFFFF  }
0xc1: {  	_ =	task.clear_ibuf [dreg:s7], $0x2FFFF;
	_ =	strace $0x9FFFFFFF  }
0xc2: {  	(tm) =	ssettm $0x7FFFFFFF  }
0xc3: {  	_ =	shalt  }
tec
execute0_lowered:
.L_overlay_start_1:
0x0: {  	(tag) =	ssettag $0x1  }
0x1: {  	s1 =	srdreg.scid  }
0x2: {  	s8 =	rddreg [dreg:$0x0];
	s0 =	stileid.u32;
	s14 =	sand.u32 $0x1, s1  }
0x3: {  	s13 =	rddreg [dreg:$0x1];
	s4 =	sshll.u32 s0, $0x9;
	s3 =	sshll.u32 s14, $0xD  }
0x4: {  	s2 =	simm.s32 $0x0;
	s1 =	rddreg [dreg:$0x2];
	s15 =	sor.u32 s4, s3  }
0x5: {  	[smem:$0x7FF] =	sst s2;
	s3 =	sshrl.u32 s15, $0x3  }
0x6: {  	_ =	strace $0x80000053;
	s4 =	sadd.s32 s13, s3;
	s3 =	simm.s32 $0x2  }
0x7: {  	[tilespmem:s2], [sflag:$0x2] =	stream.linear.gather [hbm4b:s4+s2], $0x80, $0x38;
	[tilespmem:$0x4080] =	vst v63  }
0x8: {  	_ =	swait.ge [sflag:s3], $0x80  }
0x9: {  	s6 =	simm.s32 $0x80;
	[sflag:s3] =	ssyncset.done $0x0  }
0xa: {  	s7 =	simm.s32 $0x1;
	s5 =	sadd.s32 $0x2E00, s8;
	[sflag:s3] =	ssyncadd.s32 $0xFFFFFF80  }
0xb: {  	[tilespmem:s6], [sflag:$0x1] =	stream.indirect.gather [hbm4b:s5+s6], $0x80, s2, s6, $0xb8;
	[tilespmem:$0x4080] =	vst v63  }
0xc: {  	_ =	swait.ge [sflag:s7], $0x4000  }
0xd: {  	s16 =	sadd.s32 $0xAA000, s8;
	s28 =	sshll.u32 s15, $0x4;
	[sflag:s7] =	ssyncset.done $0x0  }
0xe: {  	s8 =	sadd.s32 s16, s28;
	[sflag:s7] =	ssyncadd.s32 $0xFFFFC000  }
0xf: {  	[hbm4b:s8+s2] =	stream.linear.scatter [tilespmem:s6], [sflag:$0x2], $0x4000, $0x38;
	[tilespmem:$0x4080] =	vst v63  }
0x10: {  	s10 =	sor.u32 $0x80, s15;
	_ =	swait.ge [sflag:s3], $0x4000  }
0x11: {  	s9 =	sshrl.u32 s10, $0x3;
	[sflag:s3] =	ssyncset.done $0x0  }
0x12: {  	s9 =	sadd.s32 s13, s9;
	[sflag:s3] =	ssyncadd.s32 $0xFFFFC000  }
0x13: {  	[tilespmem:s2], [sflag:$0x2] =	stream.linear.gather [hbm4b:s9+s2], $0x80, $0x38;
	[tilespmem:$0x4080] =	vst v63  }
0x14: {  	_ =	swait.ge [sflag:s3], $0x80  }
0x15: {  	[sflag:s3] =	ssyncset.done $0x0  }
0x16: {  	[sflag:s3] =	ssyncadd.s32 $0xFFFFFF80  }
0x17: {  	[tilespmem:s6], [sflag:$0x1] =	stream.indirect.gather [hbm4b:s5+s6], $0x80, s2, s6, $0xb8;
	[tilespmem:$0x4080] =	vst v63  }
0x18: {  	_ =	swait.ge [sflag:s7], $0x4000  }
0x19: {  	s10 =	sshll.u32 s10, $0x4;
	[sflag:s7] =	ssyncset.done $0x0  }
0x1a: {  	s10 =	sadd.s32 s16, s10;
	[sflag:s7] =	ssyncadd.s32 $0xFFFFC000  }
0x1b: {  	[hbm4b:s10+s2] =	stream.linear.scatter [tilespmem:s6], [sflag:$0x2], $0x4000, $0x38;
	[tilespmem:$0x4080] =	vst v63  }
0x1c: {  	s12 =	sor.u32 $0x100, s15;
	_ =	swait.ge [sflag:s3], $0x4000  }
0x1d: {  	s11 =	sshrl.u32 s12, $0x3;
	[sflag:s3] =	ssyncset.done $0x0  }
0x1e: {  	s11 =	sadd.s32 s13, s11;
	[sflag:s3] =	ssyncadd.s32 $0xFFFFC000  }
0x1f: {  	[tilespmem:s2], [sflag:$0x2] =	stream.linear.gather [hbm4b:s11+s2], $0x80, $0x38;
	[tilespmem:$0x4080] =	vst v63  }
0x20: {  	_ =	swait.ge [sflag:s3], $0x80  }
0x21: {  	[sflag:s3] =	ssyncset.done $0x0  }
0x22: {  	[sflag:s3] =	ssyncadd.s32 $0xFFFFFF80  }
0x23: {  	[tilespmem:s6], [sflag:$0x1] =	stream.indirect.gather [hbm4b:s5+s6], $0x80, s2, s6, $0xb8;
	[tilespmem:$0x4080] =	vst v63  }
0x24: {  	_ =	swait.ge [sflag:s7], $0x4000  }
0x25: {  	s12 =	sshll.u32 s12, $0x4;
	[sflag:s7] =	ssyncset.done $0x0  }
0x26: {  	s12 =	sadd.s32 s16, s12;
	[sflag:s7] =	ssyncadd.s32 $0xFFFFC000  }
0x27: {  	[hbm4b:s12+s2] =	stream.linear.scatter [tilespmem:s6], [sflag:$0x2], $0x4000, $0x38;
	[tilespmem:$0x4080] =	vst v63  }
0x28: {  	s15 =	sor.u32 $0x180, s15;
	_ =	swait.ge [sflag:s3], $0x4000  }
0x29: {  	s17 =	sshrl.u32 s15, $0x3;
	[sflag:s3] =	ssyncset.done $0x0  }
0x2a: {  	s14 =	ssub.s32 $0x2, s14;
	s13 =	sadd.s32 s13, s17;
	[sflag:s3] =	ssyncadd.s32 $0xFFFFC000  }
0x2b: {  	[tilespmem:s2], [sflag:$0x2] =	stream.linear.gather [hbm4b:s13+s2], $0x80, $0x38;
	[tilespmem:$0x4080] =	vst v63  }
0x2c: {  	s29 =	sshrl.u32 s14, $0x1;
	_ =	swait.ge [sflag:s3], $0x80  }
0x2d: {  	s17 =	ssub.s32 s14, s29;
	[sflag:s3] =	ssyncset.done $0x0  }
0x2e: {  	s31 =	smax.u32 s17, $0x1;
	[sflag:s3] =	ssyncadd.s32 $0xFFFFFF80  }
0x2f: {  	[tilespmem:s6], [sflag:$0x1] =	stream.indirect.gather [hbm4b:s5+s6], $0x80, s2, s6, $0xb8;
	[tilespmem:$0x4080] =	vst v63  }
0x30: {  	p0 =	sne.s32 s31, $0x1;
	_ =	swait.ge [sflag:s7], $0x4000  }
.Ltmp0:
0x31: {  	s30 =	sshll.u32 s15, $0x4;
	[sflag:s7] =	ssyncset.done $0x0;
	(pc) =	sbr.rel @!p0 .LBB2_2-.Ltmp0, $4  }
0x32: {  	s14 =	sadd.s32 s16, s30;
	[sflag:s7] =	ssyncadd.s32 $0xFFFFC000  }
0x33: {  	[hbm4b:s14+s2] =	stream.linear.scatter [tilespmem:s6], [sflag:$0x2], $0x4000, $0x38;
	[tilespmem:$0x4080] =	vst v63  }
0x34: {  	_ =	swait.ge [sflag:s3], $0x4000  }
0x35: {  	s15 =	sadd.s32 $0xFFFFFFFF, s31;
	[sflag:s3] =	ssyncset.done $0x0  }
.LBB2_1:
0x36: {  	p0 =	sne.s32 s15, $0x1;
	s15 =	sadd.s32 $0xFFFFFFFF, s15;
	[sflag:s3] =	ssyncadd.s32 $0xFFFFC000  }
0x37: {  	[tilespmem:s2], [sflag:$0x2] =	stream.linear.gather [hbm4b:s4+s2], $0x80, $0x38;
	[tilespmem:$0x4080] =	vst v63  }
0x38: {  	_ =	swait.ge [sflag:s3], $0x80  }
0x39: {  	[sflag:s3] =	ssyncset.done $0x0  }
0x3a: {  	[sflag:s3] =	ssyncadd.s32 $0xFFFFFF80  }
0x3b: {  	[tilespmem:s6], [sflag:$0x1] =	stream.indirect.gather [hbm4b:s5+s6], $0x80, s2, s6, $0xb8;
	[tilespmem:$0x4080] =	vst v63  }
0x3c: {  	_ =	swait.ge [sflag:s7], $0x4000  }
0x3d: {  	[sflag:s7] =	ssyncset.done $0x0  }
0x3e: {  	[sflag:s7] =	ssyncadd.s32 $0xFFFFC000  }
0x3f: {  	[hbm4b:s8+s2] =	stream.linear.scatter [tilespmem:s6], [sflag:$0x2], $0x4000, $0x38;
	[tilespmem:$0x4080] =	vst v63  }
0x40: {  	_ =	swait.ge [sflag:s3], $0x4000  }
0x41: {  	[sflag:s3] =	ssyncset.done $0x0  }
0x42: {  	[sflag:s3] =	ssyncadd.s32 $0xFFFFC000  }
0x43: {  	[tilespmem:s2], [sflag:$0x2] =	stream.linear.gather [hbm4b:s9+s2], $0x80, $0x38;
	[tilespmem:$0x4080] =	vst v63  }
0x44: {  	_ =	swait.ge [sflag:s3], $0x80  }
0x45: {  	[sflag:s3] =	ssyncset.done $0x0  }
0x46: {  	[sflag:s3] =	ssyncadd.s32 $0xFFFFFF80  }
0x47: {  	[tilespmem:s6], [sflag:$0x1] =	stream.indirect.gather [hbm4b:s5+s6], $0x80, s2, s6, $0xb8;
	[tilespmem:$0x4080] =	vst v63  }
0x48: {  	_ =	swait.ge [sflag:s7], $0x4000  }
0x49: {  	[sflag:s7] =	ssyncset.done $0x0  }
0x4a: {  	[sflag:s7] =	ssyncadd.s32 $0xFFFFC000  }
0x4b: {  	[hbm4b:s10+s2] =	stream.linear.scatter [tilespmem:s6], [sflag:$0x2], $0x4000, $0x38;
	[tilespmem:$0x4080] =	vst v63  }
0x4c: {  	_ =	swait.ge [sflag:s3], $0x4000  }
0x4d: {  	[sflag:s3] =	ssyncset.done $0x0  }
0x4e: {  	[sflag:s3] =	ssyncadd.s32 $0xFFFFC000  }
0x4f: {  	[tilespmem:s2], [sflag:$0x2] =	stream.linear.gather [hbm4b:s11+s2], $0x80, $0x38;
	[tilespmem:$0x4080] =	vst v63  }
0x50: {  	_ =	swait.ge [sflag:s3], $0x80  }
0x51: {  	[sflag:s3] =	ssyncset.done $0x0  }
0x52: {  	[sflag:s3] =	ssyncadd.s32 $0xFFFFFF80  }
0x53: {  	[tilespmem:s6], [sflag:$0x1] =	stream.indirect.gather [hbm4b:s5+s6], $0x80, s2, s6, $0xb8;
	[tilespmem:$0x4080] =	vst v63  }
0x54: {  	_ =	swait.ge [sflag:s7], $0x4000  }
0x55: {  	[sflag:s7] =	ssyncset.done $0x0  }
0x56: {  	[sflag:s7] =	ssyncadd.s32 $0xFFFFC000  }
0x57: {  	[hbm4b:s12+s2] =	stream.linear.scatter [tilespmem:s6], [sflag:$0x2], $0x4000, $0x38;
	[tilespmem:$0x4080] =	vst v63  }
0x58: {  	_ =	swait.ge [sflag:s3], $0x4000  }
0x59: {  	[sflag:s3] =	ssyncset.done $0x0  }
0x5a: {  	[sflag:s3] =	ssyncadd.s32 $0xFFFFC000  }
0x5b: {  	[tilespmem:s2], [sflag:$0x2] =	stream.linear.gather [hbm4b:s13+s2], $0x80, $0x38;
	[tilespmem:$0x4080] =	vst v63  }
0x5c: {  	_ =	swait.ge [sflag:s3], $0x80  }
0x5d: {  	[sflag:s3] =	ssyncset.done $0x0  }
0x5e: {  	[sflag:s3] =	ssyncadd.s32 $0xFFFFFF80  }
0x5f: {  	[tilespmem:s6], [sflag:$0x1] =	stream.indirect.gather [hbm4b:s5+s6], $0x80, s2, s6, $0xb8;
	[tilespmem:$0x4080] =	vst v63  }
0x60: {  	_ =	swait.ge [sflag:s7], $0x4000  }
.Ltmp1:
0x61: {  	[sflag:s7] =	ssyncset.done $0x0;
	(pc) =	sbr.rel @p0 .LBB2_1-.Ltmp1, $4  }
0x62: {  	[sflag:s7] =	ssyncadd.s32 $0xFFFFC000  }
0x63: {  	[hbm4b:s14+s2] =	stream.linear.scatter [tilespmem:s6], [sflag:$0x2], $0x4000, $0x38;
	[tilespmem:$0x4080] =	vst v63  }
0x64: {  	_ =	swait.ge [sflag:s3], $0x4000  }
0x65: {  	[sflag:s3] =	ssyncset.done $0x0  }
.LBB2_2:
0x66: {  	[sflag:s3] =	ssyncadd.s32 $0xFFFFC000  }
0x67: {  	_ =	sfence.sel $0x180000  }
0x68: {  	[bflag:$0x0] =	sbarrier.arrive $0xFFFF  }
0x69: {  	p0 =	sne.s32 s0, $0x0;
	_ =	strace $0x90000053  }
0x6a: {  	s0 =	sadd.s32 @!p0 $0x100000, s1;
	[bflag:$0x2] =	sbarrier.arrive $0xFFFF  }
0x6b: {  	[sflag:s0] =	ssyncadd.tile.s32 @!p0 $0x1;
	_ =	shalt  }
.Lfunc_end2:
_tile_overlayer_lowered:
.L_overlay_start_2:
0x6c: {  	(tag) =	ssettag $0x2  }
0x6d: {  	s0 =	rddreg [dreg:$0x0];
	s2 =	stileid.u32  }
0x6e: {  	s1 =	rddreg [dreg:$0x1];
	p0 =	sne.s32 s2, $0x0  }
0x6f: {  	s3 =	rddreg [dreg:$0x2];
	[bflag:$0x3] =	sbarrier.arrive $0xFFFF;
	s2 =	simm.s32 @!p0 $0x1C02  }
0x70: {  	[timem:s3], [sflag:s2] =	dma.local @!p0 [hbm:s0], s1  }
0x71: {  	s0 =	simm.s32 @!p0 $0x2  }
0x72: {  	_ =	swait.ge @!p0 [sflag:s0], s1  }
0x73: {  	s1 =	ssub.s32 @!p0 $0x0, s1;
	[sflag:s0] =	ssyncset.done @!p0 $0x0  }
0x74: {  	[sflag:s0] =	ssyncadd.s32 @!p0 s1  }
0x75: {  	[bflag:$0x3] =	sbarrier.arrive $0xFFFF  }
0x76: {  	_ =	shalt  }

</sc_bundles>
